<compile_context>
chip_gen: v7x
topology: tpu7x:2x2x1
jax: 0.10.2.dev20260603
libtpu: 0.0.44.dev20260713+nightly
codegen_flags: <defaults>
</compile_context>

<pallas_src>
import functools

import jax
import jax.numpy as jnp
import numpy as np
from jax import lax
from jax.experimental import pallas as pl
from jax.experimental.pallas import tpu as pltpu
from jax.experimental.pallas import tpu_sc as plsc

N = 10000
DIN = 128
DH = 256
HALF = DH // 2

NC = 2
NS = 16
CH = 128
SUP = 16
ACC_R = 10008
TRASH = N

ROW_BLK = 2000
GRID = N // ROW_BLK

_BN_INV = float(1.0 / np.sqrt(1.0 + 1e-5))



def _pre_body(x_ref, g_ref, b_ref, w1_ref, b1_ref, wc_ref, out_ref):
    xb = x_ref[...]
    h = xb * (g_ref[...] * _BN_INV) + b_ref[...]
    h1 = lax.dot_general(h, w1_ref[...], (((1,), (1,)), ((), ())),
                         preferred_element_type=jnp.float32)
    h1 = jnp.maximum(h1 + b1_ref[...], 0.0)
    wc = wc_ref[...]
    out_ref[0] = lax.dot_general(h1, wc[:HALF], (((1,), (1,)), ((), ())),
                                 preferred_element_type=jnp.float32)
    out_ref[1] = lax.dot_general(h1, wc[HALF:], (((1,), (1,)), ((), ())),
                                 preferred_element_type=jnp.float32)


def _mid_body(a_ref, bias_ref, wc_ref, out_ref):
    b = bias_ref[...]
    h_lo = jnp.maximum(a_ref[0] + b[:, :HALF], 0.0)
    h_hi = jnp.maximum(a_ref[1] + b[:, HALF:], 0.0)
    wc = wc_ref[...]
    out_ref[0] = (
        lax.dot_general(h_lo, wc[:HALF, :HALF], (((1,), (1,)), ((), ())),
                        preferred_element_type=jnp.float32)
        + lax.dot_general(h_hi, wc[:HALF, HALF:], (((1,), (1,)), ((), ())),
                          preferred_element_type=jnp.float32))
    out_ref[1] = (
        lax.dot_general(h_lo, wc[HALF:, :HALF], (((1,), (1,)), ((), ())),
                        preferred_element_type=jnp.float32)
        + lax.dot_general(h_hi, wc[HALF:, HALF:], (((1,), (1,)), ((), ())),
                          preferred_element_type=jnp.float32))


def _post_body(a_ref, bias_ref, hw_ref, hb_ref, out_ref, acc_ref):
    i = pl.program_id(0)
    b = bias_ref[...]
    h_lo = jnp.maximum(a_ref[0] + b[:, :HALF], 0.0)
    h_hi = jnp.maximum(a_ref[1] + b[:, HALF:], 0.0)
    part = jnp.concatenate(
        [jnp.sum(h_lo, axis=0, keepdims=True),
         jnp.sum(h_hi, axis=0, keepdims=True)], axis=1)

    @pl.when(i == 0)
    def _():
        acc_ref[...] = part

    @pl.when(i > 0)
    def _():
        acc_ref[...] = acc_ref[...] + part

    @pl.when(i == GRID - 1)
    def _():
        g = acc_ref[...] * (1.0 / N)
        out_ref[...] = (jnp.sum(g * hw_ref[...], axis=1, keepdims=True)
                        + hb_ref[...])


_pre_call = pl.pallas_call(
    _pre_body,
    grid=(GRID,),
    in_specs=[
        pl.BlockSpec((ROW_BLK, DIN), lambda i: (i, 0)),
        pl.BlockSpec((1, DIN), lambda i: (0, 0)),
        pl.BlockSpec((1, DIN), lambda i: (0, 0)),
        pl.BlockSpec((DH, DIN), lambda i: (0, 0)),
        pl.BlockSpec((1, DH), lambda i: (0, 0)),
        pl.BlockSpec((DH, DH), lambda i: (0, 0)),
    ],
    out_specs=pl.BlockSpec((2, ROW_BLK, HALF), lambda i: (0, i, 0)),
    out_shape=jax.ShapeDtypeStruct((2, N, HALF), jnp.float32),
)

_mid_call = pl.pallas_call(
    _mid_body,
    grid=(GRID,),
    in_specs=[
        pl.BlockSpec((2, ROW_BLK, HALF), lambda i: (0, i, 0)),
        pl.BlockSpec((1, DH), lambda i: (0, 0)),
        pl.BlockSpec((DH, DH), lambda i: (0, 0)),
    ],
    out_specs=pl.BlockSpec((2, ROW_BLK, HALF), lambda i: (0, i, 0)),
    out_shape=jax.ShapeDtypeStruct((2, N, HALF), jnp.float32),
)

_post_call = pl.pallas_call(
    _post_body,
    grid=(GRID,),
    in_specs=[
        pl.BlockSpec((2, ROW_BLK, HALF), lambda i: (0, i, 0)),
        pl.BlockSpec((1, DH), lambda i: (0, 0)),
        pl.BlockSpec((1, DH), lambda i: (0, 0)),
        pl.BlockSpec((1, 1), lambda i: (0, 0)),
    ],
    out_specs=pl.BlockSpec((1, 1), lambda i: (0, 0)),
    out_shape=jax.ShapeDtypeStruct((1, 1), jnp.float32),
    scratch_shapes=[pltpu.VMEM((1, DH), jnp.float32)],
)



def _sc_agg_body(nchunk, xi_hbm, src_hbm, dst_hbm, out_hbm,
                 sis, dis, r0b, r1b, acc, semia, semib, semg0, semg1):
    c = lax.axis_index("c")
    s = lax.axis_index("s")
    nsp = nchunk // (2 * SUP)

    rows_per_tile = (N // NS) // 8 * 8
    tail = N - rows_per_tile * NS
    r0 = s * rows_per_tile
    pltpu.sync_copy(xi_hbm.at[c, pl.ds(r0, rows_per_tile)],
                    acc.at[pl.ds(r0, rows_per_tile)])

    @pl.when(s == 0)
    def _():
        pltpu.sync_copy(xi_hbm.at[c, pl.ds(N - tail, tail)],
                        acc.at[pl.ds(N - tail, tail)])

    plsc.subcore_barrier()

    table = xi_hbm.at[c]
    rbuf = (r0b, r1b)
    gsem = (semg0, semg1)

    pltpu.sync_copy(src_hbm.at[s, pl.ds(0, SUP)], sis.at[0])
    pltpu.sync_copy(dst_hbm.at[s, pl.ds(0, SUP)], dis.at[0])
    pltpu.make_async_copy(src_hbm.at[s, pl.ds(SUP, SUP)], sis.at[1],
                          semib).start()
    pltpu.make_async_copy(dst_hbm.at[s, pl.ds(SUP, SUP)], dis.at[1],
                          semib).start()
    pltpu.make_async_copy(table.at[sis.at[0, 0]], r0b, semg0).start()
    pltpu.make_async_copy(table.at[sis.at[0, 1]], r1b, semg1).start()

    def body(i, carry):
        not_last = i < nsp - 1
        for k in range(2 * SUP):
            b, kk, p = k // SUP, k % SUP, k % 2
            pltpu.make_async_copy(table.at[sis.at[b, kk]], rbuf[p],
                                  gsem[p]).wait()
            pltpu.sync_copy(rbuf[p], acc.at[dis.at[b, kk]], add=True)

            if k == SUP - 1:
                @pl.when(not_last)
                def _():
                    off = (2 * i + 2) * SUP
                    pltpu.make_async_copy(src_hbm.at[s, pl.ds(off, SUP)],
                                          sis.at[0], semia).start()
                    pltpu.make_async_copy(dst_hbm.at[s, pl.ds(off, SUP)],
                                          dis.at[0], semia).start()
            if k == 2 * SUP - 1:
                @pl.when(not_last)
                def _():
                    off = (2 * i + 3) * SUP
                    pltpu.make_async_copy(src_hbm.at[s, pl.ds(off, SUP)],
                                          sis.at[1], semib).start()
                    pltpu.make_async_copy(dst_hbm.at[s, pl.ds(off, SUP)],
                                          dis.at[1], semib).start()

            if k < 2 * SUP - 2:
                b2, kk2 = (k + 2) // SUP, (k + 2) % SUP
                if k == SUP - 2:
                    pltpu.make_async_copy(src_hbm.at[s, pl.ds(0, SUP)],
                                          sis.at[1], semib).wait()
                    pltpu.make_async_copy(dst_hbm.at[s, pl.ds(0, SUP)],
                                          dis.at[1], semib).wait()
                pltpu.make_async_copy(table.at[sis.at[b2, kk2]], rbuf[p],
                                      gsem[p]).start()
            else:
                @pl.when(not_last)
                def _():
                    if k == 2 * SUP - 2:
                        pltpu.make_async_copy(src_hbm.at[s, pl.ds(0, SUP)],
                                              sis.at[0], semia).wait()
                        pltpu.make_async_copy(dst_hbm.at[s, pl.ds(0, SUP)],
                                              dis.at[0], semia).wait()
                    pltpu.make_async_copy(table.at[sis.at[0, k % 2]],
                                          rbuf[p], gsem[p]).start()
        return carry

    lax.fori_loop(0, nsp, body, 0)

    plsc.subcore_barrier()
    pltpu.sync_copy(acc.at[pl.ds(r0, rows_per_tile)],
                    out_hbm.at[c, pl.ds(r0, rows_per_tile)])

    @pl.when(s == 0)
    def _():
        pltpu.sync_copy(acc.at[pl.ds(N - tail, tail)],
                        out_hbm.at[c, pl.ds(N - tail, tail)])


def _make_sc_agg(nchunk):
    mesh = plsc.VectorSubcoreMesh(core_axis_name="c", subcore_axis_name="s")
    return pl.kernel(
        functools.partial(_sc_agg_body, nchunk),
        out_type=jax.ShapeDtypeStruct((2, N, HALF), jnp.float32),
        mesh=mesh,
        scratch_types=[
            pltpu.VMEM((2, SUP, CH), jnp.int32),
            pltpu.VMEM((2, SUP, CH), jnp.int32),
            pltpu.VMEM((CH, HALF), jnp.float32),
            pltpu.VMEM((CH, HALF), jnp.float32),
            pltpu.VMEM_SHARED((ACC_R, HALF), jnp.float32),
            pltpu.SemaphoreType.DMA,
            pltpu.SemaphoreType.DMA,
            pltpu.SemaphoreType.DMA,
            pltpu.SemaphoreType.DMA,
        ],
    )



@jax.jit
def kernel(x, edge_index, bn_gamma, bn_beta, lin1_W, lin1_b,
           conv1_Win, conv1_bias, conv2_Win, conv2_bias, head_W, head_b):
    E = edge_index.shape[1]
    gran = 2 * SUP * CH
    per_tile = -(-E // (NS * gran)) * gran
    nchunk = per_tile // CH
    pad = NS * per_tile - E

    src = jnp.concatenate(
        [edge_index[0], jnp.zeros((pad,), jnp.int32)]).reshape(NS, nchunk, CH)
    dst = jnp.concatenate(
        [edge_index[1], jnp.full((pad,), TRASH, jnp.int32)]).reshape(
            NS, nchunk, CH)

    gamma = bn_gamma.reshape(1, DIN)
    beta = bn_beta.reshape(1, DIN)
    b1 = lin1_b.reshape(1, DH)
    cb1 = conv1_bias.reshape(1, DH)
    cb2 = conv2_bias.reshape(1, DH)
    hw = head_W.reshape(1, DH)
    hb = head_b.reshape(1, 1)

    sc_agg = _make_sc_agg(nchunk)

    xi1 = _pre_call(x, gamma, beta, lin1_W, b1, conv1_Win)
    agg1 = sc_agg(xi1, src, dst)
    xi2 = _mid_call(agg1, cb1, conv2_Win)
    agg2 = sc_agg(xi2, src, dst)
    out = _post_call(agg2, cb2, hw, hb)
    return out

# --- scband reference (transcript-rebuilt; emitter-appended) ---
"""Pipeline reference for scband-gcnmodel-31722628448296 (READ-ONLY COPY).

The authoritative reference and input builder live on the scoring server;
editing this copy changes nothing except your own understanding.
"""

import jax, jax.numpy as jnp
import numpy as np

N = 10000
E = 320000
DIN = 128
DH = 256


def setup_inputs(seed: int = 0) -> dict:
    key = jax.random.key(seed)
    ks = jax.random.split(key, 12)
    inp = {}
    inp["x"] = jax.random.normal(ks[0], (N, DIN), dtype=jnp.float32)
    inp["edge_index"] = jax.random.randint(ks[1], (2, E), 0, N, dtype=jnp.int32)
    # BatchNorm1d params (eval mode; running_mean=0, running_var=1)
    inp["bn_gamma"] = jnp.ones((DIN,), dtype=jnp.float32)
    inp["bn_beta"] = jnp.zeros((DIN,), dtype=jnp.float32)
    # lin1: DIN -> DH
    inp["lin1_W"] = jax.random.normal(ks[2], (DH, DIN), dtype=jnp.float32) * (1.0 / np.sqrt(DIN))
    inp["lin1_b"] = jnp.zeros((DH,), dtype=jnp.float32)
    # conv1 (GCNLayer, bidirectional=False): lin_in DH->DH, bias
    inp["conv1_Win"] = jax.random.normal(ks[3], (DH, DH), dtype=jnp.float32) * (1.0 / np.sqrt(DH))
    inp["conv1_bias"] = jnp.zeros((DH,), dtype=jnp.float32)
    # conv2
    inp["conv2_Win"] = jax.random.normal(ks[4], (DH, DH), dtype=jnp.float32) * (1.0 / np.sqrt(DH))
    inp["conv2_bias"] = jnp.zeros((DH,), dtype=jnp.float32)
    # head: DH -> 1
    inp["head_W"] = jax.random.normal(ks[5], (1, DH), dtype=jnp.float32) * (1.0 / np.sqrt(DH))
    inp["head_b"] = jnp.zeros((1,), dtype=jnp.float32)
    return inp


def reference(x, edge_index, bn_gamma, bn_beta, lin1_W, lin1_b, conv1_Win, conv1_bias, conv2_Win, conv2_bias, head_W, head_b):
    eps = 1e-5
    # BatchNorm1d in eval mode with running_mean=0, running_var=1
    h = (x - 0.0) / jnp.sqrt(1.0 + eps) * bn_gamma + bn_beta
    # lin1 + relu
    h = h @ lin1_W.T + lin1_b
    h = jax.nn.relu(h)

    src = edge_index[0]
    dst = edge_index[1]

    def gcn_layer(h_in, W_in, bias):
        # x_in = lin_in(x); propagate with aggr='sum', message = x_j (source),
        # aggregated at target; add_self_loops contributes x_in[i] at node i.
        xi = h_in @ W_in.T
        agg = jax.ops.segment_sum(xi[src], dst, num_segments=N)
        agg = agg + xi  # self loops
        return agg + bias

    h = jax.nn.relu(gcn_layer(h, conv1_Win, conv1_bias))
    # dropout inactive (eval mode)
    h = jax.nn.relu(gcn_layer(h, conv2_Win, conv2_bias))
    # batch is None -> all nodes in one graph: global_mean_pool == mean over nodes
    g = jnp.mean(h, axis=0, keepdims=True)
    out = g @ head_W.T + head_b
    return out

if __name__ == "__main__":
    import jax
    _d = setup_inputs()
    print(jax.jit(kernel)(*tuple(_d.values())))

</pallas_src>

<mosaic_0001>
#map = affine_map<(d0, d1) -> (0, 0, 0)>
module attributes {stable_mosaic.version = 14 : i64} {
  func.func @_sc_agg_body(%arg0: i32, %arg1: i32, %arg2: memref<2x10000x128xf32, #tpu.memory_space<hbm>>, %arg3: memref<16x160x128xi32, #tpu.memory_space<hbm>>, %arg4: memref<16x160x128xi32, #tpu.memory_space<hbm>>, %arg5: memref<2x10000x128xf32, #tpu.memory_space<hbm>>, %arg6: memref<2x16x128xi32, #tpu.memory_space<vmem>>, %arg7: memref<2x16x128xi32, #tpu.memory_space<vmem>>, %arg8: memref<128x128xf32, #tpu.memory_space<vmem>>, %arg9: memref<128x128xf32, #tpu.memory_space<vmem>>, %arg10: memref<10008x128xf32, #tpu.memory_space<vmem_shared>>, %arg11: memref<!tpu.dma_semaphore, #tpu.memory_space<semaphore_mem>>, %arg12: memref<!tpu.dma_semaphore, #tpu.memory_space<semaphore_mem>>, %arg13: memref<!tpu.dma_semaphore, #tpu.memory_space<semaphore_mem>>, %arg14: memref<!tpu.dma_semaphore, #tpu.memory_space<semaphore_mem>>) attributes {dimension_semantics = [#tpu.dimension_semantics<core_parallel>, #tpu.dimension_semantics<subcore_parallel>], iteration_bounds = array<i64: 2, 16>, scalar_prefetch = 0 : i64, scratch_operands = 9 : i64, tpu.core_type = #tpu.core_type<sc_vector_subcore>, window_params = [{transform_indices = #map}, {transform_indices = #map}, {transform_indices = #map}, {transform_indices = #map}]} {
    %mul3A = arith.constant 624 : i32
    %mul3A_0 = arith.muli %arg1, %mul3A : i32
    "tpu.region"() ({
      %run_scoped3A_72 = tpu.sem_alloc : memref<!tpu.dma_semaphore, #tpu.memory_space<semaphore_mem>>
      %dma_start3A_73 = arith.constant 0 : i32
      %dma_start3A_74 = tpu.memref_slice %arg10[%mul3A_0, %dma_start3A_73] : memref<10008x128xf32, #tpu.memory_space<vmem_shared>> -> memref<624x128xf32, #tpu.memory_space<vmem_shared>>
      %dma_start3A_75 = arith.constant 0 : i32
      %dma_start3A_76 = tpu.memref_slice %arg2[%arg0, %mul3A_0, %dma_start3A_75] : memref<2x10000x128xf32, #tpu.memory_space<hbm>> -> memref<1x624x128xf32, #tpu.memory_space<hbm>>
      %dma_start3A_77 = tpu.memref_squeeze %dma_start3A_76 : memref<1x624x128xf32, #tpu.memory_space<hbm>> -> memref<624x128xf32, #tpu.memory_space<hbm>>
      tpu.enqueue_dma source(%dma_start3A_77 : memref<624x128xf32, #tpu.memory_space<hbm>>) target(%dma_start3A_74 : memref<624x128xf32, #tpu.memory_space<vmem_shared>>) target_semaphore(%run_scoped3A_72 : memref<!tpu.dma_semaphore, #tpu.memory_space<semaphore_mem>>)
      %dma_wait3A = arith.constant 0 : i32
      %dma_wait3A_78 = tpu.memref_slice %arg10[%mul3A_0, %dma_wait3A] : memref<10008x128xf32, #tpu.memory_space<vmem_shared>> -> memref<624x128xf32, #tpu.memory_space<vmem_shared>>
      %dma_wait3A_79 = arith.constant 0 : i32
      %dma_wait3A_80 = tpu.memref_slice %arg2[%arg0, %mul3A_0, %dma_wait3A_79] : memref<2x10000x128xf32, #tpu.memory_space<hbm>> -> memref<1x624x128xf32, #tpu.memory_space<hbm>>
      %dma_wait3A_81 = tpu.memref_squeeze %dma_wait3A_80 : memref<1x624x128xf32, #tpu.memory_space<hbm>> -> memref<624x128xf32, #tpu.memory_space<hbm>>
      tpu.wait_dma2 semaphore(%run_scoped3A_72 : memref<!tpu.dma_semaphore, #tpu.memory_space<semaphore_mem>>) src(%dma_wait3A_81 : memref<624x128xf32, #tpu.memory_space<hbm>>) dst(%dma_wait3A_78 : memref<624x128xf32, #tpu.memory_space<vmem_shared>>)
      tpu.yield
    }) : () -> ()
    %eq3A = arith.constant 0 : i32
    %eq3A_1 = arith.cmpi eq, %arg1, %eq3A : i32
    %convert_element_type3A = arith.extui %eq3A_1 : i1 to i32
    %cond3A = arith.constant 0 : i32
    %cond3A_2 = arith.cmpi ne, %convert_element_type3A, %cond3A : i32
    scf.if %cond3A_2 {
      "tpu.region"() ({
        %run_scoped3A_72 = tpu.sem_alloc : memref<!tpu.dma_semaphore, #tpu.memory_space<semaphore_mem>>
        %dma_start3A_73 = arith.constant 9984 : i32
        %dma_start3A_74 = arith.constant 0 : i32
        %dma_start3A_75 = tpu.memref_slice %arg10[%dma_start3A_73, %dma_start3A_74] : memref<10008x128xf32, #tpu.memory_space<vmem_shared>> -> memref<16x128xf32, #tpu.memory_space<vmem_shared>>
        %dma_start3A_76 = arith.constant 9984 : i32
        %dma_start3A_77 = arith.constant 0 : i32
        %dma_start3A_78 = tpu.memref_slice %arg2[%arg0, %dma_start3A_76, %dma_start3A_77] : memref<2x10000x128xf32, #tpu.memory_space<hbm>> -> memref<1x16x128xf32, #tpu.memory_space<hbm>>
        %dma_start3A_79 = tpu.memref_squeeze %dma_start3A_78 : memref<1x16x128xf32, #tpu.memory_space<hbm>> -> memref<16x128xf32, #tpu.memory_space<hbm>>
        tpu.enqueue_dma source(%dma_start3A_79 : memref<16x128xf32, #tpu.memory_space<hbm>>) target(%dma_start3A_75 : memref<16x128xf32, #tpu.memory_space<vmem_shared>>) target_semaphore(%run_scoped3A_72 : memref<!tpu.dma_semaphore, #tpu.memory_space<semaphore_mem>>)
        %dma_wait3A = arith.constant 9984 : i32
        %dma_wait3A_80 = arith.constant 0 : i32
        %dma_wait3A_81 = tpu.memref_slice %arg10[%dma_wait3A, %dma_wait3A_80] : memref<10008x128xf32, #tpu.memory_space<vmem_shared>> -> memref<16x128xf32, #tpu.memory_space<vmem_shared>>
        %dma_wait3A_82 = arith.constant 9984 : i32
        %dma_wait3A_83 = arith.constant 0 : i32
        %dma_wait3A_84 = tpu.memref_slice %arg2[%arg0, %dma_wait3A_82, %dma_wait3A_83] : memref<2x10000x128xf32, #tpu.memory_space<hbm>> -> memref<1x16x128xf32, #tpu.memory_space<hbm>>
        %dma_wait3A_85 = tpu.memref_squeeze %dma_wait3A_84 : memref<1x16x128xf32, #tpu.memory_space<hbm>> -> memref<16x128xf32, #tpu.memory_space<hbm>>
        tpu.wait_dma2 semaphore(%run_scoped3A_72 : memref<!tpu.dma_semaphore, #tpu.memory_space<semaphore_mem>>) src(%dma_wait3A_85 : memref<16x128xf32, #tpu.memory_space<hbm>>) dst(%dma_wait3A_81 : memref<16x128xf32, #tpu.memory_space<vmem_shared>>)
        tpu.yield
      }) : () -> ()
    } else {
    }
    %barrier3A = arith.constant 0 : index
    tpu.barrier barrier_id(%barrier3A)
    %run_scoped3A = arith.constant 0 : i32
    "tpu.region"() ({
      %run_scoped3A_72 = tpu.sem_alloc : memref<!tpu.dma_semaphore, #tpu.memory_space<semaphore_mem>>
      %dma_start3A_73 = arith.constant 0 : i32
      %dma_start3A_74 = arith.constant 0 : i32
      %dma_start3A_75 = tpu.memref_slice %arg6[%run_scoped3A, %dma_start3A_73, %dma_start3A_74] : memref<2x16x128xi32, #tpu.memory_space<vmem>> -> memref<1x16x128xi32, #tpu.memory_space<vmem>>
      %dma_start3A_76 = tpu.memref_squeeze %dma_start3A_75 : memref<1x16x128xi32, #tpu.memory_space<vmem>> -> memref<16x128xi32, #tpu.memory_space<vmem>>
      %dma_start3A_77 = arith.constant 0 : i32
      %dma_start3A_78 = arith.constant 0 : i32
      %dma_start3A_79 = tpu.memref_slice %arg3[%arg1, %dma_start3A_77, %dma_start3A_78] : memref<16x160x128xi32, #tpu.memory_space<hbm>> -> memref<1x16x128xi32, #tpu.memory_space<hbm>>
      %dma_start3A_80 = tpu.memref_squeeze %dma_start3A_79 : memref<1x16x128xi32, #tpu.memory_space<hbm>> -> memref<16x128xi32, #tpu.memory_space<hbm>>
      %dma_start3A_81 = arith.constant 0 : i32
      %dma_start3A_82 = arith.constant 0 : i32
      %dma_start3A_83 = tpu.memref_slice %arg6[%run_scoped3A, %dma_start3A_81, %dma_start3A_82] : memref<2x16x128xi32, #tpu.memory_space<vmem>> -> memref<1x16x128xi32, #tpu.memory_space<vmem>>
      %dma_start3A_84 = tpu.memref_squeeze %dma_start3A_83 : memref<1x16x128xi32, #tpu.memory_space<vmem>> -> memref<16x128xi32, #tpu.memory_space<vmem>>
      %dma_start3A_85 = arith.constant 0 : i32
      %dma_start3A_86 = arith.constant 0 : i32
      %dma_start3A_87 = tpu.memref_slice %arg3[%arg1, %dma_start3A_85, %dma_start3A_86] : memref<16x160x128xi32, #tpu.memory_space<hbm>> -> memref<1x16x128xi32, #tpu.memory_space<hbm>>
      %dma_start3A_88 = tpu.memref_squeeze %dma_start3A_87 : memref<1x16x128xi32, #tpu.memory_space<hbm>> -> memref<16x128xi32, #tpu.memory_space<hbm>>
      tpu.enqueue_dma source(%dma_start3A_88 : memref<16x128xi32, #tpu.memory_space<hbm>>) target(%dma_start3A_84 : memref<16x128xi32, #tpu.memory_space<vmem>>) target_semaphore(%run_scoped3A_72 : memref<!tpu.dma_semaphore, #tpu.memory_space<semaphore_mem>>)
      %dma_wait3A = arith.constant 0 : i32
      %dma_wait3A_89 = arith.constant 0 : i32
      %dma_wait3A_90 = tpu.memref_slice %arg6[%run_scoped3A, %dma_wait3A, %dma_wait3A_89] : memref<2x16x128xi32, #tpu.memory_space<vmem>> -> memref<1x16x128xi32, #tpu.memory_space<vmem>>
      %dma_wait3A_91 = tpu.memref_squeeze %dma_wait3A_90 : memref<1x16x128xi32, #tpu.memory_space<vmem>> -> memref<16x128xi32, #tpu.memory_space<vmem>>
      %dma_wait3A_92 = arith.constant 0 : i32
      %dma_wait3A_93 = arith.constant 0 : i32
      %dma_wait3A_94 = tpu.memref_slice %arg3[%arg1, %dma_wait3A_92, %dma_wait3A_93] : memref<16x160x128xi32, #tpu.memory_space<hbm>> -> memref<1x16x128xi32, #tpu.memory_space<hbm>>
      %dma_wait3A_95 = tpu.memref_squeeze %dma_wait3A_94 : memref<1x16x128xi32, #tpu.memory_space<hbm>> -> memref<16x128xi32, #tpu.memory_space<hbm>>
      %dma_wait3A_96 = arith.constant 0 : i32
      %dma_wait3A_97 = arith.constant 0 : i32
      %dma_wait3A_98 = tpu.memref_slice %arg6[%run_scoped3A, %dma_wait3A_96, %dma_wait3A_97] : memref<2x16x128xi32, #tpu.memory_space<vmem>> -> memref<1x16x128xi32, #tpu.memory_space<vmem>>
      %dma_wait3A_99 = tpu.memref_squeeze %dma_wait3A_98 : memref<1x16x128xi32, #tpu.memory_space<vmem>> -> memref<16x128xi32, #tpu.memory_space<vmem>>
      %dma_wait3A_100 = arith.constant 0 : i32
      %dma_wait3A_101 = arith.constant 0 : i32
      %dma_wait3A_102 = tpu.memref_slice %arg3[%arg1, %dma_wait3A_100, %dma_wait3A_101] : memref<16x160x128xi32, #tpu.memory_space<hbm>> -> memref<1x16x128xi32, #tpu.memory_space<hbm>>
      %dma_wait3A_103 = tpu.memref_squeeze %dma_wait3A_102 : memref<1x16x128xi32, #tpu.memory_space<hbm>> -> memref<16x128xi32, #tpu.memory_space<hbm>>
      tpu.wait_dma2 semaphore(%run_scoped3A_72 : memref<!tpu.dma_semaphore, #tpu.memory_space<semaphore_mem>>) src(%dma_wait3A_103 : memref<16x128xi32, #tpu.memory_space<hbm>>) dst(%dma_wait3A_99 : memref<16x128xi32, #tpu.memory_space<vmem>>)
      tpu.yield
    }) : () -> ()
    %run_scoped3A_3 = arith.constant 0 : i32
    "tpu.region"() ({
      %run_scoped3A_72 = tpu.sem_alloc : memref<!tpu.dma_semaphore, #tpu.memory_space<semaphore_mem>>
      %dma_start3A_73 = arith.constant 0 : i32
      %dma_start3A_74 = arith.constant 0 : i32
      %dma_start3A_75 = tpu.memref_slice %arg7[%run_scoped3A_3, %dma_start3A_73, %dma_start3A_74] : memref<2x16x128xi32, #tpu.memory_space<vmem>> -> memref<1x16x128xi32, #tpu.memory_space<vmem>>
      %dma_start3A_76 = tpu.memref_squeeze %dma_start3A_75 : memref<1x16x128xi32, #tpu.memory_space<vmem>> -> memref<16x128xi32, #tpu.memory_space<vmem>>
      %dma_start3A_77 = arith.constant 0 : i32
      %dma_start3A_78 = arith.constant 0 : i32
      %dma_start3A_79 = tpu.memref_slice %arg4[%arg1, %dma_start3A_77, %dma_start3A_78] : memref<16x160x128xi32, #tpu.memory_space<hbm>> -> memref<1x16x128xi32, #tpu.memory_space<hbm>>
      %dma_start3A_80 = tpu.memref_squeeze %dma_start3A_79 : memref<1x16x128xi32, #tpu.memory_space<hbm>> -> memref<16x128xi32, #tpu.memory_space<hbm>>
      %dma_start3A_81 = arith.constant 0 : i32
      %dma_start3A_82 = arith.constant 0 : i32
      %dma_start3A_83 = tpu.memref_slice %arg7[%run_scoped3A_3, %dma_start3A_81, %dma_start3A_82] : memref<2x16x128xi32, #tpu.memory_space<vmem>> -> memref<1x16x128xi32, #tpu.memory_space<vmem>>
      %dma_start3A_84 = tpu.memref_squeeze %dma_start3A_83 : memref<1x16x128xi32, #tpu.memory_space<vmem>> -> memref<16x128xi32, #tpu.memory_space<vmem>>
      %dma_start3A_85 = arith.constant 0 : i32
      %dma_start3A_86 = arith.constant 0 : i32
      %dma_start3A_87 = tpu.memref_slice %arg4[%arg1, %dma_start3A_85, %dma_start3A_86] : memref<16x160x128xi32, #tpu.memory_space<hbm>> -> memref<1x16x128xi32, #tpu.memory_space<hbm>>
      %dma_start3A_88 = tpu.memref_squeeze %dma_start3A_87 : memref<1x16x128xi32, #tpu.memory_space<hbm>> -> memref<16x128xi32, #tpu.memory_space<hbm>>
      tpu.enqueue_dma source(%dma_start3A_88 : memref<16x128xi32, #tpu.memory_space<hbm>>) target(%dma_start3A_84 : memref<16x128xi32, #tpu.memory_space<vmem>>) target_semaphore(%run_scoped3A_72 : memref<!tpu.dma_semaphore, #tpu.memory_space<semaphore_mem>>)
      %dma_wait3A = arith.constant 0 : i32
      %dma_wait3A_89 = arith.constant 0 : i32
      %dma_wait3A_90 = tpu.memref_slice %arg7[%run_scoped3A_3, %dma_wait3A, %dma_wait3A_89] : memref<2x16x128xi32, #tpu.memory_space<vmem>> -> memref<1x16x128xi32, #tpu.memory_space<vmem>>
      %dma_wait3A_91 = tpu.memref_squeeze %dma_wait3A_90 : memref<1x16x128xi32, #tpu.memory_space<vmem>> -> memref<16x128xi32, #tpu.memory_space<vmem>>
      %dma_wait3A_92 = arith.constant 0 : i32
      %dma_wait3A_93 = arith.constant 0 : i32
      %dma_wait3A_94 = tpu.memref_slice %arg4[%arg1, %dma_wait3A_92, %dma_wait3A_93] : memref<16x160x128xi32, #tpu.memory_space<hbm>> -> memref<1x16x128xi32, #tpu.memory_space<hbm>>
      %dma_wait3A_95 = tpu.memref_squeeze %dma_wait3A_94 : memref<1x16x128xi32, #tpu.memory_space<hbm>> -> memref<16x128xi32, #tpu.memory_space<hbm>>
      %dma_wait3A_96 = arith.constant 0 : i32
      %dma_wait3A_97 = arith.constant 0 : i32
      %dma_wait3A_98 = tpu.memref_slice %arg7[%run_scoped3A_3, %dma_wait3A_96, %dma_wait3A_97] : memref<2x16x128xi32, #tpu.memory_space<vmem>> -> memref<1x16x128xi32, #tpu.memory_space<vmem>>
      %dma_wait3A_99 = tpu.memref_squeeze %dma_wait3A_98 : memref<1x16x128xi32, #tpu.memory_space<vmem>> -> memref<16x128xi32, #tpu.memory_space<vmem>>
      %dma_wait3A_100 = arith.constant 0 : i32
      %dma_wait3A_101 = arith.constant 0 : i32
      %dma_wait3A_102 = tpu.memref_slice %arg4[%arg1, %dma_wait3A_100, %dma_wait3A_101] : memref<16x160x128xi32, #tpu.memory_space<hbm>> -> memref<1x16x128xi32, #tpu.memory_space<hbm>>
      %dma_wait3A_103 = tpu.memref_squeeze %dma_wait3A_102 : memref<1x16x128xi32, #tpu.memory_space<hbm>> -> memref<16x128xi32, #tpu.memory_space<hbm>>
      tpu.wait_dma2 semaphore(%run_scoped3A_72 : memref<!tpu.dma_semaphore, #tpu.memory_space<semaphore_mem>>) src(%dma_wait3A_103 : memref<16x128xi32, #tpu.memory_space<hbm>>) dst(%dma_wait3A_99 : memref<16x128xi32, #tpu.memory_space<vmem>>)
      tpu.yield
    }) : () -> ()
    %dma_start3A = arith.constant 1 : i32
    %dma_start3A_4 = arith.constant 0 : i32
    %dma_start3A_5 = arith.constant 0 : i32
    %dma_start3A_6 = tpu.memref_slice %arg6[%dma_start3A, %dma_start3A_4, %dma_start3A_5] : memref<2x16x128xi32, #tpu.memory_space<vmem>> -> memref<1x16x128xi32, #tpu.memory_space<vmem>>
    %dma_start3A_7 = tpu.memref_squeeze %dma_start3A_6 : memref<1x16x128xi32, #tpu.memory_space<vmem>> -> memref<16x128xi32, #tpu.memory_space<vmem>>
    %dma_start3A_8 = arith.constant 16 : i32
    %dma_start3A_9 = arith.constant 0 : i32
    %dma_start3A_10 = tpu.memref_slice %arg3[%arg1, %dma_start3A_8, %dma_start3A_9] : memref<16x160x128xi32, #tpu.memory_space<hbm>> -> memref<1x16x128xi32, #tpu.memory_space<hbm>>
    %dma_start3A_11 = tpu.memref_squeeze %dma_start3A_10 : memref<1x16x128xi32, #tpu.memory_space<hbm>> -> memref<16x128xi32, #tpu.memory_space<hbm>>
    %dma_start3A_12 = arith.constant 0 : i32
    %dma_start3A_13 = arith.constant 0 : i32
    %dma_start3A_14 = tpu.memref_slice %arg6[%dma_start3A, %dma_start3A_12, %dma_start3A_13] : memref<2x16x128xi32, #tpu.memory_space<vmem>> -> memref<1x16x128xi32, #tpu.memory_space<vmem>>
    %dma_start3A_15 = tpu.memref_squeeze %dma_start3A_14 : memref<1x16x128xi32, #tpu.memory_space<vmem>> -> memref<16x128xi32, #tpu.memory_space<vmem>>
    %dma_start3A_16 = arith.constant 16 : i32
    %dma_start3A_17 = arith.constant 0 : i32
    %dma_start3A_18 = tpu.memref_slice %arg3[%arg1, %dma_start3A_16, %dma_start3A_17] : memref<16x160x128xi32, #tpu.memory_space<hbm>> -> memref<1x16x128xi32, #tpu.memory_space<hbm>>
    %dma_start3A_19 = tpu.memref_squeeze %dma_start3A_18 : memref<1x16x128xi32, #tpu.memory_space<hbm>> -> memref<16x128xi32, #tpu.memory_space<hbm>>
    tpu.enqueue_dma source(%dma_start3A_19 : memref<16x128xi32, #tpu.memory_space<hbm>>) target(%dma_start3A_15 : memref<16x128xi32, #tpu.memory_space<vmem>>) target_semaphore(%arg12 : memref<!tpu.dma_semaphore, #tpu.memory_space<semaphore_mem>>)
    %dma_start3A_20 = arith.constant 1 : i32
    %dma_start3A_21 = arith.constant 0 : i32
    %dma_start3A_22 = arith.constant 0 : i32
    %dma_start3A_23 = tpu.memref_slice %arg7[%dma_start3A_20, %dma_start3A_21, %dma_start3A_22] : memref<2x16x128xi32, #tpu.memory_space<vmem>> -> memref<1x16x128xi32, #tpu.memory_space<vmem>>
    %dma_start3A_24 = tpu.memref_squeeze %dma_start3A_23 : memref<1x16x128xi32, #tpu.memory_space<vmem>> -> memref<16x128xi32, #tpu.memory_space<vmem>>
    %dma_start3A_25 = arith.constant 16 : i32
    %dma_start3A_26 = arith.constant 0 : i32
    %dma_start3A_27 = tpu.memref_slice %arg4[%arg1, %dma_start3A_25, %dma_start3A_26] : memref<16x160x128xi32, #tpu.memory_space<hbm>> -> memref<1x16x128xi32, #tpu.memory_space<hbm>>
    %dma_start3A_28 = tpu.memref_squeeze %dma_start3A_27 : memref<1x16x128xi32, #tpu.memory_space<hbm>> -> memref<16x128xi32, #tpu.memory_space<hbm>>
    %dma_start3A_29 = arith.constant 0 : i32
    %dma_start3A_30 = arith.constant 0 : i32
    %dma_start3A_31 = tpu.memref_slice %arg7[%dma_start3A_20, %dma_start3A_29, %dma_start3A_30] : memref<2x16x128xi32, #tpu.memory_space<vmem>> -> memref<1x16x128xi32, #tpu.memory_space<vmem>>
    %dma_start3A_32 = tpu.memref_squeeze %dma_start3A_31 : memref<1x16x128xi32, #tpu.memory_space<vmem>> -> memref<16x128xi32, #tpu.memory_space<vmem>>
    %dma_start3A_33 = arith.constant 16 : i32
    %dma_start3A_34 = arith.constant 0 : i32
    %dma_start3A_35 = tpu.memref_slice %arg4[%arg1, %dma_start3A_33, %dma_start3A_34] : memref<16x160x128xi32, #tpu.memory_space<hbm>> -> memref<1x16x128xi32, #tpu.memory_space<hbm>>
    %dma_start3A_36 = tpu.memref_squeeze %dma_start3A_35 : memref<1x16x128xi32, #tpu.memory_space<hbm>> -> memref<16x128xi32, #tpu.memory_space<hbm>>
    tpu.enqueue_dma source(%dma_start3A_36 : memref<16x128xi32, #tpu.memory_space<hbm>>) target(%dma_start3A_32 : memref<16x128xi32, #tpu.memory_space<vmem>>) target_semaphore(%arg12 : memref<!tpu.dma_semaphore, #tpu.memory_space<semaphore_mem>>)
    %dma_start3A_37 = arith.constant 0 : i32
    %dma_start3A_38 = arith.constant 0 : i32
    %dma_start3A_39 = arith.constant 0 : i32
    %dma_start3A_40 = tpu.memref_slice %arg6[%dma_start3A_37, %dma_start3A_38, %dma_start3A_39] : memref<2x16x128xi32, #tpu.memory_space<vmem>> -> memref<1x1x128xi32, #tpu.memory_space<vmem>>
    %dma_start3A_41 = tpu.memref_squeeze %dma_start3A_40 : memref<1x1x128xi32, #tpu.memory_space<vmem>> -> memref<128xi32, #tpu.memory_space<vmem>>
    %dma_start3A_42 = arith.constant 0 : i32
    %dma_start3A_43 = arith.constant 0 : i32
    %dma_start3A_44 = tpu.memref_slice %arg2[%arg0, %dma_start3A_42, %dma_start3A_43] : memref<2x10000x128xf32, #tpu.memory_space<hbm>> -> memref<1x10000x128xf32, #tpu.memory_space<hbm>>
    %dma_start3A_45 = tpu.memref_squeeze %dma_start3A_44 : memref<1x10000x128xf32, #tpu.memory_space<hbm>> -> memref<10000x128xf32, #tpu.memory_space<hbm>>
    %dma_start3A_46 = arith.constant 0 : i32
    %dma_start3A_47 = arith.constant 0 : i32
    %dma_start3A_48 = tpu.memref_slice %dma_start3A_45[%dma_start3A_46, %dma_start3A_47] : memref<10000x128xf32, #tpu.memory_space<hbm>> -> memref<10000x128xf32, #tpu.memory_space<hbm>>
    tpu.enqueue_indirect_dma source(%dma_start3A_48 : memref<10000x128xf32, #tpu.memory_space<hbm>>) target(%arg8 : memref<128x128xf32, #tpu.memory_space<vmem>>) offsets(%dma_start3A_41 : memref<128xi32, #tpu.memory_space<vmem>>) semaphore(%arg13 : memref<!tpu.dma_semaphore, #tpu.memory_space<semaphore_mem>>)
    %dma_start3A_49 = arith.constant 0 : i32
    %dma_start3A_50 = arith.constant 1 : i32
    %dma_start3A_51 = arith.constant 0 : i32
    %dma_start3A_52 = tpu.memref_slice %arg6[%dma_start3A_49, %dma_start3A_50, %dma_start3A_51] : memref<2x16x128xi32, #tpu.memory_space<vmem>> -> memref<1x1x128xi32, #tpu.memory_space<vmem>>
    %dma_start3A_53 = tpu.memref_squeeze %dma_start3A_52 : memref<1x1x128xi32, #tpu.memory_space<vmem>> -> memref<128xi32, #tpu.memory_space<vmem>>
    %dma_start3A_54 = arith.constant 0 : i32
    %dma_start3A_55 = arith.constant 0 : i32
    %dma_start3A_56 = tpu.memref_slice %arg2[%arg0, %dma_start3A_54, %dma_start3A_55] : memref<2x10000x128xf32, #tpu.memory_space<hbm>> -> memref<1x10000x128xf32, #tpu.memory_space<hbm>>
    %dma_start3A_57 = tpu.memref_squeeze %dma_start3A_56 : memref<1x10000x128xf32, #tpu.memory_space<hbm>> -> memref<10000x128xf32, #tpu.memory_space<hbm>>
    %dma_start3A_58 = arith.constant 0 : i32
    %dma_start3A_59 = arith.constant 0 : i32
    %dma_start3A_60 = tpu.memref_slice %dma_start3A_57[%dma_start3A_58, %dma_start3A_59] : memref<10000x128xf32, #tpu.memory_space<hbm>> -> memref<10000x128xf32, #tpu.memory_space<hbm>>
    tpu.enqueue_indirect_dma source(%dma_start3A_60 : memref<10000x128xf32, #tpu.memory_space<hbm>>) target(%arg9 : memref<128x128xf32, #tpu.memory_space<vmem>>) offsets(%dma_start3A_53 : memref<128xi32, #tpu.memory_space<vmem>>) semaphore(%arg14 : memref<!tpu.dma_semaphore, #tpu.memory_space<semaphore_mem>>)
    %scan3A = arith.constant 0 : i32
    %scan3A_61 = arith.constant 0 : i32
    %scan3A_62 = arith.constant 5 : i32
    %scan3A_63 = arith.addi %scan3A_61, %scan3A_62 : i32
    %scan3A_64 = arith.constant 1 : i32
    scf.for %scan3A_72 = %scan3A_61 to %scan3A_63 step %scan3A_64  : i32 {
      %lt3A = arith.constant 4 : i32
      %lt3A_73 = arith.cmpi slt, %scan3A_72, %lt3A : i32
      %dma_wait3A = arith.constant 0 : i32
      %dma_wait3A_74 = arith.constant 0 : i32
      %dma_wait3A_75 = arith.constant 0 : i32
      %dma_wait3A_76 = tpu.memref_slice %arg6[%dma_wait3A, %dma_wait3A_74, %dma_wait3A_75] : memref<2x16x128xi32, #tpu.memory_space<vmem>> -> memref<1x1x128xi32, #tpu.memory_space<vmem>>
      %dma_wait3A_77 = tpu.memref_squeeze %dma_wait3A_76 : memref<1x1x128xi32, #tpu.memory_space<vmem>> -> memref<128xi32, #tpu.memory_space<vmem>>
      %dma_wait3A_78 = arith.constant 0 : i32
      %dma_wait3A_79 = arith.constant 0 : i32
      %dma_wait3A_80 = tpu.memref_slice %arg2[%arg0, %dma_wait3A_78, %dma_wait3A_79] : memref<2x10000x128xf32, #tpu.memory_space<hbm>> -> memref<1x10000x128xf32, #tpu.memory_space<hbm>>
      %dma_wait3A_81 = tpu.memref_squeeze %dma_wait3A_80 : memref<1x10000x128xf32, #tpu.memory_space<hbm>> -> memref<10000x128xf32, #tpu.memory_space<hbm>>
      %dma_wait3A_82 = arith.constant 0 : i32
      %dma_wait3A_83 = arith.constant 0 : i32
      %dma_wait3A_84 = tpu.memref_slice %dma_wait3A_81[%dma_wait3A_82, %dma_wait3A_83] : memref<10000x128xf32, #tpu.memory_space<hbm>> -> memref<10000x128xf32, #tpu.memory_space<hbm>>
      tpu.wait_indirect_dma semaphore(%arg13 : memref<!tpu.dma_semaphore, #tpu.memory_space<semaphore_mem>>) src(%dma_wait3A_84 : memref<10000x128xf32, #tpu.memory_space<hbm>>) dst(%arg8 : memref<128x128xf32, #tpu.memory_space<vmem>>)
      %run_scoped3A_85 = arith.constant 0 : i32
      %run_scoped3A_86 = arith.constant 0 : i32
      "tpu.region"() ({
        %run_scoped3A_927 = tpu.sem_alloc : memref<!tpu.dma_semaphore, #tpu.memory_space<semaphore_mem>>
        %dma_start3A_928 = arith.constant 0 : i32
        %dma_start3A_929 = tpu.memref_slice %arg7[%run_scoped3A_85, %run_scoped3A_86, %dma_start3A_928] : memref<2x16x128xi32, #tpu.memory_space<vmem>> -> memref<1x1x128xi32, #tpu.memory_space<vmem>>
        %dma_start3A_930 = tpu.memref_squeeze %dma_start3A_929 : memref<1x1x128xi32, #tpu.memory_space<vmem>> -> memref<128xi32, #tpu.memory_space<vmem>>
        %dma_start3A_931 = arith.constant 0 : i32
        %dma_start3A_932 = arith.constant 0 : i32
        %dma_start3A_933 = tpu.memref_slice %arg10[%dma_start3A_931, %dma_start3A_932] : memref<10008x128xf32, #tpu.memory_space<vmem_shared>> -> memref<10008x128xf32, #tpu.memory_space<vmem_shared>>
        tpu.enqueue_indirect_dma source(%arg8 : memref<128x128xf32, #tpu.memory_space<vmem>>) target(%dma_start3A_933 : memref<10008x128xf32, #tpu.memory_space<vmem_shared>>) offsets(%dma_start3A_930 : memref<128xi32, #tpu.memory_space<vmem>>) semaphore(%run_scoped3A_927 : memref<!tpu.dma_semaphore, #tpu.memory_space<semaphore_mem>>) {add = true}
        %dma_wait3A_934 = arith.constant 0 : i32
        %dma_wait3A_935 = tpu.memref_slice %arg7[%run_scoped3A_85, %run_scoped3A_86, %dma_wait3A_934] : memref<2x16x128xi32, #tpu.memory_space<vmem>> -> memref<1x1x128xi32, #tpu.memory_space<vmem>>
        %dma_wait3A_936 = tpu.memref_squeeze %dma_wait3A_935 : memref<1x1x128xi32, #tpu.memory_space<vmem>> -> memref<128xi32, #tpu.memory_space<vmem>>
        %dma_wait3A_937 = arith.constant 0 : i32
        %dma_wait3A_938 = arith.constant 0 : i32
        %dma_wait3A_939 = tpu.memref_slice %arg10[%dma_wait3A_937, %dma_wait3A_938] : memref<10008x128xf32, #tpu.memory_space<vmem_shared>> -> memref<10008x128xf32, #tpu.memory_space<vmem_shared>>
        tpu.wait_indirect_dma semaphore(%run_scoped3A_927 : memref<!tpu.dma_semaphore, #tpu.memory_space<semaphore_mem>>) src(%arg8 : memref<128x128xf32, #tpu.memory_space<vmem>>) dst(%dma_wait3A_939 : memref<10008x128xf32, #tpu.memory_space<vmem_shared>>)
        tpu.yield
      }) : () -> ()
      %dma_start3A_87 = arith.constant 0 : i32
      %dma_start3A_88 = arith.constant 2 : i32
      %dma_start3A_89 = arith.constant 0 : i32
      %dma_start3A_90 = tpu.memref_slice %arg6[%dma_start3A_87, %dma_start3A_88, %dma_start3A_89] : memref<2x16x128xi32, #tpu.memory_space<vmem>> -> memref<1x1x128xi32, #tpu.memory_space<vmem>>
      %dma_start3A_91 = tpu.memref_squeeze %dma_start3A_90 : memref<1x1x128xi32, #tpu.memory_space<vmem>> -> memref<128xi32, #tpu.memory_space<vmem>>
      %dma_start3A_92 = arith.constant 0 : i32
      %dma_start3A_93 = arith.constant 0 : i32
      %dma_start3A_94 = tpu.memref_slice %arg2[%arg0, %dma_start3A_92, %dma_start3A_93] : memref<2x10000x128xf32, #tpu.memory_space<hbm>> -> memref<1x10000x128xf32, #tpu.memory_space<hbm>>
      %dma_start3A_95 = tpu.memref_squeeze %dma_start3A_94 : memref<1x10000x128xf32, #tpu.memory_space<hbm>> -> memref<10000x128xf32, #tpu.memory_space<hbm>>
      %dma_start3A_96 = arith.constant 0 : i32
      %dma_start3A_97 = arith.constant 0 : i32
      %dma_start3A_98 = tpu.memref_slice %dma_start3A_95[%dma_start3A_96, %dma_start3A_97] : memref<10000x128xf32, #tpu.memory_space<hbm>> -> memref<10000x128xf32, #tpu.memory_space<hbm>>
      tpu.enqueue_indirect_dma source(%dma_start3A_98 : memref<10000x128xf32, #tpu.memory_space<hbm>>) target(%arg8 : memref<128x128xf32, #tpu.memory_space<vmem>>) offsets(%dma_start3A_91 : memref<128xi32, #tpu.memory_space<vmem>>) semaphore(%arg13 : memref<!tpu.dma_semaphore, #tpu.memory_space<semaphore_mem>>)
      %dma_wait3A_99 = arith.constant 0 : i32
      %dma_wait3A_100 = arith.constant 1 : i32
      %dma_wait3A_101 = arith.constant 0 : i32
      %dma_wait3A_102 = tpu.memref_slice %arg6[%dma_wait3A_99, %dma_wait3A_100, %dma_wait3A_101] : memref<2x16x128xi32, #tpu.memory_space<vmem>> -> memref<1x1x128xi32, #tpu.memory_space<vmem>>
      %dma_wait3A_103 = tpu.memref_squeeze %dma_wait3A_102 : memref<1x1x128xi32, #tpu.memory_space<vmem>> -> memref<128xi32, #tpu.memory_space<vmem>>
      %dma_wait3A_104 = arith.constant 0 : i32
      %dma_wait3A_105 = arith.constant 0 : i32
      %dma_wait3A_106 = tpu.memref_slice %arg2[%arg0, %dma_wait3A_104, %dma_wait3A_105] : memref<2x10000x128xf32, #tpu.memory_space<hbm>> -> memref<1x10000x128xf32, #tpu.memory_space<hbm>>
      %dma_wait3A_107 = tpu.memref_squeeze %dma_wait3A_106 : memref<1x10000x128xf32, #tpu.memory_space<hbm>> -> memref<10000x128xf32, #tpu.memory_space<hbm>>
      %dma_wait3A_108 = arith.constant 0 : i32
      %dma_wait3A_109 = arith.constant 0 : i32
      %dma_wait3A_110 = tpu.memref_slice %dma_wait3A_107[%dma_wait3A_108, %dma_wait3A_109] : memref<10000x128xf32, #tpu.memory_space<hbm>> -> memref<10000x128xf32, #tpu.memory_space<hbm>>
      tpu.wait_indirect_dma semaphore(%arg14 : memref<!tpu.dma_semaphore, #tpu.memory_space<semaphore_mem>>) src(%dma_wait3A_110 : memref<10000x128xf32, #tpu.memory_space<hbm>>) dst(%arg9 : memref<128x128xf32, #tpu.memory_space<vmem>>)
      %run_scoped3A_111 = arith.constant 0 : i32
      %run_scoped3A_112 = arith.constant 1 : i32
      "tpu.region"() ({
        %run_scoped3A_927 = tpu.sem_alloc : memref<!tpu.dma_semaphore, #tpu.memory_space<semaphore_mem>>
        %dma_start3A_928 = arith.constant 0 : i32
        %dma_start3A_929 = tpu.memref_slice %arg7[%run_scoped3A_111, %run_scoped3A_112, %dma_start3A_928] : memref<2x16x128xi32, #tpu.memory_space<vmem>> -> memref<1x1x128xi32, #tpu.memory_space<vmem>>
        %dma_start3A_930 = tpu.memref_squeeze %dma_start3A_929 : memref<1x1x128xi32, #tpu.memory_space<vmem>> -> memref<128xi32, #tpu.memory_space<vmem>>
        %dma_start3A_931 = arith.constant 0 : i32
        %dma_start3A_932 = arith.constant 0 : i32
        %dma_start3A_933 = tpu.memref_slice %arg10[%dma_start3A_931, %dma_start3A_932] : memref<10008x128xf32, #tpu.memory_space<vmem_shared>> -> memref<10008x128xf32, #tpu.memory_space<vmem_shared>>
        tpu.enqueue_indirect_dma source(%arg9 : memref<128x128xf32, #tpu.memory_space<vmem>>) target(%dma_start3A_933 : memref<10008x128xf32, #tpu.memory_space<vmem_shared>>) offsets(%dma_start3A_930 : memref<128xi32, #tpu.memory_space<vmem>>) semaphore(%run_scoped3A_927 : memref<!tpu.dma_semaphore, #tpu.memory_space<semaphore_mem>>) {add = true}
        %dma_wait3A_934 = arith.constant 0 : i32
        %dma_wait3A_935 = tpu.memref_slice %arg7[%run_scoped3A_111, %run_scoped3A_112, %dma_wait3A_934] : memref<2x16x128xi32, #tpu.memory_space<vmem>> -> memref<1x1x128xi32, #tpu.memory_space<vmem>>
        %dma_wait3A_936 = tpu.memref_squeeze %dma_wait3A_935 : memref<1x1x128xi32, #tpu.memory_space<vmem>> -> memref<128xi32, #tpu.memory_space<vmem>>
        %dma_wait3A_937 = arith.constant 0 : i32
        %dma_wait3A_938 = arith.constant 0 : i32
        %dma_wait3A_939 = tpu.memref_slice %arg10[%dma_wait3A_937, %dma_wait3A_938] : memref<10008x128xf32, #tpu.memory_space<vmem_shared>> -> memref<10008x128xf32, #tpu.memory_space<vmem_shared>>
        tpu.wait_indirect_dma semaphore(%run_scoped3A_927 : memref<!tpu.dma_semaphore, #tpu.memory_space<semaphore_mem>>) src(%arg9 : memref<128x128xf32, #tpu.memory_space<vmem>>) dst(%dma_wait3A_939 : memref<10008x128xf32, #tpu.memory_space<vmem_shared>>)
        tpu.yield
      }) : () -> ()
      %dma_start3A_113 = arith.constant 0 : i32
      %dma_start3A_114 = arith.constant 3 : i32
      %dma_start3A_115 = arith.constant 0 : i32
      %dma_start3A_116 = tpu.memref_slice %arg6[%dma_start3A_113, %dma_start3A_114, %dma_start3A_115] : memref<2x16x128xi32, #tpu.memory_space<vmem>> -> memref<1x1x128xi32, #tpu.memory_space<vmem>>
      %dma_start3A_117 = tpu.memref_squeeze %dma_start3A_116 : memref<1x1x128xi32, #tpu.memory_space<vmem>> -> memref<128xi32, #tpu.memory_space<vmem>>
      %dma_start3A_118 = arith.constant 0 : i32
      %dma_start3A_119 = arith.constant 0 : i32
      %dma_start3A_120 = tpu.memref_slice %arg2[%arg0, %dma_start3A_118, %dma_start3A_119] : memref<2x10000x128xf32, #tpu.memory_space<hbm>> -> memref<1x10000x128xf32, #tpu.memory_space<hbm>>
      %dma_start3A_121 = tpu.memref_squeeze %dma_start3A_120 : memref<1x10000x128xf32, #tpu.memory_space<hbm>> -> memref<10000x128xf32, #tpu.memory_space<hbm>>
      %dma_start3A_122 = arith.constant 0 : i32
      %dma_start3A_123 = arith.constant 0 : i32
      %dma_start3A_124 = tpu.memref_slice %dma_start3A_121[%dma_start3A_122, %dma_start3A_123] : memref<10000x128xf32, #tpu.memory_space<hbm>> -> memref<10000x128xf32, #tpu.memory_space<hbm>>
      tpu.enqueue_indirect_dma source(%dma_start3A_124 : memref<10000x128xf32, #tpu.memory_space<hbm>>) target(%arg9 : memref<128x128xf32, #tpu.memory_space<vmem>>) offsets(%dma_start3A_117 : memref<128xi32, #tpu.memory_space<vmem>>) semaphore(%arg14 : memref<!tpu.dma_semaphore, #tpu.memory_space<semaphore_mem>>)
      %dma_wait3A_125 = arith.constant 0 : i32
      %dma_wait3A_126 = arith.constant 2 : i32
      %dma_wait3A_127 = arith.constant 0 : i32
      %dma_wait3A_128 = tpu.memref_slice %arg6[%dma_wait3A_125, %dma_wait3A_126, %dma_wait3A_127] : memref<2x16x128xi32, #tpu.memory_space<vmem>> -> memref<1x1x128xi32, #tpu.memory_space<vmem>>
      %dma_wait3A_129 = tpu.memref_squeeze %dma_wait3A_128 : memref<1x1x128xi32, #tpu.memory_space<vmem>> -> memref<128xi32, #tpu.memory_space<vmem>>
      %dma_wait3A_130 = arith.constant 0 : i32
      %dma_wait3A_131 = arith.constant 0 : i32
      %dma_wait3A_132 = tpu.memref_slice %arg2[%arg0, %dma_wait3A_130, %dma_wait3A_131] : memref<2x10000x128xf32, #tpu.memory_space<hbm>> -> memref<1x10000x128xf32, #tpu.memory_space<hbm>>
      %dma_wait3A_133 = tpu.memref_squeeze %dma_wait3A_132 : memref<1x10000x128xf32, #tpu.memory_space<hbm>> -> memref<10000x128xf32, #tpu.memory_space<hbm>>
      %dma_wait3A_134 = arith.constant 0 : i32
      %dma_wait3A_135 = arith.constant 0 : i32
      %dma_wait3A_136 = tpu.memref_slice %dma_wait3A_133[%dma_wait3A_134, %dma_wait3A_135] : memref<10000x128xf32, #tpu.memory_space<hbm>> -> memref<10000x128xf32, #tpu.memory_space<hbm>>
      tpu.wait_indirect_dma semaphore(%arg13 : memref<!tpu.dma_semaphore, #tpu.memory_space<semaphore_mem>>) src(%dma_wait3A_136 : memref<10000x128xf32, #tpu.memory_space<hbm>>) dst(%arg8 : memref<128x128xf32, #tpu.memory_space<vmem>>)
      %run_scoped3A_137 = arith.constant 0 : i32
      %run_scoped3A_138 = arith.constant 2 : i32
      "tpu.region"() ({
        %run_scoped3A_927 = tpu.sem_alloc : memref<!tpu.dma_semaphore, #tpu.memory_space<semaphore_mem>>
        %dma_start3A_928 = arith.constant 0 : i32
        %dma_start3A_929 = tpu.memref_slice %arg7[%run_scoped3A_137, %run_scoped3A_138, %dma_start3A_928] : memref<2x16x128xi32, #tpu.memory_space<vmem>> -> memref<1x1x128xi32, #tpu.memory_space<vmem>>
        %dma_start3A_930 = tpu.memref_squeeze %dma_start3A_929 : memref<1x1x128xi32, #tpu.memory_space<vmem>> -> memref<128xi32, #tpu.memory_space<vmem>>
        %dma_start3A_931 = arith.constant 0 : i32
        %dma_start3A_932 = arith.constant 0 : i32
        %dma_start3A_933 = tpu.memref_slice %arg10[%dma_start3A_931, %dma_start3A_932] : memref<10008x128xf32, #tpu.memory_space<vmem_shared>> -> memref<10008x128xf32, #tpu.memory_space<vmem_shared>>
        tpu.enqueue_indirect_dma source(%arg8 : memref<128x128xf32, #tpu.memory_space<vmem>>) target(%dma_start3A_933 : memref<10008x128xf32, #tpu.memory_space<vmem_shared>>) offsets(%dma_start3A_930 : memref<128xi32, #tpu.memory_space<vmem>>) semaphore(%run_scoped3A_927 : memref<!tpu.dma_semaphore, #tpu.memory_space<semaphore_mem>>) {add = true}
        %dma_wait3A_934 = arith.constant 0 : i32
        %dma_wait3A_935 = tpu.memref_slice %arg7[%run_scoped3A_137, %run_scoped3A_138, %dma_wait3A_934] : memref<2x16x128xi32, #tpu.memory_space<vmem>> -> memref<1x1x128xi32, #tpu.memory_space<vmem>>
        %dma_wait3A_936 = tpu.memref_squeeze %dma_wait3A_935 : memref<1x1x128xi32, #tpu.memory_space<vmem>> -> memref<128xi32, #tpu.memory_space<vmem>>
        %dma_wait3A_937 = arith.constant 0 : i32
        %dma_wait3A_938 = arith.constant 0 : i32
        %dma_wait3A_939 = tpu.memref_slice %arg10[%dma_wait3A_937, %dma_wait3A_938] : memref<10008x128xf32, #tpu.memory_space<vmem_shared>> -> memref<10008x128xf32, #tpu.memory_space<vmem_shared>>
        tpu.wait_indirect_dma semaphore(%run_scoped3A_927 : memref<!tpu.dma_semaphore, #tpu.memory_space<semaphore_mem>>) src(%arg8 : memref<128x128xf32, #tpu.memory_space<vmem>>) dst(%dma_wait3A_939 : memref<10008x128xf32, #tpu.memory_space<vmem_shared>>)
        tpu.yield
      }) : () -> ()
      %dma_start3A_139 = arith.constant 0 : i32
      %dma_start3A_140 = arith.constant 4 : i32
      %dma_start3A_141 = arith.constant 0 : i32
      %dma_start3A_142 = tpu.memref_slice %arg6[%dma_start3A_139, %dma_start3A_140, %dma_start3A_141] : memref<2x16x128xi32, #tpu.memory_space<vmem>> -> memref<1x1x128xi32, #tpu.memory_space<vmem>>
      %dma_start3A_143 = tpu.memref_squeeze %dma_start3A_142 : memref<1x1x128xi32, #tpu.memory_space<vmem>> -> memref<128xi32, #tpu.memory_space<vmem>>
      %dma_start3A_144 = arith.constant 0 : i32
      %dma_start3A_145 = arith.constant 0 : i32
      %dma_start3A_146 = tpu.memref_slice %arg2[%arg0, %dma_start3A_144, %dma_start3A_145] : memref<2x10000x128xf32, #tpu.memory_space<hbm>> -> memref<1x10000x128xf32, #tpu.memory_space<hbm>>
      %dma_start3A_147 = tpu.memref_squeeze %dma_start3A_146 : memref<1x10000x128xf32, #tpu.memory_space<hbm>> -> memref<10000x128xf32, #tpu.memory_space<hbm>>
      %dma_start3A_148 = arith.constant 0 : i32
      %dma_start3A_149 = arith.constant 0 : i32
      %dma_start3A_150 = tpu.memref_slice %dma_start3A_147[%dma_start3A_148, %dma_start3A_149] : memref<10000x128xf32, #tpu.memory_space<hbm>> -> memref<10000x128xf32, #tpu.memory_space<hbm>>
      tpu.enqueue_indirect_dma source(%dma_start3A_150 : memref<10000x128xf32, #tpu.memory_space<hbm>>) target(%arg8 : memref<128x128xf32, #tpu.memory_space<vmem>>) offsets(%dma_start3A_143 : memref<128xi32, #tpu.memory_space<vmem>>) semaphore(%arg13 : memref<!tpu.dma_semaphore, #tpu.memory_space<semaphore_mem>>)
      %dma_wait3A_151 = arith.constant 0 : i32
      %dma_wait3A_152 = arith.constant 3 : i32
      %dma_wait3A_153 = arith.constant 0 : i32
      %dma_wait3A_154 = tpu.memref_slice %arg6[%dma_wait3A_151, %dma_wait3A_152, %dma_wait3A_153] : memref<2x16x128xi32, #tpu.memory_space<vmem>> -> memref<1x1x128xi32, #tpu.memory_space<vmem>>
      %dma_wait3A_155 = tpu.memref_squeeze %dma_wait3A_154 : memref<1x1x128xi32, #tpu.memory_space<vmem>> -> memref<128xi32, #tpu.memory_space<vmem>>
      %dma_wait3A_156 = arith.constant 0 : i32
      %dma_wait3A_157 = arith.constant 0 : i32
      %dma_wait3A_158 = tpu.memref_slice %arg2[%arg0, %dma_wait3A_156, %dma_wait3A_157] : memref<2x10000x128xf32, #tpu.memory_space<hbm>> -> memref<1x10000x128xf32, #tpu.memory_space<hbm>>
      %dma_wait3A_159 = tpu.memref_squeeze %dma_wait3A_158 : memref<1x10000x128xf32, #tpu.memory_space<hbm>> -> memref<10000x128xf32, #tpu.memory_space<hbm>>
      %dma_wait3A_160 = arith.constant 0 : i32
      %dma_wait3A_161 = arith.constant 0 : i32
      %dma_wait3A_162 = tpu.memref_slice %dma_wait3A_159[%dma_wait3A_160, %dma_wait3A_161] : memref<10000x128xf32, #tpu.memory_space<hbm>> -> memref<10000x128xf32, #tpu.memory_space<hbm>>
      tpu.wait_indirect_dma semaphore(%arg14 : memref<!tpu.dma_semaphore, #tpu.memory_space<semaphore_mem>>) src(%dma_wait3A_162 : memref<10000x128xf32, #tpu.memory_space<hbm>>) dst(%arg9 : memref<128x128xf32, #tpu.memory_space<vmem>>)
      %run_scoped3A_163 = arith.constant 0 : i32
      %run_scoped3A_164 = arith.constant 3 : i32
      "tpu.region"() ({
        %run_scoped3A_927 = tpu.sem_alloc : memref<!tpu.dma_semaphore, #tpu.memory_space<semaphore_mem>>
        %dma_start3A_928 = arith.constant 0 : i32
        %dma_start3A_929 = tpu.memref_slice %arg7[%run_scoped3A_163, %run_scoped3A_164, %dma_start3A_928] : memref<2x16x128xi32, #tpu.memory_space<vmem>> -> memref<1x1x128xi32, #tpu.memory_space<vmem>>
        %dma_start3A_930 = tpu.memref_squeeze %dma_start3A_929 : memref<1x1x128xi32, #tpu.memory_space<vmem>> -> memref<128xi32, #tpu.memory_space<vmem>>
        %dma_start3A_931 = arith.constant 0 : i32
        %dma_start3A_932 = arith.constant 0 : i32
        %dma_start3A_933 = tpu.memref_slice %arg10[%dma_start3A_931, %dma_start3A_932] : memref<10008x128xf32, #tpu.memory_space<vmem_shared>> -> memref<10008x128xf32, #tpu.memory_space<vmem_shared>>
        tpu.enqueue_indirect_dma source(%arg9 : memref<128x128xf32, #tpu.memory_space<vmem>>) target(%dma_start3A_933 : memref<10008x128xf32, #tpu.memory_space<vmem_shared>>) offsets(%dma_start3A_930 : memref<128xi32, #tpu.memory_space<vmem>>) semaphore(%run_scoped3A_927 : memref<!tpu.dma_semaphore, #tpu.memory_space<semaphore_mem>>) {add = true}
        %dma_wait3A_934 = arith.constant 0 : i32
        %dma_wait3A_935 = tpu.memref_slice %arg7[%run_scoped3A_163, %run_scoped3A_164, %dma_wait3A_934] : memref<2x16x128xi32, #tpu.memory_space<vmem>> -> memref<1x1x128xi32, #tpu.memory_space<vmem>>
        %dma_wait3A_936 = tpu.memref_squeeze %dma_wait3A_935 : memref<1x1x128xi32, #tpu.memory_space<vmem>> -> memref<128xi32, #tpu.memory_space<vmem>>
        %dma_wait3A_937 = arith.constant 0 : i32
        %dma_wait3A_938 = arith.constant 0 : i32
        %dma_wait3A_939 = tpu.memref_slice %arg10[%dma_wait3A_937, %dma_wait3A_938] : memref<10008x128xf32, #tpu.memory_space<vmem_shared>> -> memref<10008x128xf32, #tpu.memory_space<vmem_shared>>
        tpu.wait_indirect_dma semaphore(%run_scoped3A_927 : memref<!tpu.dma_semaphore, #tpu.memory_space<semaphore_mem>>) src(%arg9 : memref<128x128xf32, #tpu.memory_space<vmem>>) dst(%dma_wait3A_939 : memref<10008x128xf32, #tpu.memory_space<vmem_shared>>)
        tpu.yield
      }) : () -> ()
      %dma_start3A_165 = arith.constant 0 : i32
      %dma_start3A_166 = arith.constant 5 : i32
      %dma_start3A_167 = arith.constant 0 : i32
      %dma_start3A_168 = tpu.memref_slice %arg6[%dma_start3A_165, %dma_start3A_166, %dma_start3A_167] : memref<2x16x128xi32, #tpu.memory_space<vmem>> -> memref<1x1x128xi32, #tpu.memory_space<vmem>>
      %dma_start3A_169 = tpu.memref_squeeze %dma_start3A_168 : memref<1x1x128xi32, #tpu.memory_space<vmem>> -> memref<128xi32, #tpu.memory_space<vmem>>
      %dma_start3A_170 = arith.constant 0 : i32
      %dma_start3A_171 = arith.constant 0 : i32
      %dma_start3A_172 = tpu.memref_slice %arg2[%arg0, %dma_start3A_170, %dma_start3A_171] : memref<2x10000x128xf32, #tpu.memory_space<hbm>> -> memref<1x10000x128xf32, #tpu.memory_space<hbm>>
      %dma_start3A_173 = tpu.memref_squeeze %dma_start3A_172 : memref<1x10000x128xf32, #tpu.memory_space<hbm>> -> memref<10000x128xf32, #tpu.memory_space<hbm>>
      %dma_start3A_174 = arith.constant 0 : i32
      %dma_start3A_175 = arith.constant 0 : i32
      %dma_start3A_176 = tpu.memref_slice %dma_start3A_173[%dma_start3A_174, %dma_start3A_175] : memref<10000x128xf32, #tpu.memory_space<hbm>> -> memref<10000x128xf32, #tpu.memory_space<hbm>>
      tpu.enqueue_indirect_dma source(%dma_start3A_176 : memref<10000x128xf32, #tpu.memory_space<hbm>>) target(%arg9 : memref<128x128xf32, #tpu.memory_space<vmem>>) offsets(%dma_start3A_169 : memref<128xi32, #tpu.memory_space<vmem>>) semaphore(%arg14 : memref<!tpu.dma_semaphore, #tpu.memory_space<semaphore_mem>>)
      %dma_wait3A_177 = arith.constant 0 : i32
      %dma_wait3A_178 = arith.constant 4 : i32
      %dma_wait3A_179 = arith.constant 0 : i32
      %dma_wait3A_180 = tpu.memref_slice %arg6[%dma_wait3A_177, %dma_wait3A_178, %dma_wait3A_179] : memref<2x16x128xi32, #tpu.memory_space<vmem>> -> memref<1x1x128xi32, #tpu.memory_space<vmem>>
      %dma_wait3A_181 = tpu.memref_squeeze %dma_wait3A_180 : memref<1x1x128xi32, #tpu.memory_space<vmem>> -> memref<128xi32, #tpu.memory_space<vmem>>
      %dma_wait3A_182 = arith.constant 0 : i32
      %dma_wait3A_183 = arith.constant 0 : i32
      %dma_wait3A_184 = tpu.memref_slice %arg2[%arg0, %dma_wait3A_182, %dma_wait3A_183] : memref<2x10000x128xf32, #tpu.memory_space<hbm>> -> memref<1x10000x128xf32, #tpu.memory_space<hbm>>
      %dma_wait3A_185 = tpu.memref_squeeze %dma_wait3A_184 : memref<1x10000x128xf32, #tpu.memory_space<hbm>> -> memref<10000x128xf32, #tpu.memory_space<hbm>>
      %dma_wait3A_186 = arith.constant 0 : i32
      %dma_wait3A_187 = arith.constant 0 : i32
      %dma_wait3A_188 = tpu.memref_slice %dma_wait3A_185[%dma_wait3A_186, %dma_wait3A_187] : memref<10000x128xf32, #tpu.memory_space<hbm>> -> memref<10000x128xf32, #tpu.memory_space<hbm>>
      tpu.wait_indirect_dma semaphore(%arg13 : memref<!tpu.dma_semaphore, #tpu.memory_space<semaphore_mem>>) src(%dma_wait3A_188 : memref<10000x128xf32, #tpu.memory_space<hbm>>) dst(%arg8 : memref<128x128xf32, #tpu.memory_space<vmem>>)
      %run_scoped3A_189 = arith.constant 0 : i32
      %run_scoped3A_190 = arith.constant 4 : i32
      "tpu.region"() ({
        %run_scoped3A_927 = tpu.sem_alloc : memref<!tpu.dma_semaphore, #tpu.memory_space<semaphore_mem>>
        %dma_start3A_928 = arith.constant 0 : i32
        %dma_start3A_929 = tpu.memref_slice %arg7[%run_scoped3A_189, %run_scoped3A_190, %dma_start3A_928] : memref<2x16x128xi32, #tpu.memory_space<vmem>> -> memref<1x1x128xi32, #tpu.memory_space<vmem>>
        %dma_start3A_930 = tpu.memref_squeeze %dma_start3A_929 : memref<1x1x128xi32, #tpu.memory_space<vmem>> -> memref<128xi32, #tpu.memory_space<vmem>>
        %dma_start3A_931 = arith.constant 0 : i32
        %dma_start3A_932 = arith.constant 0 : i32
        %dma_start3A_933 = tpu.memref_slice %arg10[%dma_start3A_931, %dma_start3A_932] : memref<10008x128xf32, #tpu.memory_space<vmem_shared>> -> memref<10008x128xf32, #tpu.memory_space<vmem_shared>>
        tpu.enqueue_indirect_dma source(%arg8 : memref<128x128xf32, #tpu.memory_space<vmem>>) target(%dma_start3A_933 : memref<10008x128xf32, #tpu.memory_space<vmem_shared>>) offsets(%dma_start3A_930 : memref<128xi32, #tpu.memory_space<vmem>>) semaphore(%run_scoped3A_927 : memref<!tpu.dma_semaphore, #tpu.memory_space<semaphore_mem>>) {add = true}
        %dma_wait3A_934 = arith.constant 0 : i32
        %dma_wait3A_935 = tpu.memref_slice %arg7[%run_scoped3A_189, %run_scoped3A_190, %dma_wait3A_934] : memref<2x16x128xi32, #tpu.memory_space<vmem>> -> memref<1x1x128xi32, #tpu.memory_space<vmem>>
        %dma_wait3A_936 = tpu.memref_squeeze %dma_wait3A_935 : memref<1x1x128xi32, #tpu.memory_space<vmem>> -> memref<128xi32, #tpu.memory_space<vmem>>
        %dma_wait3A_937 = arith.constant 0 : i32
        %dma_wait3A_938 = arith.constant 0 : i32
        %dma_wait3A_939 = tpu.memref_slice %arg10[%dma_wait3A_937, %dma_wait3A_938] : memref<10008x128xf32, #tpu.memory_space<vmem_shared>> -> memref<10008x128xf32, #tpu.memory_space<vmem_shared>>
        tpu.wait_indirect_dma semaphore(%run_scoped3A_927 : memref<!tpu.dma_semaphore, #tpu.memory_space<semaphore_mem>>) src(%arg8 : memref<128x128xf32, #tpu.memory_space<vmem>>) dst(%dma_wait3A_939 : memref<10008x128xf32, #tpu.memory_space<vmem_shared>>)
        tpu.yield
      }) : () -> ()
      %dma_start3A_191 = arith.constant 0 : i32
      %dma_start3A_192 = arith.constant 6 : i32
      %dma_start3A_193 = arith.constant 0 : i32
      %dma_start3A_194 = tpu.memref_slice %arg6[%dma_start3A_191, %dma_start3A_192, %dma_start3A_193] : memref<2x16x128xi32, #tpu.memory_space<vmem>> -> memref<1x1x128xi32, #tpu.memory_space<vmem>>
      %dma_start3A_195 = tpu.memref_squeeze %dma_start3A_194 : memref<1x1x128xi32, #tpu.memory_space<vmem>> -> memref<128xi32, #tpu.memory_space<vmem>>
      %dma_start3A_196 = arith.constant 0 : i32
      %dma_start3A_197 = arith.constant 0 : i32
      %dma_start3A_198 = tpu.memref_slice %arg2[%arg0, %dma_start3A_196, %dma_start3A_197] : memref<2x10000x128xf32, #tpu.memory_space<hbm>> -> memref<1x10000x128xf32, #tpu.memory_space<hbm>>
      %dma_start3A_199 = tpu.memref_squeeze %dma_start3A_198 : memref<1x10000x128xf32, #tpu.memory_space<hbm>> -> memref<10000x128xf32, #tpu.memory_space<hbm>>
      %dma_start3A_200 = arith.constant 0 : i32
      %dma_start3A_201 = arith.constant 0 : i32
      %dma_start3A_202 = tpu.memref_slice %dma_start3A_199[%dma_start3A_200, %dma_start3A_201] : memref<10000x128xf32, #tpu.memory_space<hbm>> -> memref<10000x128xf32, #tpu.memory_space<hbm>>
      tpu.enqueue_indirect_dma source(%dma_start3A_202 : memref<10000x128xf32, #tpu.memory_space<hbm>>) target(%arg8 : memref<128x128xf32, #tpu.memory_space<vmem>>) offsets(%dma_start3A_195 : memref<128xi32, #tpu.memory_space<vmem>>) semaphore(%arg13 : memref<!tpu.dma_semaphore, #tpu.memory_space<semaphore_mem>>)
      %dma_wait3A_203 = arith.constant 0 : i32
      %dma_wait3A_204 = arith.constant 5 : i32
      %dma_wait3A_205 = arith.constant 0 : i32
      %dma_wait3A_206 = tpu.memref_slice %arg6[%dma_wait3A_203, %dma_wait3A_204, %dma_wait3A_205] : memref<2x16x128xi32, #tpu.memory_space<vmem>> -> memref<1x1x128xi32, #tpu.memory_space<vmem>>
      %dma_wait3A_207 = tpu.memref_squeeze %dma_wait3A_206 : memref<1x1x128xi32, #tpu.memory_space<vmem>> -> memref<128xi32, #tpu.memory_space<vmem>>
      %dma_wait3A_208 = arith.constant 0 : i32
      %dma_wait3A_209 = arith.constant 0 : i32
      %dma_wait3A_210 = tpu.memref_slice %arg2[%arg0, %dma_wait3A_208, %dma_wait3A_209] : memref<2x10000x128xf32, #tpu.memory_space<hbm>> -> memref<1x10000x128xf32, #tpu.memory_space<hbm>>
      %dma_wait3A_211 = tpu.memref_squeeze %dma_wait3A_210 : memref<1x10000x128xf32, #tpu.memory_space<hbm>> -> memref<10000x128xf32, #tpu.memory_space<hbm>>
      %dma_wait3A_212 = arith.constant 0 : i32
      %dma_wait3A_213 = arith.constant 0 : i32
      %dma_wait3A_214 = tpu.memref_slice %dma_wait3A_211[%dma_wait3A_212, %dma_wait3A_213] : memref<10000x128xf32, #tpu.memory_space<hbm>> -> memref<10000x128xf32, #tpu.memory_space<hbm>>
      tpu.wait_indirect_dma semaphore(%arg14 : memref<!tpu.dma_semaphore, #tpu.memory_space<semaphore_mem>>) src(%dma_wait3A_214 : memref<10000x128xf32, #tpu.memory_space<hbm>>) dst(%arg9 : memref<128x128xf32, #tpu.memory_space<vmem>>)
      %run_scoped3A_215 = arith.constant 0 : i32
      %run_scoped3A_216 = arith.constant 5 : i32
      "tpu.region"() ({
        %run_scoped3A_927 = tpu.sem_alloc : memref<!tpu.dma_semaphore, #tpu.memory_space<semaphore_mem>>
        %dma_start3A_928 = arith.constant 0 : i32
        %dma_start3A_929 = tpu.memref_slice %arg7[%run_scoped3A_215, %run_scoped3A_216, %dma_start3A_928] : memref<2x16x128xi32, #tpu.memory_space<vmem>> -> memref<1x1x128xi32, #tpu.memory_space<vmem>>
        %dma_start3A_930 = tpu.memref_squeeze %dma_start3A_929 : memref<1x1x128xi32, #tpu.memory_space<vmem>> -> memref<128xi32, #tpu.memory_space<vmem>>
        %dma_start3A_931 = arith.constant 0 : i32
        %dma_start3A_932 = arith.constant 0 : i32
        %dma_start3A_933 = tpu.memref_slice %arg10[%dma_start3A_931, %dma_start3A_932] : memref<10008x128xf32, #tpu.memory_space<vmem_shared>> -> memref<10008x128xf32, #tpu.memory_space<vmem_shared>>
        tpu.enqueue_indirect_dma source(%arg9 : memref<128x128xf32, #tpu.memory_space<vmem>>) target(%dma_start3A_933 : memref<10008x128xf32, #tpu.memory_space<vmem_shared>>) offsets(%dma_start3A_930 : memref<128xi32, #tpu.memory_space<vmem>>) semaphore(%run_scoped3A_927 : memref<!tpu.dma_semaphore, #tpu.memory_space<semaphore_mem>>) {add = true}
        %dma_wait3A_934 = arith.constant 0 : i32
        %dma_wait3A_935 = tpu.memref_slice %arg7[%run_scoped3A_215, %run_scoped3A_216, %dma_wait3A_934] : memref<2x16x128xi32, #tpu.memory_space<vmem>> -> memref<1x1x128xi32, #tpu.memory_space<vmem>>
        %dma_wait3A_936 = tpu.memref_squeeze %dma_wait3A_935 : memref<1x1x128xi32, #tpu.memory_space<vmem>> -> memref<128xi32, #tpu.memory_space<vmem>>
        %dma_wait3A_937 = arith.constant 0 : i32
        %dma_wait3A_938 = arith.constant 0 : i32
        %dma_wait3A_939 = tpu.memref_slice %arg10[%dma_wait3A_937, %dma_wait3A_938] : memref<10008x128xf32, #tpu.memory_space<vmem_shared>> -> memref<10008x128xf32, #tpu.memory_space<vmem_shared>>
        tpu.wait_indirect_dma semaphore(%run_scoped3A_927 : memref<!tpu.dma_semaphore, #tpu.memory_space<semaphore_mem>>) src(%arg9 : memref<128x128xf32, #tpu.memory_space<vmem>>) dst(%dma_wait3A_939 : memref<10008x128xf32, #tpu.memory_space<vmem_shared>>)
        tpu.yield
      }) : () -> ()
      %dma_start3A_217 = arith.constant 0 : i32
      %dma_start3A_218 = arith.constant 7 : i32
      %dma_start3A_219 = arith.constant 0 : i32
      %dma_start3A_220 = tpu.memref_slice %arg6[%dma_start3A_217, %dma_start3A_218, %dma_start3A_219] : memref<2x16x128xi32, #tpu.memory_space<vmem>> -> memref<1x1x128xi32, #tpu.memory_space<vmem>>
      %dma_start3A_221 = tpu.memref_squeeze %dma_start3A_220 : memref<1x1x128xi32, #tpu.memory_space<vmem>> -> memref<128xi32, #tpu.memory_space<vmem>>
      %dma_start3A_222 = arith.constant 0 : i32
      %dma_start3A_223 = arith.constant 0 : i32
      %dma_start3A_224 = tpu.memref_slice %arg2[%arg0, %dma_start3A_222, %dma_start3A_223] : memref<2x10000x128xf32, #tpu.memory_space<hbm>> -> memref<1x10000x128xf32, #tpu.memory_space<hbm>>
      %dma_start3A_225 = tpu.memref_squeeze %dma_start3A_224 : memref<1x10000x128xf32, #tpu.memory_space<hbm>> -> memref<10000x128xf32, #tpu.memory_space<hbm>>
      %dma_start3A_226 = arith.constant 0 : i32
      %dma_start3A_227 = arith.constant 0 : i32
      %dma_start3A_228 = tpu.memref_slice %dma_start3A_225[%dma_start3A_226, %dma_start3A_227] : memref<10000x128xf32, #tpu.memory_space<hbm>> -> memref<10000x128xf32, #tpu.memory_space<hbm>>
      tpu.enqueue_indirect_dma source(%dma_start3A_228 : memref<10000x128xf32, #tpu.memory_space<hbm>>) target(%arg9 : memref<128x128xf32, #tpu.memory_space<vmem>>) offsets(%dma_start3A_221 : memref<128xi32, #tpu.memory_space<vmem>>) semaphore(%arg14 : memref<!tpu.dma_semaphore, #tpu.memory_space<semaphore_mem>>)
      %dma_wait3A_229 = arith.constant 0 : i32
      %dma_wait3A_230 = arith.constant 6 : i32
      %dma_wait3A_231 = arith.constant 0 : i32
      %dma_wait3A_232 = tpu.memref_slice %arg6[%dma_wait3A_229, %dma_wait3A_230, %dma_wait3A_231] : memref<2x16x128xi32, #tpu.memory_space<vmem>> -> memref<1x1x128xi32, #tpu.memory_space<vmem>>
      %dma_wait3A_233 = tpu.memref_squeeze %dma_wait3A_232 : memref<1x1x128xi32, #tpu.memory_space<vmem>> -> memref<128xi32, #tpu.memory_space<vmem>>
      %dma_wait3A_234 = arith.constant 0 : i32
      %dma_wait3A_235 = arith.constant 0 : i32
      %dma_wait3A_236 = tpu.memref_slice %arg2[%arg0, %dma_wait3A_234, %dma_wait3A_235] : memref<2x10000x128xf32, #tpu.memory_space<hbm>> -> memref<1x10000x128xf32, #tpu.memory_space<hbm>>
      %dma_wait3A_237 = tpu.memref_squeeze %dma_wait3A_236 : memref<1x10000x128xf32, #tpu.memory_space<hbm>> -> memref<10000x128xf32, #tpu.memory_space<hbm>>
      %dma_wait3A_238 = arith.constant 0 : i32
      %dma_wait3A_239 = arith.constant 0 : i32
      %dma_wait3A_240 = tpu.memref_slice %dma_wait3A_237[%dma_wait3A_238, %dma_wait3A_239] : memref<10000x128xf32, #tpu.memory_space<hbm>> -> memref<10000x128xf32, #tpu.memory_space<hbm>>
      tpu.wait_indirect_dma semaphore(%arg13 : memref<!tpu.dma_semaphore, #tpu.memory_space<semaphore_mem>>) src(%dma_wait3A_240 : memref<10000x128xf32, #tpu.memory_space<hbm>>) dst(%arg8 : memref<128x128xf32, #tpu.memory_space<vmem>>)
      %run_scoped3A_241 = arith.constant 0 : i32
      %run_scoped3A_242 = arith.constant 6 : i32
      "tpu.region"() ({
        %run_scoped3A_927 = tpu.sem_alloc : memref<!tpu.dma_semaphore, #tpu.memory_space<semaphore_mem>>
        %dma_start3A_928 = arith.constant 0 : i32
        %dma_start3A_929 = tpu.memref_slice %arg7[%run_scoped3A_241, %run_scoped3A_242, %dma_start3A_928] : memref<2x16x128xi32, #tpu.memory_space<vmem>> -> memref<1x1x128xi32, #tpu.memory_space<vmem>>
        %dma_start3A_930 = tpu.memref_squeeze %dma_start3A_929 : memref<1x1x128xi32, #tpu.memory_space<vmem>> -> memref<128xi32, #tpu.memory_space<vmem>>
        %dma_start3A_931 = arith.constant 0 : i32
        %dma_start3A_932 = arith.constant 0 : i32
        %dma_start3A_933 = tpu.memref_slice %arg10[%dma_start3A_931, %dma_start3A_932] : memref<10008x128xf32, #tpu.memory_space<vmem_shared>> -> memref<10008x128xf32, #tpu.memory_space<vmem_shared>>
        tpu.enqueue_indirect_dma source(%arg8 : memref<128x128xf32, #tpu.memory_space<vmem>>) target(%dma_start3A_933 : memref<10008x128xf32, #tpu.memory_space<vmem_shared>>) offsets(%dma_start3A_930 : memref<128xi32, #tpu.memory_space<vmem>>) semaphore(%run_scoped3A_927 : memref<!tpu.dma_semaphore, #tpu.memory_space<semaphore_mem>>) {add = true}
        %dma_wait3A_934 = arith.constant 0 : i32
        %dma_wait3A_935 = tpu.memref_slice %arg7[%run_scoped3A_241, %run_scoped3A_242, %dma_wait3A_934] : memref<2x16x128xi32, #tpu.memory_space<vmem>> -> memref<1x1x128xi32, #tpu.memory_space<vmem>>
        %dma_wait3A_936 = tpu.memref_squeeze %dma_wait3A_935 : memref<1x1x128xi32, #tpu.memory_space<vmem>> -> memref<128xi32, #tpu.memory_space<vmem>>
        %dma_wait3A_937 = arith.constant 0 : i32
        %dma_wait3A_938 = arith.constant 0 : i32
        %dma_wait3A_939 = tpu.memref_slice %arg10[%dma_wait3A_937, %dma_wait3A_938] : memref<10008x128xf32, #tpu.memory_space<vmem_shared>> -> memref<10008x128xf32, #tpu.memory_space<vmem_shared>>
        tpu.wait_indirect_dma semaphore(%run_scoped3A_927 : memref<!tpu.dma_semaphore, #tpu.memory_space<semaphore_mem>>) src(%arg8 : memref<128x128xf32, #tpu.memory_space<vmem>>) dst(%dma_wait3A_939 : memref<10008x128xf32, #tpu.memory_space<vmem_shared>>)
        tpu.yield
      }) : () -> ()
      %dma_start3A_243 = arith.constant 0 : i32
      %dma_start3A_244 = arith.constant 8 : i32
      %dma_start3A_245 = arith.constant 0 : i32
      %dma_start3A_246 = tpu.memref_slice %arg6[%dma_start3A_243, %dma_start3A_244, %dma_start3A_245] : memref<2x16x128xi32, #tpu.memory_space<vmem>> -> memref<1x1x128xi32, #tpu.memory_space<vmem>>
      %dma_start3A_247 = tpu.memref_squeeze %dma_start3A_246 : memref<1x1x128xi32, #tpu.memory_space<vmem>> -> memref<128xi32, #tpu.memory_space<vmem>>
      %dma_start3A_248 = arith.constant 0 : i32
      %dma_start3A_249 = arith.constant 0 : i32
      %dma_start3A_250 = tpu.memref_slice %arg2[%arg0, %dma_start3A_248, %dma_start3A_249] : memref<2x10000x128xf32, #tpu.memory_space<hbm>> -> memref<1x10000x128xf32, #tpu.memory_space<hbm>>
      %dma_start3A_251 = tpu.memref_squeeze %dma_start3A_250 : memref<1x10000x128xf32, #tpu.memory_space<hbm>> -> memref<10000x128xf32, #tpu.memory_space<hbm>>
      %dma_start3A_252 = arith.constant 0 : i32
      %dma_start3A_253 = arith.constant 0 : i32
      %dma_start3A_254 = tpu.memref_slice %dma_start3A_251[%dma_start3A_252, %dma_start3A_253] : memref<10000x128xf32, #tpu.memory_space<hbm>> -> memref<10000x128xf32, #tpu.memory_space<hbm>>
      tpu.enqueue_indirect_dma source(%dma_start3A_254 : memref<10000x128xf32, #tpu.memory_space<hbm>>) target(%arg8 : memref<128x128xf32, #tpu.memory_space<vmem>>) offsets(%dma_start3A_247 : memref<128xi32, #tpu.memory_space<vmem>>) semaphore(%arg13 : memref<!tpu.dma_semaphore, #tpu.memory_space<semaphore_mem>>)
      %dma_wait3A_255 = arith.constant 0 : i32
      %dma_wait3A_256 = arith.constant 7 : i32
      %dma_wait3A_257 = arith.constant 0 : i32
      %dma_wait3A_258 = tpu.memref_slice %arg6[%dma_wait3A_255, %dma_wait3A_256, %dma_wait3A_257] : memref<2x16x128xi32, #tpu.memory_space<vmem>> -> memref<1x1x128xi32, #tpu.memory_space<vmem>>
      %dma_wait3A_259 = tpu.memref_squeeze %dma_wait3A_258 : memref<1x1x128xi32, #tpu.memory_space<vmem>> -> memref<128xi32, #tpu.memory_space<vmem>>
      %dma_wait3A_260 = arith.constant 0 : i32
      %dma_wait3A_261 = arith.constant 0 : i32
      %dma_wait3A_262 = tpu.memref_slice %arg2[%arg0, %dma_wait3A_260, %dma_wait3A_261] : memref<2x10000x128xf32, #tpu.memory_space<hbm>> -> memref<1x10000x128xf32, #tpu.memory_space<hbm>>
      %dma_wait3A_263 = tpu.memref_squeeze %dma_wait3A_262 : memref<1x10000x128xf32, #tpu.memory_space<hbm>> -> memref<10000x128xf32, #tpu.memory_space<hbm>>
      %dma_wait3A_264 = arith.constant 0 : i32
      %dma_wait3A_265 = arith.constant 0 : i32
      %dma_wait3A_266 = tpu.memref_slice %dma_wait3A_263[%dma_wait3A_264, %dma_wait3A_265] : memref<10000x128xf32, #tpu.memory_space<hbm>> -> memref<10000x128xf32, #tpu.memory_space<hbm>>
      tpu.wait_indirect_dma semaphore(%arg14 : memref<!tpu.dma_semaphore, #tpu.memory_space<semaphore_mem>>) src(%dma_wait3A_266 : memref<10000x128xf32, #tpu.memory_space<hbm>>) dst(%arg9 : memref<128x128xf32, #tpu.memory_space<vmem>>)
      %run_scoped3A_267 = arith.constant 0 : i32
      %run_scoped3A_268 = arith.constant 7 : i32
      "tpu.region"() ({
        %run_scoped3A_927 = tpu.sem_alloc : memref<!tpu.dma_semaphore, #tpu.memory_space<semaphore_mem>>
        %dma_start3A_928 = arith.constant 0 : i32
        %dma_start3A_929 = tpu.memref_slice %arg7[%run_scoped3A_267, %run_scoped3A_268, %dma_start3A_928] : memref<2x16x128xi32, #tpu.memory_space<vmem>> -> memref<1x1x128xi32, #tpu.memory_space<vmem>>
        %dma_start3A_930 = tpu.memref_squeeze %dma_start3A_929 : memref<1x1x128xi32, #tpu.memory_space<vmem>> -> memref<128xi32, #tpu.memory_space<vmem>>
        %dma_start3A_931 = arith.constant 0 : i32
        %dma_start3A_932 = arith.constant 0 : i32
        %dma_start3A_933 = tpu.memref_slice %arg10[%dma_start3A_931, %dma_start3A_932] : memref<10008x128xf32, #tpu.memory_space<vmem_shared>> -> memref<10008x128xf32, #tpu.memory_space<vmem_shared>>
        tpu.enqueue_indirect_dma source(%arg9 : memref<128x128xf32, #tpu.memory_space<vmem>>) target(%dma_start3A_933 : memref<10008x128xf32, #tpu.memory_space<vmem_shared>>) offsets(%dma_start3A_930 : memref<128xi32, #tpu.memory_space<vmem>>) semaphore(%run_scoped3A_927 : memref<!tpu.dma_semaphore, #tpu.memory_space<semaphore_mem>>) {add = true}
        %dma_wait3A_934 = arith.constant 0 : i32
        %dma_wait3A_935 = tpu.memref_slice %arg7[%run_scoped3A_267, %run_scoped3A_268, %dma_wait3A_934] : memref<2x16x128xi32, #tpu.memory_space<vmem>> -> memref<1x1x128xi32, #tpu.memory_space<vmem>>
        %dma_wait3A_936 = tpu.memref_squeeze %dma_wait3A_935 : memref<1x1x128xi32, #tpu.memory_space<vmem>> -> memref<128xi32, #tpu.memory_space<vmem>>
        %dma_wait3A_937 = arith.constant 0 : i32
        %dma_wait3A_938 = arith.constant 0 : i32
        %dma_wait3A_939 = tpu.memref_slice %arg10[%dma_wait3A_937, %dma_wait3A_938] : memref<10008x128xf32, #tpu.memory_space<vmem_shared>> -> memref<10008x128xf32, #tpu.memory_space<vmem_shared>>
        tpu.wait_indirect_dma semaphore(%run_scoped3A_927 : memref<!tpu.dma_semaphore, #tpu.memory_space<semaphore_mem>>) src(%arg9 : memref<128x128xf32, #tpu.memory_space<vmem>>) dst(%dma_wait3A_939 : memref<10008x128xf32, #tpu.memory_space<vmem_shared>>)
        tpu.yield
      }) : () -> ()
      %dma_start3A_269 = arith.constant 0 : i32
      %dma_start3A_270 = arith.constant 9 : i32
      %dma_start3A_271 = arith.constant 0 : i32
      %dma_start3A_272 = tpu.memref_slice %arg6[%dma_start3A_269, %dma_start3A_270, %dma_start3A_271] : memref<2x16x128xi32, #tpu.memory_space<vmem>> -> memref<1x1x128xi32, #tpu.memory_space<vmem>>
      %dma_start3A_273 = tpu.memref_squeeze %dma_start3A_272 : memref<1x1x128xi32, #tpu.memory_space<vmem>> -> memref<128xi32, #tpu.memory_space<vmem>>
      %dma_start3A_274 = arith.constant 0 : i32
      %dma_start3A_275 = arith.constant 0 : i32
      %dma_start3A_276 = tpu.memref_slice %arg2[%arg0, %dma_start3A_274, %dma_start3A_275] : memref<2x10000x128xf32, #tpu.memory_space<hbm>> -> memref<1x10000x128xf32, #tpu.memory_space<hbm>>
      %dma_start3A_277 = tpu.memref_squeeze %dma_start3A_276 : memref<1x10000x128xf32, #tpu.memory_space<hbm>> -> memref<10000x128xf32, #tpu.memory_space<hbm>>
      %dma_start3A_278 = arith.constant 0 : i32
      %dma_start3A_279 = arith.constant 0 : i32
      %dma_start3A_280 = tpu.memref_slice %dma_start3A_277[%dma_start3A_278, %dma_start3A_279] : memref<10000x128xf32, #tpu.memory_space<hbm>> -> memref<10000x128xf32, #tpu.memory_space<hbm>>
      tpu.enqueue_indirect_dma source(%dma_start3A_280 : memref<10000x128xf32, #tpu.memory_space<hbm>>) target(%arg9 : memref<128x128xf32, #tpu.memory_space<vmem>>) offsets(%dma_start3A_273 : memref<128xi32, #tpu.memory_space<vmem>>) semaphore(%arg14 : memref<!tpu.dma_semaphore, #tpu.memory_space<semaphore_mem>>)
      %dma_wait3A_281 = arith.constant 0 : i32
      %dma_wait3A_282 = arith.constant 8 : i32
      %dma_wait3A_283 = arith.constant 0 : i32
      %dma_wait3A_284 = tpu.memref_slice %arg6[%dma_wait3A_281, %dma_wait3A_282, %dma_wait3A_283] : memref<2x16x128xi32, #tpu.memory_space<vmem>> -> memref<1x1x128xi32, #tpu.memory_space<vmem>>
      %dma_wait3A_285 = tpu.memref_squeeze %dma_wait3A_284 : memref<1x1x128xi32, #tpu.memory_space<vmem>> -> memref<128xi32, #tpu.memory_space<vmem>>
      %dma_wait3A_286 = arith.constant 0 : i32
      %dma_wait3A_287 = arith.constant 0 : i32
      %dma_wait3A_288 = tpu.memref_slice %arg2[%arg0, %dma_wait3A_286, %dma_wait3A_287] : memref<2x10000x128xf32, #tpu.memory_space<hbm>> -> memref<1x10000x128xf32, #tpu.memory_space<hbm>>
      %dma_wait3A_289 = tpu.memref_squeeze %dma_wait3A_288 : memref<1x10000x128xf32, #tpu.memory_space<hbm>> -> memref<10000x128xf32, #tpu.memory_space<hbm>>
      %dma_wait3A_290 = arith.constant 0 : i32
      %dma_wait3A_291 = arith.constant 0 : i32
      %dma_wait3A_292 = tpu.memref_slice %dma_wait3A_289[%dma_wait3A_290, %dma_wait3A_291] : memref<10000x128xf32, #tpu.memory_space<hbm>> -> memref<10000x128xf32, #tpu.memory_space<hbm>>
      tpu.wait_indirect_dma semaphore(%arg13 : memref<!tpu.dma_semaphore, #tpu.memory_space<semaphore_mem>>) src(%dma_wait3A_292 : memref<10000x128xf32, #tpu.memory_space<hbm>>) dst(%arg8 : memref<128x128xf32, #tpu.memory_space<vmem>>)
      %run_scoped3A_293 = arith.constant 0 : i32
      %run_scoped3A_294 = arith.constant 8 : i32
      "tpu.region"() ({
        %run_scoped3A_927 = tpu.sem_alloc : memref<!tpu.dma_semaphore, #tpu.memory_space<semaphore_mem>>
        %dma_start3A_928 = arith.constant 0 : i32
        %dma_start3A_929 = tpu.memref_slice %arg7[%run_scoped3A_293, %run_scoped3A_294, %dma_start3A_928] : memref<2x16x128xi32, #tpu.memory_space<vmem>> -> memref<1x1x128xi32, #tpu.memory_space<vmem>>
        %dma_start3A_930 = tpu.memref_squeeze %dma_start3A_929 : memref<1x1x128xi32, #tpu.memory_space<vmem>> -> memref<128xi32, #tpu.memory_space<vmem>>
        %dma_start3A_931 = arith.constant 0 : i32
        %dma_start3A_932 = arith.constant 0 : i32
        %dma_start3A_933 = tpu.memref_slice %arg10[%dma_start3A_931, %dma_start3A_932] : memref<10008x128xf32, #tpu.memory_space<vmem_shared>> -> memref<10008x128xf32, #tpu.memory_space<vmem_shared>>
        tpu.enqueue_indirect_dma source(%arg8 : memref<128x128xf32, #tpu.memory_space<vmem>>) target(%dma_start3A_933 : memref<10008x128xf32, #tpu.memory_space<vmem_shared>>) offsets(%dma_start3A_930 : memref<128xi32, #tpu.memory_space<vmem>>) semaphore(%run_scoped3A_927 : memref<!tpu.dma_semaphore, #tpu.memory_space<semaphore_mem>>) {add = true}
        %dma_wait3A_934 = arith.constant 0 : i32
        %dma_wait3A_935 = tpu.memref_slice %arg7[%run_scoped3A_293, %run_scoped3A_294, %dma_wait3A_934] : memref<2x16x128xi32, #tpu.memory_space<vmem>> -> memref<1x1x128xi32, #tpu.memory_space<vmem>>
        %dma_wait3A_936 = tpu.memref_squeeze %dma_wait3A_935 : memref<1x1x128xi32, #tpu.memory_space<vmem>> -> memref<128xi32, #tpu.memory_space<vmem>>
        %dma_wait3A_937 = arith.constant 0 : i32
        %dma_wait3A_938 = arith.constant 0 : i32
        %dma_wait3A_939 = tpu.memref_slice %arg10[%dma_wait3A_937, %dma_wait3A_938] : memref<10008x128xf32, #tpu.memory_space<vmem_shared>> -> memref<10008x128xf32, #tpu.memory_space<vmem_shared>>
        tpu.wait_indirect_dma semaphore(%run_scoped3A_927 : memref<!tpu.dma_semaphore, #tpu.memory_space<semaphore_mem>>) src(%arg8 : memref<128x128xf32, #tpu.memory_space<vmem>>) dst(%dma_wait3A_939 : memref<10008x128xf32, #tpu.memory_space<vmem_shared>>)
        tpu.yield
      }) : () -> ()
      %dma_start3A_295 = arith.constant 0 : i32
      %dma_start3A_296 = arith.constant 10 : i32
      %dma_start3A_297 = arith.constant 0 : i32
      %dma_start3A_298 = tpu.memref_slice %arg6[%dma_start3A_295, %dma_start3A_296, %dma_start3A_297] : memref<2x16x128xi32, #tpu.memory_space<vmem>> -> memref<1x1x128xi32, #tpu.memory_space<vmem>>
      %dma_start3A_299 = tpu.memref_squeeze %dma_start3A_298 : memref<1x1x128xi32, #tpu.memory_space<vmem>> -> memref<128xi32, #tpu.memory_space<vmem>>
      %dma_start3A_300 = arith.constant 0 : i32
      %dma_start3A_301 = arith.constant 0 : i32
      %dma_start3A_302 = tpu.memref_slice %arg2[%arg0, %dma_start3A_300, %dma_start3A_301] : memref<2x10000x128xf32, #tpu.memory_space<hbm>> -> memref<1x10000x128xf32, #tpu.memory_space<hbm>>
      %dma_start3A_303 = tpu.memref_squeeze %dma_start3A_302 : memref<1x10000x128xf32, #tpu.memory_space<hbm>> -> memref<10000x128xf32, #tpu.memory_space<hbm>>
      %dma_start3A_304 = arith.constant 0 : i32
      %dma_start3A_305 = arith.constant 0 : i32
      %dma_start3A_306 = tpu.memref_slice %dma_start3A_303[%dma_start3A_304, %dma_start3A_305] : memref<10000x128xf32, #tpu.memory_space<hbm>> -> memref<10000x128xf32, #tpu.memory_space<hbm>>
      tpu.enqueue_indirect_dma source(%dma_start3A_306 : memref<10000x128xf32, #tpu.memory_space<hbm>>) target(%arg8 : memref<128x128xf32, #tpu.memory_space<vmem>>) offsets(%dma_start3A_299 : memref<128xi32, #tpu.memory_space<vmem>>) semaphore(%arg13 : memref<!tpu.dma_semaphore, #tpu.memory_space<semaphore_mem>>)
      %dma_wait3A_307 = arith.constant 0 : i32
      %dma_wait3A_308 = arith.constant 9 : i32
      %dma_wait3A_309 = arith.constant 0 : i32
      %dma_wait3A_310 = tpu.memref_slice %arg6[%dma_wait3A_307, %dma_wait3A_308, %dma_wait3A_309] : memref<2x16x128xi32, #tpu.memory_space<vmem>> -> memref<1x1x128xi32, #tpu.memory_space<vmem>>
      %dma_wait3A_311 = tpu.memref_squeeze %dma_wait3A_310 : memref<1x1x128xi32, #tpu.memory_space<vmem>> -> memref<128xi32, #tpu.memory_space<vmem>>
      %dma_wait3A_312 = arith.constant 0 : i32
      %dma_wait3A_313 = arith.constant 0 : i32
      %dma_wait3A_314 = tpu.memref_slice %arg2[%arg0, %dma_wait3A_312, %dma_wait3A_313] : memref<2x10000x128xf32, #tpu.memory_space<hbm>> -> memref<1x10000x128xf32, #tpu.memory_space<hbm>>
      %dma_wait3A_315 = tpu.memref_squeeze %dma_wait3A_314 : memref<1x10000x128xf32, #tpu.memory_space<hbm>> -> memref<10000x128xf32, #tpu.memory_space<hbm>>
      %dma_wait3A_316 = arith.constant 0 : i32
      %dma_wait3A_317 = arith.constant 0 : i32
      %dma_wait3A_318 = tpu.memref_slice %dma_wait3A_315[%dma_wait3A_316, %dma_wait3A_317] : memref<10000x128xf32, #tpu.memory_space<hbm>> -> memref<10000x128xf32, #tpu.memory_space<hbm>>
      tpu.wait_indirect_dma semaphore(%arg14 : memref<!tpu.dma_semaphore, #tpu.memory_space<semaphore_mem>>) src(%dma_wait3A_318 : memref<10000x128xf32, #tpu.memory_space<hbm>>) dst(%arg9 : memref<128x128xf32, #tpu.memory_space<vmem>>)
      %run_scoped3A_319 = arith.constant 0 : i32
      %run_scoped3A_320 = arith.constant 9 : i32
      "tpu.region"() ({
        %run_scoped3A_927 = tpu.sem_alloc : memref<!tpu.dma_semaphore, #tpu.memory_space<semaphore_mem>>
        %dma_start3A_928 = arith.constant 0 : i32
        %dma_start3A_929 = tpu.memref_slice %arg7[%run_scoped3A_319, %run_scoped3A_320, %dma_start3A_928] : memref<2x16x128xi32, #tpu.memory_space<vmem>> -> memref<1x1x128xi32, #tpu.memory_space<vmem>>
        %dma_start3A_930 = tpu.memref_squeeze %dma_start3A_929 : memref<1x1x128xi32, #tpu.memory_space<vmem>> -> memref<128xi32, #tpu.memory_space<vmem>>
        %dma_start3A_931 = arith.constant 0 : i32
        %dma_start3A_932 = arith.constant 0 : i32
        %dma_start3A_933 = tpu.memref_slice %arg10[%dma_start3A_931, %dma_start3A_932] : memref<10008x128xf32, #tpu.memory_space<vmem_shared>> -> memref<10008x128xf32, #tpu.memory_space<vmem_shared>>
        tpu.enqueue_indirect_dma source(%arg9 : memref<128x128xf32, #tpu.memory_space<vmem>>) target(%dma_start3A_933 : memref<10008x128xf32, #tpu.memory_space<vmem_shared>>) offsets(%dma_start3A_930 : memref<128xi32, #tpu.memory_space<vmem>>) semaphore(%run_scoped3A_927 : memref<!tpu.dma_semaphore, #tpu.memory_space<semaphore_mem>>) {add = true}
        %dma_wait3A_934 = arith.constant 0 : i32
        %dma_wait3A_935 = tpu.memref_slice %arg7[%run_scoped3A_319, %run_scoped3A_320, %dma_wait3A_934] : memref<2x16x128xi32, #tpu.memory_space<vmem>> -> memref<1x1x128xi32, #tpu.memory_space<vmem>>
        %dma_wait3A_936 = tpu.memref_squeeze %dma_wait3A_935 : memref<1x1x128xi32, #tpu.memory_space<vmem>> -> memref<128xi32, #tpu.memory_space<vmem>>
        %dma_wait3A_937 = arith.constant 0 : i32
        %dma_wait3A_938 = arith.constant 0 : i32
        %dma_wait3A_939 = tpu.memref_slice %arg10[%dma_wait3A_937, %dma_wait3A_938] : memref<10008x128xf32, #tpu.memory_space<vmem_shared>> -> memref<10008x128xf32, #tpu.memory_space<vmem_shared>>
        tpu.wait_indirect_dma semaphore(%run_scoped3A_927 : memref<!tpu.dma_semaphore, #tpu.memory_space<semaphore_mem>>) src(%arg9 : memref<128x128xf32, #tpu.memory_space<vmem>>) dst(%dma_wait3A_939 : memref<10008x128xf32, #tpu.memory_space<vmem_shared>>)
        tpu.yield
      }) : () -> ()
      %dma_start3A_321 = arith.constant 0 : i32
      %dma_start3A_322 = arith.constant 11 : i32
      %dma_start3A_323 = arith.constant 0 : i32
      %dma_start3A_324 = tpu.memref_slice %arg6[%dma_start3A_321, %dma_start3A_322, %dma_start3A_323] : memref<2x16x128xi32, #tpu.memory_space<vmem>> -> memref<1x1x128xi32, #tpu.memory_space<vmem>>
      %dma_start3A_325 = tpu.memref_squeeze %dma_start3A_324 : memref<1x1x128xi32, #tpu.memory_space<vmem>> -> memref<128xi32, #tpu.memory_space<vmem>>
      %dma_start3A_326 = arith.constant 0 : i32
      %dma_start3A_327 = arith.constant 0 : i32
      %dma_start3A_328 = tpu.memref_slice %arg2[%arg0, %dma_start3A_326, %dma_start3A_327] : memref<2x10000x128xf32, #tpu.memory_space<hbm>> -> memref<1x10000x128xf32, #tpu.memory_space<hbm>>
      %dma_start3A_329 = tpu.memref_squeeze %dma_start3A_328 : memref<1x10000x128xf32, #tpu.memory_space<hbm>> -> memref<10000x128xf32, #tpu.memory_space<hbm>>
      %dma_start3A_330 = arith.constant 0 : i32
      %dma_start3A_331 = arith.constant 0 : i32
      %dma_start3A_332 = tpu.memref_slice %dma_start3A_329[%dma_start3A_330, %dma_start3A_331] : memref<10000x128xf32, #tpu.memory_space<hbm>> -> memref<10000x128xf32, #tpu.memory_space<hbm>>
      tpu.enqueue_indirect_dma source(%dma_start3A_332 : memref<10000x128xf32, #tpu.memory_space<hbm>>) target(%arg9 : memref<128x128xf32, #tpu.memory_space<vmem>>) offsets(%dma_start3A_325 : memref<128xi32, #tpu.memory_space<vmem>>) semaphore(%arg14 : memref<!tpu.dma_semaphore, #tpu.memory_space<semaphore_mem>>)
      %dma_wait3A_333 = arith.constant 0 : i32
      %dma_wait3A_334 = arith.constant 10 : i32
      %dma_wait3A_335 = arith.constant 0 : i32
      %dma_wait3A_336 = tpu.memref_slice %arg6[%dma_wait3A_333, %dma_wait3A_334, %dma_wait3A_335] : memref<2x16x128xi32, #tpu.memory_space<vmem>> -> memref<1x1x128xi32, #tpu.memory_space<vmem>>
      %dma_wait3A_337 = tpu.memref_squeeze %dma_wait3A_336 : memref<1x1x128xi32, #tpu.memory_space<vmem>> -> memref<128xi32, #tpu.memory_space<vmem>>
      %dma_wait3A_338 = arith.constant 0 : i32
      %dma_wait3A_339 = arith.constant 0 : i32
      %dma_wait3A_340 = tpu.memref_slice %arg2[%arg0, %dma_wait3A_338, %dma_wait3A_339] : memref<2x10000x128xf32, #tpu.memory_space<hbm>> -> memref<1x10000x128xf32, #tpu.memory_space<hbm>>
      %dma_wait3A_341 = tpu.memref_squeeze %dma_wait3A_340 : memref<1x10000x128xf32, #tpu.memory_space<hbm>> -> memref<10000x128xf32, #tpu.memory_space<hbm>>
      %dma_wait3A_342 = arith.constant 0 : i32
      %dma_wait3A_343 = arith.constant 0 : i32
      %dma_wait3A_344 = tpu.memref_slice %dma_wait3A_341[%dma_wait3A_342, %dma_wait3A_343] : memref<10000x128xf32, #tpu.memory_space<hbm>> -> memref<10000x128xf32, #tpu.memory_space<hbm>>
      tpu.wait_indirect_dma semaphore(%arg13 : memref<!tpu.dma_semaphore, #tpu.memory_space<semaphore_mem>>) src(%dma_wait3A_344 : memref<10000x128xf32, #tpu.memory_space<hbm>>) dst(%arg8 : memref<128x128xf32, #tpu.memory_space<vmem>>)
      %run_scoped3A_345 = arith.constant 0 : i32
      %run_scoped3A_346 = arith.constant 10 : i32
      "tpu.region"() ({
        %run_scoped3A_927 = tpu.sem_alloc : memref<!tpu.dma_semaphore, #tpu.memory_space<semaphore_mem>>
        %dma_start3A_928 = arith.constant 0 : i32
        %dma_start3A_929 = tpu.memref_slice %arg7[%run_scoped3A_345, %run_scoped3A_346, %dma_start3A_928] : memref<2x16x128xi32, #tpu.memory_space<vmem>> -> memref<1x1x128xi32, #tpu.memory_space<vmem>>
        %dma_start3A_930 = tpu.memref_squeeze %dma_start3A_929 : memref<1x1x128xi32, #tpu.memory_space<vmem>> -> memref<128xi32, #tpu.memory_space<vmem>>
        %dma_start3A_931 = arith.constant 0 : i32
        %dma_start3A_932 = arith.constant 0 : i32
        %dma_start3A_933 = tpu.memref_slice %arg10[%dma_start3A_931, %dma_start3A_932] : memref<10008x128xf32, #tpu.memory_space<vmem_shared>> -> memref<10008x128xf32, #tpu.memory_space<vmem_shared>>
        tpu.enqueue_indirect_dma source(%arg8 : memref<128x128xf32, #tpu.memory_space<vmem>>) target(%dma_start3A_933 : memref<10008x128xf32, #tpu.memory_space<vmem_shared>>) offsets(%dma_start3A_930 : memref<128xi32, #tpu.memory_space<vmem>>) semaphore(%run_scoped3A_927 : memref<!tpu.dma_semaphore, #tpu.memory_space<semaphore_mem>>) {add = true}
        %dma_wait3A_934 = arith.constant 0 : i32
        %dma_wait3A_935 = tpu.memref_slice %arg7[%run_scoped3A_345, %run_scoped3A_346, %dma_wait3A_934] : memref<2x16x128xi32, #tpu.memory_space<vmem>> -> memref<1x1x128xi32, #tpu.memory_space<vmem>>
        %dma_wait3A_936 = tpu.memref_squeeze %dma_wait3A_935 : memref<1x1x128xi32, #tpu.memory_space<vmem>> -> memref<128xi32, #tpu.memory_space<vmem>>
        %dma_wait3A_937 = arith.constant 0 : i32
        %dma_wait3A_938 = arith.constant 0 : i32
        %dma_wait3A_939 = tpu.memref_slice %arg10[%dma_wait3A_937, %dma_wait3A_938] : memref<10008x128xf32, #tpu.memory_space<vmem_shared>> -> memref<10008x128xf32, #tpu.memory_space<vmem_shared>>
        tpu.wait_indirect_dma semaphore(%run_scoped3A_927 : memref<!tpu.dma_semaphore, #tpu.memory_space<semaphore_mem>>) src(%arg8 : memref<128x128xf32, #tpu.memory_space<vmem>>) dst(%dma_wait3A_939 : memref<10008x128xf32, #tpu.memory_space<vmem_shared>>)
        tpu.yield
      }) : () -> ()
      %dma_start3A_347 = arith.constant 0 : i32
      %dma_start3A_348 = arith.constant 12 : i32
      %dma_start3A_349 = arith.constant 0 : i32
      %dma_start3A_350 = tpu.memref_slice %arg6[%dma_start3A_347, %dma_start3A_348, %dma_start3A_349] : memref<2x16x128xi32, #tpu.memory_space<vmem>> -> memref<1x1x128xi32, #tpu.memory_space<vmem>>
      %dma_start3A_351 = tpu.memref_squeeze %dma_start3A_350 : memref<1x1x128xi32, #tpu.memory_space<vmem>> -> memref<128xi32, #tpu.memory_space<vmem>>
      %dma_start3A_352 = arith.constant 0 : i32
      %dma_start3A_353 = arith.constant 0 : i32
      %dma_start3A_354 = tpu.memref_slice %arg2[%arg0, %dma_start3A_352, %dma_start3A_353] : memref<2x10000x128xf32, #tpu.memory_space<hbm>> -> memref<1x10000x128xf32, #tpu.memory_space<hbm>>
      %dma_start3A_355 = tpu.memref_squeeze %dma_start3A_354 : memref<1x10000x128xf32, #tpu.memory_space<hbm>> -> memref<10000x128xf32, #tpu.memory_space<hbm>>
      %dma_start3A_356 = arith.constant 0 : i32
      %dma_start3A_357 = arith.constant 0 : i32
      %dma_start3A_358 = tpu.memref_slice %dma_start3A_355[%dma_start3A_356, %dma_start3A_357] : memref<10000x128xf32, #tpu.memory_space<hbm>> -> memref<10000x128xf32, #tpu.memory_space<hbm>>
      tpu.enqueue_indirect_dma source(%dma_start3A_358 : memref<10000x128xf32, #tpu.memory_space<hbm>>) target(%arg8 : memref<128x128xf32, #tpu.memory_space<vmem>>) offsets(%dma_start3A_351 : memref<128xi32, #tpu.memory_space<vmem>>) semaphore(%arg13 : memref<!tpu.dma_semaphore, #tpu.memory_space<semaphore_mem>>)
      %dma_wait3A_359 = arith.constant 0 : i32
      %dma_wait3A_360 = arith.constant 11 : i32
      %dma_wait3A_361 = arith.constant 0 : i32
      %dma_wait3A_362 = tpu.memref_slice %arg6[%dma_wait3A_359, %dma_wait3A_360, %dma_wait3A_361] : memref<2x16x128xi32, #tpu.memory_space<vmem>> -> memref<1x1x128xi32, #tpu.memory_space<vmem>>
      %dma_wait3A_363 = tpu.memref_squeeze %dma_wait3A_362 : memref<1x1x128xi32, #tpu.memory_space<vmem>> -> memref<128xi32, #tpu.memory_space<vmem>>
      %dma_wait3A_364 = arith.constant 0 : i32
      %dma_wait3A_365 = arith.constant 0 : i32
      %dma_wait3A_366 = tpu.memref_slice %arg2[%arg0, %dma_wait3A_364, %dma_wait3A_365] : memref<2x10000x128xf32, #tpu.memory_space<hbm>> -> memref<1x10000x128xf32, #tpu.memory_space<hbm>>
      %dma_wait3A_367 = tpu.memref_squeeze %dma_wait3A_366 : memref<1x10000x128xf32, #tpu.memory_space<hbm>> -> memref<10000x128xf32, #tpu.memory_space<hbm>>
      %dma_wait3A_368 = arith.constant 0 : i32
      %dma_wait3A_369 = arith.constant 0 : i32
      %dma_wait3A_370 = tpu.memref_slice %dma_wait3A_367[%dma_wait3A_368, %dma_wait3A_369] : memref<10000x128xf32, #tpu.memory_space<hbm>> -> memref<10000x128xf32, #tpu.memory_space<hbm>>
      tpu.wait_indirect_dma semaphore(%arg14 : memref<!tpu.dma_semaphore, #tpu.memory_space<semaphore_mem>>) src(%dma_wait3A_370 : memref<10000x128xf32, #tpu.memory_space<hbm>>) dst(%arg9 : memref<128x128xf32, #tpu.memory_space<vmem>>)
      %run_scoped3A_371 = arith.constant 0 : i32
      %run_scoped3A_372 = arith.constant 11 : i32
      "tpu.region"() ({
        %run_scoped3A_927 = tpu.sem_alloc : memref<!tpu.dma_semaphore, #tpu.memory_space<semaphore_mem>>
        %dma_start3A_928 = arith.constant 0 : i32
        %dma_start3A_929 = tpu.memref_slice %arg7[%run_scoped3A_371, %run_scoped3A_372, %dma_start3A_928] : memref<2x16x128xi32, #tpu.memory_space<vmem>> -> memref<1x1x128xi32, #tpu.memory_space<vmem>>
        %dma_start3A_930 = tpu.memref_squeeze %dma_start3A_929 : memref<1x1x128xi32, #tpu.memory_space<vmem>> -> memref<128xi32, #tpu.memory_space<vmem>>
        %dma_start3A_931 = arith.constant 0 : i32
        %dma_start3A_932 = arith.constant 0 : i32
        %dma_start3A_933 = tpu.memref_slice %arg10[%dma_start3A_931, %dma_start3A_932] : memref<10008x128xf32, #tpu.memory_space<vmem_shared>> -> memref<10008x128xf32, #tpu.memory_space<vmem_shared>>
        tpu.enqueue_indirect_dma source(%arg9 : memref<128x128xf32, #tpu.memory_space<vmem>>) target(%dma_start3A_933 : memref<10008x128xf32, #tpu.memory_space<vmem_shared>>) offsets(%dma_start3A_930 : memref<128xi32, #tpu.memory_space<vmem>>) semaphore(%run_scoped3A_927 : memref<!tpu.dma_semaphore, #tpu.memory_space<semaphore_mem>>) {add = true}
        %dma_wait3A_934 = arith.constant 0 : i32
        %dma_wait3A_935 = tpu.memref_slice %arg7[%run_scoped3A_371, %run_scoped3A_372, %dma_wait3A_934] : memref<2x16x128xi32, #tpu.memory_space<vmem>> -> memref<1x1x128xi32, #tpu.memory_space<vmem>>
        %dma_wait3A_936 = tpu.memref_squeeze %dma_wait3A_935 : memref<1x1x128xi32, #tpu.memory_space<vmem>> -> memref<128xi32, #tpu.memory_space<vmem>>
        %dma_wait3A_937 = arith.constant 0 : i32
        %dma_wait3A_938 = arith.constant 0 : i32
        %dma_wait3A_939 = tpu.memref_slice %arg10[%dma_wait3A_937, %dma_wait3A_938] : memref<10008x128xf32, #tpu.memory_space<vmem_shared>> -> memref<10008x128xf32, #tpu.memory_space<vmem_shared>>
        tpu.wait_indirect_dma semaphore(%run_scoped3A_927 : memref<!tpu.dma_semaphore, #tpu.memory_space<semaphore_mem>>) src(%arg9 : memref<128x128xf32, #tpu.memory_space<vmem>>) dst(%dma_wait3A_939 : memref<10008x128xf32, #tpu.memory_space<vmem_shared>>)
        tpu.yield
      }) : () -> ()
      %dma_start3A_373 = arith.constant 0 : i32
      %dma_start3A_374 = arith.constant 13 : i32
      %dma_start3A_375 = arith.constant 0 : i32
      %dma_start3A_376 = tpu.memref_slice %arg6[%dma_start3A_373, %dma_start3A_374, %dma_start3A_375] : memref<2x16x128xi32, #tpu.memory_space<vmem>> -> memref<1x1x128xi32, #tpu.memory_space<vmem>>
      %dma_start3A_377 = tpu.memref_squeeze %dma_start3A_376 : memref<1x1x128xi32, #tpu.memory_space<vmem>> -> memref<128xi32, #tpu.memory_space<vmem>>
      %dma_start3A_378 = arith.constant 0 : i32
      %dma_start3A_379 = arith.constant 0 : i32
      %dma_start3A_380 = tpu.memref_slice %arg2[%arg0, %dma_start3A_378, %dma_start3A_379] : memref<2x10000x128xf32, #tpu.memory_space<hbm>> -> memref<1x10000x128xf32, #tpu.memory_space<hbm>>
      %dma_start3A_381 = tpu.memref_squeeze %dma_start3A_380 : memref<1x10000x128xf32, #tpu.memory_space<hbm>> -> memref<10000x128xf32, #tpu.memory_space<hbm>>
      %dma_start3A_382 = arith.constant 0 : i32
      %dma_start3A_383 = arith.constant 0 : i32
      %dma_start3A_384 = tpu.memref_slice %dma_start3A_381[%dma_start3A_382, %dma_start3A_383] : memref<10000x128xf32, #tpu.memory_space<hbm>> -> memref<10000x128xf32, #tpu.memory_space<hbm>>
      tpu.enqueue_indirect_dma source(%dma_start3A_384 : memref<10000x128xf32, #tpu.memory_space<hbm>>) target(%arg9 : memref<128x128xf32, #tpu.memory_space<vmem>>) offsets(%dma_start3A_377 : memref<128xi32, #tpu.memory_space<vmem>>) semaphore(%arg14 : memref<!tpu.dma_semaphore, #tpu.memory_space<semaphore_mem>>)
      %dma_wait3A_385 = arith.constant 0 : i32
      %dma_wait3A_386 = arith.constant 12 : i32
      %dma_wait3A_387 = arith.constant 0 : i32
      %dma_wait3A_388 = tpu.memref_slice %arg6[%dma_wait3A_385, %dma_wait3A_386, %dma_wait3A_387] : memref<2x16x128xi32, #tpu.memory_space<vmem>> -> memref<1x1x128xi32, #tpu.memory_space<vmem>>
      %dma_wait3A_389 = tpu.memref_squeeze %dma_wait3A_388 : memref<1x1x128xi32, #tpu.memory_space<vmem>> -> memref<128xi32, #tpu.memory_space<vmem>>
      %dma_wait3A_390 = arith.constant 0 : i32
      %dma_wait3A_391 = arith.constant 0 : i32
      %dma_wait3A_392 = tpu.memref_slice %arg2[%arg0, %dma_wait3A_390, %dma_wait3A_391] : memref<2x10000x128xf32, #tpu.memory_space<hbm>> -> memref<1x10000x128xf32, #tpu.memory_space<hbm>>
      %dma_wait3A_393 = tpu.memref_squeeze %dma_wait3A_392 : memref<1x10000x128xf32, #tpu.memory_space<hbm>> -> memref<10000x128xf32, #tpu.memory_space<hbm>>
      %dma_wait3A_394 = arith.constant 0 : i32
      %dma_wait3A_395 = arith.constant 0 : i32
      %dma_wait3A_396 = tpu.memref_slice %dma_wait3A_393[%dma_wait3A_394, %dma_wait3A_395] : memref<10000x128xf32, #tpu.memory_space<hbm>> -> memref<10000x128xf32, #tpu.memory_space<hbm>>
      tpu.wait_indirect_dma semaphore(%arg13 : memref<!tpu.dma_semaphore, #tpu.memory_space<semaphore_mem>>) src(%dma_wait3A_396 : memref<10000x128xf32, #tpu.memory_space<hbm>>) dst(%arg8 : memref<128x128xf32, #tpu.memory_space<vmem>>)
      %run_scoped3A_397 = arith.constant 0 : i32
      %run_scoped3A_398 = arith.constant 12 : i32
      "tpu.region"() ({
        %run_scoped3A_927 = tpu.sem_alloc : memref<!tpu.dma_semaphore, #tpu.memory_space<semaphore_mem>>
        %dma_start3A_928 = arith.constant 0 : i32
        %dma_start3A_929 = tpu.memref_slice %arg7[%run_scoped3A_397, %run_scoped3A_398, %dma_start3A_928] : memref<2x16x128xi32, #tpu.memory_space<vmem>> -> memref<1x1x128xi32, #tpu.memory_space<vmem>>
        %dma_start3A_930 = tpu.memref_squeeze %dma_start3A_929 : memref<1x1x128xi32, #tpu.memory_space<vmem>> -> memref<128xi32, #tpu.memory_space<vmem>>
        %dma_start3A_931 = arith.constant 0 : i32
        %dma_start3A_932 = arith.constant 0 : i32
        %dma_start3A_933 = tpu.memref_slice %arg10[%dma_start3A_931, %dma_start3A_932] : memref<10008x128xf32, #tpu.memory_space<vmem_shared>> -> memref<10008x128xf32, #tpu.memory_space<vmem_shared>>
        tpu.enqueue_indirect_dma source(%arg8 : memref<128x128xf32, #tpu.memory_space<vmem>>) target(%dma_start3A_933 : memref<10008x128xf32, #tpu.memory_space<vmem_shared>>) offsets(%dma_start3A_930 : memref<128xi32, #tpu.memory_space<vmem>>) semaphore(%run_scoped3A_927 : memref<!tpu.dma_semaphore, #tpu.memory_space<semaphore_mem>>) {add = true}
        %dma_wait3A_934 = arith.constant 0 : i32
        %dma_wait3A_935 = tpu.memref_slice %arg7[%run_scoped3A_397, %run_scoped3A_398, %dma_wait3A_934] : memref<2x16x128xi32, #tpu.memory_space<vmem>> -> memref<1x1x128xi32, #tpu.memory_space<vmem>>
        %dma_wait3A_936 = tpu.memref_squeeze %dma_wait3A_935 : memref<1x1x128xi32, #tpu.memory_space<vmem>> -> memref<128xi32, #tpu.memory_space<vmem>>
        %dma_wait3A_937 = arith.constant 0 : i32
        %dma_wait3A_938 = arith.constant 0 : i32
        %dma_wait3A_939 = tpu.memref_slice %arg10[%dma_wait3A_937, %dma_wait3A_938] : memref<10008x128xf32, #tpu.memory_space<vmem_shared>> -> memref<10008x128xf32, #tpu.memory_space<vmem_shared>>
        tpu.wait_indirect_dma semaphore(%run_scoped3A_927 : memref<!tpu.dma_semaphore, #tpu.memory_space<semaphore_mem>>) src(%arg8 : memref<128x128xf32, #tpu.memory_space<vmem>>) dst(%dma_wait3A_939 : memref<10008x128xf32, #tpu.memory_space<vmem_shared>>)
        tpu.yield
      }) : () -> ()
      %dma_start3A_399 = arith.constant 0 : i32
      %dma_start3A_400 = arith.constant 14 : i32
      %dma_start3A_401 = arith.constant 0 : i32
      %dma_start3A_402 = tpu.memref_slice %arg6[%dma_start3A_399, %dma_start3A_400, %dma_start3A_401] : memref<2x16x128xi32, #tpu.memory_space<vmem>> -> memref<1x1x128xi32, #tpu.memory_space<vmem>>
      %dma_start3A_403 = tpu.memref_squeeze %dma_start3A_402 : memref<1x1x128xi32, #tpu.memory_space<vmem>> -> memref<128xi32, #tpu.memory_space<vmem>>
      %dma_start3A_404 = arith.constant 0 : i32
      %dma_start3A_405 = arith.constant 0 : i32
      %dma_start3A_406 = tpu.memref_slice %arg2[%arg0, %dma_start3A_404, %dma_start3A_405] : memref<2x10000x128xf32, #tpu.memory_space<hbm>> -> memref<1x10000x128xf32, #tpu.memory_space<hbm>>
      %dma_start3A_407 = tpu.memref_squeeze %dma_start3A_406 : memref<1x10000x128xf32, #tpu.memory_space<hbm>> -> memref<10000x128xf32, #tpu.memory_space<hbm>>
      %dma_start3A_408 = arith.constant 0 : i32
      %dma_start3A_409 = arith.constant 0 : i32
      %dma_start3A_410 = tpu.memref_slice %dma_start3A_407[%dma_start3A_408, %dma_start3A_409] : memref<10000x128xf32, #tpu.memory_space<hbm>> -> memref<10000x128xf32, #tpu.memory_space<hbm>>
      tpu.enqueue_indirect_dma source(%dma_start3A_410 : memref<10000x128xf32, #tpu.memory_space<hbm>>) target(%arg8 : memref<128x128xf32, #tpu.memory_space<vmem>>) offsets(%dma_start3A_403 : memref<128xi32, #tpu.memory_space<vmem>>) semaphore(%arg13 : memref<!tpu.dma_semaphore, #tpu.memory_space<semaphore_mem>>)
      %dma_wait3A_411 = arith.constant 0 : i32
      %dma_wait3A_412 = arith.constant 13 : i32
      %dma_wait3A_413 = arith.constant 0 : i32
      %dma_wait3A_414 = tpu.memref_slice %arg6[%dma_wait3A_411, %dma_wait3A_412, %dma_wait3A_413] : memref<2x16x128xi32, #tpu.memory_space<vmem>> -> memref<1x1x128xi32, #tpu.memory_space<vmem>>
      %dma_wait3A_415 = tpu.memref_squeeze %dma_wait3A_414 : memref<1x1x128xi32, #tpu.memory_space<vmem>> -> memref<128xi32, #tpu.memory_space<vmem>>
      %dma_wait3A_416 = arith.constant 0 : i32
      %dma_wait3A_417 = arith.constant 0 : i32
      %dma_wait3A_418 = tpu.memref_slice %arg2[%arg0, %dma_wait3A_416, %dma_wait3A_417] : memref<2x10000x128xf32, #tpu.memory_space<hbm>> -> memref<1x10000x128xf32, #tpu.memory_space<hbm>>
      %dma_wait3A_419 = tpu.memref_squeeze %dma_wait3A_418 : memref<1x10000x128xf32, #tpu.memory_space<hbm>> -> memref<10000x128xf32, #tpu.memory_space<hbm>>
      %dma_wait3A_420 = arith.constant 0 : i32
      %dma_wait3A_421 = arith.constant 0 : i32
      %dma_wait3A_422 = tpu.memref_slice %dma_wait3A_419[%dma_wait3A_420, %dma_wait3A_421] : memref<10000x128xf32, #tpu.memory_space<hbm>> -> memref<10000x128xf32, #tpu.memory_space<hbm>>
      tpu.wait_indirect_dma semaphore(%arg14 : memref<!tpu.dma_semaphore, #tpu.memory_space<semaphore_mem>>) src(%dma_wait3A_422 : memref<10000x128xf32, #tpu.memory_space<hbm>>) dst(%arg9 : memref<128x128xf32, #tpu.memory_space<vmem>>)
      %run_scoped3A_423 = arith.constant 0 : i32
      %run_scoped3A_424 = arith.constant 13 : i32
      "tpu.region"() ({
        %run_scoped3A_927 = tpu.sem_alloc : memref<!tpu.dma_semaphore, #tpu.memory_space<semaphore_mem>>
        %dma_start3A_928 = arith.constant 0 : i32
        %dma_start3A_929 = tpu.memref_slice %arg7[%run_scoped3A_423, %run_scoped3A_424, %dma_start3A_928] : memref<2x16x128xi32, #tpu.memory_space<vmem>> -> memref<1x1x128xi32, #tpu.memory_space<vmem>>
        %dma_start3A_930 = tpu.memref_squeeze %dma_start3A_929 : memref<1x1x128xi32, #tpu.memory_space<vmem>> -> memref<128xi32, #tpu.memory_space<vmem>>
        %dma_start3A_931 = arith.constant 0 : i32
        %dma_start3A_932 = arith.constant 0 : i32
        %dma_start3A_933 = tpu.memref_slice %arg10[%dma_start3A_931, %dma_start3A_932] : memref<10008x128xf32, #tpu.memory_space<vmem_shared>> -> memref<10008x128xf32, #tpu.memory_space<vmem_shared>>
        tpu.enqueue_indirect_dma source(%arg9 : memref<128x128xf32, #tpu.memory_space<vmem>>) target(%dma_start3A_933 : memref<10008x128xf32, #tpu.memory_space<vmem_shared>>) offsets(%dma_start3A_930 : memref<128xi32, #tpu.memory_space<vmem>>) semaphore(%run_scoped3A_927 : memref<!tpu.dma_semaphore, #tpu.memory_space<semaphore_mem>>) {add = true}
        %dma_wait3A_934 = arith.constant 0 : i32
        %dma_wait3A_935 = tpu.memref_slice %arg7[%run_scoped3A_423, %run_scoped3A_424, %dma_wait3A_934] : memref<2x16x128xi32, #tpu.memory_space<vmem>> -> memref<1x1x128xi32, #tpu.memory_space<vmem>>
        %dma_wait3A_936 = tpu.memref_squeeze %dma_wait3A_935 : memref<1x1x128xi32, #tpu.memory_space<vmem>> -> memref<128xi32, #tpu.memory_space<vmem>>
        %dma_wait3A_937 = arith.constant 0 : i32
        %dma_wait3A_938 = arith.constant 0 : i32
        %dma_wait3A_939 = tpu.memref_slice %arg10[%dma_wait3A_937, %dma_wait3A_938] : memref<10008x128xf32, #tpu.memory_space<vmem_shared>> -> memref<10008x128xf32, #tpu.memory_space<vmem_shared>>
        tpu.wait_indirect_dma semaphore(%run_scoped3A_927 : memref<!tpu.dma_semaphore, #tpu.memory_space<semaphore_mem>>) src(%arg9 : memref<128x128xf32, #tpu.memory_space<vmem>>) dst(%dma_wait3A_939 : memref<10008x128xf32, #tpu.memory_space<vmem_shared>>)
        tpu.yield
      }) : () -> ()
      %dma_start3A_425 = arith.constant 0 : i32
      %dma_start3A_426 = arith.constant 15 : i32
      %dma_start3A_427 = arith.constant 0 : i32
      %dma_start3A_428 = tpu.memref_slice %arg6[%dma_start3A_425, %dma_start3A_426, %dma_start3A_427] : memref<2x16x128xi32, #tpu.memory_space<vmem>> -> memref<1x1x128xi32, #tpu.memory_space<vmem>>
      %dma_start3A_429 = tpu.memref_squeeze %dma_start3A_428 : memref<1x1x128xi32, #tpu.memory_space<vmem>> -> memref<128xi32, #tpu.memory_space<vmem>>
      %dma_start3A_430 = arith.constant 0 : i32
      %dma_start3A_431 = arith.constant 0 : i32
      %dma_start3A_432 = tpu.memref_slice %arg2[%arg0, %dma_start3A_430, %dma_start3A_431] : memref<2x10000x128xf32, #tpu.memory_space<hbm>> -> memref<1x10000x128xf32, #tpu.memory_space<hbm>>
      %dma_start3A_433 = tpu.memref_squeeze %dma_start3A_432 : memref<1x10000x128xf32, #tpu.memory_space<hbm>> -> memref<10000x128xf32, #tpu.memory_space<hbm>>
      %dma_start3A_434 = arith.constant 0 : i32
      %dma_start3A_435 = arith.constant 0 : i32
      %dma_start3A_436 = tpu.memref_slice %dma_start3A_433[%dma_start3A_434, %dma_start3A_435] : memref<10000x128xf32, #tpu.memory_space<hbm>> -> memref<10000x128xf32, #tpu.memory_space<hbm>>
      tpu.enqueue_indirect_dma source(%dma_start3A_436 : memref<10000x128xf32, #tpu.memory_space<hbm>>) target(%arg9 : memref<128x128xf32, #tpu.memory_space<vmem>>) offsets(%dma_start3A_429 : memref<128xi32, #tpu.memory_space<vmem>>) semaphore(%arg14 : memref<!tpu.dma_semaphore, #tpu.memory_space<semaphore_mem>>)
      %dma_wait3A_437 = arith.constant 0 : i32
      %dma_wait3A_438 = arith.constant 14 : i32
      %dma_wait3A_439 = arith.constant 0 : i32
      %dma_wait3A_440 = tpu.memref_slice %arg6[%dma_wait3A_437, %dma_wait3A_438, %dma_wait3A_439] : memref<2x16x128xi32, #tpu.memory_space<vmem>> -> memref<1x1x128xi32, #tpu.memory_space<vmem>>
      %dma_wait3A_441 = tpu.memref_squeeze %dma_wait3A_440 : memref<1x1x128xi32, #tpu.memory_space<vmem>> -> memref<128xi32, #tpu.memory_space<vmem>>
      %dma_wait3A_442 = arith.constant 0 : i32
      %dma_wait3A_443 = arith.constant 0 : i32
      %dma_wait3A_444 = tpu.memref_slice %arg2[%arg0, %dma_wait3A_442, %dma_wait3A_443] : memref<2x10000x128xf32, #tpu.memory_space<hbm>> -> memref<1x10000x128xf32, #tpu.memory_space<hbm>>
      %dma_wait3A_445 = tpu.memref_squeeze %dma_wait3A_444 : memref<1x10000x128xf32, #tpu.memory_space<hbm>> -> memref<10000x128xf32, #tpu.memory_space<hbm>>
      %dma_wait3A_446 = arith.constant 0 : i32
      %dma_wait3A_447 = arith.constant 0 : i32
      %dma_wait3A_448 = tpu.memref_slice %dma_wait3A_445[%dma_wait3A_446, %dma_wait3A_447] : memref<10000x128xf32, #tpu.memory_space<hbm>> -> memref<10000x128xf32, #tpu.memory_space<hbm>>
      tpu.wait_indirect_dma semaphore(%arg13 : memref<!tpu.dma_semaphore, #tpu.memory_space<semaphore_mem>>) src(%dma_wait3A_448 : memref<10000x128xf32, #tpu.memory_space<hbm>>) dst(%arg8 : memref<128x128xf32, #tpu.memory_space<vmem>>)
      %run_scoped3A_449 = arith.constant 0 : i32
      %run_scoped3A_450 = arith.constant 14 : i32
      "tpu.region"() ({
        %run_scoped3A_927 = tpu.sem_alloc : memref<!tpu.dma_semaphore, #tpu.memory_space<semaphore_mem>>
        %dma_start3A_928 = arith.constant 0 : i32
        %dma_start3A_929 = tpu.memref_slice %arg7[%run_scoped3A_449, %run_scoped3A_450, %dma_start3A_928] : memref<2x16x128xi32, #tpu.memory_space<vmem>> -> memref<1x1x128xi32, #tpu.memory_space<vmem>>
        %dma_start3A_930 = tpu.memref_squeeze %dma_start3A_929 : memref<1x1x128xi32, #tpu.memory_space<vmem>> -> memref<128xi32, #tpu.memory_space<vmem>>
        %dma_start3A_931 = arith.constant 0 : i32
        %dma_start3A_932 = arith.constant 0 : i32
        %dma_start3A_933 = tpu.memref_slice %arg10[%dma_start3A_931, %dma_start3A_932] : memref<10008x128xf32, #tpu.memory_space<vmem_shared>> -> memref<10008x128xf32, #tpu.memory_space<vmem_shared>>
        tpu.enqueue_indirect_dma source(%arg8 : memref<128x128xf32, #tpu.memory_space<vmem>>) target(%dma_start3A_933 : memref<10008x128xf32, #tpu.memory_space<vmem_shared>>) offsets(%dma_start3A_930 : memref<128xi32, #tpu.memory_space<vmem>>) semaphore(%run_scoped3A_927 : memref<!tpu.dma_semaphore, #tpu.memory_space<semaphore_mem>>) {add = true}
        %dma_wait3A_934 = arith.constant 0 : i32
        %dma_wait3A_935 = tpu.memref_slice %arg7[%run_scoped3A_449, %run_scoped3A_450, %dma_wait3A_934] : memref<2x16x128xi32, #tpu.memory_space<vmem>> -> memref<1x1x128xi32, #tpu.memory_space<vmem>>
        %dma_wait3A_936 = tpu.memref_squeeze %dma_wait3A_935 : memref<1x1x128xi32, #tpu.memory_space<vmem>> -> memref<128xi32, #tpu.memory_space<vmem>>
        %dma_wait3A_937 = arith.constant 0 : i32
        %dma_wait3A_938 = arith.constant 0 : i32
        %dma_wait3A_939 = tpu.memref_slice %arg10[%dma_wait3A_937, %dma_wait3A_938] : memref<10008x128xf32, #tpu.memory_space<vmem_shared>> -> memref<10008x128xf32, #tpu.memory_space<vmem_shared>>
        tpu.wait_indirect_dma semaphore(%run_scoped3A_927 : memref<!tpu.dma_semaphore, #tpu.memory_space<semaphore_mem>>) src(%arg8 : memref<128x128xf32, #tpu.memory_space<vmem>>) dst(%dma_wait3A_939 : memref<10008x128xf32, #tpu.memory_space<vmem_shared>>)
        tpu.yield
      }) : () -> ()
      %dma_wait3A_451 = arith.constant 1 : i32
      %dma_wait3A_452 = arith.constant 0 : i32
      %dma_wait3A_453 = arith.constant 0 : i32
      %dma_wait3A_454 = tpu.memref_slice %arg6[%dma_wait3A_451, %dma_wait3A_452, %dma_wait3A_453] : memref<2x16x128xi32, #tpu.memory_space<vmem>> -> memref<1x16x128xi32, #tpu.memory_space<vmem>>
      %dma_wait3A_455 = tpu.memref_squeeze %dma_wait3A_454 : memref<1x16x128xi32, #tpu.memory_space<vmem>> -> memref<16x128xi32, #tpu.memory_space<vmem>>
      %dma_wait3A_456 = arith.constant 0 : i32
      %dma_wait3A_457 = arith.constant 0 : i32
      %dma_wait3A_458 = tpu.memref_slice %arg3[%arg1, %dma_wait3A_456, %dma_wait3A_457] : memref<16x160x128xi32, #tpu.memory_space<hbm>> -> memref<1x16x128xi32, #tpu.memory_space<hbm>>
      %dma_wait3A_459 = tpu.memref_squeeze %dma_wait3A_458 : memref<1x16x128xi32, #tpu.memory_space<hbm>> -> memref<16x128xi32, #tpu.memory_space<hbm>>
      %dma_wait3A_460 = arith.constant 0 : i32
      %dma_wait3A_461 = arith.constant 0 : i32
      %dma_wait3A_462 = tpu.memref_slice %arg6[%dma_wait3A_451, %dma_wait3A_460, %dma_wait3A_461] : memref<2x16x128xi32, #tpu.memory_space<vmem>> -> memref<1x16x128xi32, #tpu.memory_space<vmem>>
      %dma_wait3A_463 = tpu.memref_squeeze %dma_wait3A_462 : memref<1x16x128xi32, #tpu.memory_space<vmem>> -> memref<16x128xi32, #tpu.memory_space<vmem>>
      %dma_wait3A_464 = arith.constant 0 : i32
      %dma_wait3A_465 = arith.constant 0 : i32
      %dma_wait3A_466 = tpu.memref_slice %arg3[%arg1, %dma_wait3A_464, %dma_wait3A_465] : memref<16x160x128xi32, #tpu.memory_space<hbm>> -> memref<1x16x128xi32, #tpu.memory_space<hbm>>
      %dma_wait3A_467 = tpu.memref_squeeze %dma_wait3A_466 : memref<1x16x128xi32, #tpu.memory_space<hbm>> -> memref<16x128xi32, #tpu.memory_space<hbm>>
      tpu.wait_dma2 semaphore(%arg12 : memref<!tpu.dma_semaphore, #tpu.memory_space<semaphore_mem>>) src(%dma_wait3A_467 : memref<16x128xi32, #tpu.memory_space<hbm>>) dst(%dma_wait3A_463 : memref<16x128xi32, #tpu.memory_space<vmem>>)
      %dma_wait3A_468 = arith.constant 1 : i32
      %dma_wait3A_469 = arith.constant 0 : i32
      %dma_wait3A_470 = arith.constant 0 : i32
      %dma_wait3A_471 = tpu.memref_slice %arg7[%dma_wait3A_468, %dma_wait3A_469, %dma_wait3A_470] : memref<2x16x128xi32, #tpu.memory_space<vmem>> -> memref<1x16x128xi32, #tpu.memory_space<vmem>>
      %dma_wait3A_472 = tpu.memref_squeeze %dma_wait3A_471 : memref<1x16x128xi32, #tpu.memory_space<vmem>> -> memref<16x128xi32, #tpu.memory_space<vmem>>
      %dma_wait3A_473 = arith.constant 0 : i32
      %dma_wait3A_474 = arith.constant 0 : i32
      %dma_wait3A_475 = tpu.memref_slice %arg4[%arg1, %dma_wait3A_473, %dma_wait3A_474] : memref<16x160x128xi32, #tpu.memory_space<hbm>> -> memref<1x16x128xi32, #tpu.memory_space<hbm>>
      %dma_wait3A_476 = tpu.memref_squeeze %dma_wait3A_475 : memref<1x16x128xi32, #tpu.memory_space<hbm>> -> memref<16x128xi32, #tpu.memory_space<hbm>>
      %dma_wait3A_477 = arith.constant 0 : i32
      %dma_wait3A_478 = arith.constant 0 : i32
      %dma_wait3A_479 = tpu.memref_slice %arg7[%dma_wait3A_468, %dma_wait3A_477, %dma_wait3A_478] : memref<2x16x128xi32, #tpu.memory_space<vmem>> -> memref<1x16x128xi32, #tpu.memory_space<vmem>>
      %dma_wait3A_480 = tpu.memref_squeeze %dma_wait3A_479 : memref<1x16x128xi32, #tpu.memory_space<vmem>> -> memref<16x128xi32, #tpu.memory_space<vmem>>
      %dma_wait3A_481 = arith.constant 0 : i32
      %dma_wait3A_482 = arith.constant 0 : i32
      %dma_wait3A_483 = tpu.memref_slice %arg4[%arg1, %dma_wait3A_481, %dma_wait3A_482] : memref<16x160x128xi32, #tpu.memory_space<hbm>> -> memref<1x16x128xi32, #tpu.memory_space<hbm>>
      %dma_wait3A_484 = tpu.memref_squeeze %dma_wait3A_483 : memref<1x16x128xi32, #tpu.memory_space<hbm>> -> memref<16x128xi32, #tpu.memory_space<hbm>>
      tpu.wait_dma2 semaphore(%arg12 : memref<!tpu.dma_semaphore, #tpu.memory_space<semaphore_mem>>) src(%dma_wait3A_484 : memref<16x128xi32, #tpu.memory_space<hbm>>) dst(%dma_wait3A_480 : memref<16x128xi32, #tpu.memory_space<vmem>>)
      %dma_start3A_485 = arith.constant 1 : i32
      %dma_start3A_486 = arith.constant 0 : i32
      %dma_start3A_487 = arith.constant 0 : i32
      %dma_start3A_488 = tpu.memref_slice %arg6[%dma_start3A_485, %dma_start3A_486, %dma_start3A_487] : memref<2x16x128xi32, #tpu.memory_space<vmem>> -> memref<1x1x128xi32, #tpu.memory_space<vmem>>
      %dma_start3A_489 = tpu.memref_squeeze %dma_start3A_488 : memref<1x1x128xi32, #tpu.memory_space<vmem>> -> memref<128xi32, #tpu.memory_space<vmem>>
      %dma_start3A_490 = arith.constant 0 : i32
      %dma_start3A_491 = arith.constant 0 : i32
      %dma_start3A_492 = tpu.memref_slice %arg2[%arg0, %dma_start3A_490, %dma_start3A_491] : memref<2x10000x128xf32, #tpu.memory_space<hbm>> -> memref<1x10000x128xf32, #tpu.memory_space<hbm>>
      %dma_start3A_493 = tpu.memref_squeeze %dma_start3A_492 : memref<1x10000x128xf32, #tpu.memory_space<hbm>> -> memref<10000x128xf32, #tpu.memory_space<hbm>>
      %dma_start3A_494 = arith.constant 0 : i32
      %dma_start3A_495 = arith.constant 0 : i32
      %dma_start3A_496 = tpu.memref_slice %dma_start3A_493[%dma_start3A_494, %dma_start3A_495] : memref<10000x128xf32, #tpu.memory_space<hbm>> -> memref<10000x128xf32, #tpu.memory_space<hbm>>
      tpu.enqueue_indirect_dma source(%dma_start3A_496 : memref<10000x128xf32, #tpu.memory_space<hbm>>) target(%arg8 : memref<128x128xf32, #tpu.memory_space<vmem>>) offsets(%dma_start3A_489 : memref<128xi32, #tpu.memory_space<vmem>>) semaphore(%arg13 : memref<!tpu.dma_semaphore, #tpu.memory_space<semaphore_mem>>)
      %dma_wait3A_497 = arith.constant 0 : i32
      %dma_wait3A_498 = arith.constant 15 : i32
      %dma_wait3A_499 = arith.constant 0 : i32
      %dma_wait3A_500 = tpu.memref_slice %arg6[%dma_wait3A_497, %dma_wait3A_498, %dma_wait3A_499] : memref<2x16x128xi32, #tpu.memory_space<vmem>> -> memref<1x1x128xi32, #tpu.memory_space<vmem>>
      %dma_wait3A_501 = tpu.memref_squeeze %dma_wait3A_500 : memref<1x1x128xi32, #tpu.memory_space<vmem>> -> memref<128xi32, #tpu.memory_space<vmem>>
      %dma_wait3A_502 = arith.constant 0 : i32
      %dma_wait3A_503 = arith.constant 0 : i32
      %dma_wait3A_504 = tpu.memref_slice %arg2[%arg0, %dma_wait3A_502, %dma_wait3A_503] : memref<2x10000x128xf32, #tpu.memory_space<hbm>> -> memref<1x10000x128xf32, #tpu.memory_space<hbm>>
      %dma_wait3A_505 = tpu.memref_squeeze %dma_wait3A_504 : memref<1x10000x128xf32, #tpu.memory_space<hbm>> -> memref<10000x128xf32, #tpu.memory_space<hbm>>
      %dma_wait3A_506 = arith.constant 0 : i32
      %dma_wait3A_507 = arith.constant 0 : i32
      %dma_wait3A_508 = tpu.memref_slice %dma_wait3A_505[%dma_wait3A_506, %dma_wait3A_507] : memref<10000x128xf32, #tpu.memory_space<hbm>> -> memref<10000x128xf32, #tpu.memory_space<hbm>>
      tpu.wait_indirect_dma semaphore(%arg14 : memref<!tpu.dma_semaphore, #tpu.memory_space<semaphore_mem>>) src(%dma_wait3A_508 : memref<10000x128xf32, #tpu.memory_space<hbm>>) dst(%arg9 : memref<128x128xf32, #tpu.memory_space<vmem>>)
      %run_scoped3A_509 = arith.constant 0 : i32
      %run_scoped3A_510 = arith.constant 15 : i32
      "tpu.region"() ({
        %run_scoped3A_927 = tpu.sem_alloc : memref<!tpu.dma_semaphore, #tpu.memory_space<semaphore_mem>>
        %dma_start3A_928 = arith.constant 0 : i32
        %dma_start3A_929 = tpu.memref_slice %arg7[%run_scoped3A_509, %run_scoped3A_510, %dma_start3A_928] : memref<2x16x128xi32, #tpu.memory_space<vmem>> -> memref<1x1x128xi32, #tpu.memory_space<vmem>>
        %dma_start3A_930 = tpu.memref_squeeze %dma_start3A_929 : memref<1x1x128xi32, #tpu.memory_space<vmem>> -> memref<128xi32, #tpu.memory_space<vmem>>
        %dma_start3A_931 = arith.constant 0 : i32
        %dma_start3A_932 = arith.constant 0 : i32
        %dma_start3A_933 = tpu.memref_slice %arg10[%dma_start3A_931, %dma_start3A_932] : memref<10008x128xf32, #tpu.memory_space<vmem_shared>> -> memref<10008x128xf32, #tpu.memory_space<vmem_shared>>
        tpu.enqueue_indirect_dma source(%arg9 : memref<128x128xf32, #tpu.memory_space<vmem>>) target(%dma_start3A_933 : memref<10008x128xf32, #tpu.memory_space<vmem_shared>>) offsets(%dma_start3A_930 : memref<128xi32, #tpu.memory_space<vmem>>) semaphore(%run_scoped3A_927 : memref<!tpu.dma_semaphore, #tpu.memory_space<semaphore_mem>>) {add = true}
        %dma_wait3A_934 = arith.constant 0 : i32
        %dma_wait3A_935 = tpu.memref_slice %arg7[%run_scoped3A_509, %run_scoped3A_510, %dma_wait3A_934] : memref<2x16x128xi32, #tpu.memory_space<vmem>> -> memref<1x1x128xi32, #tpu.memory_space<vmem>>
        %dma_wait3A_936 = tpu.memref_squeeze %dma_wait3A_935 : memref<1x1x128xi32, #tpu.memory_space<vmem>> -> memref<128xi32, #tpu.memory_space<vmem>>
        %dma_wait3A_937 = arith.constant 0 : i32
        %dma_wait3A_938 = arith.constant 0 : i32
        %dma_wait3A_939 = tpu.memref_slice %arg10[%dma_wait3A_937, %dma_wait3A_938] : memref<10008x128xf32, #tpu.memory_space<vmem_shared>> -> memref<10008x128xf32, #tpu.memory_space<vmem_shared>>
        tpu.wait_indirect_dma semaphore(%run_scoped3A_927 : memref<!tpu.dma_semaphore, #tpu.memory_space<semaphore_mem>>) src(%arg9 : memref<128x128xf32, #tpu.memory_space<vmem>>) dst(%dma_wait3A_939 : memref<10008x128xf32, #tpu.memory_space<vmem_shared>>)
        tpu.yield
      }) : () -> ()
      %convert_element_type3A_511 = arith.extui %lt3A_73 : i1 to i32
      %cond3A_512 = arith.constant 0 : i32
      %cond3A_513 = arith.cmpi ne, %convert_element_type3A_511, %cond3A_512 : i32
      scf.if %cond3A_513 {
        %mul3A_927 = arith.constant 2 : i32
        %mul3A_928 = arith.muli %mul3A_927, %scan3A_72 : i32
        %add3A = arith.constant 2 : i32
        %add3A_929 = arith.addi %mul3A_928, %add3A : i32
        %mul3A_930 = arith.constant 16 : i32
        %mul3A_931 = arith.muli %add3A_929, %mul3A_930 : i32
        %dma_start3A_932 = arith.constant 0 : i32
        %dma_start3A_933 = arith.constant 0 : i32
        %dma_start3A_934 = arith.constant 0 : i32
        %dma_start3A_935 = tpu.memref_slice %arg6[%dma_start3A_932, %dma_start3A_933, %dma_start3A_934] : memref<2x16x128xi32, #tpu.memory_space<vmem>> -> memref<1x16x128xi32, #tpu.memory_space<vmem>>
        %dma_start3A_936 = tpu.memref_squeeze %dma_start3A_935 : memref<1x16x128xi32, #tpu.memory_space<vmem>> -> memref<16x128xi32, #tpu.memory_space<vmem>>
        %dma_start3A_937 = arith.constant 0 : i32
        %dma_start3A_938 = tpu.memref_slice %arg3[%arg1, %mul3A_931, %dma_start3A_937] : memref<16x160x128xi32, #tpu.memory_space<hbm>> -> memref<1x16x128xi32, #tpu.memory_space<hbm>>
        %dma_start3A_939 = tpu.memref_squeeze %dma_start3A_938 : memref<1x16x128xi32, #tpu.memory_space<hbm>> -> memref<16x128xi32, #tpu.memory_space<hbm>>
        %dma_start3A_940 = arith.constant 0 : i32
        %dma_start3A_941 = arith.constant 0 : i32
        %dma_start3A_942 = tpu.memref_slice %arg6[%dma_start3A_932, %dma_start3A_940, %dma_start3A_941] : memref<2x16x128xi32, #tpu.memory_space<vmem>> -> memref<1x16x128xi32, #tpu.memory_space<vmem>>
        %dma_start3A_943 = tpu.memref_squeeze %dma_start3A_942 : memref<1x16x128xi32, #tpu.memory_space<vmem>> -> memref<16x128xi32, #tpu.memory_space<vmem>>
        %dma_start3A_944 = arith.constant 0 : i32
        %dma_start3A_945 = tpu.memref_slice %arg3[%arg1, %mul3A_931, %dma_start3A_944] : memref<16x160x128xi32, #tpu.memory_space<hbm>> -> memref<1x16x128xi32, #tpu.memory_space<hbm>>
        %dma_start3A_946 = tpu.memref_squeeze %dma_start3A_945 : memref<1x16x128xi32, #tpu.memory_space<hbm>> -> memref<16x128xi32, #tpu.memory_space<hbm>>
        tpu.enqueue_dma source(%dma_start3A_946 : memref<16x128xi32, #tpu.memory_space<hbm>>) target(%dma_start3A_943 : memref<16x128xi32, #tpu.memory_space<vmem>>) target_semaphore(%arg11 : memref<!tpu.dma_semaphore, #tpu.memory_space<semaphore_mem>>)
        %dma_start3A_947 = arith.constant 0 : i32
        %dma_start3A_948 = arith.constant 0 : i32
        %dma_start3A_949 = arith.constant 0 : i32
        %dma_start3A_950 = tpu.memref_slice %arg7[%dma_start3A_947, %dma_start3A_948, %dma_start3A_949] : memref<2x16x128xi32, #tpu.memory_space<vmem>> -> memref<1x16x128xi32, #tpu.memory_space<vmem>>
        %dma_start3A_951 = tpu.memref_squeeze %dma_start3A_950 : memref<1x16x128xi32, #tpu.memory_space<vmem>> -> memref<16x128xi32, #tpu.memory_space<vmem>>
        %dma_start3A_952 = arith.constant 0 : i32
        %dma_start3A_953 = tpu.memref_slice %arg4[%arg1, %mul3A_931, %dma_start3A_952] : memref<16x160x128xi32, #tpu.memory_space<hbm>> -> memref<1x16x128xi32, #tpu.memory_space<hbm>>
        %dma_start3A_954 = tpu.memref_squeeze %dma_start3A_953 : memref<1x16x128xi32, #tpu.memory_space<hbm>> -> memref<16x128xi32, #tpu.memory_space<hbm>>
        %dma_start3A_955 = arith.constant 0 : i32
        %dma_start3A_956 = arith.constant 0 : i32
        %dma_start3A_957 = tpu.memref_slice %arg7[%dma_start3A_947, %dma_start3A_955, %dma_start3A_956] : memref<2x16x128xi32, #tpu.memory_space<vmem>> -> memref<1x16x128xi32, #tpu.memory_space<vmem>>
        %dma_start3A_958 = tpu.memref_squeeze %dma_start3A_957 : memref<1x16x128xi32, #tpu.memory_space<vmem>> -> memref<16x128xi32, #tpu.memory_space<vmem>>
        %dma_start3A_959 = arith.constant 0 : i32
        %dma_start3A_960 = tpu.memref_slice %arg4[%arg1, %mul3A_931, %dma_start3A_959] : memref<16x160x128xi32, #tpu.memory_space<hbm>> -> memref<1x16x128xi32, #tpu.memory_space<hbm>>
        %dma_start3A_961 = tpu.memref_squeeze %dma_start3A_960 : memref<1x16x128xi32, #tpu.memory_space<hbm>> -> memref<16x128xi32, #tpu.memory_space<hbm>>
        tpu.enqueue_dma source(%dma_start3A_961 : memref<16x128xi32, #tpu.memory_space<hbm>>) target(%dma_start3A_958 : memref<16x128xi32, #tpu.memory_space<vmem>>) target_semaphore(%arg11 : memref<!tpu.dma_semaphore, #tpu.memory_space<semaphore_mem>>)
      } else {
      }
      %dma_start3A_514 = arith.constant 1 : i32
      %dma_start3A_515 = arith.constant 1 : i32
      %dma_start3A_516 = arith.constant 0 : i32
      %dma_start3A_517 = tpu.memref_slice %arg6[%dma_start3A_514, %dma_start3A_515, %dma_start3A_516] : memref<2x16x128xi32, #tpu.memory_space<vmem>> -> memref<1x1x128xi32, #tpu.memory_space<vmem>>
      %dma_start3A_518 = tpu.memref_squeeze %dma_start3A_517 : memref<1x1x128xi32, #tpu.memory_space<vmem>> -> memref<128xi32, #tpu.memory_space<vmem>>
      %dma_start3A_519 = arith.constant 0 : i32
      %dma_start3A_520 = arith.constant 0 : i32
      %dma_start3A_521 = tpu.memref_slice %arg2[%arg0, %dma_start3A_519, %dma_start3A_520] : memref<2x10000x128xf32, #tpu.memory_space<hbm>> -> memref<1x10000x128xf32, #tpu.memory_space<hbm>>
      %dma_start3A_522 = tpu.memref_squeeze %dma_start3A_521 : memref<1x10000x128xf32, #tpu.memory_space<hbm>> -> memref<10000x128xf32, #tpu.memory_space<hbm>>
      %dma_start3A_523 = arith.constant 0 : i32
      %dma_start3A_524 = arith.constant 0 : i32
      %dma_start3A_525 = tpu.memref_slice %dma_start3A_522[%dma_start3A_523, %dma_start3A_524] : memref<10000x128xf32, #tpu.memory_space<hbm>> -> memref<10000x128xf32, #tpu.memory_space<hbm>>
      tpu.enqueue_indirect_dma source(%dma_start3A_525 : memref<10000x128xf32, #tpu.memory_space<hbm>>) target(%arg9 : memref<128x128xf32, #tpu.memory_space<vmem>>) offsets(%dma_start3A_518 : memref<128xi32, #tpu.memory_space<vmem>>) semaphore(%arg14 : memref<!tpu.dma_semaphore, #tpu.memory_space<semaphore_mem>>)
      %dma_wait3A_526 = arith.constant 1 : i32
      %dma_wait3A_527 = arith.constant 0 : i32
      %dma_wait3A_528 = arith.constant 0 : i32
      %dma_wait3A_529 = tpu.memref_slice %arg6[%dma_wait3A_526, %dma_wait3A_527, %dma_wait3A_528] : memref<2x16x128xi32, #tpu.memory_space<vmem>> -> memref<1x1x128xi32, #tpu.memory_space<vmem>>
      %dma_wait3A_530 = tpu.memref_squeeze %dma_wait3A_529 : memref<1x1x128xi32, #tpu.memory_space<vmem>> -> memref<128xi32, #tpu.memory_space<vmem>>
      %dma_wait3A_531 = arith.constant 0 : i32
      %dma_wait3A_532 = arith.constant 0 : i32
      %dma_wait3A_533 = tpu.memref_slice %arg2[%arg0, %dma_wait3A_531, %dma_wait3A_532] : memref<2x10000x128xf32, #tpu.memory_space<hbm>> -> memref<1x10000x128xf32, #tpu.memory_space<hbm>>
      %dma_wait3A_534 = tpu.memref_squeeze %dma_wait3A_533 : memref<1x10000x128xf32, #tpu.memory_space<hbm>> -> memref<10000x128xf32, #tpu.memory_space<hbm>>
      %dma_wait3A_535 = arith.constant 0 : i32
      %dma_wait3A_536 = arith.constant 0 : i32
      %dma_wait3A_537 = tpu.memref_slice %dma_wait3A_534[%dma_wait3A_535, %dma_wait3A_536] : memref<10000x128xf32, #tpu.memory_space<hbm>> -> memref<10000x128xf32, #tpu.memory_space<hbm>>
      tpu.wait_indirect_dma semaphore(%arg13 : memref<!tpu.dma_semaphore, #tpu.memory_space<semaphore_mem>>) src(%dma_wait3A_537 : memref<10000x128xf32, #tpu.memory_space<hbm>>) dst(%arg8 : memref<128x128xf32, #tpu.memory_space<vmem>>)
      %run_scoped3A_538 = arith.constant 1 : i32
      %run_scoped3A_539 = arith.constant 0 : i32
      "tpu.region"() ({
        %run_scoped3A_927 = tpu.sem_alloc : memref<!tpu.dma_semaphore, #tpu.memory_space<semaphore_mem>>
        %dma_start3A_928 = arith.constant 0 : i32
        %dma_start3A_929 = tpu.memref_slice %arg7[%run_scoped3A_538, %run_scoped3A_539, %dma_start3A_928] : memref<2x16x128xi32, #tpu.memory_space<vmem>> -> memref<1x1x128xi32, #tpu.memory_space<vmem>>
        %dma_start3A_930 = tpu.memref_squeeze %dma_start3A_929 : memref<1x1x128xi32, #tpu.memory_space<vmem>> -> memref<128xi32, #tpu.memory_space<vmem>>
        %dma_start3A_931 = arith.constant 0 : i32
        %dma_start3A_932 = arith.constant 0 : i32
        %dma_start3A_933 = tpu.memref_slice %arg10[%dma_start3A_931, %dma_start3A_932] : memref<10008x128xf32, #tpu.memory_space<vmem_shared>> -> memref<10008x128xf32, #tpu.memory_space<vmem_shared>>
        tpu.enqueue_indirect_dma source(%arg8 : memref<128x128xf32, #tpu.memory_space<vmem>>) target(%dma_start3A_933 : memref<10008x128xf32, #tpu.memory_space<vmem_shared>>) offsets(%dma_start3A_930 : memref<128xi32, #tpu.memory_space<vmem>>) semaphore(%run_scoped3A_927 : memref<!tpu.dma_semaphore, #tpu.memory_space<semaphore_mem>>) {add = true}
        %dma_wait3A_934 = arith.constant 0 : i32
        %dma_wait3A_935 = tpu.memref_slice %arg7[%run_scoped3A_538, %run_scoped3A_539, %dma_wait3A_934] : memref<2x16x128xi32, #tpu.memory_space<vmem>> -> memref<1x1x128xi32, #tpu.memory_space<vmem>>
        %dma_wait3A_936 = tpu.memref_squeeze %dma_wait3A_935 : memref<1x1x128xi32, #tpu.memory_space<vmem>> -> memref<128xi32, #tpu.memory_space<vmem>>
        %dma_wait3A_937 = arith.constant 0 : i32
        %dma_wait3A_938 = arith.constant 0 : i32
        %dma_wait3A_939 = tpu.memref_slice %arg10[%dma_wait3A_937, %dma_wait3A_938] : memref<10008x128xf32, #tpu.memory_space<vmem_shared>> -> memref<10008x128xf32, #tpu.memory_space<vmem_shared>>
        tpu.wait_indirect_dma semaphore(%run_scoped3A_927 : memref<!tpu.dma_semaphore, #tpu.memory_space<semaphore_mem>>) src(%arg8 : memref<128x128xf32, #tpu.memory_space<vmem>>) dst(%dma_wait3A_939 : memref<10008x128xf32, #tpu.memory_space<vmem_shared>>)
        tpu.yield
      }) : () -> ()
      %dma_start3A_540 = arith.constant 1 : i32
      %dma_start3A_541 = arith.constant 2 : i32
      %dma_start3A_542 = arith.constant 0 : i32
      %dma_start3A_543 = tpu.memref_slice %arg6[%dma_start3A_540, %dma_start3A_541, %dma_start3A_542] : memref<2x16x128xi32, #tpu.memory_space<vmem>> -> memref<1x1x128xi32, #tpu.memory_space<vmem>>
      %dma_start3A_544 = tpu.memref_squeeze %dma_start3A_543 : memref<1x1x128xi32, #tpu.memory_space<vmem>> -> memref<128xi32, #tpu.memory_space<vmem>>
      %dma_start3A_545 = arith.constant 0 : i32
      %dma_start3A_546 = arith.constant 0 : i32
      %dma_start3A_547 = tpu.memref_slice %arg2[%arg0, %dma_start3A_545, %dma_start3A_546] : memref<2x10000x128xf32, #tpu.memory_space<hbm>> -> memref<1x10000x128xf32, #tpu.memory_space<hbm>>
      %dma_start3A_548 = tpu.memref_squeeze %dma_start3A_547 : memref<1x10000x128xf32, #tpu.memory_space<hbm>> -> memref<10000x128xf32, #tpu.memory_space<hbm>>
      %dma_start3A_549 = arith.constant 0 : i32
      %dma_start3A_550 = arith.constant 0 : i32
      %dma_start3A_551 = tpu.memref_slice %dma_start3A_548[%dma_start3A_549, %dma_start3A_550] : memref<10000x128xf32, #tpu.memory_space<hbm>> -> memref<10000x128xf32, #tpu.memory_space<hbm>>
      tpu.enqueue_indirect_dma source(%dma_start3A_551 : memref<10000x128xf32, #tpu.memory_space<hbm>>) target(%arg8 : memref<128x128xf32, #tpu.memory_space<vmem>>) offsets(%dma_start3A_544 : memref<128xi32, #tpu.memory_space<vmem>>) semaphore(%arg13 : memref<!tpu.dma_semaphore, #tpu.memory_space<semaphore_mem>>)
      %dma_wait3A_552 = arith.constant 1 : i32
      %dma_wait3A_553 = arith.constant 1 : i32
      %dma_wait3A_554 = arith.constant 0 : i32
      %dma_wait3A_555 = tpu.memref_slice %arg6[%dma_wait3A_552, %dma_wait3A_553, %dma_wait3A_554] : memref<2x16x128xi32, #tpu.memory_space<vmem>> -> memref<1x1x128xi32, #tpu.memory_space<vmem>>
      %dma_wait3A_556 = tpu.memref_squeeze %dma_wait3A_555 : memref<1x1x128xi32, #tpu.memory_space<vmem>> -> memref<128xi32, #tpu.memory_space<vmem>>
      %dma_wait3A_557 = arith.constant 0 : i32
      %dma_wait3A_558 = arith.constant 0 : i32
      %dma_wait3A_559 = tpu.memref_slice %arg2[%arg0, %dma_wait3A_557, %dma_wait3A_558] : memref<2x10000x128xf32, #tpu.memory_space<hbm>> -> memref<1x10000x128xf32, #tpu.memory_space<hbm>>
      %dma_wait3A_560 = tpu.memref_squeeze %dma_wait3A_559 : memref<1x10000x128xf32, #tpu.memory_space<hbm>> -> memref<10000x128xf32, #tpu.memory_space<hbm>>
      %dma_wait3A_561 = arith.constant 0 : i32
      %dma_wait3A_562 = arith.constant 0 : i32
      %dma_wait3A_563 = tpu.memref_slice %dma_wait3A_560[%dma_wait3A_561, %dma_wait3A_562] : memref<10000x128xf32, #tpu.memory_space<hbm>> -> memref<10000x128xf32, #tpu.memory_space<hbm>>
      tpu.wait_indirect_dma semaphore(%arg14 : memref<!tpu.dma_semaphore, #tpu.memory_space<semaphore_mem>>) src(%dma_wait3A_563 : memref<10000x128xf32, #tpu.memory_space<hbm>>) dst(%arg9 : memref<128x128xf32, #tpu.memory_space<vmem>>)
      %run_scoped3A_564 = arith.constant 1 : i32
      %run_scoped3A_565 = arith.constant 1 : i32
      "tpu.region"() ({
        %run_scoped3A_927 = tpu.sem_alloc : memref<!tpu.dma_semaphore, #tpu.memory_space<semaphore_mem>>
        %dma_start3A_928 = arith.constant 0 : i32
        %dma_start3A_929 = tpu.memref_slice %arg7[%run_scoped3A_564, %run_scoped3A_565, %dma_start3A_928] : memref<2x16x128xi32, #tpu.memory_space<vmem>> -> memref<1x1x128xi32, #tpu.memory_space<vmem>>
        %dma_start3A_930 = tpu.memref_squeeze %dma_start3A_929 : memref<1x1x128xi32, #tpu.memory_space<vmem>> -> memref<128xi32, #tpu.memory_space<vmem>>
        %dma_start3A_931 = arith.constant 0 : i32
        %dma_start3A_932 = arith.constant 0 : i32
        %dma_start3A_933 = tpu.memref_slice %arg10[%dma_start3A_931, %dma_start3A_932] : memref<10008x128xf32, #tpu.memory_space<vmem_shared>> -> memref<10008x128xf32, #tpu.memory_space<vmem_shared>>
        tpu.enqueue_indirect_dma source(%arg9 : memref<128x128xf32, #tpu.memory_space<vmem>>) target(%dma_start3A_933 : memref<10008x128xf32, #tpu.memory_space<vmem_shared>>) offsets(%dma_start3A_930 : memref<128xi32, #tpu.memory_space<vmem>>) semaphore(%run_scoped3A_927 : memref<!tpu.dma_semaphore, #tpu.memory_space<semaphore_mem>>) {add = true}
        %dma_wait3A_934 = arith.constant 0 : i32
        %dma_wait3A_935 = tpu.memref_slice %arg7[%run_scoped3A_564, %run_scoped3A_565, %dma_wait3A_934] : memref<2x16x128xi32, #tpu.memory_space<vmem>> -> memref<1x1x128xi32, #tpu.memory_space<vmem>>
        %dma_wait3A_936 = tpu.memref_squeeze %dma_wait3A_935 : memref<1x1x128xi32, #tpu.memory_space<vmem>> -> memref<128xi32, #tpu.memory_space<vmem>>
        %dma_wait3A_937 = arith.constant 0 : i32
        %dma_wait3A_938 = arith.constant 0 : i32
        %dma_wait3A_939 = tpu.memref_slice %arg10[%dma_wait3A_937, %dma_wait3A_938] : memref<10008x128xf32, #tpu.memory_space<vmem_shared>> -> memref<10008x128xf32, #tpu.memory_space<vmem_shared>>
        tpu.wait_indirect_dma semaphore(%run_scoped3A_927 : memref<!tpu.dma_semaphore, #tpu.memory_space<semaphore_mem>>) src(%arg9 : memref<128x128xf32, #tpu.memory_space<vmem>>) dst(%dma_wait3A_939 : memref<10008x128xf32, #tpu.memory_space<vmem_shared>>)
        tpu.yield
      }) : () -> ()
      %dma_start3A_566 = arith.constant 1 : i32
      %dma_start3A_567 = arith.constant 3 : i32
      %dma_start3A_568 = arith.constant 0 : i32
      %dma_start3A_569 = tpu.memref_slice %arg6[%dma_start3A_566, %dma_start3A_567, %dma_start3A_568] : memref<2x16x128xi32, #tpu.memory_space<vmem>> -> memref<1x1x128xi32, #tpu.memory_space<vmem>>
      %dma_start3A_570 = tpu.memref_squeeze %dma_start3A_569 : memref<1x1x128xi32, #tpu.memory_space<vmem>> -> memref<128xi32, #tpu.memory_space<vmem>>
      %dma_start3A_571 = arith.constant 0 : i32
      %dma_start3A_572 = arith.constant 0 : i32
      %dma_start3A_573 = tpu.memref_slice %arg2[%arg0, %dma_start3A_571, %dma_start3A_572] : memref<2x10000x128xf32, #tpu.memory_space<hbm>> -> memref<1x10000x128xf32, #tpu.memory_space<hbm>>
      %dma_start3A_574 = tpu.memref_squeeze %dma_start3A_573 : memref<1x10000x128xf32, #tpu.memory_space<hbm>> -> memref<10000x128xf32, #tpu.memory_space<hbm>>
      %dma_start3A_575 = arith.constant 0 : i32
      %dma_start3A_576 = arith.constant 0 : i32
      %dma_start3A_577 = tpu.memref_slice %dma_start3A_574[%dma_start3A_575, %dma_start3A_576] : memref<10000x128xf32, #tpu.memory_space<hbm>> -> memref<10000x128xf32, #tpu.memory_space<hbm>>
      tpu.enqueue_indirect_dma source(%dma_start3A_577 : memref<10000x128xf32, #tpu.memory_space<hbm>>) target(%arg9 : memref<128x128xf32, #tpu.memory_space<vmem>>) offsets(%dma_start3A_570 : memref<128xi32, #tpu.memory_space<vmem>>) semaphore(%arg14 : memref<!tpu.dma_semaphore, #tpu.memory_space<semaphore_mem>>)
      %dma_wait3A_578 = arith.constant 1 : i32
      %dma_wait3A_579 = arith.constant 2 : i32
      %dma_wait3A_580 = arith.constant 0 : i32
      %dma_wait3A_581 = tpu.memref_slice %arg6[%dma_wait3A_578, %dma_wait3A_579, %dma_wait3A_580] : memref<2x16x128xi32, #tpu.memory_space<vmem>> -> memref<1x1x128xi32, #tpu.memory_space<vmem>>
      %dma_wait3A_582 = tpu.memref_squeeze %dma_wait3A_581 : memref<1x1x128xi32, #tpu.memory_space<vmem>> -> memref<128xi32, #tpu.memory_space<vmem>>
      %dma_wait3A_583 = arith.constant 0 : i32
      %dma_wait3A_584 = arith.constant 0 : i32
      %dma_wait3A_585 = tpu.memref_slice %arg2[%arg0, %dma_wait3A_583, %dma_wait3A_584] : memref<2x10000x128xf32, #tpu.memory_space<hbm>> -> memref<1x10000x128xf32, #tpu.memory_space<hbm>>
      %dma_wait3A_586 = tpu.memref_squeeze %dma_wait3A_585 : memref<1x10000x128xf32, #tpu.memory_space<hbm>> -> memref<10000x128xf32, #tpu.memory_space<hbm>>
      %dma_wait3A_587 = arith.constant 0 : i32
      %dma_wait3A_588 = arith.constant 0 : i32
      %dma_wait3A_589 = tpu.memref_slice %dma_wait3A_586[%dma_wait3A_587, %dma_wait3A_588] : memref<10000x128xf32, #tpu.memory_space<hbm>> -> memref<10000x128xf32, #tpu.memory_space<hbm>>
      tpu.wait_indirect_dma semaphore(%arg13 : memref<!tpu.dma_semaphore, #tpu.memory_space<semaphore_mem>>) src(%dma_wait3A_589 : memref<10000x128xf32, #tpu.memory_space<hbm>>) dst(%arg8 : memref<128x128xf32, #tpu.memory_space<vmem>>)
      %run_scoped3A_590 = arith.constant 1 : i32
      %run_scoped3A_591 = arith.constant 2 : i32
      "tpu.region"() ({
        %run_scoped3A_927 = tpu.sem_alloc : memref<!tpu.dma_semaphore, #tpu.memory_space<semaphore_mem>>
        %dma_start3A_928 = arith.constant 0 : i32
        %dma_start3A_929 = tpu.memref_slice %arg7[%run_scoped3A_590, %run_scoped3A_591, %dma_start3A_928] : memref<2x16x128xi32, #tpu.memory_space<vmem>> -> memref<1x1x128xi32, #tpu.memory_space<vmem>>
        %dma_start3A_930 = tpu.memref_squeeze %dma_start3A_929 : memref<1x1x128xi32, #tpu.memory_space<vmem>> -> memref<128xi32, #tpu.memory_space<vmem>>
        %dma_start3A_931 = arith.constant 0 : i32
        %dma_start3A_932 = arith.constant 0 : i32
        %dma_start3A_933 = tpu.memref_slice %arg10[%dma_start3A_931, %dma_start3A_932] : memref<10008x128xf32, #tpu.memory_space<vmem_shared>> -> memref<10008x128xf32, #tpu.memory_space<vmem_shared>>
        tpu.enqueue_indirect_dma source(%arg8 : memref<128x128xf32, #tpu.memory_space<vmem>>) target(%dma_start3A_933 : memref<10008x128xf32, #tpu.memory_space<vmem_shared>>) offsets(%dma_start3A_930 : memref<128xi32, #tpu.memory_space<vmem>>) semaphore(%run_scoped3A_927 : memref<!tpu.dma_semaphore, #tpu.memory_space<semaphore_mem>>) {add = true}
        %dma_wait3A_934 = arith.constant 0 : i32
        %dma_wait3A_935 = tpu.memref_slice %arg7[%run_scoped3A_590, %run_scoped3A_591, %dma_wait3A_934] : memref<2x16x128xi32, #tpu.memory_space<vmem>> -> memref<1x1x128xi32, #tpu.memory_space<vmem>>
        %dma_wait3A_936 = tpu.memref_squeeze %dma_wait3A_935 : memref<1x1x128xi32, #tpu.memory_space<vmem>> -> memref<128xi32, #tpu.memory_space<vmem>>
        %dma_wait3A_937 = arith.constant 0 : i32
        %dma_wait3A_938 = arith.constant 0 : i32
        %dma_wait3A_939 = tpu.memref_slice %arg10[%dma_wait3A_937, %dma_wait3A_938] : memref<10008x128xf32, #tpu.memory_space<vmem_shared>> -> memref<10008x128xf32, #tpu.memory_space<vmem_shared>>
        tpu.wait_indirect_dma semaphore(%run_scoped3A_927 : memref<!tpu.dma_semaphore, #tpu.memory_space<semaphore_mem>>) src(%arg8 : memref<128x128xf32, #tpu.memory_space<vmem>>) dst(%dma_wait3A_939 : memref<10008x128xf32, #tpu.memory_space<vmem_shared>>)
        tpu.yield
      }) : () -> ()
      %dma_start3A_592 = arith.constant 1 : i32
      %dma_start3A_593 = arith.constant 4 : i32
      %dma_start3A_594 = arith.constant 0 : i32
      %dma_start3A_595 = tpu.memref_slice %arg6[%dma_start3A_592, %dma_start3A_593, %dma_start3A_594] : memref<2x16x128xi32, #tpu.memory_space<vmem>> -> memref<1x1x128xi32, #tpu.memory_space<vmem>>
      %dma_start3A_596 = tpu.memref_squeeze %dma_start3A_595 : memref<1x1x128xi32, #tpu.memory_space<vmem>> -> memref<128xi32, #tpu.memory_space<vmem>>
      %dma_start3A_597 = arith.constant 0 : i32
      %dma_start3A_598 = arith.constant 0 : i32
      %dma_start3A_599 = tpu.memref_slice %arg2[%arg0, %dma_start3A_597, %dma_start3A_598] : memref<2x10000x128xf32, #tpu.memory_space<hbm>> -> memref<1x10000x128xf32, #tpu.memory_space<hbm>>
      %dma_start3A_600 = tpu.memref_squeeze %dma_start3A_599 : memref<1x10000x128xf32, #tpu.memory_space<hbm>> -> memref<10000x128xf32, #tpu.memory_space<hbm>>
      %dma_start3A_601 = arith.constant 0 : i32
      %dma_start3A_602 = arith.constant 0 : i32
      %dma_start3A_603 = tpu.memref_slice %dma_start3A_600[%dma_start3A_601, %dma_start3A_602] : memref<10000x128xf32, #tpu.memory_space<hbm>> -> memref<10000x128xf32, #tpu.memory_space<hbm>>
      tpu.enqueue_indirect_dma source(%dma_start3A_603 : memref<10000x128xf32, #tpu.memory_space<hbm>>) target(%arg8 : memref<128x128xf32, #tpu.memory_space<vmem>>) offsets(%dma_start3A_596 : memref<128xi32, #tpu.memory_space<vmem>>) semaphore(%arg13 : memref<!tpu.dma_semaphore, #tpu.memory_space<semaphore_mem>>)
      %dma_wait3A_604 = arith.constant 1 : i32
      %dma_wait3A_605 = arith.constant 3 : i32
      %dma_wait3A_606 = arith.constant 0 : i32
      %dma_wait3A_607 = tpu.memref_slice %arg6[%dma_wait3A_604, %dma_wait3A_605, %dma_wait3A_606] : memref<2x16x128xi32, #tpu.memory_space<vmem>> -> memref<1x1x128xi32, #tpu.memory_space<vmem>>
      %dma_wait3A_608 = tpu.memref_squeeze %dma_wait3A_607 : memref<1x1x128xi32, #tpu.memory_space<vmem>> -> memref<128xi32, #tpu.memory_space<vmem>>
      %dma_wait3A_609 = arith.constant 0 : i32
      %dma_wait3A_610 = arith.constant 0 : i32
      %dma_wait3A_611 = tpu.memref_slice %arg2[%arg0, %dma_wait3A_609, %dma_wait3A_610] : memref<2x10000x128xf32, #tpu.memory_space<hbm>> -> memref<1x10000x128xf32, #tpu.memory_space<hbm>>
      %dma_wait3A_612 = tpu.memref_squeeze %dma_wait3A_611 : memref<1x10000x128xf32, #tpu.memory_space<hbm>> -> memref<10000x128xf32, #tpu.memory_space<hbm>>
      %dma_wait3A_613 = arith.constant 0 : i32
      %dma_wait3A_614 = arith.constant 0 : i32
      %dma_wait3A_615 = tpu.memref_slice %dma_wait3A_612[%dma_wait3A_613, %dma_wait3A_614] : memref<10000x128xf32, #tpu.memory_space<hbm>> -> memref<10000x128xf32, #tpu.memory_space<hbm>>
      tpu.wait_indirect_dma semaphore(%arg14 : memref<!tpu.dma_semaphore, #tpu.memory_space<semaphore_mem>>) src(%dma_wait3A_615 : memref<10000x128xf32, #tpu.memory_space<hbm>>) dst(%arg9 : memref<128x128xf32, #tpu.memory_space<vmem>>)
      %run_scoped3A_616 = arith.constant 1 : i32
      %run_scoped3A_617 = arith.constant 3 : i32
      "tpu.region"() ({
        %run_scoped3A_927 = tpu.sem_alloc : memref<!tpu.dma_semaphore, #tpu.memory_space<semaphore_mem>>
        %dma_start3A_928 = arith.constant 0 : i32
        %dma_start3A_929 = tpu.memref_slice %arg7[%run_scoped3A_616, %run_scoped3A_617, %dma_start3A_928] : memref<2x16x128xi32, #tpu.memory_space<vmem>> -> memref<1x1x128xi32, #tpu.memory_space<vmem>>
        %dma_start3A_930 = tpu.memref_squeeze %dma_start3A_929 : memref<1x1x128xi32, #tpu.memory_space<vmem>> -> memref<128xi32, #tpu.memory_space<vmem>>
        %dma_start3A_931 = arith.constant 0 : i32
        %dma_start3A_932 = arith.constant 0 : i32
        %dma_start3A_933 = tpu.memref_slice %arg10[%dma_start3A_931, %dma_start3A_932] : memref<10008x128xf32, #tpu.memory_space<vmem_shared>> -> memref<10008x128xf32, #tpu.memory_space<vmem_shared>>
        tpu.enqueue_indirect_dma source(%arg9 : memref<128x128xf32, #tpu.memory_space<vmem>>) target(%dma_start3A_933 : memref<10008x128xf32, #tpu.memory_space<vmem_shared>>) offsets(%dma_start3A_930 : memref<128xi32, #tpu.memory_space<vmem>>) semaphore(%run_scoped3A_927 : memref<!tpu.dma_semaphore, #tpu.memory_space<semaphore_mem>>) {add = true}
        %dma_wait3A_934 = arith.constant 0 : i32
        %dma_wait3A_935 = tpu.memref_slice %arg7[%run_scoped3A_616, %run_scoped3A_617, %dma_wait3A_934] : memref<2x16x128xi32, #tpu.memory_space<vmem>> -> memref<1x1x128xi32, #tpu.memory_space<vmem>>
        %dma_wait3A_936 = tpu.memref_squeeze %dma_wait3A_935 : memref<1x1x128xi32, #tpu.memory_space<vmem>> -> memref<128xi32, #tpu.memory_space<vmem>>
        %dma_wait3A_937 = arith.constant 0 : i32
        %dma_wait3A_938 = arith.constant 0 : i32
        %dma_wait3A_939 = tpu.memref_slice %arg10[%dma_wait3A_937, %dma_wait3A_938] : memref<10008x128xf32, #tpu.memory_space<vmem_shared>> -> memref<10008x128xf32, #tpu.memory_space<vmem_shared>>
        tpu.wait_indirect_dma semaphore(%run_scoped3A_927 : memref<!tpu.dma_semaphore, #tpu.memory_space<semaphore_mem>>) src(%arg9 : memref<128x128xf32, #tpu.memory_space<vmem>>) dst(%dma_wait3A_939 : memref<10008x128xf32, #tpu.memory_space<vmem_shared>>)
        tpu.yield
      }) : () -> ()
      %dma_start3A_618 = arith.constant 1 : i32
      %dma_start3A_619 = arith.constant 5 : i32
      %dma_start3A_620 = arith.constant 0 : i32
      %dma_start3A_621 = tpu.memref_slice %arg6[%dma_start3A_618, %dma_start3A_619, %dma_start3A_620] : memref<2x16x128xi32, #tpu.memory_space<vmem>> -> memref<1x1x128xi32, #tpu.memory_space<vmem>>
      %dma_start3A_622 = tpu.memref_squeeze %dma_start3A_621 : memref<1x1x128xi32, #tpu.memory_space<vmem>> -> memref<128xi32, #tpu.memory_space<vmem>>
      %dma_start3A_623 = arith.constant 0 : i32
      %dma_start3A_624 = arith.constant 0 : i32
      %dma_start3A_625 = tpu.memref_slice %arg2[%arg0, %dma_start3A_623, %dma_start3A_624] : memref<2x10000x128xf32, #tpu.memory_space<hbm>> -> memref<1x10000x128xf32, #tpu.memory_space<hbm>>
      %dma_start3A_626 = tpu.memref_squeeze %dma_start3A_625 : memref<1x10000x128xf32, #tpu.memory_space<hbm>> -> memref<10000x128xf32, #tpu.memory_space<hbm>>
      %dma_start3A_627 = arith.constant 0 : i32
      %dma_start3A_628 = arith.constant 0 : i32
      %dma_start3A_629 = tpu.memref_slice %dma_start3A_626[%dma_start3A_627, %dma_start3A_628] : memref<10000x128xf32, #tpu.memory_space<hbm>> -> memref<10000x128xf32, #tpu.memory_space<hbm>>
      tpu.enqueue_indirect_dma source(%dma_start3A_629 : memref<10000x128xf32, #tpu.memory_space<hbm>>) target(%arg9 : memref<128x128xf32, #tpu.memory_space<vmem>>) offsets(%dma_start3A_622 : memref<128xi32, #tpu.memory_space<vmem>>) semaphore(%arg14 : memref<!tpu.dma_semaphore, #tpu.memory_space<semaphore_mem>>)
      %dma_wait3A_630 = arith.constant 1 : i32
      %dma_wait3A_631 = arith.constant 4 : i32
      %dma_wait3A_632 = arith.constant 0 : i32
      %dma_wait3A_633 = tpu.memref_slice %arg6[%dma_wait3A_630, %dma_wait3A_631, %dma_wait3A_632] : memref<2x16x128xi32, #tpu.memory_space<vmem>> -> memref<1x1x128xi32, #tpu.memory_space<vmem>>
      %dma_wait3A_634 = tpu.memref_squeeze %dma_wait3A_633 : memref<1x1x128xi32, #tpu.memory_space<vmem>> -> memref<128xi32, #tpu.memory_space<vmem>>
      %dma_wait3A_635 = arith.constant 0 : i32
      %dma_wait3A_636 = arith.constant 0 : i32
      %dma_wait3A_637 = tpu.memref_slice %arg2[%arg0, %dma_wait3A_635, %dma_wait3A_636] : memref<2x10000x128xf32, #tpu.memory_space<hbm>> -> memref<1x10000x128xf32, #tpu.memory_space<hbm>>
      %dma_wait3A_638 = tpu.memref_squeeze %dma_wait3A_637 : memref<1x10000x128xf32, #tpu.memory_space<hbm>> -> memref<10000x128xf32, #tpu.memory_space<hbm>>
      %dma_wait3A_639 = arith.constant 0 : i32
      %dma_wait3A_640 = arith.constant 0 : i32
      %dma_wait3A_641 = tpu.memref_slice %dma_wait3A_638[%dma_wait3A_639, %dma_wait3A_640] : memref<10000x128xf32, #tpu.memory_space<hbm>> -> memref<10000x128xf32, #tpu.memory_space<hbm>>
      tpu.wait_indirect_dma semaphore(%arg13 : memref<!tpu.dma_semaphore, #tpu.memory_space<semaphore_mem>>) src(%dma_wait3A_641 : memref<10000x128xf32, #tpu.memory_space<hbm>>) dst(%arg8 : memref<128x128xf32, #tpu.memory_space<vmem>>)
      %run_scoped3A_642 = arith.constant 1 : i32
      %run_scoped3A_643 = arith.constant 4 : i32
      "tpu.region"() ({
        %run_scoped3A_927 = tpu.sem_alloc : memref<!tpu.dma_semaphore, #tpu.memory_space<semaphore_mem>>
        %dma_start3A_928 = arith.constant 0 : i32
        %dma_start3A_929 = tpu.memref_slice %arg7[%run_scoped3A_642, %run_scoped3A_643, %dma_start3A_928] : memref<2x16x128xi32, #tpu.memory_space<vmem>> -> memref<1x1x128xi32, #tpu.memory_space<vmem>>
        %dma_start3A_930 = tpu.memref_squeeze %dma_start3A_929 : memref<1x1x128xi32, #tpu.memory_space<vmem>> -> memref<128xi32, #tpu.memory_space<vmem>>
        %dma_start3A_931 = arith.constant 0 : i32
        %dma_start3A_932 = arith.constant 0 : i32
        %dma_start3A_933 = tpu.memref_slice %arg10[%dma_start3A_931, %dma_start3A_932] : memref<10008x128xf32, #tpu.memory_space<vmem_shared>> -> memref<10008x128xf32, #tpu.memory_space<vmem_shared>>
        tpu.enqueue_indirect_dma source(%arg8 : memref<128x128xf32, #tpu.memory_space<vmem>>) target(%dma_start3A_933 : memref<10008x128xf32, #tpu.memory_space<vmem_shared>>) offsets(%dma_start3A_930 : memref<128xi32, #tpu.memory_space<vmem>>) semaphore(%run_scoped3A_927 : memref<!tpu.dma_semaphore, #tpu.memory_space<semaphore_mem>>) {add = true}
        %dma_wait3A_934 = arith.constant 0 : i32
        %dma_wait3A_935 = tpu.memref_slice %arg7[%run_scoped3A_642, %run_scoped3A_643, %dma_wait3A_934] : memref<2x16x128xi32, #tpu.memory_space<vmem>> -> memref<1x1x128xi32, #tpu.memory_space<vmem>>
        %dma_wait3A_936 = tpu.memref_squeeze %dma_wait3A_935 : memref<1x1x128xi32, #tpu.memory_space<vmem>> -> memref<128xi32, #tpu.memory_space<vmem>>
        %dma_wait3A_937 = arith.constant 0 : i32
        %dma_wait3A_938 = arith.constant 0 : i32
        %dma_wait3A_939 = tpu.memref_slice %arg10[%dma_wait3A_937, %dma_wait3A_938] : memref<10008x128xf32, #tpu.memory_space<vmem_shared>> -> memref<10008x128xf32, #tpu.memory_space<vmem_shared>>
        tpu.wait_indirect_dma semaphore(%run_scoped3A_927 : memref<!tpu.dma_semaphore, #tpu.memory_space<semaphore_mem>>) src(%arg8 : memref<128x128xf32, #tpu.memory_space<vmem>>) dst(%dma_wait3A_939 : memref<10008x128xf32, #tpu.memory_space<vmem_shared>>)
        tpu.yield
      }) : () -> ()
      %dma_start3A_644 = arith.constant 1 : i32
      %dma_start3A_645 = arith.constant 6 : i32
      %dma_start3A_646 = arith.constant 0 : i32
      %dma_start3A_647 = tpu.memref_slice %arg6[%dma_start3A_644, %dma_start3A_645, %dma_start3A_646] : memref<2x16x128xi32, #tpu.memory_space<vmem>> -> memref<1x1x128xi32, #tpu.memory_space<vmem>>
      %dma_start3A_648 = tpu.memref_squeeze %dma_start3A_647 : memref<1x1x128xi32, #tpu.memory_space<vmem>> -> memref<128xi32, #tpu.memory_space<vmem>>
      %dma_start3A_649 = arith.constant 0 : i32
      %dma_start3A_650 = arith.constant 0 : i32
      %dma_start3A_651 = tpu.memref_slice %arg2[%arg0, %dma_start3A_649, %dma_start3A_650] : memref<2x10000x128xf32, #tpu.memory_space<hbm>> -> memref<1x10000x128xf32, #tpu.memory_space<hbm>>
      %dma_start3A_652 = tpu.memref_squeeze %dma_start3A_651 : memref<1x10000x128xf32, #tpu.memory_space<hbm>> -> memref<10000x128xf32, #tpu.memory_space<hbm>>
      %dma_start3A_653 = arith.constant 0 : i32
      %dma_start3A_654 = arith.constant 0 : i32
      %dma_start3A_655 = tpu.memref_slice %dma_start3A_652[%dma_start3A_653, %dma_start3A_654] : memref<10000x128xf32, #tpu.memory_space<hbm>> -> memref<10000x128xf32, #tpu.memory_space<hbm>>
      tpu.enqueue_indirect_dma source(%dma_start3A_655 : memref<10000x128xf32, #tpu.memory_space<hbm>>) target(%arg8 : memref<128x128xf32, #tpu.memory_space<vmem>>) offsets(%dma_start3A_648 : memref<128xi32, #tpu.memory_space<vmem>>) semaphore(%arg13 : memref<!tpu.dma_semaphore, #tpu.memory_space<semaphore_mem>>)
      %dma_wait3A_656 = arith.constant 1 : i32
      %dma_wait3A_657 = arith.constant 5 : i32
      %dma_wait3A_658 = arith.constant 0 : i32
      %dma_wait3A_659 = tpu.memref_slice %arg6[%dma_wait3A_656, %dma_wait3A_657, %dma_wait3A_658] : memref<2x16x128xi32, #tpu.memory_space<vmem>> -> memref<1x1x128xi32, #tpu.memory_space<vmem>>
      %dma_wait3A_660 = tpu.memref_squeeze %dma_wait3A_659 : memref<1x1x128xi32, #tpu.memory_space<vmem>> -> memref<128xi32, #tpu.memory_space<vmem>>
      %dma_wait3A_661 = arith.constant 0 : i32
      %dma_wait3A_662 = arith.constant 0 : i32
      %dma_wait3A_663 = tpu.memref_slice %arg2[%arg0, %dma_wait3A_661, %dma_wait3A_662] : memref<2x10000x128xf32, #tpu.memory_space<hbm>> -> memref<1x10000x128xf32, #tpu.memory_space<hbm>>
      %dma_wait3A_664 = tpu.memref_squeeze %dma_wait3A_663 : memref<1x10000x128xf32, #tpu.memory_space<hbm>> -> memref<10000x128xf32, #tpu.memory_space<hbm>>
      %dma_wait3A_665 = arith.constant 0 : i32
      %dma_wait3A_666 = arith.constant 0 : i32
      %dma_wait3A_667 = tpu.memref_slice %dma_wait3A_664[%dma_wait3A_665, %dma_wait3A_666] : memref<10000x128xf32, #tpu.memory_space<hbm>> -> memref<10000x128xf32, #tpu.memory_space<hbm>>
      tpu.wait_indirect_dma semaphore(%arg14 : memref<!tpu.dma_semaphore, #tpu.memory_space<semaphore_mem>>) src(%dma_wait3A_667 : memref<10000x128xf32, #tpu.memory_space<hbm>>) dst(%arg9 : memref<128x128xf32, #tpu.memory_space<vmem>>)
      %run_scoped3A_668 = arith.constant 1 : i32
      %run_scoped3A_669 = arith.constant 5 : i32
      "tpu.region"() ({
        %run_scoped3A_927 = tpu.sem_alloc : memref<!tpu.dma_semaphore, #tpu.memory_space<semaphore_mem>>
        %dma_start3A_928 = arith.constant 0 : i32
        %dma_start3A_929 = tpu.memref_slice %arg7[%run_scoped3A_668, %run_scoped3A_669, %dma_start3A_928] : memref<2x16x128xi32, #tpu.memory_space<vmem>> -> memref<1x1x128xi32, #tpu.memory_space<vmem>>
        %dma_start3A_930 = tpu.memref_squeeze %dma_start3A_929 : memref<1x1x128xi32, #tpu.memory_space<vmem>> -> memref<128xi32, #tpu.memory_space<vmem>>
        %dma_start3A_931 = arith.constant 0 : i32
        %dma_start3A_932 = arith.constant 0 : i32
        %dma_start3A_933 = tpu.memref_slice %arg10[%dma_start3A_931, %dma_start3A_932] : memref<10008x128xf32, #tpu.memory_space<vmem_shared>> -> memref<10008x128xf32, #tpu.memory_space<vmem_shared>>
        tpu.enqueue_indirect_dma source(%arg9 : memref<128x128xf32, #tpu.memory_space<vmem>>) target(%dma_start3A_933 : memref<10008x128xf32, #tpu.memory_space<vmem_shared>>) offsets(%dma_start3A_930 : memref<128xi32, #tpu.memory_space<vmem>>) semaphore(%run_scoped3A_927 : memref<!tpu.dma_semaphore, #tpu.memory_space<semaphore_mem>>) {add = true}
        %dma_wait3A_934 = arith.constant 0 : i32
        %dma_wait3A_935 = tpu.memref_slice %arg7[%run_scoped3A_668, %run_scoped3A_669, %dma_wait3A_934] : memref<2x16x128xi32, #tpu.memory_space<vmem>> -> memref<1x1x128xi32, #tpu.memory_space<vmem>>
        %dma_wait3A_936 = tpu.memref_squeeze %dma_wait3A_935 : memref<1x1x128xi32, #tpu.memory_space<vmem>> -> memref<128xi32, #tpu.memory_space<vmem>>
        %dma_wait3A_937 = arith.constant 0 : i32
        %dma_wait3A_938 = arith.constant 0 : i32
        %dma_wait3A_939 = tpu.memref_slice %arg10[%dma_wait3A_937, %dma_wait3A_938] : memref<10008x128xf32, #tpu.memory_space<vmem_shared>> -> memref<10008x128xf32, #tpu.memory_space<vmem_shared>>
        tpu.wait_indirect_dma semaphore(%run_scoped3A_927 : memref<!tpu.dma_semaphore, #tpu.memory_space<semaphore_mem>>) src(%arg9 : memref<128x128xf32, #tpu.memory_space<vmem>>) dst(%dma_wait3A_939 : memref<10008x128xf32, #tpu.memory_space<vmem_shared>>)
        tpu.yield
      }) : () -> ()
      %dma_start3A_670 = arith.constant 1 : i32
      %dma_start3A_671 = arith.constant 7 : i32
      %dma_start3A_672 = arith.constant 0 : i32
      %dma_start3A_673 = tpu.memref_slice %arg6[%dma_start3A_670, %dma_start3A_671, %dma_start3A_672] : memref<2x16x128xi32, #tpu.memory_space<vmem>> -> memref<1x1x128xi32, #tpu.memory_space<vmem>>
      %dma_start3A_674 = tpu.memref_squeeze %dma_start3A_673 : memref<1x1x128xi32, #tpu.memory_space<vmem>> -> memref<128xi32, #tpu.memory_space<vmem>>
      %dma_start3A_675 = arith.constant 0 : i32
      %dma_start3A_676 = arith.constant 0 : i32
      %dma_start3A_677 = tpu.memref_slice %arg2[%arg0, %dma_start3A_675, %dma_start3A_676] : memref<2x10000x128xf32, #tpu.memory_space<hbm>> -> memref<1x10000x128xf32, #tpu.memory_space<hbm>>
      %dma_start3A_678 = tpu.memref_squeeze %dma_start3A_677 : memref<1x10000x128xf32, #tpu.memory_space<hbm>> -> memref<10000x128xf32, #tpu.memory_space<hbm>>
      %dma_start3A_679 = arith.constant 0 : i32
      %dma_start3A_680 = arith.constant 0 : i32
      %dma_start3A_681 = tpu.memref_slice %dma_start3A_678[%dma_start3A_679, %dma_start3A_680] : memref<10000x128xf32, #tpu.memory_space<hbm>> -> memref<10000x128xf32, #tpu.memory_space<hbm>>
      tpu.enqueue_indirect_dma source(%dma_start3A_681 : memref<10000x128xf32, #tpu.memory_space<hbm>>) target(%arg9 : memref<128x128xf32, #tpu.memory_space<vmem>>) offsets(%dma_start3A_674 : memref<128xi32, #tpu.memory_space<vmem>>) semaphore(%arg14 : memref<!tpu.dma_semaphore, #tpu.memory_space<semaphore_mem>>)
      %dma_wait3A_682 = arith.constant 1 : i32
      %dma_wait3A_683 = arith.constant 6 : i32
      %dma_wait3A_684 = arith.constant 0 : i32
      %dma_wait3A_685 = tpu.memref_slice %arg6[%dma_wait3A_682, %dma_wait3A_683, %dma_wait3A_684] : memref<2x16x128xi32, #tpu.memory_space<vmem>> -> memref<1x1x128xi32, #tpu.memory_space<vmem>>
      %dma_wait3A_686 = tpu.memref_squeeze %dma_wait3A_685 : memref<1x1x128xi32, #tpu.memory_space<vmem>> -> memref<128xi32, #tpu.memory_space<vmem>>
      %dma_wait3A_687 = arith.constant 0 : i32
      %dma_wait3A_688 = arith.constant 0 : i32
      %dma_wait3A_689 = tpu.memref_slice %arg2[%arg0, %dma_wait3A_687, %dma_wait3A_688] : memref<2x10000x128xf32, #tpu.memory_space<hbm>> -> memref<1x10000x128xf32, #tpu.memory_space<hbm>>
      %dma_wait3A_690 = tpu.memref_squeeze %dma_wait3A_689 : memref<1x10000x128xf32, #tpu.memory_space<hbm>> -> memref<10000x128xf32, #tpu.memory_space<hbm>>
      %dma_wait3A_691 = arith.constant 0 : i32
      %dma_wait3A_692 = arith.constant 0 : i32
      %dma_wait3A_693 = tpu.memref_slice %dma_wait3A_690[%dma_wait3A_691, %dma_wait3A_692] : memref<10000x128xf32, #tpu.memory_space<hbm>> -> memref<10000x128xf32, #tpu.memory_space<hbm>>
      tpu.wait_indirect_dma semaphore(%arg13 : memref<!tpu.dma_semaphore, #tpu.memory_space<semaphore_mem>>) src(%dma_wait3A_693 : memref<10000x128xf32, #tpu.memory_space<hbm>>) dst(%arg8 : memref<128x128xf32, #tpu.memory_space<vmem>>)
      %run_scoped3A_694 = arith.constant 1 : i32
      %run_scoped3A_695 = arith.constant 6 : i32
      "tpu.region"() ({
        %run_scoped3A_927 = tpu.sem_alloc : memref<!tpu.dma_semaphore, #tpu.memory_space<semaphore_mem>>
        %dma_start3A_928 = arith.constant 0 : i32
        %dma_start3A_929 = tpu.memref_slice %arg7[%run_scoped3A_694, %run_scoped3A_695, %dma_start3A_928] : memref<2x16x128xi32, #tpu.memory_space<vmem>> -> memref<1x1x128xi32, #tpu.memory_space<vmem>>
        %dma_start3A_930 = tpu.memref_squeeze %dma_start3A_929 : memref<1x1x128xi32, #tpu.memory_space<vmem>> -> memref<128xi32, #tpu.memory_space<vmem>>
        %dma_start3A_931 = arith.constant 0 : i32
        %dma_start3A_932 = arith.constant 0 : i32
        %dma_start3A_933 = tpu.memref_slice %arg10[%dma_start3A_931, %dma_start3A_932] : memref<10008x128xf32, #tpu.memory_space<vmem_shared>> -> memref<10008x128xf32, #tpu.memory_space<vmem_shared>>
        tpu.enqueue_indirect_dma source(%arg8 : memref<128x128xf32, #tpu.memory_space<vmem>>) target(%dma_start3A_933 : memref<10008x128xf32, #tpu.memory_space<vmem_shared>>) offsets(%dma_start3A_930 : memref<128xi32, #tpu.memory_space<vmem>>) semaphore(%run_scoped3A_927 : memref<!tpu.dma_semaphore, #tpu.memory_space<semaphore_mem>>) {add = true}
        %dma_wait3A_934 = arith.constant 0 : i32
        %dma_wait3A_935 = tpu.memref_slice %arg7[%run_scoped3A_694, %run_scoped3A_695, %dma_wait3A_934] : memref<2x16x128xi32, #tpu.memory_space<vmem>> -> memref<1x1x128xi32, #tpu.memory_space<vmem>>
        %dma_wait3A_936 = tpu.memref_squeeze %dma_wait3A_935 : memref<1x1x128xi32, #tpu.memory_space<vmem>> -> memref<128xi32, #tpu.memory_space<vmem>>
        %dma_wait3A_937 = arith.constant 0 : i32
        %dma_wait3A_938 = arith.constant 0 : i32
        %dma_wait3A_939 = tpu.memref_slice %arg10[%dma_wait3A_937, %dma_wait3A_938] : memref<10008x128xf32, #tpu.memory_space<vmem_shared>> -> memref<10008x128xf32, #tpu.memory_space<vmem_shared>>
        tpu.wait_indirect_dma semaphore(%run_scoped3A_927 : memref<!tpu.dma_semaphore, #tpu.memory_space<semaphore_mem>>) src(%arg8 : memref<128x128xf32, #tpu.memory_space<vmem>>) dst(%dma_wait3A_939 : memref<10008x128xf32, #tpu.memory_space<vmem_shared>>)
        tpu.yield
      }) : () -> ()
      %dma_start3A_696 = arith.constant 1 : i32
      %dma_start3A_697 = arith.constant 8 : i32
      %dma_start3A_698 = arith.constant 0 : i32
      %dma_start3A_699 = tpu.memref_slice %arg6[%dma_start3A_696, %dma_start3A_697, %dma_start3A_698] : memref<2x16x128xi32, #tpu.memory_space<vmem>> -> memref<1x1x128xi32, #tpu.memory_space<vmem>>
      %dma_start3A_700 = tpu.memref_squeeze %dma_start3A_699 : memref<1x1x128xi32, #tpu.memory_space<vmem>> -> memref<128xi32, #tpu.memory_space<vmem>>
      %dma_start3A_701 = arith.constant 0 : i32
      %dma_start3A_702 = arith.constant 0 : i32
      %dma_start3A_703 = tpu.memref_slice %arg2[%arg0, %dma_start3A_701, %dma_start3A_702] : memref<2x10000x128xf32, #tpu.memory_space<hbm>> -> memref<1x10000x128xf32, #tpu.memory_space<hbm>>
      %dma_start3A_704 = tpu.memref_squeeze %dma_start3A_703 : memref<1x10000x128xf32, #tpu.memory_space<hbm>> -> memref<10000x128xf32, #tpu.memory_space<hbm>>
      %dma_start3A_705 = arith.constant 0 : i32
      %dma_start3A_706 = arith.constant 0 : i32
      %dma_start3A_707 = tpu.memref_slice %dma_start3A_704[%dma_start3A_705, %dma_start3A_706] : memref<10000x128xf32, #tpu.memory_space<hbm>> -> memref<10000x128xf32, #tpu.memory_space<hbm>>
      tpu.enqueue_indirect_dma source(%dma_start3A_707 : memref<10000x128xf32, #tpu.memory_space<hbm>>) target(%arg8 : memref<128x128xf32, #tpu.memory_space<vmem>>) offsets(%dma_start3A_700 : memref<128xi32, #tpu.memory_space<vmem>>) semaphore(%arg13 : memref<!tpu.dma_semaphore, #tpu.memory_space<semaphore_mem>>)
      %dma_wait3A_708 = arith.constant 1 : i32
      %dma_wait3A_709 = arith.constant 7 : i32
      %dma_wait3A_710 = arith.constant 0 : i32
      %dma_wait3A_711 = tpu.memref_slice %arg6[%dma_wait3A_708, %dma_wait3A_709, %dma_wait3A_710] : memref<2x16x128xi32, #tpu.memory_space<vmem>> -> memref<1x1x128xi32, #tpu.memory_space<vmem>>
      %dma_wait3A_712 = tpu.memref_squeeze %dma_wait3A_711 : memref<1x1x128xi32, #tpu.memory_space<vmem>> -> memref<128xi32, #tpu.memory_space<vmem>>
      %dma_wait3A_713 = arith.constant 0 : i32
      %dma_wait3A_714 = arith.constant 0 : i32
      %dma_wait3A_715 = tpu.memref_slice %arg2[%arg0, %dma_wait3A_713, %dma_wait3A_714] : memref<2x10000x128xf32, #tpu.memory_space<hbm>> -> memref<1x10000x128xf32, #tpu.memory_space<hbm>>
      %dma_wait3A_716 = tpu.memref_squeeze %dma_wait3A_715 : memref<1x10000x128xf32, #tpu.memory_space<hbm>> -> memref<10000x128xf32, #tpu.memory_space<hbm>>
      %dma_wait3A_717 = arith.constant 0 : i32
      %dma_wait3A_718 = arith.constant 0 : i32
      %dma_wait3A_719 = tpu.memref_slice %dma_wait3A_716[%dma_wait3A_717, %dma_wait3A_718] : memref<10000x128xf32, #tpu.memory_space<hbm>> -> memref<10000x128xf32, #tpu.memory_space<hbm>>
      tpu.wait_indirect_dma semaphore(%arg14 : memref<!tpu.dma_semaphore, #tpu.memory_space<semaphore_mem>>) src(%dma_wait3A_719 : memref<10000x128xf32, #tpu.memory_space<hbm>>) dst(%arg9 : memref<128x128xf32, #tpu.memory_space<vmem>>)
      %run_scoped3A_720 = arith.constant 1 : i32
      %run_scoped3A_721 = arith.constant 7 : i32
      "tpu.region"() ({
        %run_scoped3A_927 = tpu.sem_alloc : memref<!tpu.dma_semaphore, #tpu.memory_space<semaphore_mem>>
        %dma_start3A_928 = arith.constant 0 : i32
        %dma_start3A_929 = tpu.memref_slice %arg7[%run_scoped3A_720, %run_scoped3A_721, %dma_start3A_928] : memref<2x16x128xi32, #tpu.memory_space<vmem>> -> memref<1x1x128xi32, #tpu.memory_space<vmem>>
        %dma_start3A_930 = tpu.memref_squeeze %dma_start3A_929 : memref<1x1x128xi32, #tpu.memory_space<vmem>> -> memref<128xi32, #tpu.memory_space<vmem>>
        %dma_start3A_931 = arith.constant 0 : i32
        %dma_start3A_932 = arith.constant 0 : i32
        %dma_start3A_933 = tpu.memref_slice %arg10[%dma_start3A_931, %dma_start3A_932] : memref<10008x128xf32, #tpu.memory_space<vmem_shared>> -> memref<10008x128xf32, #tpu.memory_space<vmem_shared>>
        tpu.enqueue_indirect_dma source(%arg9 : memref<128x128xf32, #tpu.memory_space<vmem>>) target(%dma_start3A_933 : memref<10008x128xf32, #tpu.memory_space<vmem_shared>>) offsets(%dma_start3A_930 : memref<128xi32, #tpu.memory_space<vmem>>) semaphore(%run_scoped3A_927 : memref<!tpu.dma_semaphore, #tpu.memory_space<semaphore_mem>>) {add = true}
        %dma_wait3A_934 = arith.constant 0 : i32
        %dma_wait3A_935 = tpu.memref_slice %arg7[%run_scoped3A_720, %run_scoped3A_721, %dma_wait3A_934] : memref<2x16x128xi32, #tpu.memory_space<vmem>> -> memref<1x1x128xi32, #tpu.memory_space<vmem>>
        %dma_wait3A_936 = tpu.memref_squeeze %dma_wait3A_935 : memref<1x1x128xi32, #tpu.memory_space<vmem>> -> memref<128xi32, #tpu.memory_space<vmem>>
        %dma_wait3A_937 = arith.constant 0 : i32
        %dma_wait3A_938 = arith.constant 0 : i32
        %dma_wait3A_939 = tpu.memref_slice %arg10[%dma_wait3A_937, %dma_wait3A_938] : memref<10008x128xf32, #tpu.memory_space<vmem_shared>> -> memref<10008x128xf32, #tpu.memory_space<vmem_shared>>
        tpu.wait_indirect_dma semaphore(%run_scoped3A_927 : memref<!tpu.dma_semaphore, #tpu.memory_space<semaphore_mem>>) src(%arg9 : memref<128x128xf32, #tpu.memory_space<vmem>>) dst(%dma_wait3A_939 : memref<10008x128xf32, #tpu.memory_space<vmem_shared>>)
        tpu.yield
      }) : () -> ()
      %dma_start3A_722 = arith.constant 1 : i32
      %dma_start3A_723 = arith.constant 9 : i32
      %dma_start3A_724 = arith.constant 0 : i32
      %dma_start3A_725 = tpu.memref_slice %arg6[%dma_start3A_722, %dma_start3A_723, %dma_start3A_724] : memref<2x16x128xi32, #tpu.memory_space<vmem>> -> memref<1x1x128xi32, #tpu.memory_space<vmem>>
      %dma_start3A_726 = tpu.memref_squeeze %dma_start3A_725 : memref<1x1x128xi32, #tpu.memory_space<vmem>> -> memref<128xi32, #tpu.memory_space<vmem>>
      %dma_start3A_727 = arith.constant 0 : i32
      %dma_start3A_728 = arith.constant 0 : i32
      %dma_start3A_729 = tpu.memref_slice %arg2[%arg0, %dma_start3A_727, %dma_start3A_728] : memref<2x10000x128xf32, #tpu.memory_space<hbm>> -> memref<1x10000x128xf32, #tpu.memory_space<hbm>>
      %dma_start3A_730 = tpu.memref_squeeze %dma_start3A_729 : memref<1x10000x128xf32, #tpu.memory_space<hbm>> -> memref<10000x128xf32, #tpu.memory_space<hbm>>
      %dma_start3A_731 = arith.constant 0 : i32
      %dma_start3A_732 = arith.constant 0 : i32
      %dma_start3A_733 = tpu.memref_slice %dma_start3A_730[%dma_start3A_731, %dma_start3A_732] : memref<10000x128xf32, #tpu.memory_space<hbm>> -> memref<10000x128xf32, #tpu.memory_space<hbm>>
      tpu.enqueue_indirect_dma source(%dma_start3A_733 : memref<10000x128xf32, #tpu.memory_space<hbm>>) target(%arg9 : memref<128x128xf32, #tpu.memory_space<vmem>>) offsets(%dma_start3A_726 : memref<128xi32, #tpu.memory_space<vmem>>) semaphore(%arg14 : memref<!tpu.dma_semaphore, #tpu.memory_space<semaphore_mem>>)
      %dma_wait3A_734 = arith.constant 1 : i32
      %dma_wait3A_735 = arith.constant 8 : i32
      %dma_wait3A_736 = arith.constant 0 : i32
      %dma_wait3A_737 = tpu.memref_slice %arg6[%dma_wait3A_734, %dma_wait3A_735, %dma_wait3A_736] : memref<2x16x128xi32, #tpu.memory_space<vmem>> -> memref<1x1x128xi32, #tpu.memory_space<vmem>>
      %dma_wait3A_738 = tpu.memref_squeeze %dma_wait3A_737 : memref<1x1x128xi32, #tpu.memory_space<vmem>> -> memref<128xi32, #tpu.memory_space<vmem>>
      %dma_wait3A_739 = arith.constant 0 : i32
      %dma_wait3A_740 = arith.constant 0 : i32
      %dma_wait3A_741 = tpu.memref_slice %arg2[%arg0, %dma_wait3A_739, %dma_wait3A_740] : memref<2x10000x128xf32, #tpu.memory_space<hbm>> -> memref<1x10000x128xf32, #tpu.memory_space<hbm>>
      %dma_wait3A_742 = tpu.memref_squeeze %dma_wait3A_741 : memref<1x10000x128xf32, #tpu.memory_space<hbm>> -> memref<10000x128xf32, #tpu.memory_space<hbm>>
      %dma_wait3A_743 = arith.constant 0 : i32
      %dma_wait3A_744 = arith.constant 0 : i32
      %dma_wait3A_745 = tpu.memref_slice %dma_wait3A_742[%dma_wait3A_743, %dma_wait3A_744] : memref<10000x128xf32, #tpu.memory_space<hbm>> -> memref<10000x128xf32, #tpu.memory_space<hbm>>
      tpu.wait_indirect_dma semaphore(%arg13 : memref<!tpu.dma_semaphore, #tpu.memory_space<semaphore_mem>>) src(%dma_wait3A_745 : memref<10000x128xf32, #tpu.memory_space<hbm>>) dst(%arg8 : memref<128x128xf32, #tpu.memory_space<vmem>>)
      %run_scoped3A_746 = arith.constant 1 : i32
      %run_scoped3A_747 = arith.constant 8 : i32
      "tpu.region"() ({
        %run_scoped3A_927 = tpu.sem_alloc : memref<!tpu.dma_semaphore, #tpu.memory_space<semaphore_mem>>
        %dma_start3A_928 = arith.constant 0 : i32
        %dma_start3A_929 = tpu.memref_slice %arg7[%run_scoped3A_746, %run_scoped3A_747, %dma_start3A_928] : memref<2x16x128xi32, #tpu.memory_space<vmem>> -> memref<1x1x128xi32, #tpu.memory_space<vmem>>
        %dma_start3A_930 = tpu.memref_squeeze %dma_start3A_929 : memref<1x1x128xi32, #tpu.memory_space<vmem>> -> memref<128xi32, #tpu.memory_space<vmem>>
        %dma_start3A_931 = arith.constant 0 : i32
        %dma_start3A_932 = arith.constant 0 : i32
        %dma_start3A_933 = tpu.memref_slice %arg10[%dma_start3A_931, %dma_start3A_932] : memref<10008x128xf32, #tpu.memory_space<vmem_shared>> -> memref<10008x128xf32, #tpu.memory_space<vmem_shared>>
        tpu.enqueue_indirect_dma source(%arg8 : memref<128x128xf32, #tpu.memory_space<vmem>>) target(%dma_start3A_933 : memref<10008x128xf32, #tpu.memory_space<vmem_shared>>) offsets(%dma_start3A_930 : memref<128xi32, #tpu.memory_space<vmem>>) semaphore(%run_scoped3A_927 : memref<!tpu.dma_semaphore, #tpu.memory_space<semaphore_mem>>) {add = true}
        %dma_wait3A_934 = arith.constant 0 : i32
        %dma_wait3A_935 = tpu.memref_slice %arg7[%run_scoped3A_746, %run_scoped3A_747, %dma_wait3A_934] : memref<2x16x128xi32, #tpu.memory_space<vmem>> -> memref<1x1x128xi32, #tpu.memory_space<vmem>>
        %dma_wait3A_936 = tpu.memref_squeeze %dma_wait3A_935 : memref<1x1x128xi32, #tpu.memory_space<vmem>> -> memref<128xi32, #tpu.memory_space<vmem>>
        %dma_wait3A_937 = arith.constant 0 : i32
        %dma_wait3A_938 = arith.constant 0 : i32
        %dma_wait3A_939 = tpu.memref_slice %arg10[%dma_wait3A_937, %dma_wait3A_938] : memref<10008x128xf32, #tpu.memory_space<vmem_shared>> -> memref<10008x128xf32, #tpu.memory_space<vmem_shared>>
        tpu.wait_indirect_dma semaphore(%run_scoped3A_927 : memref<!tpu.dma_semaphore, #tpu.memory_space<semaphore_mem>>) src(%arg8 : memref<128x128xf32, #tpu.memory_space<vmem>>) dst(%dma_wait3A_939 : memref<10008x128xf32, #tpu.memory_space<vmem_shared>>)
        tpu.yield
      }) : () -> ()
      %dma_start3A_748 = arith.constant 1 : i32
      %dma_start3A_749 = arith.constant 10 : i32
      %dma_start3A_750 = arith.constant 0 : i32
      %dma_start3A_751 = tpu.memref_slice %arg6[%dma_start3A_748, %dma_start3A_749, %dma_start3A_750] : memref<2x16x128xi32, #tpu.memory_space<vmem>> -> memref<1x1x128xi32, #tpu.memory_space<vmem>>
      %dma_start3A_752 = tpu.memref_squeeze %dma_start3A_751 : memref<1x1x128xi32, #tpu.memory_space<vmem>> -> memref<128xi32, #tpu.memory_space<vmem>>
      %dma_start3A_753 = arith.constant 0 : i32
      %dma_start3A_754 = arith.constant 0 : i32
      %dma_start3A_755 = tpu.memref_slice %arg2[%arg0, %dma_start3A_753, %dma_start3A_754] : memref<2x10000x128xf32, #tpu.memory_space<hbm>> -> memref<1x10000x128xf32, #tpu.memory_space<hbm>>
      %dma_start3A_756 = tpu.memref_squeeze %dma_start3A_755 : memref<1x10000x128xf32, #tpu.memory_space<hbm>> -> memref<10000x128xf32, #tpu.memory_space<hbm>>
      %dma_start3A_757 = arith.constant 0 : i32
      %dma_start3A_758 = arith.constant 0 : i32
      %dma_start3A_759 = tpu.memref_slice %dma_start3A_756[%dma_start3A_757, %dma_start3A_758] : memref<10000x128xf32, #tpu.memory_space<hbm>> -> memref<10000x128xf32, #tpu.memory_space<hbm>>
      tpu.enqueue_indirect_dma source(%dma_start3A_759 : memref<10000x128xf32, #tpu.memory_space<hbm>>) target(%arg8 : memref<128x128xf32, #tpu.memory_space<vmem>>) offsets(%dma_start3A_752 : memref<128xi32, #tpu.memory_space<vmem>>) semaphore(%arg13 : memref<!tpu.dma_semaphore, #tpu.memory_space<semaphore_mem>>)
      %dma_wait3A_760 = arith.constant 1 : i32
      %dma_wait3A_761 = arith.constant 9 : i32
      %dma_wait3A_762 = arith.constant 0 : i32
      %dma_wait3A_763 = tpu.memref_slice %arg6[%dma_wait3A_760, %dma_wait3A_761, %dma_wait3A_762] : memref<2x16x128xi32, #tpu.memory_space<vmem>> -> memref<1x1x128xi32, #tpu.memory_space<vmem>>
      %dma_wait3A_764 = tpu.memref_squeeze %dma_wait3A_763 : memref<1x1x128xi32, #tpu.memory_space<vmem>> -> memref<128xi32, #tpu.memory_space<vmem>>
      %dma_wait3A_765 = arith.constant 0 : i32
      %dma_wait3A_766 = arith.constant 0 : i32
      %dma_wait3A_767 = tpu.memref_slice %arg2[%arg0, %dma_wait3A_765, %dma_wait3A_766] : memref<2x10000x128xf32, #tpu.memory_space<hbm>> -> memref<1x10000x128xf32, #tpu.memory_space<hbm>>
      %dma_wait3A_768 = tpu.memref_squeeze %dma_wait3A_767 : memref<1x10000x128xf32, #tpu.memory_space<hbm>> -> memref<10000x128xf32, #tpu.memory_space<hbm>>
      %dma_wait3A_769 = arith.constant 0 : i32
      %dma_wait3A_770 = arith.constant 0 : i32
      %dma_wait3A_771 = tpu.memref_slice %dma_wait3A_768[%dma_wait3A_769, %dma_wait3A_770] : memref<10000x128xf32, #tpu.memory_space<hbm>> -> memref<10000x128xf32, #tpu.memory_space<hbm>>
      tpu.wait_indirect_dma semaphore(%arg14 : memref<!tpu.dma_semaphore, #tpu.memory_space<semaphore_mem>>) src(%dma_wait3A_771 : memref<10000x128xf32, #tpu.memory_space<hbm>>) dst(%arg9 : memref<128x128xf32, #tpu.memory_space<vmem>>)
      %run_scoped3A_772 = arith.constant 1 : i32
      %run_scoped3A_773 = arith.constant 9 : i32
      "tpu.region"() ({
        %run_scoped3A_927 = tpu.sem_alloc : memref<!tpu.dma_semaphore, #tpu.memory_space<semaphore_mem>>
        %dma_start3A_928 = arith.constant 0 : i32
        %dma_start3A_929 = tpu.memref_slice %arg7[%run_scoped3A_772, %run_scoped3A_773, %dma_start3A_928] : memref<2x16x128xi32, #tpu.memory_space<vmem>> -> memref<1x1x128xi32, #tpu.memory_space<vmem>>
        %dma_start3A_930 = tpu.memref_squeeze %dma_start3A_929 : memref<1x1x128xi32, #tpu.memory_space<vmem>> -> memref<128xi32, #tpu.memory_space<vmem>>
        %dma_start3A_931 = arith.constant 0 : i32
        %dma_start3A_932 = arith.constant 0 : i32
        %dma_start3A_933 = tpu.memref_slice %arg10[%dma_start3A_931, %dma_start3A_932] : memref<10008x128xf32, #tpu.memory_space<vmem_shared>> -> memref<10008x128xf32, #tpu.memory_space<vmem_shared>>
        tpu.enqueue_indirect_dma source(%arg9 : memref<128x128xf32, #tpu.memory_space<vmem>>) target(%dma_start3A_933 : memref<10008x128xf32, #tpu.memory_space<vmem_shared>>) offsets(%dma_start3A_930 : memref<128xi32, #tpu.memory_space<vmem>>) semaphore(%run_scoped3A_927 : memref<!tpu.dma_semaphore, #tpu.memory_space<semaphore_mem>>) {add = true}
        %dma_wait3A_934 = arith.constant 0 : i32
        %dma_wait3A_935 = tpu.memref_slice %arg7[%run_scoped3A_772, %run_scoped3A_773, %dma_wait3A_934] : memref<2x16x128xi32, #tpu.memory_space<vmem>> -> memref<1x1x128xi32, #tpu.memory_space<vmem>>
        %dma_wait3A_936 = tpu.memref_squeeze %dma_wait3A_935 : memref<1x1x128xi32, #tpu.memory_space<vmem>> -> memref<128xi32, #tpu.memory_space<vmem>>
        %dma_wait3A_937 = arith.constant 0 : i32
        %dma_wait3A_938 = arith.constant 0 : i32
        %dma_wait3A_939 = tpu.memref_slice %arg10[%dma_wait3A_937, %dma_wait3A_938] : memref<10008x128xf32, #tpu.memory_space<vmem_shared>> -> memref<10008x128xf32, #tpu.memory_space<vmem_shared>>
        tpu.wait_indirect_dma semaphore(%run_scoped3A_927 : memref<!tpu.dma_semaphore, #tpu.memory_space<semaphore_mem>>) src(%arg9 : memref<128x128xf32, #tpu.memory_space<vmem>>) dst(%dma_wait3A_939 : memref<10008x128xf32, #tpu.memory_space<vmem_shared>>)
        tpu.yield
      }) : () -> ()
      %dma_start3A_774 = arith.constant 1 : i32
      %dma_start3A_775 = arith.constant 11 : i32
      %dma_start3A_776 = arith.constant 0 : i32
      %dma_start3A_777 = tpu.memref_slice %arg6[%dma_start3A_774, %dma_start3A_775, %dma_start3A_776] : memref<2x16x128xi32, #tpu.memory_space<vmem>> -> memref<1x1x128xi32, #tpu.memory_space<vmem>>
      %dma_start3A_778 = tpu.memref_squeeze %dma_start3A_777 : memref<1x1x128xi32, #tpu.memory_space<vmem>> -> memref<128xi32, #tpu.memory_space<vmem>>
      %dma_start3A_779 = arith.constant 0 : i32
      %dma_start3A_780 = arith.constant 0 : i32
      %dma_start3A_781 = tpu.memref_slice %arg2[%arg0, %dma_start3A_779, %dma_start3A_780] : memref<2x10000x128xf32, #tpu.memory_space<hbm>> -> memref<1x10000x128xf32, #tpu.memory_space<hbm>>
      %dma_start3A_782 = tpu.memref_squeeze %dma_start3A_781 : memref<1x10000x128xf32, #tpu.memory_space<hbm>> -> memref<10000x128xf32, #tpu.memory_space<hbm>>
      %dma_start3A_783 = arith.constant 0 : i32
      %dma_start3A_784 = arith.constant 0 : i32
      %dma_start3A_785 = tpu.memref_slice %dma_start3A_782[%dma_start3A_783, %dma_start3A_784] : memref<10000x128xf32, #tpu.memory_space<hbm>> -> memref<10000x128xf32, #tpu.memory_space<hbm>>
      tpu.enqueue_indirect_dma source(%dma_start3A_785 : memref<10000x128xf32, #tpu.memory_space<hbm>>) target(%arg9 : memref<128x128xf32, #tpu.memory_space<vmem>>) offsets(%dma_start3A_778 : memref<128xi32, #tpu.memory_space<vmem>>) semaphore(%arg14 : memref<!tpu.dma_semaphore, #tpu.memory_space<semaphore_mem>>)
      %dma_wait3A_786 = arith.constant 1 : i32
      %dma_wait3A_787 = arith.constant 10 : i32
      %dma_wait3A_788 = arith.constant 0 : i32
      %dma_wait3A_789 = tpu.memref_slice %arg6[%dma_wait3A_786, %dma_wait3A_787, %dma_wait3A_788] : memref<2x16x128xi32, #tpu.memory_space<vmem>> -> memref<1x1x128xi32, #tpu.memory_space<vmem>>
      %dma_wait3A_790 = tpu.memref_squeeze %dma_wait3A_789 : memref<1x1x128xi32, #tpu.memory_space<vmem>> -> memref<128xi32, #tpu.memory_space<vmem>>
      %dma_wait3A_791 = arith.constant 0 : i32
      %dma_wait3A_792 = arith.constant 0 : i32
      %dma_wait3A_793 = tpu.memref_slice %arg2[%arg0, %dma_wait3A_791, %dma_wait3A_792] : memref<2x10000x128xf32, #tpu.memory_space<hbm>> -> memref<1x10000x128xf32, #tpu.memory_space<hbm>>
      %dma_wait3A_794 = tpu.memref_squeeze %dma_wait3A_793 : memref<1x10000x128xf32, #tpu.memory_space<hbm>> -> memref<10000x128xf32, #tpu.memory_space<hbm>>
      %dma_wait3A_795 = arith.constant 0 : i32
      %dma_wait3A_796 = arith.constant 0 : i32
      %dma_wait3A_797 = tpu.memref_slice %dma_wait3A_794[%dma_wait3A_795, %dma_wait3A_796] : memref<10000x128xf32, #tpu.memory_space<hbm>> -> memref<10000x128xf32, #tpu.memory_space<hbm>>
      tpu.wait_indirect_dma semaphore(%arg13 : memref<!tpu.dma_semaphore, #tpu.memory_space<semaphore_mem>>) src(%dma_wait3A_797 : memref<10000x128xf32, #tpu.memory_space<hbm>>) dst(%arg8 : memref<128x128xf32, #tpu.memory_space<vmem>>)
      %run_scoped3A_798 = arith.constant 1 : i32
      %run_scoped3A_799 = arith.constant 10 : i32
      "tpu.region"() ({
        %run_scoped3A_927 = tpu.sem_alloc : memref<!tpu.dma_semaphore, #tpu.memory_space<semaphore_mem>>
        %dma_start3A_928 = arith.constant 0 : i32
        %dma_start3A_929 = tpu.memref_slice %arg7[%run_scoped3A_798, %run_scoped3A_799, %dma_start3A_928] : memref<2x16x128xi32, #tpu.memory_space<vmem>> -> memref<1x1x128xi32, #tpu.memory_space<vmem>>
        %dma_start3A_930 = tpu.memref_squeeze %dma_start3A_929 : memref<1x1x128xi32, #tpu.memory_space<vmem>> -> memref<128xi32, #tpu.memory_space<vmem>>
        %dma_start3A_931 = arith.constant 0 : i32
        %dma_start3A_932 = arith.constant 0 : i32
        %dma_start3A_933 = tpu.memref_slice %arg10[%dma_start3A_931, %dma_start3A_932] : memref<10008x128xf32, #tpu.memory_space<vmem_shared>> -> memref<10008x128xf32, #tpu.memory_space<vmem_shared>>
        tpu.enqueue_indirect_dma source(%arg8 : memref<128x128xf32, #tpu.memory_space<vmem>>) target(%dma_start3A_933 : memref<10008x128xf32, #tpu.memory_space<vmem_shared>>) offsets(%dma_start3A_930 : memref<128xi32, #tpu.memory_space<vmem>>) semaphore(%run_scoped3A_927 : memref<!tpu.dma_semaphore, #tpu.memory_space<semaphore_mem>>) {add = true}
        %dma_wait3A_934 = arith.constant 0 : i32
        %dma_wait3A_935 = tpu.memref_slice %arg7[%run_scoped3A_798, %run_scoped3A_799, %dma_wait3A_934] : memref<2x16x128xi32, #tpu.memory_space<vmem>> -> memref<1x1x128xi32, #tpu.memory_space<vmem>>
        %dma_wait3A_936 = tpu.memref_squeeze %dma_wait3A_935 : memref<1x1x128xi32, #tpu.memory_space<vmem>> -> memref<128xi32, #tpu.memory_space<vmem>>
        %dma_wait3A_937 = arith.constant 0 : i32
        %dma_wait3A_938 = arith.constant 0 : i32
        %dma_wait3A_939 = tpu.memref_slice %arg10[%dma_wait3A_937, %dma_wait3A_938] : memref<10008x128xf32, #tpu.memory_space<vmem_shared>> -> memref<10008x128xf32, #tpu.memory_space<vmem_shared>>
        tpu.wait_indirect_dma semaphore(%run_scoped3A_927 : memref<!tpu.dma_semaphore, #tpu.memory_space<semaphore_mem>>) src(%arg8 : memref<128x128xf32, #tpu.memory_space<vmem>>) dst(%dma_wait3A_939 : memref<10008x128xf32, #tpu.memory_space<vmem_shared>>)
        tpu.yield
      }) : () -> ()
      %dma_start3A_800 = arith.constant 1 : i32
      %dma_start3A_801 = arith.constant 12 : i32
      %dma_start3A_802 = arith.constant 0 : i32
      %dma_start3A_803 = tpu.memref_slice %arg6[%dma_start3A_800, %dma_start3A_801, %dma_start3A_802] : memref<2x16x128xi32, #tpu.memory_space<vmem>> -> memref<1x1x128xi32, #tpu.memory_space<vmem>>
      %dma_start3A_804 = tpu.memref_squeeze %dma_start3A_803 : memref<1x1x128xi32, #tpu.memory_space<vmem>> -> memref<128xi32, #tpu.memory_space<vmem>>
      %dma_start3A_805 = arith.constant 0 : i32
      %dma_start3A_806 = arith.constant 0 : i32
      %dma_start3A_807 = tpu.memref_slice %arg2[%arg0, %dma_start3A_805, %dma_start3A_806] : memref<2x10000x128xf32, #tpu.memory_space<hbm>> -> memref<1x10000x128xf32, #tpu.memory_space<hbm>>
      %dma_start3A_808 = tpu.memref_squeeze %dma_start3A_807 : memref<1x10000x128xf32, #tpu.memory_space<hbm>> -> memref<10000x128xf32, #tpu.memory_space<hbm>>
      %dma_start3A_809 = arith.constant 0 : i32
      %dma_start3A_810 = arith.constant 0 : i32
      %dma_start3A_811 = tpu.memref_slice %dma_start3A_808[%dma_start3A_809, %dma_start3A_810] : memref<10000x128xf32, #tpu.memory_space<hbm>> -> memref<10000x128xf32, #tpu.memory_space<hbm>>
      tpu.enqueue_indirect_dma source(%dma_start3A_811 : memref<10000x128xf32, #tpu.memory_space<hbm>>) target(%arg8 : memref<128x128xf32, #tpu.memory_space<vmem>>) offsets(%dma_start3A_804 : memref<128xi32, #tpu.memory_space<vmem>>) semaphore(%arg13 : memref<!tpu.dma_semaphore, #tpu.memory_space<semaphore_mem>>)
      %dma_wait3A_812 = arith.constant 1 : i32
      %dma_wait3A_813 = arith.constant 11 : i32
      %dma_wait3A_814 = arith.constant 0 : i32
      %dma_wait3A_815 = tpu.memref_slice %arg6[%dma_wait3A_812, %dma_wait3A_813, %dma_wait3A_814] : memref<2x16x128xi32, #tpu.memory_space<vmem>> -> memref<1x1x128xi32, #tpu.memory_space<vmem>>
      %dma_wait3A_816 = tpu.memref_squeeze %dma_wait3A_815 : memref<1x1x128xi32, #tpu.memory_space<vmem>> -> memref<128xi32, #tpu.memory_space<vmem>>
      %dma_wait3A_817 = arith.constant 0 : i32
      %dma_wait3A_818 = arith.constant 0 : i32
      %dma_wait3A_819 = tpu.memref_slice %arg2[%arg0, %dma_wait3A_817, %dma_wait3A_818] : memref<2x10000x128xf32, #tpu.memory_space<hbm>> -> memref<1x10000x128xf32, #tpu.memory_space<hbm>>
      %dma_wait3A_820 = tpu.memref_squeeze %dma_wait3A_819 : memref<1x10000x128xf32, #tpu.memory_space<hbm>> -> memref<10000x128xf32, #tpu.memory_space<hbm>>
      %dma_wait3A_821 = arith.constant 0 : i32
      %dma_wait3A_822 = arith.constant 0 : i32
      %dma_wait3A_823 = tpu.memref_slice %dma_wait3A_820[%dma_wait3A_821, %dma_wait3A_822] : memref<10000x128xf32, #tpu.memory_space<hbm>> -> memref<10000x128xf32, #tpu.memory_space<hbm>>
      tpu.wait_indirect_dma semaphore(%arg14 : memref<!tpu.dma_semaphore, #tpu.memory_space<semaphore_mem>>) src(%dma_wait3A_823 : memref<10000x128xf32, #tpu.memory_space<hbm>>) dst(%arg9 : memref<128x128xf32, #tpu.memory_space<vmem>>)
      %run_scoped3A_824 = arith.constant 1 : i32
      %run_scoped3A_825 = arith.constant 11 : i32
      "tpu.region"() ({
        %run_scoped3A_927 = tpu.sem_alloc : memref<!tpu.dma_semaphore, #tpu.memory_space<semaphore_mem>>
        %dma_start3A_928 = arith.constant 0 : i32
        %dma_start3A_929 = tpu.memref_slice %arg7[%run_scoped3A_824, %run_scoped3A_825, %dma_start3A_928] : memref<2x16x128xi32, #tpu.memory_space<vmem>> -> memref<1x1x128xi32, #tpu.memory_space<vmem>>
        %dma_start3A_930 = tpu.memref_squeeze %dma_start3A_929 : memref<1x1x128xi32, #tpu.memory_space<vmem>> -> memref<128xi32, #tpu.memory_space<vmem>>
        %dma_start3A_931 = arith.constant 0 : i32
        %dma_start3A_932 = arith.constant 0 : i32
        %dma_start3A_933 = tpu.memref_slice %arg10[%dma_start3A_931, %dma_start3A_932] : memref<10008x128xf32, #tpu.memory_space<vmem_shared>> -> memref<10008x128xf32, #tpu.memory_space<vmem_shared>>
        tpu.enqueue_indirect_dma source(%arg9 : memref<128x128xf32, #tpu.memory_space<vmem>>) target(%dma_start3A_933 : memref<10008x128xf32, #tpu.memory_space<vmem_shared>>) offsets(%dma_start3A_930 : memref<128xi32, #tpu.memory_space<vmem>>) semaphore(%run_scoped3A_927 : memref<!tpu.dma_semaphore, #tpu.memory_space<semaphore_mem>>) {add = true}
        %dma_wait3A_934 = arith.constant 0 : i32
        %dma_wait3A_935 = tpu.memref_slice %arg7[%run_scoped3A_824, %run_scoped3A_825, %dma_wait3A_934] : memref<2x16x128xi32, #tpu.memory_space<vmem>> -> memref<1x1x128xi32, #tpu.memory_space<vmem>>
        %dma_wait3A_936 = tpu.memref_squeeze %dma_wait3A_935 : memref<1x1x128xi32, #tpu.memory_space<vmem>> -> memref<128xi32, #tpu.memory_space<vmem>>
        %dma_wait3A_937 = arith.constant 0 : i32
        %dma_wait3A_938 = arith.constant 0 : i32
        %dma_wait3A_939 = tpu.memref_slice %arg10[%dma_wait3A_937, %dma_wait3A_938] : memref<10008x128xf32, #tpu.memory_space<vmem_shared>> -> memref<10008x128xf32, #tpu.memory_space<vmem_shared>>
        tpu.wait_indirect_dma semaphore(%run_scoped3A_927 : memref<!tpu.dma_semaphore, #tpu.memory_space<semaphore_mem>>) src(%arg9 : memref<128x128xf32, #tpu.memory_space<vmem>>) dst(%dma_wait3A_939 : memref<10008x128xf32, #tpu.memory_space<vmem_shared>>)
        tpu.yield
      }) : () -> ()
      %dma_start3A_826 = arith.constant 1 : i32
      %dma_start3A_827 = arith.constant 13 : i32
      %dma_start3A_828 = arith.constant 0 : i32
      %dma_start3A_829 = tpu.memref_slice %arg6[%dma_start3A_826, %dma_start3A_827, %dma_start3A_828] : memref<2x16x128xi32, #tpu.memory_space<vmem>> -> memref<1x1x128xi32, #tpu.memory_space<vmem>>
      %dma_start3A_830 = tpu.memref_squeeze %dma_start3A_829 : memref<1x1x128xi32, #tpu.memory_space<vmem>> -> memref<128xi32, #tpu.memory_space<vmem>>
      %dma_start3A_831 = arith.constant 0 : i32
      %dma_start3A_832 = arith.constant 0 : i32
      %dma_start3A_833 = tpu.memref_slice %arg2[%arg0, %dma_start3A_831, %dma_start3A_832] : memref<2x10000x128xf32, #tpu.memory_space<hbm>> -> memref<1x10000x128xf32, #tpu.memory_space<hbm>>
      %dma_start3A_834 = tpu.memref_squeeze %dma_start3A_833 : memref<1x10000x128xf32, #tpu.memory_space<hbm>> -> memref<10000x128xf32, #tpu.memory_space<hbm>>
      %dma_start3A_835 = arith.constant 0 : i32
      %dma_start3A_836 = arith.constant 0 : i32
      %dma_start3A_837 = tpu.memref_slice %dma_start3A_834[%dma_start3A_835, %dma_start3A_836] : memref<10000x128xf32, #tpu.memory_space<hbm>> -> memref<10000x128xf32, #tpu.memory_space<hbm>>
      tpu.enqueue_indirect_dma source(%dma_start3A_837 : memref<10000x128xf32, #tpu.memory_space<hbm>>) target(%arg9 : memref<128x128xf32, #tpu.memory_space<vmem>>) offsets(%dma_start3A_830 : memref<128xi32, #tpu.memory_space<vmem>>) semaphore(%arg14 : memref<!tpu.dma_semaphore, #tpu.memory_space<semaphore_mem>>)
      %dma_wait3A_838 = arith.constant 1 : i32
      %dma_wait3A_839 = arith.constant 12 : i32
      %dma_wait3A_840 = arith.constant 0 : i32
      %dma_wait3A_841 = tpu.memref_slice %arg6[%dma_wait3A_838, %dma_wait3A_839, %dma_wait3A_840] : memref<2x16x128xi32, #tpu.memory_space<vmem>> -> memref<1x1x128xi32, #tpu.memory_space<vmem>>
      %dma_wait3A_842 = tpu.memref_squeeze %dma_wait3A_841 : memref<1x1x128xi32, #tpu.memory_space<vmem>> -> memref<128xi32, #tpu.memory_space<vmem>>
      %dma_wait3A_843 = arith.constant 0 : i32
      %dma_wait3A_844 = arith.constant 0 : i32
      %dma_wait3A_845 = tpu.memref_slice %arg2[%arg0, %dma_wait3A_843, %dma_wait3A_844] : memref<2x10000x128xf32, #tpu.memory_space<hbm>> -> memref<1x10000x128xf32, #tpu.memory_space<hbm>>
      %dma_wait3A_846 = tpu.memref_squeeze %dma_wait3A_845 : memref<1x10000x128xf32, #tpu.memory_space<hbm>> -> memref<10000x128xf32, #tpu.memory_space<hbm>>
      %dma_wait3A_847 = arith.constant 0 : i32
      %dma_wait3A_848 = arith.constant 0 : i32
      %dma_wait3A_849 = tpu.memref_slice %dma_wait3A_846[%dma_wait3A_847, %dma_wait3A_848] : memref<10000x128xf32, #tpu.memory_space<hbm>> -> memref<10000x128xf32, #tpu.memory_space<hbm>>
      tpu.wait_indirect_dma semaphore(%arg13 : memref<!tpu.dma_semaphore, #tpu.memory_space<semaphore_mem>>) src(%dma_wait3A_849 : memref<10000x128xf32, #tpu.memory_space<hbm>>) dst(%arg8 : memref<128x128xf32, #tpu.memory_space<vmem>>)
      %run_scoped3A_850 = arith.constant 1 : i32
      %run_scoped3A_851 = arith.constant 12 : i32
      "tpu.region"() ({
        %run_scoped3A_927 = tpu.sem_alloc : memref<!tpu.dma_semaphore, #tpu.memory_space<semaphore_mem>>
        %dma_start3A_928 = arith.constant 0 : i32
        %dma_start3A_929 = tpu.memref_slice %arg7[%run_scoped3A_850, %run_scoped3A_851, %dma_start3A_928] : memref<2x16x128xi32, #tpu.memory_space<vmem>> -> memref<1x1x128xi32, #tpu.memory_space<vmem>>
        %dma_start3A_930 = tpu.memref_squeeze %dma_start3A_929 : memref<1x1x128xi32, #tpu.memory_space<vmem>> -> memref<128xi32, #tpu.memory_space<vmem>>
        %dma_start3A_931 = arith.constant 0 : i32
        %dma_start3A_932 = arith.constant 0 : i32
        %dma_start3A_933 = tpu.memref_slice %arg10[%dma_start3A_931, %dma_start3A_932] : memref<10008x128xf32, #tpu.memory_space<vmem_shared>> -> memref<10008x128xf32, #tpu.memory_space<vmem_shared>>
        tpu.enqueue_indirect_dma source(%arg8 : memref<128x128xf32, #tpu.memory_space<vmem>>) target(%dma_start3A_933 : memref<10008x128xf32, #tpu.memory_space<vmem_shared>>) offsets(%dma_start3A_930 : memref<128xi32, #tpu.memory_space<vmem>>) semaphore(%run_scoped3A_927 : memref<!tpu.dma_semaphore, #tpu.memory_space<semaphore_mem>>) {add = true}
        %dma_wait3A_934 = arith.constant 0 : i32
        %dma_wait3A_935 = tpu.memref_slice %arg7[%run_scoped3A_850, %run_scoped3A_851, %dma_wait3A_934] : memref<2x16x128xi32, #tpu.memory_space<vmem>> -> memref<1x1x128xi32, #tpu.memory_space<vmem>>
        %dma_wait3A_936 = tpu.memref_squeeze %dma_wait3A_935 : memref<1x1x128xi32, #tpu.memory_space<vmem>> -> memref<128xi32, #tpu.memory_space<vmem>>
        %dma_wait3A_937 = arith.constant 0 : i32
        %dma_wait3A_938 = arith.constant 0 : i32
        %dma_wait3A_939 = tpu.memref_slice %arg10[%dma_wait3A_937, %dma_wait3A_938] : memref<10008x128xf32, #tpu.memory_space<vmem_shared>> -> memref<10008x128xf32, #tpu.memory_space<vmem_shared>>
        tpu.wait_indirect_dma semaphore(%run_scoped3A_927 : memref<!tpu.dma_semaphore, #tpu.memory_space<semaphore_mem>>) src(%arg8 : memref<128x128xf32, #tpu.memory_space<vmem>>) dst(%dma_wait3A_939 : memref<10008x128xf32, #tpu.memory_space<vmem_shared>>)
        tpu.yield
      }) : () -> ()
      %dma_start3A_852 = arith.constant 1 : i32
      %dma_start3A_853 = arith.constant 14 : i32
      %dma_start3A_854 = arith.constant 0 : i32
      %dma_start3A_855 = tpu.memref_slice %arg6[%dma_start3A_852, %dma_start3A_853, %dma_start3A_854] : memref<2x16x128xi32, #tpu.memory_space<vmem>> -> memref<1x1x128xi32, #tpu.memory_space<vmem>>
      %dma_start3A_856 = tpu.memref_squeeze %dma_start3A_855 : memref<1x1x128xi32, #tpu.memory_space<vmem>> -> memref<128xi32, #tpu.memory_space<vmem>>
      %dma_start3A_857 = arith.constant 0 : i32
      %dma_start3A_858 = arith.constant 0 : i32
      %dma_start3A_859 = tpu.memref_slice %arg2[%arg0, %dma_start3A_857, %dma_start3A_858] : memref<2x10000x128xf32, #tpu.memory_space<hbm>> -> memref<1x10000x128xf32, #tpu.memory_space<hbm>>
      %dma_start3A_860 = tpu.memref_squeeze %dma_start3A_859 : memref<1x10000x128xf32, #tpu.memory_space<hbm>> -> memref<10000x128xf32, #tpu.memory_space<hbm>>
      %dma_start3A_861 = arith.constant 0 : i32
      %dma_start3A_862 = arith.constant 0 : i32
      %dma_start3A_863 = tpu.memref_slice %dma_start3A_860[%dma_start3A_861, %dma_start3A_862] : memref<10000x128xf32, #tpu.memory_space<hbm>> -> memref<10000x128xf32, #tpu.memory_space<hbm>>
      tpu.enqueue_indirect_dma source(%dma_start3A_863 : memref<10000x128xf32, #tpu.memory_space<hbm>>) target(%arg8 : memref<128x128xf32, #tpu.memory_space<vmem>>) offsets(%dma_start3A_856 : memref<128xi32, #tpu.memory_space<vmem>>) semaphore(%arg13 : memref<!tpu.dma_semaphore, #tpu.memory_space<semaphore_mem>>)
      %dma_wait3A_864 = arith.constant 1 : i32
      %dma_wait3A_865 = arith.constant 13 : i32
      %dma_wait3A_866 = arith.constant 0 : i32
      %dma_wait3A_867 = tpu.memref_slice %arg6[%dma_wait3A_864, %dma_wait3A_865, %dma_wait3A_866] : memref<2x16x128xi32, #tpu.memory_space<vmem>> -> memref<1x1x128xi32, #tpu.memory_space<vmem>>
      %dma_wait3A_868 = tpu.memref_squeeze %dma_wait3A_867 : memref<1x1x128xi32, #tpu.memory_space<vmem>> -> memref<128xi32, #tpu.memory_space<vmem>>
      %dma_wait3A_869 = arith.constant 0 : i32
      %dma_wait3A_870 = arith.constant 0 : i32
      %dma_wait3A_871 = tpu.memref_slice %arg2[%arg0, %dma_wait3A_869, %dma_wait3A_870] : memref<2x10000x128xf32, #tpu.memory_space<hbm>> -> memref<1x10000x128xf32, #tpu.memory_space<hbm>>
      %dma_wait3A_872 = tpu.memref_squeeze %dma_wait3A_871 : memref<1x10000x128xf32, #tpu.memory_space<hbm>> -> memref<10000x128xf32, #tpu.memory_space<hbm>>
      %dma_wait3A_873 = arith.constant 0 : i32
      %dma_wait3A_874 = arith.constant 0 : i32
      %dma_wait3A_875 = tpu.memref_slice %dma_wait3A_872[%dma_wait3A_873, %dma_wait3A_874] : memref<10000x128xf32, #tpu.memory_space<hbm>> -> memref<10000x128xf32, #tpu.memory_space<hbm>>
      tpu.wait_indirect_dma semaphore(%arg14 : memref<!tpu.dma_semaphore, #tpu.memory_space<semaphore_mem>>) src(%dma_wait3A_875 : memref<10000x128xf32, #tpu.memory_space<hbm>>) dst(%arg9 : memref<128x128xf32, #tpu.memory_space<vmem>>)
      %run_scoped3A_876 = arith.constant 1 : i32
      %run_scoped3A_877 = arith.constant 13 : i32
      "tpu.region"() ({
        %run_scoped3A_927 = tpu.sem_alloc : memref<!tpu.dma_semaphore, #tpu.memory_space<semaphore_mem>>
        %dma_start3A_928 = arith.constant 0 : i32
        %dma_start3A_929 = tpu.memref_slice %arg7[%run_scoped3A_876, %run_scoped3A_877, %dma_start3A_928] : memref<2x16x128xi32, #tpu.memory_space<vmem>> -> memref<1x1x128xi32, #tpu.memory_space<vmem>>
        %dma_start3A_930 = tpu.memref_squeeze %dma_start3A_929 : memref<1x1x128xi32, #tpu.memory_space<vmem>> -> memref<128xi32, #tpu.memory_space<vmem>>
        %dma_start3A_931 = arith.constant 0 : i32
        %dma_start3A_932 = arith.constant 0 : i32
        %dma_start3A_933 = tpu.memref_slice %arg10[%dma_start3A_931, %dma_start3A_932] : memref<10008x128xf32, #tpu.memory_space<vmem_shared>> -> memref<10008x128xf32, #tpu.memory_space<vmem_shared>>
        tpu.enqueue_indirect_dma source(%arg9 : memref<128x128xf32, #tpu.memory_space<vmem>>) target(%dma_start3A_933 : memref<10008x128xf32, #tpu.memory_space<vmem_shared>>) offsets(%dma_start3A_930 : memref<128xi32, #tpu.memory_space<vmem>>) semaphore(%run_scoped3A_927 : memref<!tpu.dma_semaphore, #tpu.memory_space<semaphore_mem>>) {add = true}
        %dma_wait3A_934 = arith.constant 0 : i32
        %dma_wait3A_935 = tpu.memref_slice %arg7[%run_scoped3A_876, %run_scoped3A_877, %dma_wait3A_934] : memref<2x16x128xi32, #tpu.memory_space<vmem>> -> memref<1x1x128xi32, #tpu.memory_space<vmem>>
        %dma_wait3A_936 = tpu.memref_squeeze %dma_wait3A_935 : memref<1x1x128xi32, #tpu.memory_space<vmem>> -> memref<128xi32, #tpu.memory_space<vmem>>
        %dma_wait3A_937 = arith.constant 0 : i32
        %dma_wait3A_938 = arith.constant 0 : i32
        %dma_wait3A_939 = tpu.memref_slice %arg10[%dma_wait3A_937, %dma_wait3A_938] : memref<10008x128xf32, #tpu.memory_space<vmem_shared>> -> memref<10008x128xf32, #tpu.memory_space<vmem_shared>>
        tpu.wait_indirect_dma semaphore(%run_scoped3A_927 : memref<!tpu.dma_semaphore, #tpu.memory_space<semaphore_mem>>) src(%arg9 : memref<128x128xf32, #tpu.memory_space<vmem>>) dst(%dma_wait3A_939 : memref<10008x128xf32, #tpu.memory_space<vmem_shared>>)
        tpu.yield
      }) : () -> ()
      %dma_start3A_878 = arith.constant 1 : i32
      %dma_start3A_879 = arith.constant 15 : i32
      %dma_start3A_880 = arith.constant 0 : i32
      %dma_start3A_881 = tpu.memref_slice %arg6[%dma_start3A_878, %dma_start3A_879, %dma_start3A_880] : memref<2x16x128xi32, #tpu.memory_space<vmem>> -> memref<1x1x128xi32, #tpu.memory_space<vmem>>
      %dma_start3A_882 = tpu.memref_squeeze %dma_start3A_881 : memref<1x1x128xi32, #tpu.memory_space<vmem>> -> memref<128xi32, #tpu.memory_space<vmem>>
      %dma_start3A_883 = arith.constant 0 : i32
      %dma_start3A_884 = arith.constant 0 : i32
      %dma_start3A_885 = tpu.memref_slice %arg2[%arg0, %dma_start3A_883, %dma_start3A_884] : memref<2x10000x128xf32, #tpu.memory_space<hbm>> -> memref<1x10000x128xf32, #tpu.memory_space<hbm>>
      %dma_start3A_886 = tpu.memref_squeeze %dma_start3A_885 : memref<1x10000x128xf32, #tpu.memory_space<hbm>> -> memref<10000x128xf32, #tpu.memory_space<hbm>>
      %dma_start3A_887 = arith.constant 0 : i32
      %dma_start3A_888 = arith.constant 0 : i32
      %dma_start3A_889 = tpu.memref_slice %dma_start3A_886[%dma_start3A_887, %dma_start3A_888] : memref<10000x128xf32, #tpu.memory_space<hbm>> -> memref<10000x128xf32, #tpu.memory_space<hbm>>
      tpu.enqueue_indirect_dma source(%dma_start3A_889 : memref<10000x128xf32, #tpu.memory_space<hbm>>) target(%arg9 : memref<128x128xf32, #tpu.memory_space<vmem>>) offsets(%dma_start3A_882 : memref<128xi32, #tpu.memory_space<vmem>>) semaphore(%arg14 : memref<!tpu.dma_semaphore, #tpu.memory_space<semaphore_mem>>)
      %dma_wait3A_890 = arith.constant 1 : i32
      %dma_wait3A_891 = arith.constant 14 : i32
      %dma_wait3A_892 = arith.constant 0 : i32
      %dma_wait3A_893 = tpu.memref_slice %arg6[%dma_wait3A_890, %dma_wait3A_891, %dma_wait3A_892] : memref<2x16x128xi32, #tpu.memory_space<vmem>> -> memref<1x1x128xi32, #tpu.memory_space<vmem>>
      %dma_wait3A_894 = tpu.memref_squeeze %dma_wait3A_893 : memref<1x1x128xi32, #tpu.memory_space<vmem>> -> memref<128xi32, #tpu.memory_space<vmem>>
      %dma_wait3A_895 = arith.constant 0 : i32
      %dma_wait3A_896 = arith.constant 0 : i32
      %dma_wait3A_897 = tpu.memref_slice %arg2[%arg0, %dma_wait3A_895, %dma_wait3A_896] : memref<2x10000x128xf32, #tpu.memory_space<hbm>> -> memref<1x10000x128xf32, #tpu.memory_space<hbm>>
      %dma_wait3A_898 = tpu.memref_squeeze %dma_wait3A_897 : memref<1x10000x128xf32, #tpu.memory_space<hbm>> -> memref<10000x128xf32, #tpu.memory_space<hbm>>
      %dma_wait3A_899 = arith.constant 0 : i32
      %dma_wait3A_900 = arith.constant 0 : i32
      %dma_wait3A_901 = tpu.memref_slice %dma_wait3A_898[%dma_wait3A_899, %dma_wait3A_900] : memref<10000x128xf32, #tpu.memory_space<hbm>> -> memref<10000x128xf32, #tpu.memory_space<hbm>>
      tpu.wait_indirect_dma semaphore(%arg13 : memref<!tpu.dma_semaphore, #tpu.memory_space<semaphore_mem>>) src(%dma_wait3A_901 : memref<10000x128xf32, #tpu.memory_space<hbm>>) dst(%arg8 : memref<128x128xf32, #tpu.memory_space<vmem>>)
      %run_scoped3A_902 = arith.constant 1 : i32
      %run_scoped3A_903 = arith.constant 14 : i32
      "tpu.region"() ({
        %run_scoped3A_927 = tpu.sem_alloc : memref<!tpu.dma_semaphore, #tpu.memory_space<semaphore_mem>>
        %dma_start3A_928 = arith.constant 0 : i32
        %dma_start3A_929 = tpu.memref_slice %arg7[%run_scoped3A_902, %run_scoped3A_903, %dma_start3A_928] : memref<2x16x128xi32, #tpu.memory_space<vmem>> -> memref<1x1x128xi32, #tpu.memory_space<vmem>>
        %dma_start3A_930 = tpu.memref_squeeze %dma_start3A_929 : memref<1x1x128xi32, #tpu.memory_space<vmem>> -> memref<128xi32, #tpu.memory_space<vmem>>
        %dma_start3A_931 = arith.constant 0 : i32
        %dma_start3A_932 = arith.constant 0 : i32
        %dma_start3A_933 = tpu.memref_slice %arg10[%dma_start3A_931, %dma_start3A_932] : memref<10008x128xf32, #tpu.memory_space<vmem_shared>> -> memref<10008x128xf32, #tpu.memory_space<vmem_shared>>
        tpu.enqueue_indirect_dma source(%arg8 : memref<128x128xf32, #tpu.memory_space<vmem>>) target(%dma_start3A_933 : memref<10008x128xf32, #tpu.memory_space<vmem_shared>>) offsets(%dma_start3A_930 : memref<128xi32, #tpu.memory_space<vmem>>) semaphore(%run_scoped3A_927 : memref<!tpu.dma_semaphore, #tpu.memory_space<semaphore_mem>>) {add = true}
        %dma_wait3A_934 = arith.constant 0 : i32
        %dma_wait3A_935 = tpu.memref_slice %arg7[%run_scoped3A_902, %run_scoped3A_903, %dma_wait3A_934] : memref<2x16x128xi32, #tpu.memory_space<vmem>> -> memref<1x1x128xi32, #tpu.memory_space<vmem>>
        %dma_wait3A_936 = tpu.memref_squeeze %dma_wait3A_935 : memref<1x1x128xi32, #tpu.memory_space<vmem>> -> memref<128xi32, #tpu.memory_space<vmem>>
        %dma_wait3A_937 = arith.constant 0 : i32
        %dma_wait3A_938 = arith.constant 0 : i32
        %dma_wait3A_939 = tpu.memref_slice %arg10[%dma_wait3A_937, %dma_wait3A_938] : memref<10008x128xf32, #tpu.memory_space<vmem_shared>> -> memref<10008x128xf32, #tpu.memory_space<vmem_shared>>
        tpu.wait_indirect_dma semaphore(%run_scoped3A_927 : memref<!tpu.dma_semaphore, #tpu.memory_space<semaphore_mem>>) src(%arg8 : memref<128x128xf32, #tpu.memory_space<vmem>>) dst(%dma_wait3A_939 : memref<10008x128xf32, #tpu.memory_space<vmem_shared>>)
        tpu.yield
      }) : () -> ()
      %convert_element_type3A_904 = arith.extui %lt3A_73 : i1 to i32
      %cond3A_905 = arith.constant 0 : i32
      %cond3A_906 = arith.cmpi ne, %convert_element_type3A_904, %cond3A_905 : i32
      scf.if %cond3A_906 {
        %dma_wait3A_927 = arith.constant 0 : i32
        %dma_wait3A_928 = arith.constant 0 : i32
        %dma_wait3A_929 = arith.constant 0 : i32
        %dma_wait3A_930 = tpu.memref_slice %arg6[%dma_wait3A_927, %dma_wait3A_928, %dma_wait3A_929] : memref<2x16x128xi32, #tpu.memory_space<vmem>> -> memref<1x16x128xi32, #tpu.memory_space<vmem>>
        %dma_wait3A_931 = tpu.memref_squeeze %dma_wait3A_930 : memref<1x16x128xi32, #tpu.memory_space<vmem>> -> memref<16x128xi32, #tpu.memory_space<vmem>>
        %dma_wait3A_932 = arith.constant 0 : i32
        %dma_wait3A_933 = arith.constant 0 : i32
        %dma_wait3A_934 = tpu.memref_slice %arg3[%arg1, %dma_wait3A_932, %dma_wait3A_933] : memref<16x160x128xi32, #tpu.memory_space<hbm>> -> memref<1x16x128xi32, #tpu.memory_space<hbm>>
        %dma_wait3A_935 = tpu.memref_squeeze %dma_wait3A_934 : memref<1x16x128xi32, #tpu.memory_space<hbm>> -> memref<16x128xi32, #tpu.memory_space<hbm>>
        %dma_wait3A_936 = arith.constant 0 : i32
        %dma_wait3A_937 = arith.constant 0 : i32
        %dma_wait3A_938 = tpu.memref_slice %arg6[%dma_wait3A_927, %dma_wait3A_936, %dma_wait3A_937] : memref<2x16x128xi32, #tpu.memory_space<vmem>> -> memref<1x16x128xi32, #tpu.memory_space<vmem>>
        %dma_wait3A_939 = tpu.memref_squeeze %dma_wait3A_938 : memref<1x16x128xi32, #tpu.memory_space<vmem>> -> memref<16x128xi32, #tpu.memory_space<vmem>>
        %dma_wait3A_940 = arith.constant 0 : i32
        %dma_wait3A_941 = arith.constant 0 : i32
        %dma_wait3A_942 = tpu.memref_slice %arg3[%arg1, %dma_wait3A_940, %dma_wait3A_941] : memref<16x160x128xi32, #tpu.memory_space<hbm>> -> memref<1x16x128xi32, #tpu.memory_space<hbm>>
        %dma_wait3A_943 = tpu.memref_squeeze %dma_wait3A_942 : memref<1x16x128xi32, #tpu.memory_space<hbm>> -> memref<16x128xi32, #tpu.memory_space<hbm>>
        tpu.wait_dma2 semaphore(%arg11 : memref<!tpu.dma_semaphore, #tpu.memory_space<semaphore_mem>>) src(%dma_wait3A_943 : memref<16x128xi32, #tpu.memory_space<hbm>>) dst(%dma_wait3A_939 : memref<16x128xi32, #tpu.memory_space<vmem>>)
        %dma_wait3A_944 = arith.constant 0 : i32
        %dma_wait3A_945 = arith.constant 0 : i32
        %dma_wait3A_946 = arith.constant 0 : i32
        %dma_wait3A_947 = tpu.memref_slice %arg7[%dma_wait3A_944, %dma_wait3A_945, %dma_wait3A_946] : memref<2x16x128xi32, #tpu.memory_space<vmem>> -> memref<1x16x128xi32, #tpu.memory_space<vmem>>
        %dma_wait3A_948 = tpu.memref_squeeze %dma_wait3A_947 : memref<1x16x128xi32, #tpu.memory_space<vmem>> -> memref<16x128xi32, #tpu.memory_space<vmem>>
        %dma_wait3A_949 = arith.constant 0 : i32
        %dma_wait3A_950 = arith.constant 0 : i32
        %dma_wait3A_951 = tpu.memref_slice %arg4[%arg1, %dma_wait3A_949, %dma_wait3A_950] : memref<16x160x128xi32, #tpu.memory_space<hbm>> -> memref<1x16x128xi32, #tpu.memory_space<hbm>>
        %dma_wait3A_952 = tpu.memref_squeeze %dma_wait3A_951 : memref<1x16x128xi32, #tpu.memory_space<hbm>> -> memref<16x128xi32, #tpu.memory_space<hbm>>
        %dma_wait3A_953 = arith.constant 0 : i32
        %dma_wait3A_954 = arith.constant 0 : i32
        %dma_wait3A_955 = tpu.memref_slice %arg7[%dma_wait3A_944, %dma_wait3A_953, %dma_wait3A_954] : memref<2x16x128xi32, #tpu.memory_space<vmem>> -> memref<1x16x128xi32, #tpu.memory_space<vmem>>
        %dma_wait3A_956 = tpu.memref_squeeze %dma_wait3A_955 : memref<1x16x128xi32, #tpu.memory_space<vmem>> -> memref<16x128xi32, #tpu.memory_space<vmem>>
        %dma_wait3A_957 = arith.constant 0 : i32
        %dma_wait3A_958 = arith.constant 0 : i32
        %dma_wait3A_959 = tpu.memref_slice %arg4[%arg1, %dma_wait3A_957, %dma_wait3A_958] : memref<16x160x128xi32, #tpu.memory_space<hbm>> -> memref<1x16x128xi32, #tpu.memory_space<hbm>>
        %dma_wait3A_960 = tpu.memref_squeeze %dma_wait3A_959 : memref<1x16x128xi32, #tpu.memory_space<hbm>> -> memref<16x128xi32, #tpu.memory_space<hbm>>
        tpu.wait_dma2 semaphore(%arg11 : memref<!tpu.dma_semaphore, #tpu.memory_space<semaphore_mem>>) src(%dma_wait3A_960 : memref<16x128xi32, #tpu.memory_space<hbm>>) dst(%dma_wait3A_956 : memref<16x128xi32, #tpu.memory_space<vmem>>)
        %dma_start3A_961 = arith.constant 0 : i32
        %dma_start3A_962 = arith.constant 0 : i32
        %dma_start3A_963 = arith.constant 0 : i32
        %dma_start3A_964 = tpu.memref_slice %arg6[%dma_start3A_961, %dma_start3A_962, %dma_start3A_963] : memref<2x16x128xi32, #tpu.memory_space<vmem>> -> memref<1x1x128xi32, #tpu.memory_space<vmem>>
        %dma_start3A_965 = tpu.memref_squeeze %dma_start3A_964 : memref<1x1x128xi32, #tpu.memory_space<vmem>> -> memref<128xi32, #tpu.memory_space<vmem>>
        %dma_start3A_966 = arith.constant 0 : i32
        %dma_start3A_967 = arith.constant 0 : i32
        %dma_start3A_968 = tpu.memref_slice %arg2[%arg0, %dma_start3A_966, %dma_start3A_967] : memref<2x10000x128xf32, #tpu.memory_space<hbm>> -> memref<1x10000x128xf32, #tpu.memory_space<hbm>>
        %dma_start3A_969 = tpu.memref_squeeze %dma_start3A_968 : memref<1x10000x128xf32, #tpu.memory_space<hbm>> -> memref<10000x128xf32, #tpu.memory_space<hbm>>
        %dma_start3A_970 = arith.constant 0 : i32
        %dma_start3A_971 = arith.constant 0 : i32
        %dma_start3A_972 = tpu.memref_slice %dma_start3A_969[%dma_start3A_970, %dma_start3A_971] : memref<10000x128xf32, #tpu.memory_space<hbm>> -> memref<10000x128xf32, #tpu.memory_space<hbm>>
        tpu.enqueue_indirect_dma source(%dma_start3A_972 : memref<10000x128xf32, #tpu.memory_space<hbm>>) target(%arg8 : memref<128x128xf32, #tpu.memory_space<vmem>>) offsets(%dma_start3A_965 : memref<128xi32, #tpu.memory_space<vmem>>) semaphore(%arg13 : memref<!tpu.dma_semaphore, #tpu.memory_space<semaphore_mem>>)
      } else {
      }
      %dma_wait3A_907 = arith.constant 1 : i32
      %dma_wait3A_908 = arith.constant 15 : i32
      %dma_wait3A_909 = arith.constant 0 : i32
      %dma_wait3A_910 = tpu.memref_slice %arg6[%dma_wait3A_907, %dma_wait3A_908, %dma_wait3A_909] : memref<2x16x128xi32, #tpu.memory_space<vmem>> -> memref<1x1x128xi32, #tpu.memory_space<vmem>>
      %dma_wait3A_911 = tpu.memref_squeeze %dma_wait3A_910 : memref<1x1x128xi32, #tpu.memory_space<vmem>> -> memref<128xi32, #tpu.memory_space<vmem>>
      %dma_wait3A_912 = arith.constant 0 : i32
      %dma_wait3A_913 = arith.constant 0 : i32
      %dma_wait3A_914 = tpu.memref_slice %arg2[%arg0, %dma_wait3A_912, %dma_wait3A_913] : memref<2x10000x128xf32, #tpu.memory_space<hbm>> -> memref<1x10000x128xf32, #tpu.memory_space<hbm>>
      %dma_wait3A_915 = tpu.memref_squeeze %dma_wait3A_914 : memref<1x10000x128xf32, #tpu.memory_space<hbm>> -> memref<10000x128xf32, #tpu.memory_space<hbm>>
      %dma_wait3A_916 = arith.constant 0 : i32
      %dma_wait3A_917 = arith.constant 0 : i32
      %dma_wait3A_918 = tpu.memref_slice %dma_wait3A_915[%dma_wait3A_916, %dma_wait3A_917] : memref<10000x128xf32, #tpu.memory_space<hbm>> -> memref<10000x128xf32, #tpu.memory_space<hbm>>
      tpu.wait_indirect_dma semaphore(%arg14 : memref<!tpu.dma_semaphore, #tpu.memory_space<semaphore_mem>>) src(%dma_wait3A_918 : memref<10000x128xf32, #tpu.memory_space<hbm>>) dst(%arg9 : memref<128x128xf32, #tpu.memory_space<vmem>>)
      %run_scoped3A_919 = arith.constant 1 : i32
      %run_scoped3A_920 = arith.constant 15 : i32
      "tpu.region"() ({
        %run_scoped3A_927 = tpu.sem_alloc : memref<!tpu.dma_semaphore, #tpu.memory_space<semaphore_mem>>
        %dma_start3A_928 = arith.constant 0 : i32
        %dma_start3A_929 = tpu.memref_slice %arg7[%run_scoped3A_919, %run_scoped3A_920, %dma_start3A_928] : memref<2x16x128xi32, #tpu.memory_space<vmem>> -> memref<1x1x128xi32, #tpu.memory_space<vmem>>
        %dma_start3A_930 = tpu.memref_squeeze %dma_start3A_929 : memref<1x1x128xi32, #tpu.memory_space<vmem>> -> memref<128xi32, #tpu.memory_space<vmem>>
        %dma_start3A_931 = arith.constant 0 : i32
        %dma_start3A_932 = arith.constant 0 : i32
        %dma_start3A_933 = tpu.memref_slice %arg10[%dma_start3A_931, %dma_start3A_932] : memref<10008x128xf32, #tpu.memory_space<vmem_shared>> -> memref<10008x128xf32, #tpu.memory_space<vmem_shared>>
        tpu.enqueue_indirect_dma source(%arg9 : memref<128x128xf32, #tpu.memory_space<vmem>>) target(%dma_start3A_933 : memref<10008x128xf32, #tpu.memory_space<vmem_shared>>) offsets(%dma_start3A_930 : memref<128xi32, #tpu.memory_space<vmem>>) semaphore(%run_scoped3A_927 : memref<!tpu.dma_semaphore, #tpu.memory_space<semaphore_mem>>) {add = true}
        %dma_wait3A_934 = arith.constant 0 : i32
        %dma_wait3A_935 = tpu.memref_slice %arg7[%run_scoped3A_919, %run_scoped3A_920, %dma_wait3A_934] : memref<2x16x128xi32, #tpu.memory_space<vmem>> -> memref<1x1x128xi32, #tpu.memory_space<vmem>>
        %dma_wait3A_936 = tpu.memref_squeeze %dma_wait3A_935 : memref<1x1x128xi32, #tpu.memory_space<vmem>> -> memref<128xi32, #tpu.memory_space<vmem>>
        %dma_wait3A_937 = arith.constant 0 : i32
        %dma_wait3A_938 = arith.constant 0 : i32
        %dma_wait3A_939 = tpu.memref_slice %arg10[%dma_wait3A_937, %dma_wait3A_938] : memref<10008x128xf32, #tpu.memory_space<vmem_shared>> -> memref<10008x128xf32, #tpu.memory_space<vmem_shared>>
        tpu.wait_indirect_dma semaphore(%run_scoped3A_927 : memref<!tpu.dma_semaphore, #tpu.memory_space<semaphore_mem>>) src(%arg9 : memref<128x128xf32, #tpu.memory_space<vmem>>) dst(%dma_wait3A_939 : memref<10008x128xf32, #tpu.memory_space<vmem_shared>>)
        tpu.yield
      }) : () -> ()
      %convert_element_type3A_921 = arith.extui %lt3A_73 : i1 to i32
      %cond3A_922 = arith.constant 0 : i32
      %cond3A_923 = arith.cmpi ne, %convert_element_type3A_921, %cond3A_922 : i32
      scf.if %cond3A_923 {
        %mul3A_927 = arith.constant 2 : i32
        %mul3A_928 = arith.muli %mul3A_927, %scan3A_72 : i32
        %add3A = arith.constant 3 : i32
        %add3A_929 = arith.addi %mul3A_928, %add3A : i32
        %mul3A_930 = arith.constant 16 : i32
        %mul3A_931 = arith.muli %add3A_929, %mul3A_930 : i32
        %dma_start3A_932 = arith.constant 1 : i32
        %dma_start3A_933 = arith.constant 0 : i32
        %dma_start3A_934 = arith.constant 0 : i32
        %dma_start3A_935 = tpu.memref_slice %arg6[%dma_start3A_932, %dma_start3A_933, %dma_start3A_934] : memref<2x16x128xi32, #tpu.memory_space<vmem>> -> memref<1x16x128xi32, #tpu.memory_space<vmem>>
        %dma_start3A_936 = tpu.memref_squeeze %dma_start3A_935 : memref<1x16x128xi32, #tpu.memory_space<vmem>> -> memref<16x128xi32, #tpu.memory_space<vmem>>
        %dma_start3A_937 = arith.constant 0 : i32
        %dma_start3A_938 = tpu.memref_slice %arg3[%arg1, %mul3A_931, %dma_start3A_937] : memref<16x160x128xi32, #tpu.memory_space<hbm>> -> memref<1x16x128xi32, #tpu.memory_space<hbm>>
        %dma_start3A_939 = tpu.memref_squeeze %dma_start3A_938 : memref<1x16x128xi32, #tpu.memory_space<hbm>> -> memref<16x128xi32, #tpu.memory_space<hbm>>
        %dma_start3A_940 = arith.constant 0 : i32
        %dma_start3A_941 = arith.constant 0 : i32
        %dma_start3A_942 = tpu.memref_slice %arg6[%dma_start3A_932, %dma_start3A_940, %dma_start3A_941] : memref<2x16x128xi32, #tpu.memory_space<vmem>> -> memref<1x16x128xi32, #tpu.memory_space<vmem>>
        %dma_start3A_943 = tpu.memref_squeeze %dma_start3A_942 : memref<1x16x128xi32, #tpu.memory_space<vmem>> -> memref<16x128xi32, #tpu.memory_space<vmem>>
        %dma_start3A_944 = arith.constant 0 : i32
        %dma_start3A_945 = tpu.memref_slice %arg3[%arg1, %mul3A_931, %dma_start3A_944] : memref<16x160x128xi32, #tpu.memory_space<hbm>> -> memref<1x16x128xi32, #tpu.memory_space<hbm>>
        %dma_start3A_946 = tpu.memref_squeeze %dma_start3A_945 : memref<1x16x128xi32, #tpu.memory_space<hbm>> -> memref<16x128xi32, #tpu.memory_space<hbm>>
        tpu.enqueue_dma source(%dma_start3A_946 : memref<16x128xi32, #tpu.memory_space<hbm>>) target(%dma_start3A_943 : memref<16x128xi32, #tpu.memory_space<vmem>>) target_semaphore(%arg12 : memref<!tpu.dma_semaphore, #tpu.memory_space<semaphore_mem>>)
        %dma_start3A_947 = arith.constant 1 : i32
        %dma_start3A_948 = arith.constant 0 : i32
        %dma_start3A_949 = arith.constant 0 : i32
        %dma_start3A_950 = tpu.memref_slice %arg7[%dma_start3A_947, %dma_start3A_948, %dma_start3A_949] : memref<2x16x128xi32, #tpu.memory_space<vmem>> -> memref<1x16x128xi32, #tpu.memory_space<vmem>>
        %dma_start3A_951 = tpu.memref_squeeze %dma_start3A_950 : memref<1x16x128xi32, #tpu.memory_space<vmem>> -> memref<16x128xi32, #tpu.memory_space<vmem>>
        %dma_start3A_952 = arith.constant 0 : i32
        %dma_start3A_953 = tpu.memref_slice %arg4[%arg1, %mul3A_931, %dma_start3A_952] : memref<16x160x128xi32, #tpu.memory_space<hbm>> -> memref<1x16x128xi32, #tpu.memory_space<hbm>>
        %dma_start3A_954 = tpu.memref_squeeze %dma_start3A_953 : memref<1x16x128xi32, #tpu.memory_space<hbm>> -> memref<16x128xi32, #tpu.memory_space<hbm>>
        %dma_start3A_955 = arith.constant 0 : i32
        %dma_start3A_956 = arith.constant 0 : i32
        %dma_start3A_957 = tpu.memref_slice %arg7[%dma_start3A_947, %dma_start3A_955, %dma_start3A_956] : memref<2x16x128xi32, #tpu.memory_space<vmem>> -> memref<1x16x128xi32, #tpu.memory_space<vmem>>
        %dma_start3A_958 = tpu.memref_squeeze %dma_start3A_957 : memref<1x16x128xi32, #tpu.memory_space<vmem>> -> memref<16x128xi32, #tpu.memory_space<vmem>>
        %dma_start3A_959 = arith.constant 0 : i32
        %dma_start3A_960 = tpu.memref_slice %arg4[%arg1, %mul3A_931, %dma_start3A_959] : memref<16x160x128xi32, #tpu.memory_space<hbm>> -> memref<1x16x128xi32, #tpu.memory_space<hbm>>
        %dma_start3A_961 = tpu.memref_squeeze %dma_start3A_960 : memref<1x16x128xi32, #tpu.memory_space<hbm>> -> memref<16x128xi32, #tpu.memory_space<hbm>>
        tpu.enqueue_dma source(%dma_start3A_961 : memref<16x128xi32, #tpu.memory_space<hbm>>) target(%dma_start3A_958 : memref<16x128xi32, #tpu.memory_space<vmem>>) target_semaphore(%arg12 : memref<!tpu.dma_semaphore, #tpu.memory_space<semaphore_mem>>)
      } else {
      }
      %convert_element_type3A_924 = arith.extui %lt3A_73 : i1 to i32
      %cond3A_925 = arith.constant 0 : i32
      %cond3A_926 = arith.cmpi ne, %convert_element_type3A_924, %cond3A_925 : i32
      scf.if %cond3A_926 {
        %dma_start3A_927 = arith.constant 0 : i32
        %dma_start3A_928 = arith.constant 1 : i32
        %dma_start3A_929 = arith.constant 0 : i32
        %dma_start3A_930 = tpu.memref_slice %arg6[%dma_start3A_927, %dma_start3A_928, %dma_start3A_929] : memref<2x16x128xi32, #tpu.memory_space<vmem>> -> memref<1x1x128xi32, #tpu.memory_space<vmem>>
        %dma_start3A_931 = tpu.memref_squeeze %dma_start3A_930 : memref<1x1x128xi32, #tpu.memory_space<vmem>> -> memref<128xi32, #tpu.memory_space<vmem>>
        %dma_start3A_932 = arith.constant 0 : i32
        %dma_start3A_933 = arith.constant 0 : i32
        %dma_start3A_934 = tpu.memref_slice %arg2[%arg0, %dma_start3A_932, %dma_start3A_933] : memref<2x10000x128xf32, #tpu.memory_space<hbm>> -> memref<1x10000x128xf32, #tpu.memory_space<hbm>>
        %dma_start3A_935 = tpu.memref_squeeze %dma_start3A_934 : memref<1x10000x128xf32, #tpu.memory_space<hbm>> -> memref<10000x128xf32, #tpu.memory_space<hbm>>
        %dma_start3A_936 = arith.constant 0 : i32
        %dma_start3A_937 = arith.constant 0 : i32
        %dma_start3A_938 = tpu.memref_slice %dma_start3A_935[%dma_start3A_936, %dma_start3A_937] : memref<10000x128xf32, #tpu.memory_space<hbm>> -> memref<10000x128xf32, #tpu.memory_space<hbm>>
        tpu.enqueue_indirect_dma source(%dma_start3A_938 : memref<10000x128xf32, #tpu.memory_space<hbm>>) target(%arg9 : memref<128x128xf32, #tpu.memory_space<vmem>>) offsets(%dma_start3A_931 : memref<128xi32, #tpu.memory_space<vmem>>) semaphore(%arg14 : memref<!tpu.dma_semaphore, #tpu.memory_space<semaphore_mem>>)
      } else {
      }
    }
    %scan3A_65 = arith.constant 5 : i32
    %barrier3A_66 = arith.constant 0 : index
    tpu.barrier barrier_id(%barrier3A_66)
    "tpu.region"() ({
      %run_scoped3A_72 = tpu.sem_alloc : memref<!tpu.dma_semaphore, #tpu.memory_space<semaphore_mem>>
      %dma_start3A_73 = arith.constant 0 : i32
      %dma_start3A_74 = tpu.memref_slice %arg5[%arg0, %mul3A_0, %dma_start3A_73] : memref<2x10000x128xf32, #tpu.memory_space<hbm>> -> memref<1x624x128xf32, #tpu.memory_space<hbm>>
      %dma_start3A_75 = tpu.memref_squeeze %dma_start3A_74 : memref<1x624x128xf32, #tpu.memory_space<hbm>> -> memref<624x128xf32, #tpu.memory_space<hbm>>
      %dma_start3A_76 = arith.constant 0 : i32
      %dma_start3A_77 = tpu.memref_slice %arg10[%mul3A_0, %dma_start3A_76] : memref<10008x128xf32, #tpu.memory_space<vmem_shared>> -> memref<624x128xf32, #tpu.memory_space<vmem_shared>>
      tpu.enqueue_dma source(%dma_start3A_77 : memref<624x128xf32, #tpu.memory_space<vmem_shared>>) target(%dma_start3A_75 : memref<624x128xf32, #tpu.memory_space<hbm>>) target_semaphore(%run_scoped3A_72 : memref<!tpu.dma_semaphore, #tpu.memory_space<semaphore_mem>>)
      %dma_wait3A = arith.constant 0 : i32
      %dma_wait3A_78 = tpu.memref_slice %arg5[%arg0, %mul3A_0, %dma_wait3A] : memref<2x10000x128xf32, #tpu.memory_space<hbm>> -> memref<1x624x128xf32, #tpu.memory_space<hbm>>
      %dma_wait3A_79 = tpu.memref_squeeze %dma_wait3A_78 : memref<1x624x128xf32, #tpu.memory_space<hbm>> -> memref<624x128xf32, #tpu.memory_space<hbm>>
      %dma_wait3A_80 = arith.constant 0 : i32
      %dma_wait3A_81 = tpu.memref_slice %arg10[%mul3A_0, %dma_wait3A_80] : memref<10008x128xf32, #tpu.memory_space<vmem_shared>> -> memref<624x128xf32, #tpu.memory_space<vmem_shared>>
      tpu.wait_dma2 semaphore(%run_scoped3A_72 : memref<!tpu.dma_semaphore, #tpu.memory_space<semaphore_mem>>) src(%dma_wait3A_81 : memref<624x128xf32, #tpu.memory_space<vmem_shared>>) dst(%dma_wait3A_79 : memref<624x128xf32, #tpu.memory_space<hbm>>)
      tpu.yield
    }) : () -> ()
    %eq3A_67 = arith.constant 0 : i32
    %eq3A_68 = arith.cmpi eq, %arg1, %eq3A_67 : i32
    %convert_element_type3A_69 = arith.extui %eq3A_68 : i1 to i32
    %cond3A_70 = arith.constant 0 : i32
    %cond3A_71 = arith.cmpi ne, %convert_element_type3A_69, %cond3A_70 : i32
    scf.if %cond3A_71 {
      "tpu.region"() ({
        %run_scoped3A_72 = tpu.sem_alloc : memref<!tpu.dma_semaphore, #tpu.memory_space<semaphore_mem>>
        %dma_start3A_73 = arith.constant 9984 : i32
        %dma_start3A_74 = arith.constant 0 : i32
        %dma_start3A_75 = tpu.memref_slice %arg5[%arg0, %dma_start3A_73, %dma_start3A_74] : memref<2x10000x128xf32, #tpu.memory_space<hbm>> -> memref<1x16x128xf32, #tpu.memory_space<hbm>>
        %dma_start3A_76 = tpu.memref_squeeze %dma_start3A_75 : memref<1x16x128xf32, #tpu.memory_space<hbm>> -> memref<16x128xf32, #tpu.memory_space<hbm>>
        %dma_start3A_77 = arith.constant 9984 : i32
        %dma_start3A_78 = arith.constant 0 : i32
        %dma_start3A_79 = tpu.memref_slice %arg10[%dma_start3A_77, %dma_start3A_78] : memref<10008x128xf32, #tpu.memory_space<vmem_shared>> -> memref<16x128xf32, #tpu.memory_space<vmem_shared>>
        tpu.enqueue_dma source(%dma_start3A_79 : memref<16x128xf32, #tpu.memory_space<vmem_shared>>) target(%dma_start3A_76 : memref<16x128xf32, #tpu.memory_space<hbm>>) target_semaphore(%run_scoped3A_72 : memref<!tpu.dma_semaphore, #tpu.memory_space<semaphore_mem>>)
        %dma_wait3A = arith.constant 9984 : i32
        %dma_wait3A_80 = arith.constant 0 : i32
        %dma_wait3A_81 = tpu.memref_slice %arg5[%arg0, %dma_wait3A, %dma_wait3A_80] : memref<2x10000x128xf32, #tpu.memory_space<hbm>> -> memref<1x16x128xf32, #tpu.memory_space<hbm>>
        %dma_wait3A_82 = tpu.memref_squeeze %dma_wait3A_81 : memref<1x16x128xf32, #tpu.memory_space<hbm>> -> memref<16x128xf32, #tpu.memory_space<hbm>>
        %dma_wait3A_83 = arith.constant 9984 : i32
        %dma_wait3A_84 = arith.constant 0 : i32
        %dma_wait3A_85 = tpu.memref_slice %arg10[%dma_wait3A_83, %dma_wait3A_84] : memref<10008x128xf32, #tpu.memory_space<vmem_shared>> -> memref<16x128xf32, #tpu.memory_space<vmem_shared>>
        tpu.wait_dma2 semaphore(%run_scoped3A_72 : memref<!tpu.dma_semaphore, #tpu.memory_space<semaphore_mem>>) src(%dma_wait3A_85 : memref<16x128xf32, #tpu.memory_space<vmem_shared>>) dst(%dma_wait3A_82 : memref<16x128xf32, #tpu.memory_space<hbm>>)
        tpu.yield
      }) : () -> ()
    } else {
    }
    return
  }
}

#map = affine_map<(d0, d1) -> (0, 0, 0)>
module attributes {stable_mosaic.version = 14 : i64} {
  func.func @_sc_agg_body(%arg0: i32, %arg1: i32, %arg2: memref<2x10000x128xf32, #tpu.memory_space<hbm>>, %arg3: memref<16x160x128xi32, #tpu.memory_space<hbm>>, %arg4: memref<16x160x128xi32, #tpu.memory_space<hbm>>, %arg5: memref<2x10000x128xf32, #tpu.memory_space<hbm>>, %arg6: memref<2x16x128xi32, #tpu.memory_space<vmem>>, %arg7: memref<2x16x128xi32, #tpu.memory_space<vmem>>, %arg8: memref<128x128xf32, #tpu.memory_space<vmem>>, %arg9: memref<128x128xf32, #tpu.memory_space<vmem>>, %arg10: memref<10008x128xf32, #tpu.memory_space<vmem_shared>>, %arg11: memref<!tpu.dma_semaphore, #tpu.memory_space<semaphore_mem>>, %arg12: memref<!tpu.dma_semaphore, #tpu.memory_space<semaphore_mem>>, %arg13: memref<!tpu.dma_semaphore, #tpu.memory_space<semaphore_mem>>, %arg14: memref<!tpu.dma_semaphore, #tpu.memory_space<semaphore_mem>>) attributes {dimension_semantics = [#tpu.dimension_semantics<core_parallel>, #tpu.dimension_semantics<subcore_parallel>], iteration_bounds = array<i64: 2, 16>, scalar_prefetch = 0 : i64, scratch_operands = 9 : i64, tpu.core_type = #tpu.core_type<sc_vector_subcore>, window_params = [{transform_indices = #map}, {transform_indices = #map}, {transform_indices = #map}, {transform_indices = #map}]} {
    %mul3A = arith.constant 624 : i32
    %mul3A_0 = arith.muli %arg1, %mul3A : i32
    "tpu.region"() ({
      %run_scoped3A_72 = tpu.sem_alloc : memref<!tpu.dma_semaphore, #tpu.memory_space<semaphore_mem>>
      %dma_start3A_73 = arith.constant 0 : i32
      %dma_start3A_74 = tpu.memref_slice %arg10[%mul3A_0, %dma_start3A_73] : memref<10008x128xf32, #tpu.memory_space<vmem_shared>> -> memref<624x128xf32, #tpu.memory_space<vmem_shared>>
      %dma_start3A_75 = arith.constant 0 : i32
      %dma_start3A_76 = tpu.memref_slice %arg2[%arg0, %mul3A_0, %dma_start3A_75] : memref<2x10000x128xf32, #tpu.memory_space<hbm>> -> memref<1x624x128xf32, #tpu.memory_space<hbm>>
      %dma_start3A_77 = tpu.memref_squeeze %dma_start3A_76 : memref<1x624x128xf32, #tpu.memory_space<hbm>> -> memref<624x128xf32, #tpu.memory_space<hbm>>
      tpu.enqueue_dma source(%dma_start3A_77 : memref<624x128xf32, #tpu.memory_space<hbm>>) target(%dma_start3A_74 : memref<624x128xf32, #tpu.memory_space<vmem_shared>>) target_semaphore(%run_scoped3A_72 : memref<!tpu.dma_semaphore, #tpu.memory_space<semaphore_mem>>)
      %dma_wait3A = arith.constant 0 : i32
      %dma_wait3A_78 = tpu.memref_slice %arg10[%mul3A_0, %dma_wait3A] : memref<10008x128xf32, #tpu.memory_space<vmem_shared>> -> memref<624x128xf32, #tpu.memory_space<vmem_shared>>
      %dma_wait3A_79 = arith.constant 0 : i32
      %dma_wait3A_80 = tpu.memref_slice %arg2[%arg0, %mul3A_0, %dma_wait3A_79] : memref<2x10000x128xf32, #tpu.memory_space<hbm>> -> memref<1x624x128xf32, #tpu.memory_space<hbm>>
      %dma_wait3A_81 = tpu.memref_squeeze %dma_wait3A_80 : memref<1x624x128xf32, #tpu.memory_space<hbm>> -> memref<624x128xf32, #tpu.memory_space<hbm>>
      tpu.wait_dma2 semaphore(%run_scoped3A_72 : memref<!tpu.dma_semaphore, #tpu.memory_space<semaphore_mem>>) src(%dma_wait3A_81 : memref<624x128xf32, #tpu.memory_space<hbm>>) dst(%dma_wait3A_78 : memref<624x128xf32, #tpu.memory_space<vmem_shared>>)
      tpu.yield
    }) : () -> ()
    %eq3A = arith.constant 0 : i32
    %eq3A_1 = arith.cmpi eq, %arg1, %eq3A : i32
    %convert_element_type3A = arith.extui %eq3A_1 : i1 to i32
    %cond3A = arith.constant 0 : i32
    %cond3A_2 = arith.cmpi ne, %convert_element_type3A, %cond3A : i32
    scf.if %cond3A_2 {
      "tpu.region"() ({
        %run_scoped3A_72 = tpu.sem_alloc : memref<!tpu.dma_semaphore, #tpu.memory_space<semaphore_mem>>
        %dma_start3A_73 = arith.constant 9984 : i32
        %dma_start3A_74 = arith.constant 0 : i32
        %dma_start3A_75 = tpu.memref_slice %arg10[%dma_start3A_73, %dma_start3A_74] : memref<10008x128xf32, #tpu.memory_space<vmem_shared>> -> memref<16x128xf32, #tpu.memory_space<vmem_shared>>
        %dma_start3A_76 = arith.constant 9984 : i32
        %dma_start3A_77 = arith.constant 0 : i32
        %dma_start3A_78 = tpu.memref_slice %arg2[%arg0, %dma_start3A_76, %dma_start3A_77] : memref<2x10000x128xf32, #tpu.memory_space<hbm>> -> memref<1x16x128xf32, #tpu.memory_space<hbm>>
        %dma_start3A_79 = tpu.memref_squeeze %dma_start3A_78 : memref<1x16x128xf32, #tpu.memory_space<hbm>> -> memref<16x128xf32, #tpu.memory_space<hbm>>
        tpu.enqueue_dma source(%dma_start3A_79 : memref<16x128xf32, #tpu.memory_space<hbm>>) target(%dma_start3A_75 : memref<16x128xf32, #tpu.memory_space<vmem_shared>>) target_semaphore(%run_scoped3A_72 : memref<!tpu.dma_semaphore, #tpu.memory_space<semaphore_mem>>)
        %dma_wait3A = arith.constant 9984 : i32
        %dma_wait3A_80 = arith.constant 0 : i32
        %dma_wait3A_81 = tpu.memref_slice %arg10[%dma_wait3A, %dma_wait3A_80] : memref<10008x128xf32, #tpu.memory_space<vmem_shared>> -> memref<16x128xf32, #tpu.memory_space<vmem_shared>>
        %dma_wait3A_82 = arith.constant 9984 : i32
        %dma_wait3A_83 = arith.constant 0 : i32
        %dma_wait3A_84 = tpu.memref_slice %arg2[%arg0, %dma_wait3A_82, %dma_wait3A_83] : memref<2x10000x128xf32, #tpu.memory_space<hbm>> -> memref<1x16x128xf32, #tpu.memory_space<hbm>>
        %dma_wait3A_85 = tpu.memref_squeeze %dma_wait3A_84 : memref<1x16x128xf32, #tpu.memory_space<hbm>> -> memref<16x128xf32, #tpu.memory_space<hbm>>
        tpu.wait_dma2 semaphore(%run_scoped3A_72 : memref<!tpu.dma_semaphore, #tpu.memory_space<semaphore_mem>>) src(%dma_wait3A_85 : memref<16x128xf32, #tpu.memory_space<hbm>>) dst(%dma_wait3A_81 : memref<16x128xf32, #tpu.memory_space<vmem_shared>>)
        tpu.yield
      }) : () -> ()
    } else {
    }
    %barrier3A = arith.constant 0 : index
    tpu.barrier barrier_id(%barrier3A)
    %run_scoped3A = arith.constant 0 : i32
    "tpu.region"() ({
      %run_scoped3A_72 = tpu.sem_alloc : memref<!tpu.dma_semaphore, #tpu.memory_space<semaphore_mem>>
      %dma_start3A_73 = arith.constant 0 : i32
      %dma_start3A_74 = arith.constant 0 : i32
      %dma_start3A_75 = tpu.memref_slice %arg6[%run_scoped3A, %dma_start3A_73, %dma_start3A_74] : memref<2x16x128xi32, #tpu.memory_space<vmem>> -> memref<1x16x128xi32, #tpu.memory_space<vmem>>
      %dma_start3A_76 = tpu.memref_squeeze %dma_start3A_75 : memref<1x16x128xi32, #tpu.memory_space<vmem>> -> memref<16x128xi32, #tpu.memory_space<vmem>>
      %dma_start3A_77 = arith.constant 0 : i32
      %dma_start3A_78 = arith.constant 0 : i32
      %dma_start3A_79 = tpu.memref_slice %arg3[%arg1, %dma_start3A_77, %dma_start3A_78] : memref<16x160x128xi32, #tpu.memory_space<hbm>> -> memref<1x16x128xi32, #tpu.memory_space<hbm>>
      %dma_start3A_80 = tpu.memref_squeeze %dma_start3A_79 : memref<1x16x128xi32, #tpu.memory_space<hbm>> -> memref<16x128xi32, #tpu.memory_space<hbm>>
      %dma_start3A_81 = arith.constant 0 : i32
      %dma_start3A_82 = arith.constant 0 : i32
      %dma_start3A_83 = tpu.memref_slice %arg6[%run_scoped3A, %dma_start3A_81, %dma_start3A_82] : memref<2x16x128xi32, #tpu.memory_space<vmem>> -> memref<1x16x128xi32, #tpu.memory_space<vmem>>
      %dma_start3A_84 = tpu.memref_squeeze %dma_start3A_83 : memref<1x16x128xi32, #tpu.memory_space<vmem>> -> memref<16x128xi32, #tpu.memory_space<vmem>>
      %dma_start3A_85 = arith.constant 0 : i32
      %dma_start3A_86 = arith.constant 0 : i32
      %dma_start3A_87 = tpu.memref_slice %arg3[%arg1, %dma_start3A_85, %dma_start3A_86] : memref<16x160x128xi32, #tpu.memory_space<hbm>> -> memref<1x16x128xi32, #tpu.memory_space<hbm>>
      %dma_start3A_88 = tpu.memref_squeeze %dma_start3A_87 : memref<1x16x128xi32, #tpu.memory_space<hbm>> -> memref<16x128xi32, #tpu.memory_space<hbm>>
      tpu.enqueue_dma source(%dma_start3A_88 : memref<16x128xi32, #tpu.memory_space<hbm>>) target(%dma_start3A_84 : memref<16x128xi32, #tpu.memory_space<vmem>>) target_semaphore(%run_scoped3A_72 : memref<!tpu.dma_semaphore, #tpu.memory_space<semaphore_mem>>)
      %dma_wait3A = arith.constant 0 : i32
      %dma_wait3A_89 = arith.constant 0 : i32
      %dma_wait3A_90 = tpu.memref_slice %arg6[%run_scoped3A, %dma_wait3A, %dma_wait3A_89] : memref<2x16x128xi32, #tpu.memory_space<vmem>> -> memref<1x16x128xi32, #tpu.memory_space<vmem>>
      %dma_wait3A_91 = tpu.memref_squeeze %dma_wait3A_90 : memref<1x16x128xi32, #tpu.memory_space<vmem>> -> memref<16x128xi32, #tpu.memory_space<vmem>>
      %dma_wait3A_92 = arith.constant 0 : i32
      %dma_wait3A_93 = arith.constant 0 : i32
      %dma_wait3A_94 = tpu.memref_slice %arg3[%arg1, %dma_wait3A_92, %dma_wait3A_93] : memref<16x160x128xi32, #tpu.memory_space<hbm>> -> memref<1x16x128xi32, #tpu.memory_space<hbm>>
      %dma_wait3A_95 = tpu.memref_squeeze %dma_wait3A_94 : memref<1x16x128xi32, #tpu.memory_space<hbm>> -> memref<16x128xi32, #tpu.memory_space<hbm>>
      %dma_wait3A_96 = arith.constant 0 : i32
      %dma_wait3A_97 = arith.constant 0 : i32
      %dma_wait3A_98 = tpu.memref_slice %arg6[%run_scoped3A, %dma_wait3A_96, %dma_wait3A_97] : memref<2x16x128xi32, #tpu.memory_space<vmem>> -> memref<1x16x128xi32, #tpu.memory_space<vmem>>
      %dma_wait3A_99 = tpu.memref_squeeze %dma_wait3A_98 : memref<1x16x128xi32, #tpu.memory_space<vmem>> -> memref<16x128xi32, #tpu.memory_space<vmem>>
      %dma_wait3A_100 = arith.constant 0 : i32
      %dma_wait3A_101 = arith.constant 0 : i32
      %dma_wait3A_102 = tpu.memref_slice %arg3[%arg1, %dma_wait3A_100, %dma_wait3A_101] : memref<16x160x128xi32, #tpu.memory_space<hbm>> -> memref<1x16x128xi32, #tpu.memory_space<hbm>>
      %dma_wait3A_103 = tpu.memref_squeeze %dma_wait3A_102 : memref<1x16x128xi32, #tpu.memory_space<hbm>> -> memref<16x128xi32, #tpu.memory_space<hbm>>
      tpu.wait_dma2 semaphore(%run_scoped3A_72 : memref<!tpu.dma_semaphore, #tpu.memory_space<semaphore_mem>>) src(%dma_wait3A_103 : memref<16x128xi32, #tpu.memory_space<hbm>>) dst(%dma_wait3A_99 : memref<16x128xi32, #tpu.memory_space<vmem>>)
      tpu.yield
    }) : () -> ()
    %run_scoped3A_3 = arith.constant 0 : i32
    "tpu.region"() ({
      %run_scoped3A_72 = tpu.sem_alloc : memref<!tpu.dma_semaphore, #tpu.memory_space<semaphore_mem>>
      %dma_start3A_73 = arith.constant 0 : i32
      %dma_start3A_74 = arith.constant 0 : i32
      %dma_start3A_75 = tpu.memref_slice %arg7[%run_scoped3A_3, %dma_start3A_73, %dma_start3A_74] : memref<2x16x128xi32, #tpu.memory_space<vmem>> -> memref<1x16x128xi32, #tpu.memory_space<vmem>>
      %dma_start3A_76 = tpu.memref_squeeze %dma_start3A_75 : memref<1x16x128xi32, #tpu.memory_space<vmem>> -> memref<16x128xi32, #tpu.memory_space<vmem>>
      %dma_start3A_77 = arith.constant 0 : i32
      %dma_start3A_78 = arith.constant 0 : i32
      %dma_start3A_79 = tpu.memref_slice %arg4[%arg1, %dma_start3A_77, %dma_start3A_78] : memref<16x160x128xi32, #tpu.memory_space<hbm>> -> memref<1x16x128xi32, #tpu.memory_space<hbm>>
      %dma_start3A_80 = tpu.memref_squeeze %dma_start3A_79 : memref<1x16x128xi32, #tpu.memory_space<hbm>> -> memref<16x128xi32, #tpu.memory_space<hbm>>
      %dma_start3A_81 = arith.constant 0 : i32
      %dma_start3A_82 = arith.constant 0 : i32
      %dma_start3A_83 = tpu.memref_slice %arg7[%run_scoped3A_3, %dma_start3A_81, %dma_start3A_82] : memref<2x16x128xi32, #tpu.memory_space<vmem>> -> memref<1x16x128xi32, #tpu.memory_space<vmem>>
      %dma_start3A_84 = tpu.memref_squeeze %dma_start3A_83 : memref<1x16x128xi32, #tpu.memory_space<vmem>> -> memref<16x128xi32, #tpu.memory_space<vmem>>
      %dma_start3A_85 = arith.constant 0 : i32
      %dma_start3A_86 = arith.constant 0 : i32
      %dma_start3A_87 = tpu.memref_slice %arg4[%arg1, %dma_start3A_85, %dma_start3A_86] : memref<16x160x128xi32, #tpu.memory_space<hbm>> -> memref<1x16x128xi32, #tpu.memory_space<hbm>>
      %dma_start3A_88 = tpu.memref_squeeze %dma_start3A_87 : memref<1x16x128xi32, #tpu.memory_space<hbm>> -> memref<16x128xi32, #tpu.memory_space<hbm>>
      tpu.enqueue_dma source(%dma_start3A_88 : memref<16x128xi32, #tpu.memory_space<hbm>>) target(%dma_start3A_84 : memref<16x128xi32, #tpu.memory_space<vmem>>) target_semaphore(%run_scoped3A_72 : memref<!tpu.dma_semaphore, #tpu.memory_space<semaphore_mem>>)
      %dma_wait3A = arith.constant 0 : i32
      %dma_wait3A_89 = arith.constant 0 : i32
      %dma_wait3A_90 = tpu.memref_slice %arg7[%run_scoped3A_3, %dma_wait3A, %dma_wait3A_89] : memref<2x16x128xi32, #tpu.memory_space<vmem>> -> memref<1x16x128xi32, #tpu.memory_space<vmem>>
      %dma_wait3A_91 = tpu.memref_squeeze %dma_wait3A_90 : memref<1x16x128xi32, #tpu.memory_space<vmem>> -> memref<16x128xi32, #tpu.memory_space<vmem>>
      %dma_wait3A_92 = arith.constant 0 : i32
      %dma_wait3A_93 = arith.constant 0 : i32
      %dma_wait3A_94 = tpu.memref_slice %arg4[%arg1, %dma_wait3A_92, %dma_wait3A_93] : memref<16x160x128xi32, #tpu.memory_space<hbm>> -> memref<1x16x128xi32, #tpu.memory_space<hbm>>
      %dma_wait3A_95 = tpu.memref_squeeze %dma_wait3A_94 : memref<1x16x128xi32, #tpu.memory_space<hbm>> -> memref<16x128xi32, #tpu.memory_space<hbm>>
      %dma_wait3A_96 = arith.constant 0 : i32
      %dma_wait3A_97 = arith.constant 0 : i32
      %dma_wait3A_98 = tpu.memref_slice %arg7[%run_scoped3A_3, %dma_wait3A_96, %dma_wait3A_97] : memref<2x16x128xi32, #tpu.memory_space<vmem>> -> memref<1x16x128xi32, #tpu.memory_space<vmem>>
      %dma_wait3A_99 = tpu.memref_squeeze %dma_wait3A_98 : memref<1x16x128xi32, #tpu.memory_space<vmem>> -> memref<16x128xi32, #tpu.memory_space<vmem>>
      %dma_wait3A_100 = arith.constant 0 : i32
      %dma_wait3A_101 = arith.constant 0 : i32
      %dma_wait3A_102 = tpu.memref_slice %arg4[%arg1, %dma_wait3A_100, %dma_wait3A_101] : memref<16x160x128xi32, #tpu.memory_space<hbm>> -> memref<1x16x128xi32, #tpu.memory_space<hbm>>
      %dma_wait3A_103 = tpu.memref_squeeze %dma_wait3A_102 : memref<1x16x128xi32, #tpu.memory_space<hbm>> -> memref<16x128xi32, #tpu.memory_space<hbm>>
      tpu.wait_dma2 semaphore(%run_scoped3A_72 : memref<!tpu.dma_semaphore, #tpu.memory_space<semaphore_mem>>) src(%dma_wait3A_103 : memref<16x128xi32, #tpu.memory_space<hbm>>) dst(%dma_wait3A_99 : memref<16x128xi32, #tpu.memory_space<vmem>>)
      tpu.yield
    }) : () -> ()
    %dma_start3A = arith.constant 1 : i32
    %dma_start3A_4 = arith.constant 0 : i32
    %dma_start3A_5 = arith.constant 0 : i32
    %dma_start3A_6 = tpu.memref_slice %arg6[%dma_start3A, %dma_start3A_4, %dma_start3A_5] : memref<2x16x128xi32, #tpu.memory_space<vmem>> -> memref<1x16x128xi32, #tpu.memory_space<vmem>>
    %dma_start3A_7 = tpu.memref_squeeze %dma_start3A_6 : memref<1x16x128xi32, #tpu.memory_space<vmem>> -> memref<16x128xi32, #tpu.memory_space<vmem>>
    %dma_start3A_8 = arith.constant 16 : i32
    %dma_start3A_9 = arith.constant 0 : i32
    %dma_start3A_10 = tpu.memref_slice %arg3[%arg1, %dma_start3A_8, %dma_start3A_9] : memref<16x160x128xi32, #tpu.memory_space<hbm>> -> memref<1x16x128xi32, #tpu.memory_space<hbm>>
    %dma_start3A_11 = tpu.memref_squeeze %dma_start3A_10 : memref<1x16x128xi32, #tpu.memory_space<hbm>> -> memref<16x128xi32, #tpu.memory_space<hbm>>
    %dma_start3A_12 = arith.constant 0 : i32
    %dma_start3A_13 = arith.constant 0 : i32
    %dma_start3A_14 = tpu.memref_slice %arg6[%dma_start3A, %dma_start3A_12, %dma_start3A_13] : memref<2x16x128xi32, #tpu.memory_space<vmem>> -> memref<1x16x128xi32, #tpu.memory_space<vmem>>
    %dma_start3A_15 = tpu.memref_squeeze %dma_start3A_14 : memref<1x16x128xi32, #tpu.memory_space<vmem>> -> memref<16x128xi32, #tpu.memory_space<vmem>>
    %dma_start3A_16 = arith.constant 16 : i32
    %dma_start3A_17 = arith.constant 0 : i32
    %dma_start3A_18 = tpu.memref_slice %arg3[%arg1, %dma_start3A_16, %dma_start3A_17] : memref<16x160x128xi32, #tpu.memory_space<hbm>> -> memref<1x16x128xi32, #tpu.memory_space<hbm>>
    %dma_start3A_19 = tpu.memref_squeeze %dma_start3A_18 : memref<1x16x128xi32, #tpu.memory_space<hbm>> -> memref<16x128xi32, #tpu.memory_space<hbm>>
    tpu.enqueue_dma source(%dma_start3A_19 : memref<16x128xi32, #tpu.memory_space<hbm>>) target(%dma_start3A_15 : memref<16x128xi32, #tpu.memory_space<vmem>>) target_semaphore(%arg12 : memref<!tpu.dma_semaphore, #tpu.memory_space<semaphore_mem>>)
    %dma_start3A_20 = arith.constant 1 : i32
    %dma_start3A_21 = arith.constant 0 : i32
    %dma_start3A_22 = arith.constant 0 : i32
    %dma_start3A_23 = tpu.memref_slice %arg7[%dma_start3A_20, %dma_start3A_21, %dma_start3A_22] : memref<2x16x128xi32, #tpu.memory_space<vmem>> -> memref<1x16x128xi32, #tpu.memory_space<vmem>>
    %dma_start3A_24 = tpu.memref_squeeze %dma_start3A_23 : memref<1x16x128xi32, #tpu.memory_space<vmem>> -> memref<16x128xi32, #tpu.memory_space<vmem>>
    %dma_start3A_25 = arith.constant 16 : i32
    %dma_start3A_26 = arith.constant 0 : i32
    %dma_start3A_27 = tpu.memref_slice %arg4[%arg1, %dma_start3A_25, %dma_start3A_26] : memref<16x160x128xi32, #tpu.memory_space<hbm>> -> memref<1x16x128xi32, #tpu.memory_space<hbm>>
    %dma_start3A_28 = tpu.memref_squeeze %dma_start3A_27 : memref<1x16x128xi32, #tpu.memory_space<hbm>> -> memref<16x128xi32, #tpu.memory_space<hbm>>
    %dma_start3A_29 = arith.constant 0 : i32
    %dma_start3A_30 = arith.constant 0 : i32
    %dma_start3A_31 = tpu.memref_slice %arg7[%dma_start3A_20, %dma_start3A_29, %dma_start3A_30] : memref<2x16x128xi32, #tpu.memory_space<vmem>> -> memref<1x16x128xi32, #tpu.memory_space<vmem>>
    %dma_start3A_32 = tpu.memref_squeeze %dma_start3A_31 : memref<1x16x128xi32, #tpu.memory_space<vmem>> -> memref<16x128xi32, #tpu.memory_space<vmem>>
    %dma_start3A_33 = arith.constant 16 : i32
    %dma_start3A_34 = arith.constant 0 : i32
    %dma_start3A_35 = tpu.memref_slice %arg4[%arg1, %dma_start3A_33, %dma_start3A_34] : memref<16x160x128xi32, #tpu.memory_space<hbm>> -> memref<1x16x128xi32, #tpu.memory_space<hbm>>
    %dma_start3A_36 = tpu.memref_squeeze %dma_start3A_35 : memref<1x16x128xi32, #tpu.memory_space<hbm>> -> memref<16x128xi32, #tpu.memory_space<hbm>>
    tpu.enqueue_dma source(%dma_start3A_36 : memref<16x128xi32, #tpu.memory_space<hbm>>) target(%dma_start3A_32 : memref<16x128xi32, #tpu.memory_space<vmem>>) target_semaphore(%arg12 : memref<!tpu.dma_semaphore, #tpu.memory_space<semaphore_mem>>)
    %dma_start3A_37 = arith.constant 0 : i32
    %dma_start3A_38 = arith.constant 0 : i32
    %dma_start3A_39 = arith.constant 0 : i32
    %dma_start3A_40 = tpu.memref_slice %arg6[%dma_start3A_37, %dma_start3A_38, %dma_start3A_39] : memref<2x16x128xi32, #tpu.memory_space<vmem>> -> memref<1x1x128xi32, #tpu.memory_space<vmem>>
    %dma_start3A_41 = tpu.memref_squeeze %dma_start3A_40 : memref<1x1x128xi32, #tpu.memory_space<vmem>> -> memref<128xi32, #tpu.memory_space<vmem>>
    %dma_start3A_42 = arith.constant 0 : i32
    %dma_start3A_43 = arith.constant 0 : i32
    %dma_start3A_44 = tpu.memref_slice %arg2[%arg0, %dma_start3A_42, %dma_start3A_43] : memref<2x10000x128xf32, #tpu.memory_space<hbm>> -> memref<1x10000x128xf32, #tpu.memory_space<hbm>>
    %dma_start3A_45 = tpu.memref_squeeze %dma_start3A_44 : memref<1x10000x128xf32, #tpu.memory_space<hbm>> -> memref<10000x128xf32, #tpu.memory_space<hbm>>
    %dma_start3A_46 = arith.constant 0 : i32
    %dma_start3A_47 = arith.constant 0 : i32
    %dma_start3A_48 = tpu.memref_slice %dma_start3A_45[%dma_start3A_46, %dma_start3A_47] : memref<10000x128xf32, #tpu.memory_space<hbm>> -> memref<10000x128xf32, #tpu.memory_space<hbm>>
    tpu.enqueue_indirect_dma source(%dma_start3A_48 : memref<10000x128xf32, #tpu.memory_space<hbm>>) target(%arg8 : memref<128x128xf32, #tpu.memory_space<vmem>>) offsets(%dma_start3A_41 : memref<128xi32, #tpu.memory_space<vmem>>) semaphore(%arg13 : memref<!tpu.dma_semaphore, #tpu.memory_space<semaphore_mem>>)
    %dma_start3A_49 = arith.constant 0 : i32
    %dma_start3A_50 = arith.constant 1 : i32
    %dma_start3A_51 = arith.constant 0 : i32
    %dma_start3A_52 = tpu.memref_slice %arg6[%dma_start3A_49, %dma_start3A_50, %dma_start3A_51] : memref<2x16x128xi32, #tpu.memory_space<vmem>> -> memref<1x1x128xi32, #tpu.memory_space<vmem>>
    %dma_start3A_53 = tpu.memref_squeeze %dma_start3A_52 : memref<1x1x128xi32, #tpu.memory_space<vmem>> -> memref<128xi32, #tpu.memory_space<vmem>>
    %dma_start3A_54 = arith.constant 0 : i32
    %dma_start3A_55 = arith.constant 0 : i32
    %dma_start3A_56 = tpu.memref_slice %arg2[%arg0, %dma_start3A_54, %dma_start3A_55] : memref<2x10000x128xf32, #tpu.memory_space<hbm>> -> memref<1x10000x128xf32, #tpu.memory_space<hbm>>
    %dma_start3A_57 = tpu.memref_squeeze %dma_start3A_56 : memref<1x10000x128xf32, #tpu.memory_space<hbm>> -> memref<10000x128xf32, #tpu.memory_space<hbm>>
    %dma_start3A_58 = arith.constant 0 : i32
    %dma_start3A_59 = arith.constant 0 : i32
    %dma_start3A_60 = tpu.memref_slice %dma_start3A_57[%dma_start3A_58, %dma_start3A_59] : memref<10000x128xf32, #tpu.memory_space<hbm>> -> memref<10000x128xf32, #tpu.memory_space<hbm>>
    tpu.enqueue_indirect_dma source(%dma_start3A_60 : memref<10000x128xf32, #tpu.memory_space<hbm>>) target(%arg9 : memref<128x128xf32, #tpu.memory_space<vmem>>) offsets(%dma_start3A_53 : memref<128xi32, #tpu.memory_space<vmem>>) semaphore(%arg14 : memref<!tpu.dma_semaphore, #tpu.memory_space<semaphore_mem>>)
    %scan3A = arith.constant 0 : i32
    %scan3A_61 = arith.constant 0 : i32
    %scan3A_62 = arith.constant 5 : i32
    %scan3A_63 = arith.addi %scan3A_61, %scan3A_62 : i32
    %scan3A_64 = arith.constant 1 : i32
    scf.for %scan3A_72 = %scan3A_61 to %scan3A_63 step %scan3A_64  : i32 {
      %lt3A = arith.constant 4 : i32
      %lt3A_73 = arith.cmpi slt, %scan3A_72, %lt3A : i32
      %dma_wait3A = arith.constant 0 : i32
      %dma_wait3A_74 = arith.constant 0 : i32
      %dma_wait3A_75 = arith.constant 0 : i32
      %dma_wait3A_76 = tpu.memref_slice %arg6[%dma_wait3A, %dma_wait3A_74, %dma_wait3A_75] : memref<2x16x128xi32, #tpu.memory_space<vmem>> -> memref<1x1x128xi32, #tpu.memory_space<vmem>>
      %dma_wait3A_77 = tpu.memref_squeeze %dma_wait3A_76 : memref<1x1x128xi32, #tpu.memory_space<vmem>> -> memref<128xi32, #tpu.memory_space<vmem>>
      %dma_wait3A_78 = arith.constant 0 : i32
      %dma_wait3A_79 = arith.constant 0 : i32
      %dma_wait3A_80 = tpu.memref_slice %arg2[%arg0, %dma_wait3A_78, %dma_wait3A_79] : memref<2x10000x128xf32, #tpu.memory_space<hbm>> -> memref<1x10000x128xf32, #tpu.memory_space<hbm>>
      %dma_wait3A_81 = tpu.memref_squeeze %dma_wait3A_80 : memref<1x10000x128xf32, #tpu.memory_space<hbm>> -> memref<10000x128xf32, #tpu.memory_space<hbm>>
      %dma_wait3A_82 = arith.constant 0 : i32
      %dma_wait3A_83 = arith.constant 0 : i32
      %dma_wait3A_84 = tpu.memref_slice %dma_wait3A_81[%dma_wait3A_82, %dma_wait3A_83] : memref<10000x128xf32, #tpu.memory_space<hbm>> -> memref<10000x128xf32, #tpu.memory_space<hbm>>
      tpu.wait_indirect_dma semaphore(%arg13 : memref<!tpu.dma_semaphore, #tpu.memory_space<semaphore_mem>>) src(%dma_wait3A_84 : memref<10000x128xf32, #tpu.memory_space<hbm>>) dst(%arg8 : memref<128x128xf32, #tpu.memory_space<vmem>>)
      %run_scoped3A_85 = arith.constant 0 : i32
      %run_scoped3A_86 = arith.constant 0 : i32
      "tpu.region"() ({
        %run_scoped3A_927 = tpu.sem_alloc : memref<!tpu.dma_semaphore, #tpu.memory_space<semaphore_mem>>
        %dma_start3A_928 = arith.constant 0 : i32
        %dma_start3A_929 = tpu.memref_slice %arg7[%run_scoped3A_85, %run_scoped3A_86, %dma_start3A_928] : memref<2x16x128xi32, #tpu.memory_space<vmem>> -> memref<1x1x128xi32, #tpu.memory_space<vmem>>
        %dma_start3A_930 = tpu.memref_squeeze %dma_start3A_929 : memref<1x1x128xi32, #tpu.memory_space<vmem>> -> memref<128xi32, #tpu.memory_space<vmem>>
        %dma_start3A_931 = arith.constant 0 : i32
        %dma_start3A_932 = arith.constant 0 : i32
        %dma_start3A_933 = tpu.memref_slice %arg10[%dma_start3A_931, %dma_start3A_932] : memref<10008x128xf32, #tpu.memory_space<vmem_shared>> -> memref<10008x128xf32, #tpu.memory_space<vmem_shared>>
        tpu.enqueue_indirect_dma source(%arg8 : memref<128x128xf32, #tpu.memory_space<vmem>>) target(%dma_start3A_933 : memref<10008x128xf32, #tpu.memory_space<vmem_shared>>) offsets(%dma_start3A_930 : memref<128xi32, #tpu.memory_space<vmem>>) semaphore(%run_scoped3A_927 : memref<!tpu.dma_semaphore, #tpu.memory_space<semaphore_mem>>) {add = true}
        %dma_wait3A_934 = arith.constant 0 : i32
        %dma_wait3A_935 = tpu.memref_slice %arg7[%run_scoped3A_85, %run_scoped3A_86, %dma_wait3A_934] : memref<2x16x128xi32, #tpu.memory_space<vmem>> -> memref<1x1x128xi32, #tpu.memory_space<vmem>>
        %dma_wait3A_936 = tpu.memref_squeeze %dma_wait3A_935 : memref<1x1x128xi32, #tpu.memory_space<vmem>> -> memref<128xi32, #tpu.memory_space<vmem>>
        %dma_wait3A_937 = arith.constant 0 : i32
        %dma_wait3A_938 = arith.constant 0 : i32
        %dma_wait3A_939 = tpu.memref_slice %arg10[%dma_wait3A_937, %dma_wait3A_938] : memref<10008x128xf32, #tpu.memory_space<vmem_shared>> -> memref<10008x128xf32, #tpu.memory_space<vmem_shared>>
        tpu.wait_indirect_dma semaphore(%run_scoped3A_927 : memref<!tpu.dma_semaphore, #tpu.memory_space<semaphore_mem>>) src(%arg8 : memref<128x128xf32, #tpu.memory_space<vmem>>) dst(%dma_wait3A_939 : memref<10008x128xf32, #tpu.memory_space<vmem_shared>>)
        tpu.yield
      }) : () -> ()
      %dma_start3A_87 = arith.constant 0 : i32
      %dma_start3A_88 = arith.constant 2 : i32
      %dma_start3A_89 = arith.constant 0 : i32
      %dma_start3A_90 = tpu.memref_slice %arg6[%dma_start3A_87, %dma_start3A_88, %dma_start3A_89] : memref<2x16x128xi32, #tpu.memory_space<vmem>> -> memref<1x1x128xi32, #tpu.memory_space<vmem>>
      %dma_start3A_91 = tpu.memref_squeeze %dma_start3A_90 : memref<1x1x128xi32, #tpu.memory_space<vmem>> -> memref<128xi32, #tpu.memory_space<vmem>>
      %dma_start3A_92 = arith.constant 0 : i32
      %dma_start3A_93 = arith.constant 0 : i32
      %dma_start3A_94 = tpu.memref_slice %arg2[%arg0, %dma_start3A_92, %dma_start3A_93] : memref<2x10000x128xf32, #tpu.memory_space<hbm>> -> memref<1x10000x128xf32, #tpu.memory_space<hbm>>
      %dma_start3A_95 = tpu.memref_squeeze %dma_start3A_94 : memref<1x10000x128xf32, #tpu.memory_space<hbm>> -> memref<10000x128xf32, #tpu.memory_space<hbm>>
      %dma_start3A_96 = arith.constant 0 : i32
      %dma_start3A_97 = arith.constant 0 : i32
      %dma_start3A_98 = tpu.memref_slice %dma_start3A_95[%dma_start3A_96, %dma_start3A_97] : memref<10000x128xf32, #tpu.memory_space<hbm>> -> memref<10000x128xf32, #tpu.memory_space<hbm>>
      tpu.enqueue_indirect_dma source(%dma_start3A_98 : memref<10000x128xf32, #tpu.memory_space<hbm>>) target(%arg8 : memref<128x128xf32, #tpu.memory_space<vmem>>) offsets(%dma_start3A_91 : memref<128xi32, #tpu.memory_space<vmem>>) semaphore(%arg13 : memref<!tpu.dma_semaphore, #tpu.memory_space<semaphore_mem>>)
      %dma_wait3A_99 = arith.constant 0 : i32
      %dma_wait3A_100 = arith.constant 1 : i32
      %dma_wait3A_101 = arith.constant 0 : i32
      %dma_wait3A_102 = tpu.memref_slice %arg6[%dma_wait3A_99, %dma_wait3A_100, %dma_wait3A_101] : memref<2x16x128xi32, #tpu.memory_space<vmem>> -> memref<1x1x128xi32, #tpu.memory_space<vmem>>
      %dma_wait3A_103 = tpu.memref_squeeze %dma_wait3A_102 : memref<1x1x128xi32, #tpu.memory_space<vmem>> -> memref<128xi32, #tpu.memory_space<vmem>>
      %dma_wait3A_104 = arith.constant 0 : i32
      %dma_wait3A_105 = arith.constant 0 : i32
      %dma_wait3A_106 = tpu.memref_slice %arg2[%arg0, %dma_wait3A_104, %dma_wait3A_105] : memref<2x10000x128xf32, #tpu.memory_space<hbm>> -> memref<1x10000x128xf32, #tpu.memory_space<hbm>>
      %dma_wait3A_107 = tpu.memref_squeeze %dma_wait3A_106 : memref<1x10000x128xf32, #tpu.memory_space<hbm>> -> memref<10000x128xf32, #tpu.memory_space<hbm>>
      %dma_wait3A_108 = arith.constant 0 : i32
      %dma_wait3A_109 = arith.constant 0 : i32
      %dma_wait3A_110 = tpu.memref_slice %dma_wait3A_107[%dma_wait3A_108, %dma_wait3A_109] : memref<10000x128xf32, #tpu.memory_space<hbm>> -> memref<10000x128xf32, #tpu.memory_space<hbm>>
      tpu.wait_indirect_dma semaphore(%arg14 : memref<!tpu.dma_semaphore, #tpu.memory_space<semaphore_mem>>) src(%dma_wait3A_110 : memref<10000x128xf32, #tpu.memory_space<hbm>>) dst(%arg9 : memref<128x128xf32, #tpu.memory_space<vmem>>)
      %run_scoped3A_111 = arith.constant 0 : i32
      %run_scoped3A_112 = arith.constant 1 : i32
      "tpu.region"() ({
        %run_scoped3A_927 = tpu.sem_alloc : memref<!tpu.dma_semaphore, #tpu.memory_space<semaphore_mem>>
        %dma_start3A_928 = arith.constant 0 : i32
        %dma_start3A_929 = tpu.memref_slice %arg7[%run_scoped3A_111, %run_scoped3A_112, %dma_start3A_928] : memref<2x16x128xi32, #tpu.memory_space<vmem>> -> memref<1x1x128xi32, #tpu.memory_space<vmem>>
        %dma_start3A_930 = tpu.memref_squeeze %dma_start3A_929 : memref<1x1x128xi32, #tpu.memory_space<vmem>> -> memref<128xi32, #tpu.memory_space<vmem>>
        %dma_start3A_931 = arith.constant 0 : i32
        %dma_start3A_932 = arith.constant 0 : i32
        %dma_start3A_933 = tpu.memref_slice %arg10[%dma_start3A_931, %dma_start3A_932] : memref<10008x128xf32, #tpu.memory_space<vmem_shared>> -> memref<10008x128xf32, #tpu.memory_space<vmem_shared>>
        tpu.enqueue_indirect_dma source(%arg9 : memref<128x128xf32, #tpu.memory_space<vmem>>) target(%dma_start3A_933 : memref<10008x128xf32, #tpu.memory_space<vmem_shared>>) offsets(%dma_start3A_930 : memref<128xi32, #tpu.memory_space<vmem>>) semaphore(%run_scoped3A_927 : memref<!tpu.dma_semaphore, #tpu.memory_space<semaphore_mem>>) {add = true}
        %dma_wait3A_934 = arith.constant 0 : i32
        %dma_wait3A_935 = tpu.memref_slice %arg7[%run_scoped3A_111, %run_scoped3A_112, %dma_wait3A_934] : memref<2x16x128xi32, #tpu.memory_space<vmem>> -> memref<1x1x128xi32, #tpu.memory_space<vmem>>
        %dma_wait3A_936 = tpu.memref_squeeze %dma_wait3A_935 : memref<1x1x128xi32, #tpu.memory_space<vmem>> -> memref<128xi32, #tpu.memory_space<vmem>>
        %dma_wait3A_937 = arith.constant 0 : i32
        %dma_wait3A_938 = arith.constant 0 : i32
        %dma_wait3A_939 = tpu.memref_slice %arg10[%dma_wait3A_937, %dma_wait3A_938] : memref<10008x128xf32, #tpu.memory_space<vmem_shared>> -> memref<10008x128xf32, #tpu.memory_space<vmem_shared>>
        tpu.wait_indirect_dma semaphore(%run_scoped3A_927 : memref<!tpu.dma_semaphore, #tpu.memory_space<semaphore_mem>>) src(%arg9 : memref<128x128xf32, #tpu.memory_space<vmem>>) dst(%dma_wait3A_939 : memref<10008x128xf32, #tpu.memory_space<vmem_shared>>)
        tpu.yield
      }) : () -> ()
      %dma_start3A_113 = arith.constant 0 : i32
      %dma_start3A_114 = arith.constant 3 : i32
      %dma_start3A_115 = arith.constant 0 : i32
      %dma_start3A_116 = tpu.memref_slice %arg6[%dma_start3A_113, %dma_start3A_114, %dma_start3A_115] : memref<2x16x128xi32, #tpu.memory_space<vmem>> -> memref<1x1x128xi32, #tpu.memory_space<vmem>>
      %dma_start3A_117 = tpu.memref_squeeze %dma_start3A_116 : memref<1x1x128xi32, #tpu.memory_space<vmem>> -> memref<128xi32, #tpu.memory_space<vmem>>
      %dma_start3A_118 = arith.constant 0 : i32
      %dma_start3A_119 = arith.constant 0 : i32
      %dma_start3A_120 = tpu.memref_slice %arg2[%arg0, %dma_start3A_118, %dma_start3A_119] : memref<2x10000x128xf32, #tpu.memory_space<hbm>> -> memref<1x10000x128xf32, #tpu.memory_space<hbm>>
      %dma_start3A_121 = tpu.memref_squeeze %dma_start3A_120 : memref<1x10000x128xf32, #tpu.memory_space<hbm>> -> memref<10000x128xf32, #tpu.memory_space<hbm>>
      %dma_start3A_122 = arith.constant 0 : i32
      %dma_start3A_123 = arith.constant 0 : i32
      %dma_start3A_124 = tpu.memref_slice %dma_start3A_121[%dma_start3A_122, %dma_start3A_123] : memref<10000x128xf32, #tpu.memory_space<hbm>> -> memref<10000x128xf32, #tpu.memory_space<hbm>>
      tpu.enqueue_indirect_dma source(%dma_start3A_124 : memref<10000x128xf32, #tpu.memory_space<hbm>>) target(%arg9 : memref<128x128xf32, #tpu.memory_space<vmem>>) offsets(%dma_start3A_117 : memref<128xi32, #tpu.memory_space<vmem>>) semaphore(%arg14 : memref<!tpu.dma_semaphore, #tpu.memory_space<semaphore_mem>>)
      %dma_wait3A_125 = arith.constant 0 : i32
      %dma_wait3A_126 = arith.constant 2 : i32
      %dma_wait3A_127 = arith.constant 0 : i32
      %dma_wait3A_128 = tpu.memref_slice %arg6[%dma_wait3A_125, %dma_wait3A_126, %dma_wait3A_127] : memref<2x16x128xi32, #tpu.memory_space<vmem>> -> memref<1x1x128xi32, #tpu.memory_space<vmem>>
      %dma_wait3A_129 = tpu.memref_squeeze %dma_wait3A_128 : memref<1x1x128xi32, #tpu.memory_space<vmem>> -> memref<128xi32, #tpu.memory_space<vmem>>
      %dma_wait3A_130 = arith.constant 0 : i32
      %dma_wait3A_131 = arith.constant 0 : i32
      %dma_wait3A_132 = tpu.memref_slice %arg2[%arg0, %dma_wait3A_130, %dma_wait3A_131] : memref<2x10000x128xf32, #tpu.memory_space<hbm>> -> memref<1x10000x128xf32, #tpu.memory_space<hbm>>
      %dma_wait3A_133 = tpu.memref_squeeze %dma_wait3A_132 : memref<1x10000x128xf32, #tpu.memory_space<hbm>> -> memref<10000x128xf32, #tpu.memory_space<hbm>>
      %dma_wait3A_134 = arith.constant 0 : i32
      %dma_wait3A_135 = arith.constant 0 : i32
      %dma_wait3A_136 = tpu.memref_slice %dma_wait3A_133[%dma_wait3A_134, %dma_wait3A_135] : memref<10000x128xf32, #tpu.memory_space<hbm>> -> memref<10000x128xf32, #tpu.memory_space<hbm>>
      tpu.wait_indirect_dma semaphore(%arg13 : memref<!tpu.dma_semaphore, #tpu.memory_space<semaphore_mem>>) src(%dma_wait3A_136 : memref<10000x128xf32, #tpu.memory_space<hbm>>) dst(%arg8 : memref<128x128xf32, #tpu.memory_space<vmem>>)
      %run_scoped3A_137 = arith.constant 0 : i32
      %run_scoped3A_138 = arith.constant 2 : i32
      "tpu.region"() ({
        %run_scoped3A_927 = tpu.sem_alloc : memref<!tpu.dma_semaphore, #tpu.memory_space<semaphore_mem>>
        %dma_start3A_928 = arith.constant 0 : i32
        %dma_start3A_929 = tpu.memref_slice %arg7[%run_scoped3A_137, %run_scoped3A_138, %dma_start3A_928] : memref<2x16x128xi32, #tpu.memory_space<vmem>> -> memref<1x1x128xi32, #tpu.memory_space<vmem>>
        %dma_start3A_930 = tpu.memref_squeeze %dma_start3A_929 : memref<1x1x128xi32, #tpu.memory_space<vmem>> -> memref<128xi32, #tpu.memory_space<vmem>>
        %dma_start3A_931 = arith.constant 0 : i32
        %dma_start3A_932 = arith.constant 0 : i32
        %dma_start3A_933 = tpu.memref_slice %arg10[%dma_start3A_931, %dma_start3A_932] : memref<10008x128xf32, #tpu.memory_space<vmem_shared>> -> memref<10008x128xf32, #tpu.memory_space<vmem_shared>>
        tpu.enqueue_indirect_dma source(%arg8 : memref<128x128xf32, #tpu.memory_space<vmem>>) target(%dma_start3A_933 : memref<10008x128xf32, #tpu.memory_space<vmem_shared>>) offsets(%dma_start3A_930 : memref<128xi32, #tpu.memory_space<vmem>>) semaphore(%run_scoped3A_927 : memref<!tpu.dma_semaphore, #tpu.memory_space<semaphore_mem>>) {add = true}
        %dma_wait3A_934 = arith.constant 0 : i32
        %dma_wait3A_935 = tpu.memref_slice %arg7[%run_scoped3A_137, %run_scoped3A_138, %dma_wait3A_934] : memref<2x16x128xi32, #tpu.memory_space<vmem>> -> memref<1x1x128xi32, #tpu.memory_space<vmem>>
        %dma_wait3A_936 = tpu.memref_squeeze %dma_wait3A_935 : memref<1x1x128xi32, #tpu.memory_space<vmem>> -> memref<128xi32, #tpu.memory_space<vmem>>
        %dma_wait3A_937 = arith.constant 0 : i32
        %dma_wait3A_938 = arith.constant 0 : i32
        %dma_wait3A_939 = tpu.memref_slice %arg10[%dma_wait3A_937, %dma_wait3A_938] : memref<10008x128xf32, #tpu.memory_space<vmem_shared>> -> memref<10008x128xf32, #tpu.memory_space<vmem_shared>>
        tpu.wait_indirect_dma semaphore(%run_scoped3A_927 : memref<!tpu.dma_semaphore, #tpu.memory_space<semaphore_mem>>) src(%arg8 : memref<128x128xf32, #tpu.memory_space<vmem>>) dst(%dma_wait3A_939 : memref<10008x128xf32, #tpu.memory_space<vmem_shared>>)
        tpu.yield
      }) : () -> ()
      %dma_start3A_139 = arith.constant 0 : i32
      %dma_start3A_140 = arith.constant 4 : i32
      %dma_start3A_141 = arith.constant 0 : i32
      %dma_start3A_142 = tpu.memref_slice %arg6[%dma_start3A_139, %dma_start3A_140, %dma_start3A_141] : memref<2x16x128xi32, #tpu.memory_space<vmem>> -> memref<1x1x128xi32, #tpu.memory_space<vmem>>
      %dma_start3A_143 = tpu.memref_squeeze %dma_start3A_142 : memref<1x1x128xi32, #tpu.memory_space<vmem>> -> memref<128xi32, #tpu.memory_space<vmem>>
      %dma_start3A_144 = arith.constant 0 : i32
      %dma_start3A_145 = arith.constant 0 : i32
      %dma_start3A_146 = tpu.memref_slice %arg2[%arg0, %dma_start3A_144, %dma_start3A_145] : memref<2x10000x128xf32, #tpu.memory_space<hbm>> -> memref<1x10000x128xf32, #tpu.memory_space<hbm>>
      %dma_start3A_147 = tpu.memref_squeeze %dma_start3A_146 : memref<1x10000x128xf32, #tpu.memory_space<hbm>> -> memref<10000x128xf32, #tpu.memory_space<hbm>>
      %dma_start3A_148 = arith.constant 0 : i32
      %dma_start3A_149 = arith.constant 0 : i32
      %dma_start3A_150 = tpu.memref_slice %dma_start3A_147[%dma_start3A_148, %dma_start3A_149] : memref<10000x128xf32, #tpu.memory_space<hbm>> -> memref<10000x128xf32, #tpu.memory_space<hbm>>
      tpu.enqueue_indirect_dma source(%dma_start3A_150 : memref<10000x128xf32, #tpu.memory_space<hbm>>) target(%arg8 : memref<128x128xf32, #tpu.memory_space<vmem>>) offsets(%dma_start3A_143 : memref<128xi32, #tpu.memory_space<vmem>>) semaphore(%arg13 : memref<!tpu.dma_semaphore, #tpu.memory_space<semaphore_mem>>)
      %dma_wait3A_151 = arith.constant 0 : i32
      %dma_wait3A_152 = arith.constant 3 : i32
      %dma_wait3A_153 = arith.constant 0 : i32
      %dma_wait3A_154 = tpu.memref_slice %arg6[%dma_wait3A_151, %dma_wait3A_152, %dma_wait3A_153] : memref<2x16x128xi32, #tpu.memory_space<vmem>> -> memref<1x1x128xi32, #tpu.memory_space<vmem>>
      %dma_wait3A_155 = tpu.memref_squeeze %dma_wait3A_154 : memref<1x1x128xi32, #tpu.memory_space<vmem>> -> memref<128xi32, #tpu.memory_space<vmem>>
      %dma_wait3A_156 = arith.constant 0 : i32
      %dma_wait3A_157 = arith.constant 0 : i32
      %dma_wait3A_158 = tpu.memref_slice %arg2[%arg0, %dma_wait3A_156, %dma_wait3A_157] : memref<2x10000x128xf32, #tpu.memory_space<hbm>> -> memref<1x10000x128xf32, #tpu.memory_space<hbm>>
      %dma_wait3A_159 = tpu.memref_squeeze %dma_wait3A_158 : memref<1x10000x128xf32, #tpu.memory_space<hbm>> -> memref<10000x128xf32, #tpu.memory_space<hbm>>
      %dma_wait3A_160 = arith.constant 0 : i32
      %dma_wait3A_161 = arith.constant 0 : i32
      %dma_wait3A_162 = tpu.memref_slice %dma_wait3A_159[%dma_wait3A_160, %dma_wait3A_161] : memref<10000x128xf32, #tpu.memory_space<hbm>> -> memref<10000x128xf32, #tpu.memory_space<hbm>>
      tpu.wait_indirect_dma semaphore(%arg14 : memref<!tpu.dma_semaphore, #tpu.memory_space<semaphore_mem>>) src(%dma_wait3A_162 : memref<10000x128xf32, #tpu.memory_space<hbm>>) dst(%arg9 : memref<128x128xf32, #tpu.memory_space<vmem>>)
      %run_scoped3A_163 = arith.constant 0 : i32
      %run_scoped3A_164 = arith.constant 3 : i32
      "tpu.region"() ({
        %run_scoped3A_927 = tpu.sem_alloc : memref<!tpu.dma_semaphore, #tpu.memory_space<semaphore_mem>>
        %dma_start3A_928 = arith.constant 0 : i32
        %dma_start3A_929 = tpu.memref_slice %arg7[%run_scoped3A_163, %run_scoped3A_164, %dma_start3A_928] : memref<2x16x128xi32, #tpu.memory_space<vmem>> -> memref<1x1x128xi32, #tpu.memory_space<vmem>>
        %dma_start3A_930 = tpu.memref_squeeze %dma_start3A_929 : memref<1x1x128xi32, #tpu.memory_space<vmem>> -> memref<128xi32, #tpu.memory_space<vmem>>
        %dma_start3A_931 = arith.constant 0 : i32
        %dma_start3A_932 = arith.constant 0 : i32
        %dma_start3A_933 = tpu.memref_slice %arg10[%dma_start3A_931, %dma_start3A_932] : memref<10008x128xf32, #tpu.memory_space<vmem_shared>> -> memref<10008x128xf32, #tpu.memory_space<vmem_shared>>
        tpu.enqueue_indirect_dma source(%arg9 : memref<128x128xf32, #tpu.memory_space<vmem>>) target(%dma_start3A_933 : memref<10008x128xf32, #tpu.memory_space<vmem_shared>>) offsets(%dma_start3A_930 : memref<128xi32, #tpu.memory_space<vmem>>) semaphore(%run_scoped3A_927 : memref<!tpu.dma_semaphore, #tpu.memory_space<semaphore_mem>>) {add = true}
        %dma_wait3A_934 = arith.constant 0 : i32
        %dma_wait3A_935 = tpu.memref_slice %arg7[%run_scoped3A_163, %run_scoped3A_164, %dma_wait3A_934] : memref<2x16x128xi32, #tpu.memory_space<vmem>> -> memref<1x1x128xi32, #tpu.memory_space<vmem>>
        %dma_wait3A_936 = tpu.memref_squeeze %dma_wait3A_935 : memref<1x1x128xi32, #tpu.memory_space<vmem>> -> memref<128xi32, #tpu.memory_space<vmem>>
        %dma_wait3A_937 = arith.constant 0 : i32
        %dma_wait3A_938 = arith.constant 0 : i32
        %dma_wait3A_939 = tpu.memref_slice %arg10[%dma_wait3A_937, %dma_wait3A_938] : memref<10008x128xf32, #tpu.memory_space<vmem_shared>> -> memref<10008x128xf32, #tpu.memory_space<vmem_shared>>
        tpu.wait_indirect_dma semaphore(%run_scoped3A_927 : memref<!tpu.dma_semaphore, #tpu.memory_space<semaphore_mem>>) src(%arg9 : memref<128x128xf32, #tpu.memory_space<vmem>>) dst(%dma_wait3A_939 : memref<10008x128xf32, #tpu.memory_space<vmem_shared>>)
        tpu.yield
      }) : () -> ()
      %dma_start3A_165 = arith.constant 0 : i32
      %dma_start3A_166 = arith.constant 5 : i32
      %dma_start3A_167 = arith.constant 0 : i32
      %dma_start3A_168 = tpu.memref_slice %arg6[%dma_start3A_165, %dma_start3A_166, %dma_start3A_167] : memref<2x16x128xi32, #tpu.memory_space<vmem>> -> memref<1x1x128xi32, #tpu.memory_space<vmem>>
      %dma_start3A_169 = tpu.memref_squeeze %dma_start3A_168 : memref<1x1x128xi32, #tpu.memory_space<vmem>> -> memref<128xi32, #tpu.memory_space<vmem>>
      %dma_start3A_170 = arith.constant 0 : i32
      %dma_start3A_171 = arith.constant 0 : i32
      %dma_start3A_172 = tpu.memref_slice %arg2[%arg0, %dma_start3A_170, %dma_start3A_171] : memref<2x10000x128xf32, #tpu.memory_space<hbm>> -> memref<1x10000x128xf32, #tpu.memory_space<hbm>>
      %dma_start3A_173 = tpu.memref_squeeze %dma_start3A_172 : memref<1x10000x128xf32, #tpu.memory_space<hbm>> -> memref<10000x128xf32, #tpu.memory_space<hbm>>
      %dma_start3A_174 = arith.constant 0 : i32
      %dma_start3A_175 = arith.constant 0 : i32
      %dma_start3A_176 = tpu.memref_slice %dma_start3A_173[%dma_start3A_174, %dma_start3A_175] : memref<10000x128xf32, #tpu.memory_space<hbm>> -> memref<10000x128xf32, #tpu.memory_space<hbm>>
      tpu.enqueue_indirect_dma source(%dma_start3A_176 : memref<10000x128xf32, #tpu.memory_space<hbm>>) target(%arg9 : memref<128x128xf32, #tpu.memory_space<vmem>>) offsets(%dma_start3A_169 : memref<128xi32, #tpu.memory_space<vmem>>) semaphore(%arg14 : memref<!tpu.dma_semaphore, #tpu.memory_space<semaphore_mem>>)
      %dma_wait3A_177 = arith.constant 0 : i32
      %dma_wait3A_178 = arith.constant 4 : i32
      %dma_wait3A_179 = arith.constant 0 : i32
      %dma_wait3A_180 = tpu.memref_slice %arg6[%dma_wait3A_177, %dma_wait3A_178, %dma_wait3A_179] : memref<2x16x128xi32, #tpu.memory_space<vmem>> -> memref<1x1x128xi32, #tpu.memory_space<vmem>>
      %dma_wait3A_181 = tpu.memref_squeeze %dma_wait3A_180 : memref<1x1x128xi32, #tpu.memory_space<vmem>> -> memref<128xi32, #tpu.memory_space<vmem>>
      %dma_wait3A_182 = arith.constant 0 : i32
      %dma_wait3A_183 = arith.constant 0 : i32
      %dma_wait3A_184 = tpu.memref_slice %arg2[%arg0, %dma_wait3A_182, %dma_wait3A_183] : memref<2x10000x128xf32, #tpu.memory_space<hbm>> -> memref<1x10000x128xf32, #tpu.memory_space<hbm>>
      %dma_wait3A_185 = tpu.memref_squeeze %dma_wait3A_184 : memref<1x10000x128xf32, #tpu.memory_space<hbm>> -> memref<10000x128xf32, #tpu.memory_space<hbm>>
      %dma_wait3A_186 = arith.constant 0 : i32
      %dma_wait3A_187 = arith.constant 0 : i32
      %dma_wait3A_188 = tpu.memref_slice %dma_wait3A_185[%dma_wait3A_186, %dma_wait3A_187] : memref<10000x128xf32, #tpu.memory_space<hbm>> -> memref<10000x128xf32, #tpu.memory_space<hbm>>
      tpu.wait_indirect_dma semaphore(%arg13 : memref<!tpu.dma_semaphore, #tpu.memory_space<semaphore_mem>>) src(%dma_wait3A_188 : memref<10000x128xf32, #tpu.memory_space<hbm>>) dst(%arg8 : memref<128x128xf32, #tpu.memory_space<vmem>>)
      %run_scoped3A_189 = arith.constant 0 : i32
      %run_scoped3A_190 = arith.constant 4 : i32
      "tpu.region"() ({
        %run_scoped3A_927 = tpu.sem_alloc : memref<!tpu.dma_semaphore, #tpu.memory_space<semaphore_mem>>
        %dma_start3A_928 = arith.constant 0 : i32
        %dma_start3A_929 = tpu.memref_slice %arg7[%run_scoped3A_189, %run_scoped3A_190, %dma_start3A_928] : memref<2x16x128xi32, #tpu.memory_space<vmem>> -> memref<1x1x128xi32, #tpu.memory_space<vmem>>
        %dma_start3A_930 = tpu.memref_squeeze %dma_start3A_929 : memref<1x1x128xi32, #tpu.memory_space<vmem>> -> memref<128xi32, #tpu.memory_space<vmem>>
        %dma_start3A_931 = arith.constant 0 : i32
        %dma_start3A_932 = arith.constant 0 : i32
        %dma_start3A_933 = tpu.memref_slice %arg10[%dma_start3A_931, %dma_start3A_932] : memref<10008x128xf32, #tpu.memory_space<vmem_shared>> -> memref<10008x128xf32, #tpu.memory_space<vmem_shared>>
        tpu.enqueue_indirect_dma source(%arg8 : memref<128x128xf32, #tpu.memory_space<vmem>>) target(%dma_start3A_933 : memref<10008x128xf32, #tpu.memory_space<vmem_shared>>) offsets(%dma_start3A_930 : memref<128xi32, #tpu.memory_space<vmem>>) semaphore(%run_scoped3A_927 : memref<!tpu.dma_semaphore, #tpu.memory_space<semaphore_mem>>) {add = true}
        %dma_wait3A_934 = arith.constant 0 : i32
        %dma_wait3A_935 = tpu.memref_slice %arg7[%run_scoped3A_189, %run_scoped3A_190, %dma_wait3A_934] : memref<2x16x128xi32, #tpu.memory_space<vmem>> -> memref<1x1x128xi32, #tpu.memory_space<vmem>>
        %dma_wait3A_936 = tpu.memref_squeeze %dma_wait3A_935 : memref<1x1x128xi32, #tpu.memory_space<vmem>> -> memref<128xi32, #tpu.memory_space<vmem>>
        %dma_wait3A_937 = arith.constant 0 : i32
        %dma_wait3A_938 = arith.constant 0 : i32
        %dma_wait3A_939 = tpu.memref_slice %arg10[%dma_wait3A_937, %dma_wait3A_938] : memref<10008x128xf32, #tpu.memory_space<vmem_shared>> -> memref<10008x128xf32, #tpu.memory_space<vmem_shared>>
        tpu.wait_indirect_dma semaphore(%run_scoped3A_927 : memref<!tpu.dma_semaphore, #tpu.memory_space<semaphore_mem>>) src(%arg8 : memref<128x128xf32, #tpu.memory_space<vmem>>) dst(%dma_wait3A_939 : memref<10008x128xf32, #tpu.memory_space<vmem_shared>>)
        tpu.yield
      }) : () -> ()
      %dma_start3A_191 = arith.constant 0 : i32
      %dma_start3A_192 = arith.constant 6 : i32
      %dma_start3A_193 = arith.constant 0 : i32
      %dma_start3A_194 = tpu.memref_slice %arg6[%dma_start3A_191, %dma_start3A_192, %dma_start3A_193] : memref<2x16x128xi32, #tpu.memory_space<vmem>> -> memref<1x1x128xi32, #tpu.memory_space<vmem>>
      %dma_start3A_195 = tpu.memref_squeeze %dma_start3A_194 : memref<1x1x128xi32, #tpu.memory_space<vmem>> -> memref<128xi32, #tpu.memory_space<vmem>>
      %dma_start3A_196 = arith.constant 0 : i32
      %dma_start3A_197 = arith.constant 0 : i32
      %dma_start3A_198 = tpu.memref_slice %arg2[%arg0, %dma_start3A_196, %dma_start3A_197] : memref<2x10000x128xf32, #tpu.memory_space<hbm>> -> memref<1x10000x128xf32, #tpu.memory_space<hbm>>
      %dma_start3A_199 = tpu.memref_squeeze %dma_start3A_198 : memref<1x10000x128xf32, #tpu.memory_space<hbm>> -> memref<10000x128xf32, #tpu.memory_space<hbm>>
      %dma_start3A_200 = arith.constant 0 : i32
      %dma_start3A_201 = arith.constant 0 : i32
      %dma_start3A_202 = tpu.memref_slice %dma_start3A_199[%dma_start3A_200, %dma_start3A_201] : memref<10000x128xf32, #tpu.memory_space<hbm>> -> memref<10000x128xf32, #tpu.memory_space<hbm>>
      tpu.enqueue_indirect_dma source(%dma_start3A_202 : memref<10000x128xf32, #tpu.memory_space<hbm>>) target(%arg8 : memref<128x128xf32, #tpu.memory_space<vmem>>) offsets(%dma_start3A_195 : memref<128xi32, #tpu.memory_space<vmem>>) semaphore(%arg13 : memref<!tpu.dma_semaphore, #tpu.memory_space<semaphore_mem>>)
      %dma_wait3A_203 = arith.constant 0 : i32
      %dma_wait3A_204 = arith.constant 5 : i32
      %dma_wait3A_205 = arith.constant 0 : i32
      %dma_wait3A_206 = tpu.memref_slice %arg6[%dma_wait3A_203, %dma_wait3A_204, %dma_wait3A_205] : memref<2x16x128xi32, #tpu.memory_space<vmem>> -> memref<1x1x128xi32, #tpu.memory_space<vmem>>
      %dma_wait3A_207 = tpu.memref_squeeze %dma_wait3A_206 : memref<1x1x128xi32, #tpu.memory_space<vmem>> -> memref<128xi32, #tpu.memory_space<vmem>>
      %dma_wait3A_208 = arith.constant 0 : i32
      %dma_wait3A_209 = arith.constant 0 : i32
      %dma_wait3A_210 = tpu.memref_slice %arg2[%arg0, %dma_wait3A_208, %dma_wait3A_209] : memref<2x10000x128xf32, #tpu.memory_space<hbm>> -> memref<1x10000x128xf32, #tpu.memory_space<hbm>>
      %dma_wait3A_211 = tpu.memref_squeeze %dma_wait3A_210 : memref<1x10000x128xf32, #tpu.memory_space<hbm>> -> memref<10000x128xf32, #tpu.memory_space<hbm>>
      %dma_wait3A_212 = arith.constant 0 : i32
      %dma_wait3A_213 = arith.constant 0 : i32
      %dma_wait3A_214 = tpu.memref_slice %dma_wait3A_211[%dma_wait3A_212, %dma_wait3A_213] : memref<10000x128xf32, #tpu.memory_space<hbm>> -> memref<10000x128xf32, #tpu.memory_space<hbm>>
      tpu.wait_indirect_dma semaphore(%arg14 : memref<!tpu.dma_semaphore, #tpu.memory_space<semaphore_mem>>) src(%dma_wait3A_214 : memref<10000x128xf32, #tpu.memory_space<hbm>>) dst(%arg9 : memref<128x128xf32, #tpu.memory_space<vmem>>)
      %run_scoped3A_215 = arith.constant 0 : i32
      %run_scoped3A_216 = arith.constant 5 : i32
      "tpu.region"() ({
        %run_scoped3A_927 = tpu.sem_alloc : memref<!tpu.dma_semaphore, #tpu.memory_space<semaphore_mem>>
        %dma_start3A_928 = arith.constant 0 : i32
        %dma_start3A_929 = tpu.memref_slice %arg7[%run_scoped3A_215, %run_scoped3A_216, %dma_start3A_928] : memref<2x16x128xi32, #tpu.memory_space<vmem>> -> memref<1x1x128xi32, #tpu.memory_space<vmem>>
        %dma_start3A_930 = tpu.memref_squeeze %dma_start3A_929 : memref<1x1x128xi32, #tpu.memory_space<vmem>> -> memref<128xi32, #tpu.memory_space<vmem>>
        %dma_start3A_931 = arith.constant 0 : i32
        %dma_start3A_932 = arith.constant 0 : i32
        %dma_start3A_933 = tpu.memref_slice %arg10[%dma_start3A_931, %dma_start3A_932] : memref<10008x128xf32, #tpu.memory_space<vmem_shared>> -> memref<10008x128xf32, #tpu.memory_space<vmem_shared>>
        tpu.enqueue_indirect_dma source(%arg9 : memref<128x128xf32, #tpu.memory_space<vmem>>) target(%dma_start3A_933 : memref<10008x128xf32, #tpu.memory_space<vmem_shared>>) offsets(%dma_start3A_930 : memref<128xi32, #tpu.memory_space<vmem>>) semaphore(%run_scoped3A_927 : memref<!tpu.dma_semaphore, #tpu.memory_space<semaphore_mem>>) {add = true}
        %dma_wait3A_934 = arith.constant 0 : i32
        %dma_wait3A_935 = tpu.memref_slice %arg7[%run_scoped3A_215, %run_scoped3A_216, %dma_wait3A_934] : memref<2x16x128xi32, #tpu.memory_space<vmem>> -> memref<1x1x128xi32, #tpu.memory_space<vmem>>
        %dma_wait3A_936 = tpu.memref_squeeze %dma_wait3A_935 : memref<1x1x128xi32, #tpu.memory_space<vmem>> -> memref<128xi32, #tpu.memory_space<vmem>>
        %dma_wait3A_937 = arith.constant 0 : i32
        %dma_wait3A_938 = arith.constant 0 : i32
        %dma_wait3A_939 = tpu.memref_slice %arg10[%dma_wait3A_937, %dma_wait3A_938] : memref<10008x128xf32, #tpu.memory_space<vmem_shared>> -> memref<10008x128xf32, #tpu.memory_space<vmem_shared>>
        tpu.wait_indirect_dma semaphore(%run_scoped3A_927 : memref<!tpu.dma_semaphore, #tpu.memory_space<semaphore_mem>>) src(%arg9 : memref<128x128xf32, #tpu.memory_space<vmem>>) dst(%dma_wait3A_939 : memref<10008x128xf32, #tpu.memory_space<vmem_shared>>)
        tpu.yield
      }) : () -> ()
      %dma_start3A_217 = arith.constant 0 : i32
      %dma_start3A_218 = arith.constant 7 : i32
      %dma_start3A_219 = arith.constant 0 : i32
      %dma_start3A_220 = tpu.memref_slice %arg6[%dma_start3A_217, %dma_start3A_218, %dma_start3A_219] : memref<2x16x128xi32, #tpu.memory_space<vmem>> -> memref<1x1x128xi32, #tpu.memory_space<vmem>>
      %dma_start3A_221 = tpu.memref_squeeze %dma_start3A_220 : memref<1x1x128xi32, #tpu.memory_space<vmem>> -> memref<128xi32, #tpu.memory_space<vmem>>
      %dma_start3A_222 = arith.constant 0 : i32
      %dma_start3A_223 = arith.constant 0 : i32
      %dma_start3A_224 = tpu.memref_slice %arg2[%arg0, %dma_start3A_222, %dma_start3A_223] : memref<2x10000x128xf32, #tpu.memory_space<hbm>> -> memref<1x10000x128xf32, #tpu.memory_space<hbm>>
      %dma_start3A_225 = tpu.memref_squeeze %dma_start3A_224 : memref<1x10000x128xf32, #tpu.memory_space<hbm>> -> memref<10000x128xf32, #tpu.memory_space<hbm>>
      %dma_start3A_226 = arith.constant 0 : i32
      %dma_start3A_227 = arith.constant 0 : i32
      %dma_start3A_228 = tpu.memref_slice %dma_start3A_225[%dma_start3A_226, %dma_start3A_227] : memref<10000x128xf32, #tpu.memory_space<hbm>> -> memref<10000x128xf32, #tpu.memory_space<hbm>>
      tpu.enqueue_indirect_dma source(%dma_start3A_228 : memref<10000x128xf32, #tpu.memory_space<hbm>>) target(%arg9 : memref<128x128xf32, #tpu.memory_space<vmem>>) offsets(%dma_start3A_221 : memref<128xi32, #tpu.memory_space<vmem>>) semaphore(%arg14 : memref<!tpu.dma_semaphore, #tpu.memory_space<semaphore_mem>>)
      %dma_wait3A_229 = arith.constant 0 : i32
      %dma_wait3A_230 = arith.constant 6 : i32
      %dma_wait3A_231 = arith.constant 0 : i32
      %dma_wait3A_232 = tpu.memref_slice %arg6[%dma_wait3A_229, %dma_wait3A_230, %dma_wait3A_231] : memref<2x16x128xi32, #tpu.memory_space<vmem>> -> memref<1x1x128xi32, #tpu.memory_space<vmem>>
      %dma_wait3A_233 = tpu.memref_squeeze %dma_wait3A_232 : memref<1x1x128xi32, #tpu.memory_space<vmem>> -> memref<128xi32, #tpu.memory_space<vmem>>
      %dma_wait3A_234 = arith.constant 0 : i32
      %dma_wait3A_235 = arith.constant 0 : i32
      %dma_wait3A_236 = tpu.memref_slice %arg2[%arg0, %dma_wait3A_234, %dma_wait3A_235] : memref<2x10000x128xf32, #tpu.memory_space<hbm>> -> memref<1x10000x128xf32, #tpu.memory_space<hbm>>
      %dma_wait3A_237 = tpu.memref_squeeze %dma_wait3A_236 : memref<1x10000x128xf32, #tpu.memory_space<hbm>> -> memref<10000x128xf32, #tpu.memory_space<hbm>>
      %dma_wait3A_238 = arith.constant 0 : i32
      %dma_wait3A_239 = arith.constant 0 : i32
      %dma_wait3A_240 = tpu.memref_slice %dma_wait3A_237[%dma_wait3A_238, %dma_wait3A_239] : memref<10000x128xf32, #tpu.memory_space<hbm>> -> memref<10000x128xf32, #tpu.memory_space<hbm>>
      tpu.wait_indirect_dma semaphore(%arg13 : memref<!tpu.dma_semaphore, #tpu.memory_space<semaphore_mem>>) src(%dma_wait3A_240 : memref<10000x128xf32, #tpu.memory_space<hbm>>) dst(%arg8 : memref<128x128xf32, #tpu.memory_space<vmem>>)
      %run_scoped3A_241 = arith.constant 0 : i32
      %run_scoped3A_242 = arith.constant 6 : i32
      "tpu.region"() ({
        %run_scoped3A_927 = tpu.sem_alloc : memref<!tpu.dma_semaphore, #tpu.memory_space<semaphore_mem>>
        %dma_start3A_928 = arith.constant 0 : i32
        %dma_start3A_929 = tpu.memref_slice %arg7[%run_scoped3A_241, %run_scoped3A_242, %dma_start3A_928] : memref<2x16x128xi32, #tpu.memory_space<vmem>> -> memref<1x1x128xi32, #tpu.memory_space<vmem>>
        %dma_start3A_930 = tpu.memref_squeeze %dma_start3A_929 : memref<1x1x128xi32, #tpu.memory_space<vmem>> -> memref<128xi32, #tpu.memory_space<vmem>>
        %dma_start3A_931 = arith.constant 0 : i32
        %dma_start3A_932 = arith.constant 0 : i32
        %dma_start3A_933 = tpu.memref_slice %arg10[%dma_start3A_931, %dma_start3A_932] : memref<10008x128xf32, #tpu.memory_space<vmem_shared>> -> memref<10008x128xf32, #tpu.memory_space<vmem_shared>>
        tpu.enqueue_indirect_dma source(%arg8 : memref<128x128xf32, #tpu.memory_space<vmem>>) target(%dma_start3A_933 : memref<10008x128xf32, #tpu.memory_space<vmem_shared>>) offsets(%dma_start3A_930 : memref<128xi32, #tpu.memory_space<vmem>>) semaphore(%run_scoped3A_927 : memref<!tpu.dma_semaphore, #tpu.memory_space<semaphore_mem>>) {add = true}
        %dma_wait3A_934 = arith.constant 0 : i32
        %dma_wait3A_935 = tpu.memref_slice %arg7[%run_scoped3A_241, %run_scoped3A_242, %dma_wait3A_934] : memref<2x16x128xi32, #tpu.memory_space<vmem>> -> memref<1x1x128xi32, #tpu.memory_space<vmem>>
        %dma_wait3A_936 = tpu.memref_squeeze %dma_wait3A_935 : memref<1x1x128xi32, #tpu.memory_space<vmem>> -> memref<128xi32, #tpu.memory_space<vmem>>
        %dma_wait3A_937 = arith.constant 0 : i32
        %dma_wait3A_938 = arith.constant 0 : i32
        %dma_wait3A_939 = tpu.memref_slice %arg10[%dma_wait3A_937, %dma_wait3A_938] : memref<10008x128xf32, #tpu.memory_space<vmem_shared>> -> memref<10008x128xf32, #tpu.memory_space<vmem_shared>>
        tpu.wait_indirect_dma semaphore(%run_scoped3A_927 : memref<!tpu.dma_semaphore, #tpu.memory_space<semaphore_mem>>) src(%arg8 : memref<128x128xf32, #tpu.memory_space<vmem>>) dst(%dma_wait3A_939 : memref<10008x128xf32, #tpu.memory_space<vmem_shared>>)
        tpu.yield
      }) : () -> ()
      %dma_start3A_243 = arith.constant 0 : i32
      %dma_start3A_244 = arith.constant 8 : i32
      %dma_start3A_245 = arith.constant 0 : i32
      %dma_start3A_246 = tpu.memref_slice %arg6[%dma_start3A_243, %dma_start3A_244, %dma_start3A_245] : memref<2x16x128xi32, #tpu.memory_space<vmem>> -> memref<1x1x128xi32, #tpu.memory_space<vmem>>
      %dma_start3A_247 = tpu.memref_squeeze %dma_start3A_246 : memref<1x1x128xi32, #tpu.memory_space<vmem>> -> memref<128xi32, #tpu.memory_space<vmem>>
      %dma_start3A_248 = arith.constant 0 : i32
      %dma_start3A_249 = arith.constant 0 : i32
      %dma_start3A_250 = tpu.memref_slice %arg2[%arg0, %dma_start3A_248, %dma_start3A_249] : memref<2x10000x128xf32, #tpu.memory_space<hbm>> -> memref<1x10000x128xf32, #tpu.memory_space<hbm>>
      %dma_start3A_251 = tpu.memref_squeeze %dma_start3A_250 : memref<1x10000x128xf32, #tpu.memory_space<hbm>> -> memref<10000x128xf32, #tpu.memory_space<hbm>>
      %dma_start3A_252 = arith.constant 0 : i32
      %dma_start3A_253 = arith.constant 0 : i32
      %dma_start3A_254 = tpu.memref_slice %dma_start3A_251[%dma_start3A_252, %dma_start3A_253] : memref<10000x128xf32, #tpu.memory_space<hbm>> -> memref<10000x128xf32, #tpu.memory_space<hbm>>
      tpu.enqueue_indirect_dma source(%dma_start3A_254 : memref<10000x128xf32, #tpu.memory_space<hbm>>) target(%arg8 : memref<128x128xf32, #tpu.memory_space<vmem>>) offsets(%dma_start3A_247 : memref<128xi32, #tpu.memory_space<vmem>>) semaphore(%arg13 : memref<!tpu.dma_semaphore, #tpu.memory_space<semaphore_mem>>)
      %dma_wait3A_255 = arith.constant 0 : i32
      %dma_wait3A_256 = arith.constant 7 : i32
      %dma_wait3A_257 = arith.constant 0 : i32
      %dma_wait3A_258 = tpu.memref_slice %arg6[%dma_wait3A_255, %dma_wait3A_256, %dma_wait3A_257] : memref<2x16x128xi32, #tpu.memory_space<vmem>> -> memref<1x1x128xi32, #tpu.memory_space<vmem>>
      %dma_wait3A_259 = tpu.memref_squeeze %dma_wait3A_258 : memref<1x1x128xi32, #tpu.memory_space<vmem>> -> memref<128xi32, #tpu.memory_space<vmem>>
      %dma_wait3A_260 = arith.constant 0 : i32
      %dma_wait3A_261 = arith.constant 0 : i32
      %dma_wait3A_262 = tpu.memref_slice %arg2[%arg0, %dma_wait3A_260, %dma_wait3A_261] : memref<2x10000x128xf32, #tpu.memory_space<hbm>> -> memref<1x10000x128xf32, #tpu.memory_space<hbm>>
      %dma_wait3A_263 = tpu.memref_squeeze %dma_wait3A_262 : memref<1x10000x128xf32, #tpu.memory_space<hbm>> -> memref<10000x128xf32, #tpu.memory_space<hbm>>
      %dma_wait3A_264 = arith.constant 0 : i32
      %dma_wait3A_265 = arith.constant 0 : i32
      %dma_wait3A_266 = tpu.memref_slice %dma_wait3A_263[%dma_wait3A_264, %dma_wait3A_265] : memref<10000x128xf32, #tpu.memory_space<hbm>> -> memref<10000x128xf32, #tpu.memory_space<hbm>>
      tpu.wait_indirect_dma semaphore(%arg14 : memref<!tpu.dma_semaphore, #tpu.memory_space<semaphore_mem>>) src(%dma_wait3A_266 : memref<10000x128xf32, #tpu.memory_space<hbm>>) dst(%arg9 : memref<128x128xf32, #tpu.memory_space<vmem>>)
      %run_scoped3A_267 = arith.constant 0 : i32
      %run_scoped3A_268 = arith.constant 7 : i32
      "tpu.region"() ({
        %run_scoped3A_927 = tpu.sem_alloc : memref<!tpu.dma_semaphore, #tpu.memory_space<semaphore_mem>>
        %dma_start3A_928 = arith.constant 0 : i32
        %dma_start3A_929 = tpu.memref_slice %arg7[%run_scoped3A_267, %run_scoped3A_268, %dma_start3A_928] : memref<2x16x128xi32, #tpu.memory_space<vmem>> -> memref<1x1x128xi32, #tpu.memory_space<vmem>>
        %dma_start3A_930 = tpu.memref_squeeze %dma_start3A_929 : memref<1x1x128xi32, #tpu.memory_space<vmem>> -> memref<128xi32, #tpu.memory_space<vmem>>
        %dma_start3A_931 = arith.constant 0 : i32
        %dma_start3A_932 = arith.constant 0 : i32
        %dma_start3A_933 = tpu.memref_slice %arg10[%dma_start3A_931, %dma_start3A_932] : memref<10008x128xf32, #tpu.memory_space<vmem_shared>> -> memref<10008x128xf32, #tpu.memory_space<vmem_shared>>
        tpu.enqueue_indirect_dma source(%arg9 : memref<128x128xf32, #tpu.memory_space<vmem>>) target(%dma_start3A_933 : memref<10008x128xf32, #tpu.memory_space<vmem_shared>>) offsets(%dma_start3A_930 : memref<128xi32, #tpu.memory_space<vmem>>) semaphore(%run_scoped3A_927 : memref<!tpu.dma_semaphore, #tpu.memory_space<semaphore_mem>>) {add = true}
        %dma_wait3A_934 = arith.constant 0 : i32
        %dma_wait3A_935 = tpu.memref_slice %arg7[%run_scoped3A_267, %run_scoped3A_268, %dma_wait3A_934] : memref<2x16x128xi32, #tpu.memory_space<vmem>> -> memref<1x1x128xi32, #tpu.memory_space<vmem>>
        %dma_wait3A_936 = tpu.memref_squeeze %dma_wait3A_935 : memref<1x1x128xi32, #tpu.memory_space<vmem>> -> memref<128xi32, #tpu.memory_space<vmem>>
        %dma_wait3A_937 = arith.constant 0 : i32
        %dma_wait3A_938 = arith.constant 0 : i32
        %dma_wait3A_939 = tpu.memref_slice %arg10[%dma_wait3A_937, %dma_wait3A_938] : memref<10008x128xf32, #tpu.memory_space<vmem_shared>> -> memref<10008x128xf32, #tpu.memory_space<vmem_shared>>
        tpu.wait_indirect_dma semaphore(%run_scoped3A_927 : memref<!tpu.dma_semaphore, #tpu.memory_space<semaphore_mem>>) src(%arg9 : memref<128x128xf32, #tpu.memory_space<vmem>>) dst(%dma_wait3A_939 : memref<10008x128xf32, #tpu.memory_space<vmem_shared>>)
        tpu.yield
      }) : () -> ()
      %dma_start3A_269 = arith.constant 0 : i32
      %dma_start3A_270 = arith.constant 9 : i32
      %dma_start3A_271 = arith.constant 0 : i32
      %dma_start3A_272 = tpu.memref_slice %arg6[%dma_start3A_269, %dma_start3A_270, %dma_start3A_271] : memref<2x16x128xi32, #tpu.memory_space<vmem>> -> memref<1x1x128xi32, #tpu.memory_space<vmem>>
      %dma_start3A_273 = tpu.memref_squeeze %dma_start3A_272 : memref<1x1x128xi32, #tpu.memory_space<vmem>> -> memref<128xi32, #tpu.memory_space<vmem>>
      %dma_start3A_274 = arith.constant 0 : i32
      %dma_start3A_275 = arith.constant 0 : i32
      %dma_start3A_276 = tpu.memref_slice %arg2[%arg0, %dma_start3A_274, %dma_start3A_275] : memref<2x10000x128xf32, #tpu.memory_space<hbm>> -> memref<1x10000x128xf32, #tpu.memory_space<hbm>>
      %dma_start3A_277 = tpu.memref_squeeze %dma_start3A_276 : memref<1x10000x128xf32, #tpu.memory_space<hbm>> -> memref<10000x128xf32, #tpu.memory_space<hbm>>
      %dma_start3A_278 = arith.constant 0 : i32
      %dma_start3A_279 = arith.constant 0 : i32
      %dma_start3A_280 = tpu.memref_slice %dma_start3A_277[%dma_start3A_278, %dma_start3A_279] : memref<10000x128xf32, #tpu.memory_space<hbm>> -> memref<10000x128xf32, #tpu.memory_space<hbm>>
      tpu.enqueue_indirect_dma source(%dma_start3A_280 : memref<10000x128xf32, #tpu.memory_space<hbm>>) target(%arg9 : memref<128x128xf32, #tpu.memory_space<vmem>>) offsets(%dma_start3A_273 : memref<128xi32, #tpu.memory_space<vmem>>) semaphore(%arg14 : memref<!tpu.dma_semaphore, #tpu.memory_space<semaphore_mem>>)
      %dma_wait3A_281 = arith.constant 0 : i32
      %dma_wait3A_282 = arith.constant 8 : i32
      %dma_wait3A_283 = arith.constant 0 : i32
      %dma_wait3A_284 = tpu.memref_slice %arg6[%dma_wait3A_281, %dma_wait3A_282, %dma_wait3A_283] : memref<2x16x128xi32, #tpu.memory_space<vmem>> -> memref<1x1x128xi32, #tpu.memory_space<vmem>>
      %dma_wait3A_285 = tpu.memref_squeeze %dma_wait3A_284 : memref<1x1x128xi32, #tpu.memory_space<vmem>> -> memref<128xi32, #tpu.memory_space<vmem>>
      %dma_wait3A_286 = arith.constant 0 : i32
      %dma_wait3A_287 = arith.constant 0 : i32
      %dma_wait3A_288 = tpu.memref_slice %arg2[%arg0, %dma_wait3A_286, %dma_wait3A_287] : memref<2x10000x128xf32, #tpu.memory_space<hbm>> -> memref<1x10000x128xf32, #tpu.memory_space<hbm>>
      %dma_wait3A_289 = tpu.memref_squeeze %dma_wait3A_288 : memref<1x10000x128xf32, #tpu.memory_space<hbm>> -> memref<10000x128xf32, #tpu.memory_space<hbm>>
      %dma_wait3A_290 = arith.constant 0 : i32
      %dma_wait3A_291 = arith.constant 0 : i32
      %dma_wait3A_292 = tpu.memref_slice %dma_wait3A_289[%dma_wait3A_290, %dma_wait3A_291] : memref<10000x128xf32, #tpu.memory_space<hbm>> -> memref<10000x128xf32, #tpu.memory_space<hbm>>
      tpu.wait_indirect_dma semaphore(%arg13 : memref<!tpu.dma_semaphore, #tpu.memory_space<semaphore_mem>>) src(%dma_wait3A_292 : memref<10000x128xf32, #tpu.memory_space<hbm>>) dst(%arg8 : memref<128x128xf32, #tpu.memory_space<vmem>>)
      %run_scoped3A_293 = arith.constant 0 : i32
      %run_scoped3A_294 = arith.constant 8 : i32
      "tpu.region"() ({
        %run_scoped3A_927 = tpu.sem_alloc : memref<!tpu.dma_semaphore, #tpu.memory_space<semaphore_mem>>
        %dma_start3A_928 = arith.constant 0 : i32
        %dma_start3A_929 = tpu.memref_slice %arg7[%run_scoped3A_293, %run_scoped3A_294, %dma_start3A_928] : memref<2x16x128xi32, #tpu.memory_space<vmem>> -> memref<1x1x128xi32, #tpu.memory_space<vmem>>
        %dma_start3A_930 = tpu.memref_squeeze %dma_start3A_929 : memref<1x1x128xi32, #tpu.memory_space<vmem>> -> memref<128xi32, #tpu.memory_space<vmem>>
        %dma_start3A_931 = arith.constant 0 : i32
        %dma_start3A_932 = arith.constant 0 : i32
        %dma_start3A_933 = tpu.memref_slice %arg10[%dma_start3A_931, %dma_start3A_932] : memref<10008x128xf32, #tpu.memory_space<vmem_shared>> -> memref<10008x128xf32, #tpu.memory_space<vmem_shared>>
        tpu.enqueue_indirect_dma source(%arg8 : memref<128x128xf32, #tpu.memory_space<vmem>>) target(%dma_start3A_933 : memref<10008x128xf32, #tpu.memory_space<vmem_shared>>) offsets(%dma_start3A_930 : memref<128xi32, #tpu.memory_space<vmem>>) semaphore(%run_scoped3A_927 : memref<!tpu.dma_semaphore, #tpu.memory_space<semaphore_mem>>) {add = true}
        %dma_wait3A_934 = arith.constant 0 : i32
        %dma_wait3A_935 = tpu.memref_slice %arg7[%run_scoped3A_293, %run_scoped3A_294, %dma_wait3A_934] : memref<2x16x128xi32, #tpu.memory_space<vmem>> -> memref<1x1x128xi32, #tpu.memory_space<vmem>>
        %dma_wait3A_936 = tpu.memref_squeeze %dma_wait3A_935 : memref<1x1x128xi32, #tpu.memory_space<vmem>> -> memref<128xi32, #tpu.memory_space<vmem>>
        %dma_wait3A_937 = arith.constant 0 : i32
        %dma_wait3A_938 = arith.constant 0 : i32
        %dma_wait3A_939 = tpu.memref_slice %arg10[%dma_wait3A_937, %dma_wait3A_938] : memref<10008x128xf32, #tpu.memory_space<vmem_shared>> -> memref<10008x128xf32, #tpu.memory_space<vmem_shared>>
        tpu.wait_indirect_dma semaphore(%run_scoped3A_927 : memref<!tpu.dma_semaphore, #tpu.memory_space<semaphore_mem>>) src(%arg8 : memref<128x128xf32, #tpu.memory_space<vmem>>) dst(%dma_wait3A_939 : memref<10008x128xf32, #tpu.memory_space<vmem_shared>>)
        tpu.yield
      }) : () -> ()
      %dma_start3A_295 = arith.constant 0 : i32
      %dma_start3A_296 = arith.constant 10 : i32
      %dma_start3A_297 = arith.constant 0 : i32
      %dma_start3A_298 = tpu.memref_slice %arg6[%dma_start3A_295, %dma_start3A_296, %dma_start3A_297] : memref<2x16x128xi32, #tpu.memory_space<vmem>> -> memref<1x1x128xi32, #tpu.memory_space<vmem>>
      %dma_start3A_299 = tpu.memref_squeeze %dma_start3A_298 : memref<1x1x128xi32, #tpu.memory_space<vmem>> -> memref<128xi32, #tpu.memory_space<vmem>>
      %dma_start3A_300 = arith.constant 0 : i32
      %dma_start3A_301 = arith.constant 0 : i32
      %dma_start3A_302 = tpu.memref_slice %arg2[%arg0, %dma_start3A_300, %dma_start3A_301] : memref<2x10000x128xf32, #tpu.memory_space<hbm>> -> memref<1x10000x128xf32, #tpu.memory_space<hbm>>
      %dma_start3A_303 = tpu.memref_squeeze %dma_start3A_302 : memref<1x10000x128xf32, #tpu.memory_space<hbm>> -> memref<10000x128xf32, #tpu.memory_space<hbm>>
      %dma_start3A_304 = arith.constant 0 : i32
      %dma_start3A_305 = arith.constant 0 : i32
      %dma_start3A_306 = tpu.memref_slice %dma_start3A_303[%dma_start3A_304, %dma_start3A_305] : memref<10000x128xf32, #tpu.memory_space<hbm>> -> memref<10000x128xf32, #tpu.memory_space<hbm>>
      tpu.enqueue_indirect_dma source(%dma_start3A_306 : memref<10000x128xf32, #tpu.memory_space<hbm>>) target(%arg8 : memref<128x128xf32, #tpu.memory_space<vmem>>) offsets(%dma_start3A_299 : memref<128xi32, #tpu.memory_space<vmem>>) semaphore(%arg13 : memref<!tpu.dma_semaphore, #tpu.memory_space<semaphore_mem>>)
      %dma_wait3A_307 = arith.constant 0 : i32
      %dma_wait3A_308 = arith.constant 9 : i32
      %dma_wait3A_309 = arith.constant 0 : i32
      %dma_wait3A_310 = tpu.memref_slice %arg6[%dma_wait3A_307, %dma_wait3A_308, %dma_wait3A_309] : memref<2x16x128xi32, #tpu.memory_space<vmem>> -> memref<1x1x128xi32, #tpu.memory_space<vmem>>
      %dma_wait3A_311 = tpu.memref_squeeze %dma_wait3A_310 : memref<1x1x128xi32, #tpu.memory_space<vmem>> -> memref<128xi32, #tpu.memory_space<vmem>>
      %dma_wait3A_312 = arith.constant 0 : i32
      %dma_wait3A_313 = arith.constant 0 : i32
      %dma_wait3A_314 = tpu.memref_slice %arg2[%arg0, %dma_wait3A_312, %dma_wait3A_313] : memref<2x10000x128xf32, #tpu.memory_space<hbm>> -> memref<1x10000x128xf32, #tpu.memory_space<hbm>>
      %dma_wait3A_315 = tpu.memref_squeeze %dma_wait3A_314 : memref<1x10000x128xf32, #tpu.memory_space<hbm>> -> memref<10000x128xf32, #tpu.memory_space<hbm>>
      %dma_wait3A_316 = arith.constant 0 : i32
      %dma_wait3A_317 = arith.constant 0 : i32
      %dma_wait3A_318 = tpu.memref_slice %dma_wait3A_315[%dma_wait3A_316, %dma_wait3A_317] : memref<10000x128xf32, #tpu.memory_space<hbm>> -> memref<10000x128xf32, #tpu.memory_space<hbm>>
      tpu.wait_indirect_dma semaphore(%arg14 : memref<!tpu.dma_semaphore, #tpu.memory_space<semaphore_mem>>) src(%dma_wait3A_318 : memref<10000x128xf32, #tpu.memory_space<hbm>>) dst(%arg9 : memref<128x128xf32, #tpu.memory_space<vmem>>)
      %run_scoped3A_319 = arith.constant 0 : i32
      %run_scoped3A_320 = arith.constant 9 : i32
      "tpu.region"() ({
        %run_scoped3A_927 = tpu.sem_alloc : memref<!tpu.dma_semaphore, #tpu.memory_space<semaphore_mem>>
        %dma_start3A_928 = arith.constant 0 : i32
        %dma_start3A_929 = tpu.memref_slice %arg7[%run_scoped3A_319, %run_scoped3A_320, %dma_start3A_928] : memref<2x16x128xi32, #tpu.memory_space<vmem>> -> memref<1x1x128xi32, #tpu.memory_space<vmem>>
        %dma_start3A_930 = tpu.memref_squeeze %dma_start3A_929 : memref<1x1x128xi32, #tpu.memory_space<vmem>> -> memref<128xi32, #tpu.memory_space<vmem>>
        %dma_start3A_931 = arith.constant 0 : i32
        %dma_start3A_932 = arith.constant 0 : i32
        %dma_start3A_933 = tpu.memref_slice %arg10[%dma_start3A_931, %dma_start3A_932] : memref<10008x128xf32, #tpu.memory_space<vmem_shared>> -> memref<10008x128xf32, #tpu.memory_space<vmem_shared>>
        tpu.enqueue_indirect_dma source(%arg9 : memref<128x128xf32, #tpu.memory_space<vmem>>) target(%dma_start3A_933 : memref<10008x128xf32, #tpu.memory_space<vmem_shared>>) offsets(%dma_start3A_930 : memref<128xi32, #tpu.memory_space<vmem>>) semaphore(%run_scoped3A_927 : memref<!tpu.dma_semaphore, #tpu.memory_space<semaphore_mem>>) {add = true}
        %dma_wait3A_934 = arith.constant 0 : i32
        %dma_wait3A_935 = tpu.memref_slice %arg7[%run_scoped3A_319, %run_scoped3A_320, %dma_wait3A_934] : memref<2x16x128xi32, #tpu.memory_space<vmem>> -> memref<1x1x128xi32, #tpu.memory_space<vmem>>
        %dma_wait3A_936 = tpu.memref_squeeze %dma_wait3A_935 : memref<1x1x128xi32, #tpu.memory_space<vmem>> -> memref<128xi32, #tpu.memory_space<vmem>>
        %dma_wait3A_937 = arith.constant 0 : i32
        %dma_wait3A_938 = arith.constant 0 : i32
        %dma_wait3A_939 = tpu.memref_slice %arg10[%dma_wait3A_937, %dma_wait3A_938] : memref<10008x128xf32, #tpu.memory_space<vmem_shared>> -> memref<10008x128xf32, #tpu.memory_space<vmem_shared>>
        tpu.wait_indirect_dma semaphore(%run_scoped3A_927 : memref<!tpu.dma_semaphore, #tpu.memory_space<semaphore_mem>>) src(%arg9 : memref<128x128xf32, #tpu.memory_space<vmem>>) dst(%dma_wait3A_939 : memref<10008x128xf32, #tpu.memory_space<vmem_shared>>)
        tpu.yield
      }) : () -> ()
      %dma_start3A_321 = arith.constant 0 : i32
      %dma_start3A_322 = arith.constant 11 : i32
      %dma_start3A_323 = arith.constant 0 : i32
      %dma_start3A_324 = tpu.memref_slice %arg6[%dma_start3A_321, %dma_start3A_322, %dma_start3A_323] : memref<2x16x128xi32, #tpu.memory_space<vmem>> -> memref<1x1x128xi32, #tpu.memory_space<vmem>>
      %dma_start3A_325 = tpu.memref_squeeze %dma_start3A_324 : memref<1x1x128xi32, #tpu.memory_space<vmem>> -> memref<128xi32, #tpu.memory_space<vmem>>
      %dma_start3A_326 = arith.constant 0 : i32
      %dma_start3A_327 = arith.constant 0 : i32
      %dma_start3A_328 = tpu.memref_slice %arg2[%arg0, %dma_start3A_326, %dma_start3A_327] : memref<2x10000x128xf32, #tpu.memory_space<hbm>> -> memref<1x10000x128xf32, #tpu.memory_space<hbm>>
      %dma_start3A_329 = tpu.memref_squeeze %dma_start3A_328 : memref<1x10000x128xf32, #tpu.memory_space<hbm>> -> memref<10000x128xf32, #tpu.memory_space<hbm>>
      %dma_start3A_330 = arith.constant 0 : i32
      %dma_start3A_331 = arith.constant 0 : i32
      %dma_start3A_332 = tpu.memref_slice %dma_start3A_329[%dma_start3A_330, %dma_start3A_331] : memref<10000x128xf32, #tpu.memory_space<hbm>> -> memref<10000x128xf32, #tpu.memory_space<hbm>>
      tpu.enqueue_indirect_dma source(%dma_start3A_332 : memref<10000x128xf32, #tpu.memory_space<hbm>>) target(%arg9 : memref<128x128xf32, #tpu.memory_space<vmem>>) offsets(%dma_start3A_325 : memref<128xi32, #tpu.memory_space<vmem>>) semaphore(%arg14 : memref<!tpu.dma_semaphore, #tpu.memory_space<semaphore_mem>>)
      %dma_wait3A_333 = arith.constant 0 : i32
      %dma_wait3A_334 = arith.constant 10 : i32
      %dma_wait3A_335 = arith.constant 0 : i32
      %dma_wait3A_336 = tpu.memref_slice %arg6[%dma_wait3A_333, %dma_wait3A_334, %dma_wait3A_335] : memref<2x16x128xi32, #tpu.memory_space<vmem>> -> memref<1x1x128xi32, #tpu.memory_space<vmem>>
      %dma_wait3A_337 = tpu.memref_squeeze %dma_wait3A_336 : memref<1x1x128xi32, #tpu.memory_space<vmem>> -> memref<128xi32, #tpu.memory_space<vmem>>
      %dma_wait3A_338 = arith.constant 0 : i32
      %dma_wait3A_339 = arith.constant 0 : i32
      %dma_wait3A_340 = tpu.memref_slice %arg2[%arg0, %dma_wait3A_338, %dma_wait3A_339] : memref<2x10000x128xf32, #tpu.memory_space<hbm>> -> memref<1x10000x128xf32, #tpu.memory_space<hbm>>
      %dma_wait3A_341 = tpu.memref_squeeze %dma_wait3A_340 : memref<1x10000x128xf32, #tpu.memory_space<hbm>> -> memref<10000x128xf32, #tpu.memory_space<hbm>>
      %dma_wait3A_342 = arith.constant 0 : i32
      %dma_wait3A_343 = arith.constant 0 : i32
      %dma_wait3A_344 = tpu.memref_slice %dma_wait3A_341[%dma_wait3A_342, %dma_wait3A_343] : memref<10000x128xf32, #tpu.memory_space<hbm>> -> memref<10000x128xf32, #tpu.memory_space<hbm>>
      tpu.wait_indirect_dma semaphore(%arg13 : memref<!tpu.dma_semaphore, #tpu.memory_space<semaphore_mem>>) src(%dma_wait3A_344 : memref<10000x128xf32, #tpu.memory_space<hbm>>) dst(%arg8 : memref<128x128xf32, #tpu.memory_space<vmem>>)
      %run_scoped3A_345 = arith.constant 0 : i32
      %run_scoped3A_346 = arith.constant 10 : i32
      "tpu.region"() ({
        %run_scoped3A_927 = tpu.sem_alloc : memref<!tpu.dma_semaphore, #tpu.memory_space<semaphore_mem>>
        %dma_start3A_928 = arith.constant 0 : i32
        %dma_start3A_929 = tpu.memref_slice %arg7[%run_scoped3A_345, %run_scoped3A_346, %dma_start3A_928] : memref<2x16x128xi32, #tpu.memory_space<vmem>> -> memref<1x1x128xi32, #tpu.memory_space<vmem>>
        %dma_start3A_930 = tpu.memref_squeeze %dma_start3A_929 : memref<1x1x128xi32, #tpu.memory_space<vmem>> -> memref<128xi32, #tpu.memory_space<vmem>>
        %dma_start3A_931 = arith.constant 0 : i32
        %dma_start3A_932 = arith.constant 0 : i32
        %dma_start3A_933 = tpu.memref_slice %arg10[%dma_start3A_931, %dma_start3A_932] : memref<10008x128xf32, #tpu.memory_space<vmem_shared>> -> memref<10008x128xf32, #tpu.memory_space<vmem_shared>>
        tpu.enqueue_indirect_dma source(%arg8 : memref<128x128xf32, #tpu.memory_space<vmem>>) target(%dma_start3A_933 : memref<10008x128xf32, #tpu.memory_space<vmem_shared>>) offsets(%dma_start3A_930 : memref<128xi32, #tpu.memory_space<vmem>>) semaphore(%run_scoped3A_927 : memref<!tpu.dma_semaphore, #tpu.memory_space<semaphore_mem>>) {add = true}
        %dma_wait3A_934 = arith.constant 0 : i32
        %dma_wait3A_935 = tpu.memref_slice %arg7[%run_scoped3A_345, %run_scoped3A_346, %dma_wait3A_934] : memref<2x16x128xi32, #tpu.memory_space<vmem>> -> memref<1x1x128xi32, #tpu.memory_space<vmem>>
        %dma_wait3A_936 = tpu.memref_squeeze %dma_wait3A_935 : memref<1x1x128xi32, #tpu.memory_space<vmem>> -> memref<128xi32, #tpu.memory_space<vmem>>
        %dma_wait3A_937 = arith.constant 0 : i32
        %dma_wait3A_938 = arith.constant 0 : i32
        %dma_wait3A_939 = tpu.memref_slice %arg10[%dma_wait3A_937, %dma_wait3A_938] : memref<10008x128xf32, #tpu.memory_space<vmem_shared>> -> memref<10008x128xf32, #tpu.memory_space<vmem_shared>>
        tpu.wait_indirect_dma semaphore(%run_scoped3A_927 : memref<!tpu.dma_semaphore, #tpu.memory_space<semaphore_mem>>) src(%arg8 : memref<128x128xf32, #tpu.memory_space<vmem>>) dst(%dma_wait3A_939 : memref<10008x128xf32, #tpu.memory_space<vmem_shared>>)
        tpu.yield
      }) : () -> ()
      %dma_start3A_347 = arith.constant 0 : i32
      %dma_start3A_348 = arith.constant 12 : i32
      %dma_start3A_349 = arith.constant 0 : i32
      %dma_start3A_350 = tpu.memref_slice %arg6[%dma_start3A_347, %dma_start3A_348, %dma_start3A_349] : memref<2x16x128xi32, #tpu.memory_space<vmem>> -> memref<1x1x128xi32, #tpu.memory_space<vmem>>
      %dma_start3A_351 = tpu.memref_squeeze %dma_start3A_350 : memref<1x1x128xi32, #tpu.memory_space<vmem>> -> memref<128xi32, #tpu.memory_space<vmem>>
      %dma_start3A_352 = arith.constant 0 : i32
      %dma_start3A_353 = arith.constant 0 : i32
      %dma_start3A_354 = tpu.memref_slice %arg2[%arg0, %dma_start3A_352, %dma_start3A_353] : memref<2x10000x128xf32, #tpu.memory_space<hbm>> -> memref<1x10000x128xf32, #tpu.memory_space<hbm>>
      %dma_start3A_355 = tpu.memref_squeeze %dma_start3A_354 : memref<1x10000x128xf32, #tpu.memory_space<hbm>> -> memref<10000x128xf32, #tpu.memory_space<hbm>>
      %dma_start3A_356 = arith.constant 0 : i32
      %dma_start3A_357 = arith.constant 0 : i32
      %dma_start3A_358 = tpu.memref_slice %dma_start3A_355[%dma_start3A_356, %dma_start3A_357] : memref<10000x128xf32, #tpu.memory_space<hbm>> -> memref<10000x128xf32, #tpu.memory_space<hbm>>
      tpu.enqueue_indirect_dma source(%dma_start3A_358 : memref<10000x128xf32, #tpu.memory_space<hbm>>) target(%arg8 : memref<128x128xf32, #tpu.memory_space<vmem>>) offsets(%dma_start3A_351 : memref<128xi32, #tpu.memory_space<vmem>>) semaphore(%arg13 : memref<!tpu.dma_semaphore, #tpu.memory_space<semaphore_mem>>)
      %dma_wait3A_359 = arith.constant 0 : i32
      %dma_wait3A_360 = arith.constant 11 : i32
      %dma_wait3A_361 = arith.constant 0 : i32
      %dma_wait3A_362 = tpu.memref_slice %arg6[%dma_wait3A_359, %dma_wait3A_360, %dma_wait3A_361] : memref<2x16x128xi32, #tpu.memory_space<vmem>> -> memref<1x1x128xi32, #tpu.memory_space<vmem>>
      %dma_wait3A_363 = tpu.memref_squeeze %dma_wait3A_362 : memref<1x1x128xi32, #tpu.memory_space<vmem>> -> memref<128xi32, #tpu.memory_space<vmem>>
      %dma_wait3A_364 = arith.constant 0 : i32
      %dma_wait3A_365 = arith.constant 0 : i32
      %dma_wait3A_366 = tpu.memref_slice %arg2[%arg0, %dma_wait3A_364, %dma_wait3A_365] : memref<2x10000x128xf32, #tpu.memory_space<hbm>> -> memref<1x10000x128xf32, #tpu.memory_space<hbm>>
      %dma_wait3A_367 = tpu.memref_squeeze %dma_wait3A_366 : memref<1x10000x128xf32, #tpu.memory_space<hbm>> -> memref<10000x128xf32, #tpu.memory_space<hbm>>
      %dma_wait3A_368 = arith.constant 0 : i32
      %dma_wait3A_369 = arith.constant 0 : i32
      %dma_wait3A_370 = tpu.memref_slice %dma_wait3A_367[%dma_wait3A_368, %dma_wait3A_369] : memref<10000x128xf32, #tpu.memory_space<hbm>> -> memref<10000x128xf32, #tpu.memory_space<hbm>>
      tpu.wait_indirect_dma semaphore(%arg14 : memref<!tpu.dma_semaphore, #tpu.memory_space<semaphore_mem>>) src(%dma_wait3A_370 : memref<10000x128xf32, #tpu.memory_space<hbm>>) dst(%arg9 : memref<128x128xf32, #tpu.memory_space<vmem>>)
      %run_scoped3A_371 = arith.constant 0 : i32
      %run_scoped3A_372 = arith.constant 11 : i32
      "tpu.region"() ({
        %run_scoped3A_927 = tpu.sem_alloc : memref<!tpu.dma_semaphore, #tpu.memory_space<semaphore_mem>>
        %dma_start3A_928 = arith.constant 0 : i32
        %dma_start3A_929 = tpu.memref_slice %arg7[%run_scoped3A_371, %run_scoped3A_372, %dma_start3A_928] : memref<2x16x128xi32, #tpu.memory_space<vmem>> -> memref<1x1x128xi32, #tpu.memory_space<vmem>>
        %dma_start3A_930 = tpu.memref_squeeze %dma_start3A_929 : memref<1x1x128xi32, #tpu.memory_space<vmem>> -> memref<128xi32, #tpu.memory_space<vmem>>
        %dma_start3A_931 = arith.constant 0 : i32
        %dma_start3A_932 = arith.constant 0 : i32
        %dma_start3A_933 = tpu.memref_slice %arg10[%dma_start3A_931, %dma_start3A_932] : memref<10008x128xf32, #tpu.memory_space<vmem_shared>> -> memref<10008x128xf32, #tpu.memory_space<vmem_shared>>
        tpu.enqueue_indirect_dma source(%arg9 : memref<128x128xf32, #tpu.memory_space<vmem>>) target(%dma_start3A_933 : memref<10008x128xf32, #tpu.memory_space<vmem_shared>>) offsets(%dma_start3A_930 : memref<128xi32, #tpu.memory_space<vmem>>) semaphore(%run_scoped3A_927 : memref<!tpu.dma_semaphore, #tpu.memory_space<semaphore_mem>>) {add = true}
        %dma_wait3A_934 = arith.constant 0 : i32
        %dma_wait3A_935 = tpu.memref_slice %arg7[%run_scoped3A_371, %run_scoped3A_372, %dma_wait3A_934] : memref<2x16x128xi32, #tpu.memory_space<vmem>> -> memref<1x1x128xi32, #tpu.memory_space<vmem>>
        %dma_wait3A_936 = tpu.memref_squeeze %dma_wait3A_935 : memref<1x1x128xi32, #tpu.memory_space<vmem>> -> memref<128xi32, #tpu.memory_space<vmem>>
        %dma_wait3A_937 = arith.constant 0 : i32
        %dma_wait3A_938 = arith.constant 0 : i32
        %dma_wait3A_939 = tpu.memref_slice %arg10[%dma_wait3A_937, %dma_wait3A_938] : memref<10008x128xf32, #tpu.memory_space<vmem_shared>> -> memref<10008x128xf32, #tpu.memory_space<vmem_shared>>
        tpu.wait_indirect_dma semaphore(%run_scoped3A_927 : memref<!tpu.dma_semaphore, #tpu.memory_space<semaphore_mem>>) src(%arg9 : memref<128x128xf32, #tpu.memory_space<vmem>>) dst(%dma_wait3A_939 : memref<10008x128xf32, #tpu.memory_space<vmem_shared>>)
        tpu.yield
      }) : () -> ()
      %dma_start3A_373 = arith.constant 0 : i32
      %dma_start3A_374 = arith.constant 13 : i32
      %dma_start3A_375 = arith.constant 0 : i32
      %dma_start3A_376 = tpu.memref_slice %arg6[%dma_start3A_373, %dma_start3A_374, %dma_start3A_375] : memref<2x16x128xi32, #tpu.memory_space<vmem>> -> memref<1x1x128xi32, #tpu.memory_space<vmem>>
      %dma_start3A_377 = tpu.memref_squeeze %dma_start3A_376 : memref<1x1x128xi32, #tpu.memory_space<vmem>> -> memref<128xi32, #tpu.memory_space<vmem>>
      %dma_start3A_378 = arith.constant 0 : i32
      %dma_start3A_379 = arith.constant 0 : i32
      %dma_start3A_380 = tpu.memref_slice %arg2[%arg0, %dma_start3A_378, %dma_start3A_379] : memref<2x10000x128xf32, #tpu.memory_space<hbm>> -> memref<1x10000x128xf32, #tpu.memory_space<hbm>>
      %dma_start3A_381 = tpu.memref_squeeze %dma_start3A_380 : memref<1x10000x128xf32, #tpu.memory_space<hbm>> -> memref<10000x128xf32, #tpu.memory_space<hbm>>
      %dma_start3A_382 = arith.constant 0 : i32
      %dma_start3A_383 = arith.constant 0 : i32
      %dma_start3A_384 = tpu.memref_slice %dma_start3A_381[%dma_start3A_382, %dma_start3A_383] : memref<10000x128xf32, #tpu.memory_space<hbm>> -> memref<10000x128xf32, #tpu.memory_space<hbm>>
      tpu.enqueue_indirect_dma source(%dma_start3A_384 : memref<10000x128xf32, #tpu.memory_space<hbm>>) target(%arg9 : memref<128x128xf32, #tpu.memory_space<vmem>>) offsets(%dma_start3A_377 : memref<128xi32, #tpu.memory_space<vmem>>) semaphore(%arg14 : memref<!tpu.dma_semaphore, #tpu.memory_space<semaphore_mem>>)
      %dma_wait3A_385 = arith.constant 0 : i32
      %dma_wait3A_386 = arith.constant 12 : i32
      %dma_wait3A_387 = arith.constant 0 : i32
      %dma_wait3A_388 = tpu.memref_slice %arg6[%dma_wait3A_385, %dma_wait3A_386, %dma_wait3A_387] : memref<2x16x128xi32, #tpu.memory_space<vmem>> -> memref<1x1x128xi32, #tpu.memory_space<vmem>>
      %dma_wait3A_389 = tpu.memref_squeeze %dma_wait3A_388 : memref<1x1x128xi32, #tpu.memory_space<vmem>> -> memref<128xi32, #tpu.memory_space<vmem>>
      %dma_wait3A_390 = arith.constant 0 : i32
      %dma_wait3A_391 = arith.constant 0 : i32
      %dma_wait3A_392 = tpu.memref_slice %arg2[%arg0, %dma_wait3A_390, %dma_wait3A_391] : memref<2x10000x128xf32, #tpu.memory_space<hbm>> -> memref<1x10000x128xf32, #tpu.memory_space<hbm>>
      %dma_wait3A_393 = tpu.memref_squeeze %dma_wait3A_392 : memref<1x10000x128xf32, #tpu.memory_space<hbm>> -> memref<10000x128xf32, #tpu.memory_space<hbm>>
      %dma_wait3A_394 = arith.constant 0 : i32
      %dma_wait3A_395 = arith.constant 0 : i32
      %dma_wait3A_396 = tpu.memref_slice %dma_wait3A_393[%dma_wait3A_394, %dma_wait3A_395] : memref<10000x128xf32, #tpu.memory_space<hbm>> -> memref<10000x128xf32, #tpu.memory_space<hbm>>
      tpu.wait_indirect_dma semaphore(%arg13 : memref<!tpu.dma_semaphore, #tpu.memory_space<semaphore_mem>>) src(%dma_wait3A_396 : memref<10000x128xf32, #tpu.memory_space<hbm>>) dst(%arg8 : memref<128x128xf32, #tpu.memory_space<vmem>>)
      %run_scoped3A_397 = arith.constant 0 : i32
      %run_scoped3A_398 = arith.constant 12 : i32
      "tpu.region"() ({
        %run_scoped3A_927 = tpu.sem_alloc : memref<!tpu.dma_semaphore, #tpu.memory_space<semaphore_mem>>
        %dma_start3A_928 = arith.constant 0 : i32
        %dma_start3A_929 = tpu.memref_slice %arg7[%run_scoped3A_397, %run_scoped3A_398, %dma_start3A_928] : memref<2x16x128xi32, #tpu.memory_space<vmem>> -> memref<1x1x128xi32, #tpu.memory_space<vmem>>
        %dma_start3A_930 = tpu.memref_squeeze %dma_start3A_929 : memref<1x1x128xi32, #tpu.memory_space<vmem>> -> memref<128xi32, #tpu.memory_space<vmem>>
        %dma_start3A_931 = arith.constant 0 : i32
        %dma_start3A_932 = arith.constant 0 : i32
        %dma_start3A_933 = tpu.memref_slice %arg10[%dma_start3A_931, %dma_start3A_932] : memref<10008x128xf32, #tpu.memory_space<vmem_shared>> -> memref<10008x128xf32, #tpu.memory_space<vmem_shared>>
        tpu.enqueue_indirect_dma source(%arg8 : memref<128x128xf32, #tpu.memory_space<vmem>>) target(%dma_start3A_933 : memref<10008x128xf32, #tpu.memory_space<vmem_shared>>) offsets(%dma_start3A_930 : memref<128xi32, #tpu.memory_space<vmem>>) semaphore(%run_scoped3A_927 : memref<!tpu.dma_semaphore, #tpu.memory_space<semaphore_mem>>) {add = true}
        %dma_wait3A_934 = arith.constant 0 : i32
        %dma_wait3A_935 = tpu.memref_slice %arg7[%run_scoped3A_397, %run_scoped3A_398, %dma_wait3A_934] : memref<2x16x128xi32, #tpu.memory_space<vmem>> -> memref<1x1x128xi32, #tpu.memory_space<vmem>>
        %dma_wait3A_936 = tpu.memref_squeeze %dma_wait3A_935 : memref<1x1x128xi32, #tpu.memory_space<vmem>> -> memref<128xi32, #tpu.memory_space<vmem>>
        %dma_wait3A_937 = arith.constant 0 : i32
        %dma_wait3A_938 = arith.constant 0 : i32
        %dma_wait3A_939 = tpu.memref_slice %arg10[%dma_wait3A_937, %dma_wait3A_938] : memref<10008x128xf32, #tpu.memory_space<vmem_shared>> -> memref<10008x128xf32, #tpu.memory_space<vmem_shared>>
        tpu.wait_indirect_dma semaphore(%run_scoped3A_927 : memref<!tpu.dma_semaphore, #tpu.memory_space<semaphore_mem>>) src(%arg8 : memref<128x128xf32, #tpu.memory_space<vmem>>) dst(%dma_wait3A_939 : memref<10008x128xf32, #tpu.memory_space<vmem_shared>>)
        tpu.yield
      }) : () -> ()
      %dma_start3A_399 = arith.constant 0 : i32
      %dma_start3A_400 = arith.constant 14 : i32
      %dma_start3A_401 = arith.constant 0 : i32
      %dma_start3A_402 = tpu.memref_slice %arg6[%dma_start3A_399, %dma_start3A_400, %dma_start3A_401] : memref<2x16x128xi32, #tpu.memory_space<vmem>> -> memref<1x1x128xi32, #tpu.memory_space<vmem>>
      %dma_start3A_403 = tpu.memref_squeeze %dma_start3A_402 : memref<1x1x128xi32, #tpu.memory_space<vmem>> -> memref<128xi32, #tpu.memory_space<vmem>>
      %dma_start3A_404 = arith.constant 0 : i32
      %dma_start3A_405 = arith.constant 0 : i32
      %dma_start3A_406 = tpu.memref_slice %arg2[%arg0, %dma_start3A_404, %dma_start3A_405] : memref<2x10000x128xf32, #tpu.memory_space<hbm>> -> memref<1x10000x128xf32, #tpu.memory_space<hbm>>
      %dma_start3A_407 = tpu.memref_squeeze %dma_start3A_406 : memref<1x10000x128xf32, #tpu.memory_space<hbm>> -> memref<10000x128xf32, #tpu.memory_space<hbm>>
      %dma_start3A_408 = arith.constant 0 : i32
      %dma_start3A_409 = arith.constant 0 : i32
      %dma_start3A_410 = tpu.memref_slice %dma_start3A_407[%dma_start3A_408, %dma_start3A_409] : memref<10000x128xf32, #tpu.memory_space<hbm>> -> memref<10000x128xf32, #tpu.memory_space<hbm>>
      tpu.enqueue_indirect_dma source(%dma_start3A_410 : memref<10000x128xf32, #tpu.memory_space<hbm>>) target(%arg8 : memref<128x128xf32, #tpu.memory_space<vmem>>) offsets(%dma_start3A_403 : memref<128xi32, #tpu.memory_space<vmem>>) semaphore(%arg13 : memref<!tpu.dma_semaphore, #tpu.memory_space<semaphore_mem>>)
      %dma_wait3A_411 = arith.constant 0 : i32
      %dma_wait3A_412 = arith.constant 13 : i32
      %dma_wait3A_413 = arith.constant 0 : i32
      %dma_wait3A_414 = tpu.memref_slice %arg6[%dma_wait3A_411, %dma_wait3A_412, %dma_wait3A_413] : memref<2x16x128xi32, #tpu.memory_space<vmem>> -> memref<1x1x128xi32, #tpu.memory_space<vmem>>
      %dma_wait3A_415 = tpu.memref_squeeze %dma_wait3A_414 : memref<1x1x128xi32, #tpu.memory_space<vmem>> -> memref<128xi32, #tpu.memory_space<vmem>>
      %dma_wait3A_416 = arith.constant 0 : i32
      %dma_wait3A_417 = arith.constant 0 : i32
      %dma_wait3A_418 = tpu.memref_slice %arg2[%arg0, %dma_wait3A_416, %dma_wait3A_417] : memref<2x10000x128xf32, #tpu.memory_space<hbm>> -> memref<1x10000x128xf32, #tpu.memory_space<hbm>>
      %dma_wait3A_419 = tpu.memref_squeeze %dma_wait3A_418 : memref<1x10000x128xf32, #tpu.memory_space<hbm>> -> memref<10000x128xf32, #tpu.memory_space<hbm>>
      %dma_wait3A_420 = arith.constant 0 : i32
      %dma_wait3A_421 = arith.constant 0 : i32
      %dma_wait3A_422 = tpu.memref_slice %dma_wait3A_419[%dma_wait3A_420, %dma_wait3A_421] : memref<10000x128xf32, #tpu.memory_space<hbm>> -> memref<10000x128xf32, #tpu.memory_space<hbm>>
      tpu.wait_indirect_dma semaphore(%arg14 : memref<!tpu.dma_semaphore, #tpu.memory_space<semaphore_mem>>) src(%dma_wait3A_422 : memref<10000x128xf32, #tpu.memory_space<hbm>>) dst(%arg9 : memref<128x128xf32, #tpu.memory_space<vmem>>)
      %run_scoped3A_423 = arith.constant 0 : i32
      %run_scoped3A_424 = arith.constant 13 : i32
      "tpu.region"() ({
        %run_scoped3A_927 = tpu.sem_alloc : memref<!tpu.dma_semaphore, #tpu.memory_space<semaphore_mem>>
        %dma_start3A_928 = arith.constant 0 : i32
        %dma_start3A_929 = tpu.memref_slice %arg7[%run_scoped3A_423, %run_scoped3A_424, %dma_start3A_928] : memref<2x16x128xi32, #tpu.memory_space<vmem>> -> memref<1x1x128xi32, #tpu.memory_space<vmem>>
        %dma_start3A_930 = tpu.memref_squeeze %dma_start3A_929 : memref<1x1x128xi32, #tpu.memory_space<vmem>> -> memref<128xi32, #tpu.memory_space<vmem>>
        %dma_start3A_931 = arith.constant 0 : i32
        %dma_start3A_932 = arith.constant 0 : i32
        %dma_start3A_933 = tpu.memref_slice %arg10[%dma_start3A_931, %dma_start3A_932] : memref<10008x128xf32, #tpu.memory_space<vmem_shared>> -> memref<10008x128xf32, #tpu.memory_space<vmem_shared>>
        tpu.enqueue_indirect_dma source(%arg9 : memref<128x128xf32, #tpu.memory_space<vmem>>) target(%dma_start3A_933 : memref<10008x128xf32, #tpu.memory_space<vmem_shared>>) offsets(%dma_start3A_930 : memref<128xi32, #tpu.memory_space<vmem>>) semaphore(%run_scoped3A_927 : memref<!tpu.dma_semaphore, #tpu.memory_space<semaphore_mem>>) {add = true}
        %dma_wait3A_934 = arith.constant 0 : i32
        %dma_wait3A_935 = tpu.memref_slice %arg7[%run_scoped3A_423, %run_scoped3A_424, %dma_wait3A_934] : memref<2x16x128xi32, #tpu.memory_space<vmem>> -> memref<1x1x128xi32, #tpu.memory_space<vmem>>
        %dma_wait3A_936 = tpu.memref_squeeze %dma_wait3A_935 : memref<1x1x128xi32, #tpu.memory_space<vmem>> -> memref<128xi32, #tpu.memory_space<vmem>>
        %dma_wait3A_937 = arith.constant 0 : i32
        %dma_wait3A_938 = arith.constant 0 : i32
        %dma_wait3A_939 = tpu.memref_slice %arg10[%dma_wait3A_937, %dma_wait3A_938] : memref<10008x128xf32, #tpu.memory_space<vmem_shared>> -> memref<10008x128xf32, #tpu.memory_space<vmem_shared>>
        tpu.wait_indirect_dma semaphore(%run_scoped3A_927 : memref<!tpu.dma_semaphore, #tpu.memory_space<semaphore_mem>>) src(%arg9 : memref<128x128xf32, #tpu.memory_space<vmem>>) dst(%dma_wait3A_939 : memref<10008x128xf32, #tpu.memory_space<vmem_shared>>)
        tpu.yield
      }) : () -> ()
      %dma_start3A_425 = arith.constant 0 : i32
      %dma_start3A_426 = arith.constant 15 : i32
      %dma_start3A_427 = arith.constant 0 : i32
      %dma_start3A_428 = tpu.memref_slice %arg6[%dma_start3A_425, %dma_start3A_426, %dma_start3A_427] : memref<2x16x128xi32, #tpu.memory_space<vmem>> -> memref<1x1x128xi32, #tpu.memory_space<vmem>>
      %dma_start3A_429 = tpu.memref_squeeze %dma_start3A_428 : memref<1x1x128xi32, #tpu.memory_space<vmem>> -> memref<128xi32, #tpu.memory_space<vmem>>
      %dma_start3A_430 = arith.constant 0 : i32
      %dma_start3A_431 = arith.constant 0 : i32
      %dma_start3A_432 = tpu.memref_slice %arg2[%arg0, %dma_start3A_430, %dma_start3A_431] : memref<2x10000x128xf32, #tpu.memory_space<hbm>> -> memref<1x10000x128xf32, #tpu.memory_space<hbm>>
      %dma_start3A_433 = tpu.memref_squeeze %dma_start3A_432 : memref<1x10000x128xf32, #tpu.memory_space<hbm>> -> memref<10000x128xf32, #tpu.memory_space<hbm>>
      %dma_start3A_434 = arith.constant 0 : i32
      %dma_start3A_435 = arith.constant 0 : i32
      %dma_start3A_436 = tpu.memref_slice %dma_start3A_433[%dma_start3A_434, %dma_start3A_435] : memref<10000x128xf32, #tpu.memory_space<hbm>> -> memref<10000x128xf32, #tpu.memory_space<hbm>>
      tpu.enqueue_indirect_dma source(%dma_start3A_436 : memref<10000x128xf32, #tpu.memory_space<hbm>>) target(%arg9 : memref<128x128xf32, #tpu.memory_space<vmem>>) offsets(%dma_start3A_429 : memref<128xi32, #tpu.memory_space<vmem>>) semaphore(%arg14 : memref<!tpu.dma_semaphore, #tpu.memory_space<semaphore_mem>>)
      %dma_wait3A_437 = arith.constant 0 : i32
      %dma_wait3A_438 = arith.constant 14 : i32
      %dma_wait3A_439 = arith.constant 0 : i32
      %dma_wait3A_440 = tpu.memref_slice %arg6[%dma_wait3A_437, %dma_wait3A_438, %dma_wait3A_439] : memref<2x16x128xi32, #tpu.memory_space<vmem>> -> memref<1x1x128xi32, #tpu.memory_space<vmem>>
      %dma_wait3A_441 = tpu.memref_squeeze %dma_wait3A_440 : memref<1x1x128xi32, #tpu.memory_space<vmem>> -> memref<128xi32, #tpu.memory_space<vmem>>
      %dma_wait3A_442 = arith.constant 0 : i32
      %dma_wait3A_443 = arith.constant 0 : i32
      %dma_wait3A_444 = tpu.memref_slice %arg2[%arg0, %dma_wait3A_442, %dma_wait3A_443] : memref<2x10000x128xf32, #tpu.memory_space<hbm>> -> memref<1x10000x128xf32, #tpu.memory_space<hbm>>
      %dma_wait3A_445 = tpu.memref_squeeze %dma_wait3A_444 : memref<1x10000x128xf32, #tpu.memory_space<hbm>> -> memref<10000x128xf32, #tpu.memory_space<hbm>>
      %dma_wait3A_446 = arith.constant 0 : i32
      %dma_wait3A_447 = arith.constant 0 : i32
      %dma_wait3A_448 = tpu.memref_slice %dma_wait3A_445[%dma_wait3A_446, %dma_wait3A_447] : memref<10000x128xf32, #tpu.memory_space<hbm>> -> memref<10000x128xf32, #tpu.memory_space<hbm>>
      tpu.wait_indirect_dma semaphore(%arg13 : memref<!tpu.dma_semaphore, #tpu.memory_space<semaphore_mem>>) src(%dma_wait3A_448 : memref<10000x128xf32, #tpu.memory_space<hbm>>) dst(%arg8 : memref<128x128xf32, #tpu.memory_space<vmem>>)
      %run_scoped3A_449 = arith.constant 0 : i32
      %run_scoped3A_450 = arith.constant 14 : i32
      "tpu.region"() ({
        %run_scoped3A_927 = tpu.sem_alloc : memref<!tpu.dma_semaphore, #tpu.memory_space<semaphore_mem>>
        %dma_start3A_928 = arith.constant 0 : i32
        %dma_start3A_929 = tpu.memref_slice %arg7[%run_scoped3A_449, %run_scoped3A_450, %dma_start3A_928] : memref<2x16x128xi32, #tpu.memory_space<vmem>> -> memref<1x1x128xi32, #tpu.memory_space<vmem>>
        %dma_start3A_930 = tpu.memref_squeeze %dma_start3A_929 : memref<1x1x128xi32, #tpu.memory_space<vmem>> -> memref<128xi32, #tpu.memory_space<vmem>>
        %dma_start3A_931 = arith.constant 0 : i32
        %dma_start3A_932 = arith.constant 0 : i32
        %dma_start3A_933 = tpu.memref_slice %arg10[%dma_start3A_931, %dma_start3A_932] : memref<10008x128xf32, #tpu.memory_space<vmem_shared>> -> memref<10008x128xf32, #tpu.memory_space<vmem_shared>>
        tpu.enqueue_indirect_dma source(%arg8 : memref<128x128xf32, #tpu.memory_space<vmem>>) target(%dma_start3A_933 : memref<10008x128xf32, #tpu.memory_space<vmem_shared>>) offsets(%dma_start3A_930 : memref<128xi32, #tpu.memory_space<vmem>>) semaphore(%run_scoped3A_927 : memref<!tpu.dma_semaphore, #tpu.memory_space<semaphore_mem>>) {add = true}
        %dma_wait3A_934 = arith.constant 0 : i32
        %dma_wait3A_935 = tpu.memref_slice %arg7[%run_scoped3A_449, %run_scoped3A_450, %dma_wait3A_934] : memref<2x16x128xi32, #tpu.memory_space<vmem>> -> memref<1x1x128xi32, #tpu.memory_space<vmem>>
        %dma_wait3A_936 = tpu.memref_squeeze %dma_wait3A_935 : memref<1x1x128xi32, #tpu.memory_space<vmem>> -> memref<128xi32, #tpu.memory_space<vmem>>
        %dma_wait3A_937 = arith.constant 0 : i32
        %dma_wait3A_938 = arith.constant 0 : i32
        %dma_wait3A_939 = tpu.memref_slice %arg10[%dma_wait3A_937, %dma_wait3A_938] : memref<10008x128xf32, #tpu.memory_space<vmem_shared>> -> memref<10008x128xf32, #tpu.memory_space<vmem_shared>>
        tpu.wait_indirect_dma semaphore(%run_scoped3A_927 : memref<!tpu.dma_semaphore, #tpu.memory_space<semaphore_mem>>) src(%arg8 : memref<128x128xf32, #tpu.memory_space<vmem>>) dst(%dma_wait3A_939 : memref<10008x128xf32, #tpu.memory_space<vmem_shared>>)
        tpu.yield
      }) : () -> ()
      %dma_wait3A_451 = arith.constant 1 : i32
      %dma_wait3A_452 = arith.constant 0 : i32
      %dma_wait3A_453 = arith.constant 0 : i32
      %dma_wait3A_454 = tpu.memref_slice %arg6[%dma_wait3A_451, %dma_wait3A_452, %dma_wait3A_453] : memref<2x16x128xi32, #tpu.memory_space<vmem>> -> memref<1x16x128xi32, #tpu.memory_space<vmem>>
      %dma_wait3A_455 = tpu.memref_squeeze %dma_wait3A_454 : memref<1x16x128xi32, #tpu.memory_space<vmem>> -> memref<16x128xi32, #tpu.memory_space<vmem>>
      %dma_wait3A_456 = arith.constant 0 : i32
      %dma_wait3A_457 = arith.constant 0 : i32
      %dma_wait3A_458 = tpu.memref_slice %arg3[%arg1, %dma_wait3A_456, %dma_wait3A_457] : memref<16x160x128xi32, #tpu.memory_space<hbm>> -> memref<1x16x128xi32, #tpu.memory_space<hbm>>
      %dma_wait3A_459 = tpu.memref_squeeze %dma_wait3A_458 : memref<1x16x128xi32, #tpu.memory_space<hbm>> -> memref<16x128xi32, #tpu.memory_space<hbm>>
      %dma_wait3A_460 = arith.constant 0 : i32
      %dma_wait3A_461 = arith.constant 0 : i32
      %dma_wait3A_462 = tpu.memref_slice %arg6[%dma_wait3A_451, %dma_wait3A_460, %dma_wait3A_461] : memref<2x16x128xi32, #tpu.memory_space<vmem>> -> memref<1x16x128xi32, #tpu.memory_space<vmem>>
      %dma_wait3A_463 = tpu.memref_squeeze %dma_wait3A_462 : memref<1x16x128xi32, #tpu.memory_space<vmem>> -> memref<16x128xi32, #tpu.memory_space<vmem>>
      %dma_wait3A_464 = arith.constant 0 : i32
      %dma_wait3A_465 = arith.constant 0 : i32
      %dma_wait3A_466 = tpu.memref_slice %arg3[%arg1, %dma_wait3A_464, %dma_wait3A_465] : memref<16x160x128xi32, #tpu.memory_space<hbm>> -> memref<1x16x128xi32, #tpu.memory_space<hbm>>
      %dma_wait3A_467 = tpu.memref_squeeze %dma_wait3A_466 : memref<1x16x128xi32, #tpu.memory_space<hbm>> -> memref<16x128xi32, #tpu.memory_space<hbm>>
      tpu.wait_dma2 semaphore(%arg12 : memref<!tpu.dma_semaphore, #tpu.memory_space<semaphore_mem>>) src(%dma_wait3A_467 : memref<16x128xi32, #tpu.memory_space<hbm>>) dst(%dma_wait3A_463 : memref<16x128xi32, #tpu.memory_space<vmem>>)
      %dma_wait3A_468 = arith.constant 1 : i32
      %dma_wait3A_469 = arith.constant 0 : i32
      %dma_wait3A_470 = arith.constant 0 : i32
      %dma_wait3A_471 = tpu.memref_slice %arg7[%dma_wait3A_468, %dma_wait3A_469, %dma_wait3A_470] : memref<2x16x128xi32, #tpu.memory_space<vmem>> -> memref<1x16x128xi32, #tpu.memory_space<vmem>>
      %dma_wait3A_472 = tpu.memref_squeeze %dma_wait3A_471 : memref<1x16x128xi32, #tpu.memory_space<vmem>> -> memref<16x128xi32, #tpu.memory_space<vmem>>
      %dma_wait3A_473 = arith.constant 0 : i32
      %dma_wait3A_474 = arith.constant 0 : i32
      %dma_wait3A_475 = tpu.memref_slice %arg4[%arg1, %dma_wait3A_473, %dma_wait3A_474] : memref<16x160x128xi32, #tpu.memory_space<hbm>> -> memref<1x16x128xi32, #tpu.memory_space<hbm>>
      %dma_wait3A_476 = tpu.memref_squeeze %dma_wait3A_475 : memref<1x16x128xi32, #tpu.memory_space<hbm>> -> memref<16x128xi32, #tpu.memory_space<hbm>>
      %dma_wait3A_477 = arith.constant 0 : i32
      %dma_wait3A_478 = arith.constant 0 : i32
      %dma_wait3A_479 = tpu.memref_slice %arg7[%dma_wait3A_468, %dma_wait3A_477, %dma_wait3A_478] : memref<2x16x128xi32, #tpu.memory_space<vmem>> -> memref<1x16x128xi32, #tpu.memory_space<vmem>>
      %dma_wait3A_480 = tpu.memref_squeeze %dma_wait3A_479 : memref<1x16x128xi32, #tpu.memory_space<vmem>> -> memref<16x128xi32, #tpu.memory_space<vmem>>
      %dma_wait3A_481 = arith.constant 0 : i32
      %dma_wait3A_482 = arith.constant 0 : i32
      %dma_wait3A_483 = tpu.memref_slice %arg4[%arg1, %dma_wait3A_481, %dma_wait3A_482] : memref<16x160x128xi32, #tpu.memory_space<hbm>> -> memref<1x16x128xi32, #tpu.memory_space<hbm>>
      %dma_wait3A_484 = tpu.memref_squeeze %dma_wait3A_483 : memref<1x16x128xi32, #tpu.memory_space<hbm>> -> memref<16x128xi32, #tpu.memory_space<hbm>>
      tpu.wait_dma2 semaphore(%arg12 : memref<!tpu.dma_semaphore, #tpu.memory_space<semaphore_mem>>) src(%dma_wait3A_484 : memref<16x128xi32, #tpu.memory_space<hbm>>) dst(%dma_wait3A_480 : memref<16x128xi32, #tpu.memory_space<vmem>>)
      %dma_start3A_485 = arith.constant 1 : i32
      %dma_start3A_486 = arith.constant 0 : i32
      %dma_start3A_487 = arith.constant 0 : i32
      %dma_start3A_488 = tpu.memref_slice %arg6[%dma_start3A_485, %dma_start3A_486, %dma_start3A_487] : memref<2x16x128xi32, #tpu.memory_space<vmem>> -> memref<1x1x128xi32, #tpu.memory_space<vmem>>
      %dma_start3A_489 = tpu.memref_squeeze %dma_start3A_488 : memref<1x1x128xi32, #tpu.memory_space<vmem>> -> memref<128xi32, #tpu.memory_space<vmem>>
      %dma_start3A_490 = arith.constant 0 : i32
      %dma_start3A_491 = arith.constant 0 : i32
      %dma_start3A_492 = tpu.memref_slice %arg2[%arg0, %dma_start3A_490, %dma_start3A_491] : memref<2x10000x128xf32, #tpu.memory_space<hbm>> -> memref<1x10000x128xf32, #tpu.memory_space<hbm>>
      %dma_start3A_493 = tpu.memref_squeeze %dma_start3A_492 : memref<1x10000x128xf32, #tpu.memory_space<hbm>> -> memref<10000x128xf32, #tpu.memory_space<hbm>>
      %dma_start3A_494 = arith.constant 0 : i32
      %dma_start3A_495 = arith.constant 0 : i32
      %dma_start3A_496 = tpu.memref_slice %dma_start3A_493[%dma_start3A_494, %dma_start3A_495] : memref<10000x128xf32, #tpu.memory_space<hbm>> -> memref<10000x128xf32, #tpu.memory_space<hbm>>
      tpu.enqueue_indirect_dma source(%dma_start3A_496 : memref<10000x128xf32, #tpu.memory_space<hbm>>) target(%arg8 : memref<128x128xf32, #tpu.memory_space<vmem>>) offsets(%dma_start3A_489 : memref<128xi32, #tpu.memory_space<vmem>>) semaphore(%arg13 : memref<!tpu.dma_semaphore, #tpu.memory_space<semaphore_mem>>)
      %dma_wait3A_497 = arith.constant 0 : i32
      %dma_wait3A_498 = arith.constant 15 : i32
      %dma_wait3A_499 = arith.constant 0 : i32
      %dma_wait3A_500 = tpu.memref_slice %arg6[%dma_wait3A_497, %dma_wait3A_498, %dma_wait3A_499] : memref<2x16x128xi32, #tpu.memory_space<vmem>> -> memref<1x1x128xi32, #tpu.memory_space<vmem>>
      %dma_wait3A_501 = tpu.memref_squeeze %dma_wait3A_500 : memref<1x1x128xi32, #tpu.memory_space<vmem>> -> memref<128xi32, #tpu.memory_space<vmem>>
      %dma_wait3A_502 = arith.constant 0 : i32
      %dma_wait3A_503 = arith.constant 0 : i32
      %dma_wait3A_504 = tpu.memref_slice %arg2[%arg0, %dma_wait3A_502, %dma_wait3A_503] : memref<2x10000x128xf32, #tpu.memory_space<hbm>> -> memref<1x10000x128xf32, #tpu.memory_space<hbm>>
      %dma_wait3A_505 = tpu.memref_squeeze %dma_wait3A_504 : memref<1x10000x128xf32, #tpu.memory_space<hbm>> -> memref<10000x128xf32, #tpu.memory_space<hbm>>
      %dma_wait3A_506 = arith.constant 0 : i32
      %dma_wait3A_507 = arith.constant 0 : i32
      %dma_wait3A_508 = tpu.memref_slice %dma_wait3A_505[%dma_wait3A_506, %dma_wait3A_507] : memref<10000x128xf32, #tpu.memory_space<hbm>> -> memref<10000x128xf32, #tpu.memory_space<hbm>>
      tpu.wait_indirect_dma semaphore(%arg14 : memref<!tpu.dma_semaphore, #tpu.memory_space<semaphore_mem>>) src(%dma_wait3A_508 : memref<10000x128xf32, #tpu.memory_space<hbm>>) dst(%arg9 : memref<128x128xf32, #tpu.memory_space<vmem>>)
      %run_scoped3A_509 = arith.constant 0 : i32
      %run_scoped3A_510 = arith.constant 15 : i32
      "tpu.region"() ({
        %run_scoped3A_927 = tpu.sem_alloc : memref<!tpu.dma_semaphore, #tpu.memory_space<semaphore_mem>>
        %dma_start3A_928 = arith.constant 0 : i32
        %dma_start3A_929 = tpu.memref_slice %arg7[%run_scoped3A_509, %run_scoped3A_510, %dma_start3A_928] : memref<2x16x128xi32, #tpu.memory_space<vmem>> -> memref<1x1x128xi32, #tpu.memory_space<vmem>>
        %dma_start3A_930 = tpu.memref_squeeze %dma_start3A_929 : memref<1x1x128xi32, #tpu.memory_space<vmem>> -> memref<128xi32, #tpu.memory_space<vmem>>
        %dma_start3A_931 = arith.constant 0 : i32
        %dma_start3A_932 = arith.constant 0 : i32
        %dma_start3A_933 = tpu.memref_slice %arg10[%dma_start3A_931, %dma_start3A_932] : memref<10008x128xf32, #tpu.memory_space<vmem_shared>> -> memref<10008x128xf32, #tpu.memory_space<vmem_shared>>
        tpu.enqueue_indirect_dma source(%arg9 : memref<128x128xf32, #tpu.memory_space<vmem>>) target(%dma_start3A_933 : memref<10008x128xf32, #tpu.memory_space<vmem_shared>>) offsets(%dma_start3A_930 : memref<128xi32, #tpu.memory_space<vmem>>) semaphore(%run_scoped3A_927 : memref<!tpu.dma_semaphore, #tpu.memory_space<semaphore_mem>>) {add = true}
        %dma_wait3A_934 = arith.constant 0 : i32
        %dma_wait3A_935 = tpu.memref_slice %arg7[%run_scoped3A_509, %run_scoped3A_510, %dma_wait3A_934] : memref<2x16x128xi32, #tpu.memory_space<vmem>> -> memref<1x1x128xi32, #tpu.memory_space<vmem>>
        %dma_wait3A_936 = tpu.memref_squeeze %dma_wait3A_935 : memref<1x1x128xi32, #tpu.memory_space<vmem>> -> memref<128xi32, #tpu.memory_space<vmem>>
        %dma_wait3A_937 = arith.constant 0 : i32
        %dma_wait3A_938 = arith.constant 0 : i32
        %dma_wait3A_939 = tpu.memref_slice %arg10[%dma_wait3A_937, %dma_wait3A_938] : memref<10008x128xf32, #tpu.memory_space<vmem_shared>> -> memref<10008x128xf32, #tpu.memory_space<vmem_shared>>
        tpu.wait_indirect_dma semaphore(%run_scoped3A_927 : memref<!tpu.dma_semaphore, #tpu.memory_space<semaphore_mem>>) src(%arg9 : memref<128x128xf32, #tpu.memory_space<vmem>>) dst(%dma_wait3A_939 : memref<10008x128xf32, #tpu.memory_space<vmem_shared>>)
        tpu.yield
      }) : () -> ()
      %convert_element_type3A_511 = arith.extui %lt3A_73 : i1 to i32
      %cond3A_512 = arith.constant 0 : i32
      %cond3A_513 = arith.cmpi ne, %convert_element_type3A_511, %cond3A_512 : i32
      scf.if %cond3A_513 {
        %mul3A_927 = arith.constant 2 : i32
        %mul3A_928 = arith.muli %mul3A_927, %scan3A_72 : i32
        %add3A = arith.constant 2 : i32
        %add3A_929 = arith.addi %mul3A_928, %add3A : i32
        %mul3A_930 = arith.constant 16 : i32
        %mul3A_931 = arith.muli %add3A_929, %mul3A_930 : i32
        %dma_start3A_932 = arith.constant 0 : i32
        %dma_start3A_933 = arith.constant 0 : i32
        %dma_start3A_934 = arith.constant 0 : i32
        %dma_start3A_935 = tpu.memref_slice %arg6[%dma_start3A_932, %dma_start3A_933, %dma_start3A_934] : memref<2x16x128xi32, #tpu.memory_space<vmem>> -> memref<1x16x128xi32, #tpu.memory_space<vmem>>
        %dma_start3A_936 = tpu.memref_squeeze %dma_start3A_935 : memref<1x16x128xi32, #tpu.memory_space<vmem>> -> memref<16x128xi32, #tpu.memory_space<vmem>>
        %dma_start3A_937 = arith.constant 0 : i32
        %dma_start3A_938 = tpu.memref_slice %arg3[%arg1, %mul3A_931, %dma_start3A_937] : memref<16x160x128xi32, #tpu.memory_space<hbm>> -> memref<1x16x128xi32, #tpu.memory_space<hbm>>
        %dma_start3A_939 = tpu.memref_squeeze %dma_start3A_938 : memref<1x16x128xi32, #tpu.memory_space<hbm>> -> memref<16x128xi32, #tpu.memory_space<hbm>>
        %dma_start3A_940 = arith.constant 0 : i32
        %dma_start3A_941 = arith.constant 0 : i32
        %dma_start3A_942 = tpu.memref_slice %arg6[%dma_start3A_932, %dma_start3A_940, %dma_start3A_941] : memref<2x16x128xi32, #tpu.memory_space<vmem>> -> memref<1x16x128xi32, #tpu.memory_space<vmem>>
        %dma_start3A_943 = tpu.memref_squeeze %dma_start3A_942 : memref<1x16x128xi32, #tpu.memory_space<vmem>> -> memref<16x128xi32, #tpu.memory_space<vmem>>
        %dma_start3A_944 = arith.constant 0 : i32
        %dma_start3A_945 = tpu.memref_slice %arg3[%arg1, %mul3A_931, %dma_start3A_944] : memref<16x160x128xi32, #tpu.memory_space<hbm>> -> memref<1x16x128xi32, #tpu.memory_space<hbm>>
        %dma_start3A_946 = tpu.memref_squeeze %dma_start3A_945 : memref<1x16x128xi32, #tpu.memory_space<hbm>> -> memref<16x128xi32, #tpu.memory_space<hbm>>
        tpu.enqueue_dma source(%dma_start3A_946 : memref<16x128xi32, #tpu.memory_space<hbm>>) target(%dma_start3A_943 : memref<16x128xi32, #tpu.memory_space<vmem>>) target_semaphore(%arg11 : memref<!tpu.dma_semaphore, #tpu.memory_space<semaphore_mem>>)
        %dma_start3A_947 = arith.constant 0 : i32
        %dma_start3A_948 = arith.constant 0 : i32
        %dma_start3A_949 = arith.constant 0 : i32
        %dma_start3A_950 = tpu.memref_slice %arg7[%dma_start3A_947, %dma_start3A_948, %dma_start3A_949] : memref<2x16x128xi32, #tpu.memory_space<vmem>> -> memref<1x16x128xi32, #tpu.memory_space<vmem>>
        %dma_start3A_951 = tpu.memref_squeeze %dma_start3A_950 : memref<1x16x128xi32, #tpu.memory_space<vmem>> -> memref<16x128xi32, #tpu.memory_space<vmem>>
        %dma_start3A_952 = arith.constant 0 : i32
        %dma_start3A_953 = tpu.memref_slice %arg4[%arg1, %mul3A_931, %dma_start3A_952] : memref<16x160x128xi32, #tpu.memory_space<hbm>> -> memref<1x16x128xi32, #tpu.memory_space<hbm>>
        %dma_start3A_954 = tpu.memref_squeeze %dma_start3A_953 : memref<1x16x128xi32, #tpu.memory_space<hbm>> -> memref<16x128xi32, #tpu.memory_space<hbm>>
        %dma_start3A_955 = arith.constant 0 : i32
        %dma_start3A_956 = arith.constant 0 : i32
        %dma_start3A_957 = tpu.memref_slice %arg7[%dma_start3A_947, %dma_start3A_955, %dma_start3A_956] : memref<2x16x128xi32, #tpu.memory_space<vmem>> -> memref<1x16x128xi32, #tpu.memory_space<vmem>>
        %dma_start3A_958 = tpu.memref_squeeze %dma_start3A_957 : memref<1x16x128xi32, #tpu.memory_space<vmem>> -> memref<16x128xi32, #tpu.memory_space<vmem>>
        %dma_start3A_959 = arith.constant 0 : i32
        %dma_start3A_960 = tpu.memref_slice %arg4[%arg1, %mul3A_931, %dma_start3A_959] : memref<16x160x128xi32, #tpu.memory_space<hbm>> -> memref<1x16x128xi32, #tpu.memory_space<hbm>>
        %dma_start3A_961 = tpu.memref_squeeze %dma_start3A_960 : memref<1x16x128xi32, #tpu.memory_space<hbm>> -> memref<16x128xi32, #tpu.memory_space<hbm>>
        tpu.enqueue_dma source(%dma_start3A_961 : memref<16x128xi32, #tpu.memory_space<hbm>>) target(%dma_start3A_958 : memref<16x128xi32, #tpu.memory_space<vmem>>) target_semaphore(%arg11 : memref<!tpu.dma_semaphore, #tpu.memory_space<semaphore_mem>>)
      } else {
      }
      %dma_start3A_514 = arith.constant 1 : i32
      %dma_start3A_515 = arith.constant 1 : i32
      %dma_start3A_516 = arith.constant 0 : i32
      %dma_start3A_517 = tpu.memref_slice %arg6[%dma_start3A_514, %dma_start3A_515, %dma_start3A_516] : memref<2x16x128xi32, #tpu.memory_space<vmem>> -> memref<1x1x128xi32, #tpu.memory_space<vmem>>
      %dma_start3A_518 = tpu.memref_squeeze %dma_start3A_517 : memref<1x1x128xi32, #tpu.memory_space<vmem>> -> memref<128xi32, #tpu.memory_space<vmem>>
      %dma_start3A_519 = arith.constant 0 : i32
      %dma_start3A_520 = arith.constant 0 : i32
      %dma_start3A_521 = tpu.memref_slice %arg2[%arg0, %dma_start3A_519, %dma_start3A_520] : memref<2x10000x128xf32, #tpu.memory_space<hbm>> -> memref<1x10000x128xf32, #tpu.memory_space<hbm>>
      %dma_start3A_522 = tpu.memref_squeeze %dma_start3A_521 : memref<1x10000x128xf32, #tpu.memory_space<hbm>> -> memref<10000x128xf32, #tpu.memory_space<hbm>>
      %dma_start3A_523 = arith.constant 0 : i32
      %dma_start3A_524 = arith.constant 0 : i32
      %dma_start3A_525 = tpu.memref_slice %dma_start3A_522[%dma_start3A_523, %dma_start3A_524] : memref<10000x128xf32, #tpu.memory_space<hbm>> -> memref<10000x128xf32, #tpu.memory_space<hbm>>
      tpu.enqueue_indirect_dma source(%dma_start3A_525 : memref<10000x128xf32, #tpu.memory_space<hbm>>) target(%arg9 : memref<128x128xf32, #tpu.memory_space<vmem>>) offsets(%dma_start3A_518 : memref<128xi32, #tpu.memory_space<vmem>>) semaphore(%arg14 : memref<!tpu.dma_semaphore, #tpu.memory_space<semaphore_mem>>)
      %dma_wait3A_526 = arith.constant 1 : i32
      %dma_wait3A_527 = arith.constant 0 : i32
      %dma_wait3A_528 = arith.constant 0 : i32
      %dma_wait3A_529 = tpu.memref_slice %arg6[%dma_wait3A_526, %dma_wait3A_527, %dma_wait3A_528] : memref<2x16x128xi32, #tpu.memory_space<vmem>> -> memref<1x1x128xi32, #tpu.memory_space<vmem>>
      %dma_wait3A_530 = tpu.memref_squeeze %dma_wait3A_529 : memref<1x1x128xi32, #tpu.memory_space<vmem>> -> memref<128xi32, #tpu.memory_space<vmem>>
      %dma_wait3A_531 = arith.constant 0 : i32
      %dma_wait3A_532 = arith.constant 0 : i32
      %dma_wait3A_533 = tpu.memref_slice %arg2[%arg0, %dma_wait3A_531, %dma_wait3A_532] : memref<2x10000x128xf32, #tpu.memory_space<hbm>> -> memref<1x10000x128xf32, #tpu.memory_space<hbm>>
      %dma_wait3A_534 = tpu.memref_squeeze %dma_wait3A_533 : memref<1x10000x128xf32, #tpu.memory_space<hbm>> -> memref<10000x128xf32, #tpu.memory_space<hbm>>
      %dma_wait3A_535 = arith.constant 0 : i32
      %dma_wait3A_536 = arith.constant 0 : i32
      %dma_wait3A_537 = tpu.memref_slice %dma_wait3A_534[%dma_wait3A_535, %dma_wait3A_536] : memref<10000x128xf32, #tpu.memory_space<hbm>> -> memref<10000x128xf32, #tpu.memory_space<hbm>>
      tpu.wait_indirect_dma semaphore(%arg13 : memref<!tpu.dma_semaphore, #tpu.memory_space<semaphore_mem>>) src(%dma_wait3A_537 : memref<10000x128xf32, #tpu.memory_space<hbm>>) dst(%arg8 : memref<128x128xf32, #tpu.memory_space<vmem>>)
      %run_scoped3A_538 = arith.constant 1 : i32
      %run_scoped3A_539 = arith.constant 0 : i32
      "tpu.region"() ({
        %run_scoped3A_927 = tpu.sem_alloc : memref<!tpu.dma_semaphore, #tpu.memory_space<semaphore_mem>>
        %dma_start3A_928 = arith.constant 0 : i32
        %dma_start3A_929 = tpu.memref_slice %arg7[%run_scoped3A_538, %run_scoped3A_539, %dma_start3A_928] : memref<2x16x128xi32, #tpu.memory_space<vmem>> -> memref<1x1x128xi32, #tpu.memory_space<vmem>>
        %dma_start3A_930 = tpu.memref_squeeze %dma_start3A_929 : memref<1x1x128xi32, #tpu.memory_space<vmem>> -> memref<128xi32, #tpu.memory_space<vmem>>
        %dma_start3A_931 = arith.constant 0 : i32
        %dma_start3A_932 = arith.constant 0 : i32
        %dma_start3A_933 = tpu.memref_slice %arg10[%dma_start3A_931, %dma_start3A_932] : memref<10008x128xf32, #tpu.memory_space<vmem_shared>> -> memref<10008x128xf32, #tpu.memory_space<vmem_shared>>
        tpu.enqueue_indirect_dma source(%arg8 : memref<128x128xf32, #tpu.memory_space<vmem>>) target(%dma_start3A_933 : memref<10008x128xf32, #tpu.memory_space<vmem_shared>>) offsets(%dma_start3A_930 : memref<128xi32, #tpu.memory_space<vmem>>) semaphore(%run_scoped3A_927 : memref<!tpu.dma_semaphore, #tpu.memory_space<semaphore_mem>>) {add = true}
        %dma_wait3A_934 = arith.constant 0 : i32
        %dma_wait3A_935 = tpu.memref_slice %arg7[%run_scoped3A_538, %run_scoped3A_539, %dma_wait3A_934] : memref<2x16x128xi32, #tpu.memory_space<vmem>> -> memref<1x1x128xi32, #tpu.memory_space<vmem>>
        %dma_wait3A_936 = tpu.memref_squeeze %dma_wait3A_935 : memref<1x1x128xi32, #tpu.memory_space<vmem>> -> memref<128xi32, #tpu.memory_space<vmem>>
        %dma_wait3A_937 = arith.constant 0 : i32
        %dma_wait3A_938 = arith.constant 0 : i32
        %dma_wait3A_939 = tpu.memref_slice %arg10[%dma_wait3A_937, %dma_wait3A_938] : memref<10008x128xf32, #tpu.memory_space<vmem_shared>> -> memref<10008x128xf32, #tpu.memory_space<vmem_shared>>
        tpu.wait_indirect_dma semaphore(%run_scoped3A_927 : memref<!tpu.dma_semaphore, #tpu.memory_space<semaphore_mem>>) src(%arg8 : memref<128x128xf32, #tpu.memory_space<vmem>>) dst(%dma_wait3A_939 : memref<10008x128xf32, #tpu.memory_space<vmem_shared>>)
        tpu.yield
      }) : () -> ()
      %dma_start3A_540 = arith.constant 1 : i32
      %dma_start3A_541 = arith.constant 2 : i32
      %dma_start3A_542 = arith.constant 0 : i32
      %dma_start3A_543 = tpu.memref_slice %arg6[%dma_start3A_540, %dma_start3A_541, %dma_start3A_542] : memref<2x16x128xi32, #tpu.memory_space<vmem>> -> memref<1x1x128xi32, #tpu.memory_space<vmem>>
      %dma_start3A_544 = tpu.memref_squeeze %dma_start3A_543 : memref<1x1x128xi32, #tpu.memory_space<vmem>> -> memref<128xi32, #tpu.memory_space<vmem>>
      %dma_start3A_545 = arith.constant 0 : i32
      %dma_start3A_546 = arith.constant 0 : i32
      %dma_start3A_547 = tpu.memref_slice %arg2[%arg0, %dma_start3A_545, %dma_start3A_546] : memref<2x10000x128xf32, #tpu.memory_space<hbm>> -> memref<1x10000x128xf32, #tpu.memory_space<hbm>>
      %dma_start3A_548 = tpu.memref_squeeze %dma_start3A_547 : memref<1x10000x128xf32, #tpu.memory_space<hbm>> -> memref<10000x128xf32, #tpu.memory_space<hbm>>
      %dma_start3A_549 = arith.constant 0 : i32
      %dma_start3A_550 = arith.constant 0 : i32
      %dma_start3A_551 = tpu.memref_slice %dma_start3A_548[%dma_start3A_549, %dma_start3A_550] : memref<10000x128xf32, #tpu.memory_space<hbm>> -> memref<10000x128xf32, #tpu.memory_space<hbm>>
      tpu.enqueue_indirect_dma source(%dma_start3A_551 : memref<10000x128xf32, #tpu.memory_space<hbm>>) target(%arg8 : memref<128x128xf32, #tpu.memory_space<vmem>>) offsets(%dma_start3A_544 : memref<128xi32, #tpu.memory_space<vmem>>) semaphore(%arg13 : memref<!tpu.dma_semaphore, #tpu.memory_space<semaphore_mem>>)
      %dma_wait3A_552 = arith.constant 1 : i32
      %dma_wait3A_553 = arith.constant 1 : i32
      %dma_wait3A_554 = arith.constant 0 : i32
      %dma_wait3A_555 = tpu.memref_slice %arg6[%dma_wait3A_552, %dma_wait3A_553, %dma_wait3A_554] : memref<2x16x128xi32, #tpu.memory_space<vmem>> -> memref<1x1x128xi32, #tpu.memory_space<vmem>>
      %dma_wait3A_556 = tpu.memref_squeeze %dma_wait3A_555 : memref<1x1x128xi32, #tpu.memory_space<vmem>> -> memref<128xi32, #tpu.memory_space<vmem>>
      %dma_wait3A_557 = arith.constant 0 : i32
      %dma_wait3A_558 = arith.constant 0 : i32
      %dma_wait3A_559 = tpu.memref_slice %arg2[%arg0, %dma_wait3A_557, %dma_wait3A_558] : memref<2x10000x128xf32, #tpu.memory_space<hbm>> -> memref<1x10000x128xf32, #tpu.memory_space<hbm>>
      %dma_wait3A_560 = tpu.memref_squeeze %dma_wait3A_559 : memref<1x10000x128xf32, #tpu.memory_space<hbm>> -> memref<10000x128xf32, #tpu.memory_space<hbm>>
      %dma_wait3A_561 = arith.constant 0 : i32
      %dma_wait3A_562 = arith.constant 0 : i32
      %dma_wait3A_563 = tpu.memref_slice %dma_wait3A_560[%dma_wait3A_561, %dma_wait3A_562] : memref<10000x128xf32, #tpu.memory_space<hbm>> -> memref<10000x128xf32, #tpu.memory_space<hbm>>
      tpu.wait_indirect_dma semaphore(%arg14 : memref<!tpu.dma_semaphore, #tpu.memory_space<semaphore_mem>>) src(%dma_wait3A_563 : memref<10000x128xf32, #tpu.memory_space<hbm>>) dst(%arg9 : memref<128x128xf32, #tpu.memory_space<vmem>>)
      %run_scoped3A_564 = arith.constant 1 : i32
      %run_scoped3A_565 = arith.constant 1 : i32
      "tpu.region"() ({
        %run_scoped3A_927 = tpu.sem_alloc : memref<!tpu.dma_semaphore, #tpu.memory_space<semaphore_mem>>
        %dma_start3A_928 = arith.constant 0 : i32
        %dma_start3A_929 = tpu.memref_slice %arg7[%run_scoped3A_564, %run_scoped3A_565, %dma_start3A_928] : memref<2x16x128xi32, #tpu.memory_space<vmem>> -> memref<1x1x128xi32, #tpu.memory_space<vmem>>
        %dma_start3A_930 = tpu.memref_squeeze %dma_start3A_929 : memref<1x1x128xi32, #tpu.memory_space<vmem>> -> memref<128xi32, #tpu.memory_space<vmem>>
        %dma_start3A_931 = arith.constant 0 : i32
        %dma_start3A_932 = arith.constant 0 : i32
        %dma_start3A_933 = tpu.memref_slice %arg10[%dma_start3A_931, %dma_start3A_932] : memref<10008x128xf32, #tpu.memory_space<vmem_shared>> -> memref<10008x128xf32, #tpu.memory_space<vmem_shared>>
        tpu.enqueue_indirect_dma source(%arg9 : memref<128x128xf32, #tpu.memory_space<vmem>>) target(%dma_start3A_933 : memref<10008x128xf32, #tpu.memory_space<vmem_shared>>) offsets(%dma_start3A_930 : memref<128xi32, #tpu.memory_space<vmem>>) semaphore(%run_scoped3A_927 : memref<!tpu.dma_semaphore, #tpu.memory_space<semaphore_mem>>) {add = true}
        %dma_wait3A_934 = arith.constant 0 : i32
        %dma_wait3A_935 = tpu.memref_slice %arg7[%run_scoped3A_564, %run_scoped3A_565, %dma_wait3A_934] : memref<2x16x128xi32, #tpu.memory_space<vmem>> -> memref<1x1x128xi32, #tpu.memory_space<vmem>>
        %dma_wait3A_936 = tpu.memref_squeeze %dma_wait3A_935 : memref<1x1x128xi32, #tpu.memory_space<vmem>> -> memref<128xi32, #tpu.memory_space<vmem>>
        %dma_wait3A_937 = arith.constant 0 : i32
        %dma_wait3A_938 = arith.constant 0 : i32
        %dma_wait3A_939 = tpu.memref_slice %arg10[%dma_wait3A_937, %dma_wait3A_938] : memref<10008x128xf32, #tpu.memory_space<vmem_shared>> -> memref<10008x128xf32, #tpu.memory_space<vmem_shared>>
        tpu.wait_indirect_dma semaphore(%run_scoped3A_927 : memref<!tpu.dma_semaphore, #tpu.memory_space<semaphore_mem>>) src(%arg9 : memref<128x128xf32, #tpu.memory_space<vmem>>) dst(%dma_wait3A_939 : memref<10008x128xf32, #tpu.memory_space<vmem_shared>>)
        tpu.yield
      }) : () -> ()
      %dma_start3A_566 = arith.constant 1 : i32
      %dma_start3A_567 = arith.constant 3 : i32
      %dma_start3A_568 = arith.constant 0 : i32
      %dma_start3A_569 = tpu.memref_slice %arg6[%dma_start3A_566, %dma_start3A_567, %dma_start3A_568] : memref<2x16x128xi32, #tpu.memory_space<vmem>> -> memref<1x1x128xi32, #tpu.memory_space<vmem>>
      %dma_start3A_570 = tpu.memref_squeeze %dma_start3A_569 : memref<1x1x128xi32, #tpu.memory_space<vmem>> -> memref<128xi32, #tpu.memory_space<vmem>>
      %dma_start3A_571 = arith.constant 0 : i32
      %dma_start3A_572 = arith.constant 0 : i32
      %dma_start3A_573 = tpu.memref_slice %arg2[%arg0, %dma_start3A_571, %dma_start3A_572] : memref<2x10000x128xf32, #tpu.memory_space<hbm>> -> memref<1x10000x128xf32, #tpu.memory_space<hbm>>
      %dma_start3A_574 = tpu.memref_squeeze %dma_start3A_573 : memref<1x10000x128xf32, #tpu.memory_space<hbm>> -> memref<10000x128xf32, #tpu.memory_space<hbm>>
      %dma_start3A_575 = arith.constant 0 : i32
      %dma_start3A_576 = arith.constant 0 : i32
      %dma_start3A_577 = tpu.memref_slice %dma_start3A_574[%dma_start3A_575, %dma_start3A_576] : memref<10000x128xf32, #tpu.memory_space<hbm>> -> memref<10000x128xf32, #tpu.memory_space<hbm>>
      tpu.enqueue_indirect_dma source(%dma_start3A_577 : memref<10000x128xf32, #tpu.memory_space<hbm>>) target(%arg9 : memref<128x128xf32, #tpu.memory_space<vmem>>) offsets(%dma_start3A_570 : memref<128xi32, #tpu.memory_space<vmem>>) semaphore(%arg14 : memref<!tpu.dma_semaphore, #tpu.memory_space<semaphore_mem>>)
      %dma_wait3A_578 = arith.constant 1 : i32
      %dma_wait3A_579 = arith.constant 2 : i32
      %dma_wait3A_580 = arith.constant 0 : i32
      %dma_wait3A_581 = tpu.memref_slice %arg6[%dma_wait3A_578, %dma_wait3A_579, %dma_wait3A_580] : memref<2x16x128xi32, #tpu.memory_space<vmem>> -> memref<1x1x128xi32, #tpu.memory_space<vmem>>
      %dma_wait3A_582 = tpu.memref_squeeze %dma_wait3A_581 : memref<1x1x128xi32, #tpu.memory_space<vmem>> -> memref<128xi32, #tpu.memory_space<vmem>>
      %dma_wait3A_583 = arith.constant 0 : i32
      %dma_wait3A_584 = arith.constant 0 : i32
      %dma_wait3A_585 = tpu.memref_slice %arg2[%arg0, %dma_wait3A_583, %dma_wait3A_584] : memref<2x10000x128xf32, #tpu.memory_space<hbm>> -> memref<1x10000x128xf32, #tpu.memory_space<hbm>>
      %dma_wait3A_586 = tpu.memref_squeeze %dma_wait3A_585 : memref<1x10000x128xf32, #tpu.memory_space<hbm>> -> memref<10000x128xf32, #tpu.memory_space<hbm>>
      %dma_wait3A_587 = arith.constant 0 : i32
      %dma_wait3A_588 = arith.constant 0 : i32
      %dma_wait3A_589 = tpu.memref_slice %dma_wait3A_586[%dma_wait3A_587, %dma_wait3A_588] : memref<10000x128xf32, #tpu.memory_space<hbm>> -> memref<10000x128xf32, #tpu.memory_space<hbm>>
      tpu.wait_indirect_dma semaphore(%arg13 : memref<!tpu.dma_semaphore, #tpu.memory_space<semaphore_mem>>) src(%dma_wait3A_589 : memref<10000x128xf32, #tpu.memory_space<hbm>>) dst(%arg8 : memref<128x128xf32, #tpu.memory_space<vmem>>)
      %run_scoped3A_590 = arith.constant 1 : i32
      %run_scoped3A_591 = arith.constant 2 : i32
      "tpu.region"() ({
        %run_scoped3A_927 = tpu.sem_alloc : memref<!tpu.dma_semaphore, #tpu.memory_space<semaphore_mem>>
        %dma_start3A_928 = arith.constant 0 : i32
        %dma_start3A_929 = tpu.memref_slice %arg7[%run_scoped3A_590, %run_scoped3A_591, %dma_start3A_928] : memref<2x16x128xi32, #tpu.memory_space<vmem>> -> memref<1x1x128xi32, #tpu.memory_space<vmem>>
        %dma_start3A_930 = tpu.memref_squeeze %dma_start3A_929 : memref<1x1x128xi32, #tpu.memory_space<vmem>> -> memref<128xi32, #tpu.memory_space<vmem>>
        %dma_start3A_931 = arith.constant 0 : i32
        %dma_start3A_932 = arith.constant 0 : i32
        %dma_start3A_933 = tpu.memref_slice %arg10[%dma_start3A_931, %dma_start3A_932] : memref<10008x128xf32, #tpu.memory_space<vmem_shared>> -> memref<10008x128xf32, #tpu.memory_space<vmem_shared>>
        tpu.enqueue_indirect_dma source(%arg8 : memref<128x128xf32, #tpu.memory_space<vmem>>) target(%dma_start3A_933 : memref<10008x128xf32, #tpu.memory_space<vmem_shared>>) offsets(%dma_start3A_930 : memref<128xi32, #tpu.memory_space<vmem>>) semaphore(%run_scoped3A_927 : memref<!tpu.dma_semaphore, #tpu.memory_space<semaphore_mem>>) {add = true}
        %dma_wait3A_934 = arith.constant 0 : i32
        %dma_wait3A_935 = tpu.memref_slice %arg7[%run_scoped3A_590, %run_scoped3A_591, %dma_wait3A_934] : memref<2x16x128xi32, #tpu.memory_space<vmem>> -> memref<1x1x128xi32, #tpu.memory_space<vmem>>
        %dma_wait3A_936 = tpu.memref_squeeze %dma_wait3A_935 : memref<1x1x128xi32, #tpu.memory_space<vmem>> -> memref<128xi32, #tpu.memory_space<vmem>>
        %dma_wait3A_937 = arith.constant 0 : i32
        %dma_wait3A_938 = arith.constant 0 : i32
        %dma_wait3A_939 = tpu.memref_slice %arg10[%dma_wait3A_937, %dma_wait3A_938] : memref<10008x128xf32, #tpu.memory_space<vmem_shared>> -> memref<10008x128xf32, #tpu.memory_space<vmem_shared>>
        tpu.wait_indirect_dma semaphore(%run_scoped3A_927 : memref<!tpu.dma_semaphore, #tpu.memory_space<semaphore_mem>>) src(%arg8 : memref<128x128xf32, #tpu.memory_space<vmem>>) dst(%dma_wait3A_939 : memref<10008x128xf32, #tpu.memory_space<vmem_shared>>)
        tpu.yield
      }) : () -> ()
      %dma_start3A_592 = arith.constant 1 : i32
      %dma_start3A_593 = arith.constant 4 : i32
      %dma_start3A_594 = arith.constant 0 : i32
      %dma_start3A_595 = tpu.memref_slice %arg6[%dma_start3A_592, %dma_start3A_593, %dma_start3A_594] : memref<2x16x128xi32, #tpu.memory_space<vmem>> -> memref<1x1x128xi32, #tpu.memory_space<vmem>>
      %dma_start3A_596 = tpu.memref_squeeze %dma_start3A_595 : memref<1x1x128xi32, #tpu.memory_space<vmem>> -> memref<128xi32, #tpu.memory_space<vmem>>
      %dma_start3A_597 = arith.constant 0 : i32
      %dma_start3A_598 = arith.constant 0 : i32
      %dma_start3A_599 = tpu.memref_slice %arg2[%arg0, %dma_start3A_597, %dma_start3A_598] : memref<2x10000x128xf32, #tpu.memory_space<hbm>> -> memref<1x10000x128xf32, #tpu.memory_space<hbm>>
      %dma_start3A_600 = tpu.memref_squeeze %dma_start3A_599 : memref<1x10000x128xf32, #tpu.memory_space<hbm>> -> memref<10000x128xf32, #tpu.memory_space<hbm>>
      %dma_start3A_601 = arith.constant 0 : i32
      %dma_start3A_602 = arith.constant 0 : i32
      %dma_start3A_603 = tpu.memref_slice %dma_start3A_600[%dma_start3A_601, %dma_start3A_602] : memref<10000x128xf32, #tpu.memory_space<hbm>> -> memref<10000x128xf32, #tpu.memory_space<hbm>>
      tpu.enqueue_indirect_dma source(%dma_start3A_603 : memref<10000x128xf32, #tpu.memory_space<hbm>>) target(%arg8 : memref<128x128xf32, #tpu.memory_space<vmem>>) offsets(%dma_start3A_596 : memref<128xi32, #tpu.memory_space<vmem>>) semaphore(%arg13 : memref<!tpu.dma_semaphore, #tpu.memory_space<semaphore_mem>>)
      %dma_wait3A_604 = arith.constant 1 : i32
      %dma_wait3A_605 = arith.constant 3 : i32
      %dma_wait3A_606 = arith.constant 0 : i32
      %dma_wait3A_607 = tpu.memref_slice %arg6[%dma_wait3A_604, %dma_wait3A_605, %dma_wait3A_606] : memref<2x16x128xi32, #tpu.memory_space<vmem>> -> memref<1x1x128xi32, #tpu.memory_space<vmem>>
      %dma_wait3A_608 = tpu.memref_squeeze %dma_wait3A_607 : memref<1x1x128xi32, #tpu.memory_space<vmem>> -> memref<128xi32, #tpu.memory_space<vmem>>
      %dma_wait3A_609 = arith.constant 0 : i32
      %dma_wait3A_610 = arith.constant 0 : i32
      %dma_wait3A_611 = tpu.memref_slice %arg2[%arg0, %dma_wait3A_609, %dma_wait3A_610] : memref<2x10000x128xf32, #tpu.memory_space<hbm>> -> memref<1x10000x128xf32, #tpu.memory_space<hbm>>
      %dma_wait3A_612 = tpu.memref_squeeze %dma_wait3A_611 : memref<1x10000x128xf32, #tpu.memory_space<hbm>> -> memref<10000x128xf32, #tpu.memory_space<hbm>>
      %dma_wait3A_613 = arith.constant 0 : i32
      %dma_wait3A_614 = arith.constant 0 : i32
      %dma_wait3A_615 = tpu.memref_slice %dma_wait3A_612[%dma_wait3A_613, %dma_wait3A_614] : memref<10000x128xf32, #tpu.memory_space<hbm>> -> memref<10000x128xf32, #tpu.memory_space<hbm>>
      tpu.wait_indirect_dma semaphore(%arg14 : memref<!tpu.dma_semaphore, #tpu.memory_space<semaphore_mem>>) src(%dma_wait3A_615 : memref<10000x128xf32, #tpu.memory_space<hbm>>) dst(%arg9 : memref<128x128xf32, #tpu.memory_space<vmem>>)
      %run_scoped3A_616 = arith.constant 1 : i32
      %run_scoped3A_617 = arith.constant 3 : i32
      "tpu.region"() ({
        %run_scoped3A_927 = tpu.sem_alloc : memref<!tpu.dma_semaphore, #tpu.memory_space<semaphore_mem>>
        %dma_start3A_928 = arith.constant 0 : i32
        %dma_start3A_929 = tpu.memref_slice %arg7[%run_scoped3A_616, %run_scoped3A_617, %dma_start3A_928] : memref<2x16x128xi32, #tpu.memory_space<vmem>> -> memref<1x1x128xi32, #tpu.memory_space<vmem>>
        %dma_start3A_930 = tpu.memref_squeeze %dma_start3A_929 : memref<1x1x128xi32, #tpu.memory_space<vmem>> -> memref<128xi32, #tpu.memory_space<vmem>>
        %dma_start3A_931 = arith.constant 0 : i32
        %dma_start3A_932 = arith.constant 0 : i32
        %dma_start3A_933 = tpu.memref_slice %arg10[%dma_start3A_931, %dma_start3A_932] : memref<10008x128xf32, #tpu.memory_space<vmem_shared>> -> memref<10008x128xf32, #tpu.memory_space<vmem_shared>>
        tpu.enqueue_indirect_dma source(%arg9 : memref<128x128xf32, #tpu.memory_space<vmem>>) target(%dma_start3A_933 : memref<10008x128xf32, #tpu.memory_space<vmem_shared>>) offsets(%dma_start3A_930 : memref<128xi32, #tpu.memory_space<vmem>>) semaphore(%run_scoped3A_927 : memref<!tpu.dma_semaphore, #tpu.memory_space<semaphore_mem>>) {add = true}
        %dma_wait3A_934 = arith.constant 0 : i32
        %dma_wait3A_935 = tpu.memref_slice %arg7[%run_scoped3A_616, %run_scoped3A_617, %dma_wait3A_934] : memref<2x16x128xi32, #tpu.memory_space<vmem>> -> memref<1x1x128xi32, #tpu.memory_space<vmem>>
        %dma_wait3A_936 = tpu.memref_squeeze %dma_wait3A_935 : memref<1x1x128xi32, #tpu.memory_space<vmem>> -> memref<128xi32, #tpu.memory_space<vmem>>
        %dma_wait3A_937 = arith.constant 0 : i32
        %dma_wait3A_938 = arith.constant 0 : i32
        %dma_wait3A_939 = tpu.memref_slice %arg10[%dma_wait3A_937, %dma_wait3A_938] : memref<10008x128xf32, #tpu.memory_space<vmem_shared>> -> memref<10008x128xf32, #tpu.memory_space<vmem_shared>>
        tpu.wait_indirect_dma semaphore(%run_scoped3A_927 : memref<!tpu.dma_semaphore, #tpu.memory_space<semaphore_mem>>) src(%arg9 : memref<128x128xf32, #tpu.memory_space<vmem>>) dst(%dma_wait3A_939 : memref<10008x128xf32, #tpu.memory_space<vmem_shared>>)
        tpu.yield
      }) : () -> ()
      %dma_start3A_618 = arith.constant 1 : i32
      %dma_start3A_619 = arith.constant 5 : i32
      %dma_start3A_620 = arith.constant 0 : i32
      %dma_start3A_621 = tpu.memref_slice %arg6[%dma_start3A_618, %dma_start3A_619, %dma_start3A_620] : memref<2x16x128xi32, #tpu.memory_space<vmem>> -> memref<1x1x128xi32, #tpu.memory_space<vmem>>
      %dma_start3A_622 = tpu.memref_squeeze %dma_start3A_621 : memref<1x1x128xi32, #tpu.memory_space<vmem>> -> memref<128xi32, #tpu.memory_space<vmem>>
      %dma_start3A_623 = arith.constant 0 : i32
      %dma_start3A_624 = arith.constant 0 : i32
      %dma_start3A_625 = tpu.memref_slice %arg2[%arg0, %dma_start3A_623, %dma_start3A_624] : memref<2x10000x128xf32, #tpu.memory_space<hbm>> -> memref<1x10000x128xf32, #tpu.memory_space<hbm>>
      %dma_start3A_626 = tpu.memref_squeeze %dma_start3A_625 : memref<1x10000x128xf32, #tpu.memory_space<hbm>> -> memref<10000x128xf32, #tpu.memory_space<hbm>>
      %dma_start3A_627 = arith.constant 0 : i32
      %dma_start3A_628 = arith.constant 0 : i32
      %dma_start3A_629 = tpu.memref_slice %dma_start3A_626[%dma_start3A_627, %dma_start3A_628] : memref<10000x128xf32, #tpu.memory_space<hbm>> -> memref<10000x128xf32, #tpu.memory_space<hbm>>
      tpu.enqueue_indirect_dma source(%dma_start3A_629 : memref<10000x128xf32, #tpu.memory_space<hbm>>) target(%arg9 : memref<128x128xf32, #tpu.memory_space<vmem>>) offsets(%dma_start3A_622 : memref<128xi32, #tpu.memory_space<vmem>>) semaphore(%arg14 : memref<!tpu.dma_semaphore, #tpu.memory_space<semaphore_mem>>)
      %dma_wait3A_630 = arith.constant 1 : i32
      %dma_wait3A_631 = arith.constant 4 : i32
      %dma_wait3A_632 = arith.constant 0 : i32
      %dma_wait3A_633 = tpu.memref_slice %arg6[%dma_wait3A_630, %dma_wait3A_631, %dma_wait3A_632] : memref<2x16x128xi32, #tpu.memory_space<vmem>> -> memref<1x1x128xi32, #tpu.memory_space<vmem>>
      %dma_wait3A_634 = tpu.memref_squeeze %dma_wait3A_633 : memref<1x1x128xi32, #tpu.memory_space<vmem>> -> memref<128xi32, #tpu.memory_space<vmem>>
      %dma_wait3A_635 = arith.constant 0 : i32
      %dma_wait3A_636 = arith.constant 0 : i32
      %dma_wait3A_637 = tpu.memref_slice %arg2[%arg0, %dma_wait3A_635, %dma_wait3A_636] : memref<2x10000x128xf32, #tpu.memory_space<hbm>> -> memref<1x10000x128xf32, #tpu.memory_space<hbm>>
      %dma_wait3A_638 = tpu.memref_squeeze %dma_wait3A_637 : memref<1x10000x128xf32, #tpu.memory_space<hbm>> -> memref<10000x128xf32, #tpu.memory_space<hbm>>
      %dma_wait3A_639 = arith.constant 0 : i32
      %dma_wait3A_640 = arith.constant 0 : i32
      %dma_wait3A_641 = tpu.memref_slice %dma_wait3A_638[%dma_wait3A_639, %dma_wait3A_640] : memref<10000x128xf32, #tpu.memory_space<hbm>> -> memref<10000x128xf32, #tpu.memory_space<hbm>>
      tpu.wait_indirect_dma semaphore(%arg13 : memref<!tpu.dma_semaphore, #tpu.memory_space<semaphore_mem>>) src(%dma_wait3A_641 : memref<10000x128xf32, #tpu.memory_space<hbm>>) dst(%arg8 : memref<128x128xf32, #tpu.memory_space<vmem>>)
      %run_scoped3A_642 = arith.constant 1 : i32
      %run_scoped3A_643 = arith.constant 4 : i32
      "tpu.region"() ({
        %run_scoped3A_927 = tpu.sem_alloc : memref<!tpu.dma_semaphore, #tpu.memory_space<semaphore_mem>>
        %dma_start3A_928 = arith.constant 0 : i32
        %dma_start3A_929 = tpu.memref_slice %arg7[%run_scoped3A_642, %run_scoped3A_643, %dma_start3A_928] : memref<2x16x128xi32, #tpu.memory_space<vmem>> -> memref<1x1x128xi32, #tpu.memory_space<vmem>>
        %dma_start3A_930 = tpu.memref_squeeze %dma_start3A_929 : memref<1x1x128xi32, #tpu.memory_space<vmem>> -> memref<128xi32, #tpu.memory_space<vmem>>
        %dma_start3A_931 = arith.constant 0 : i32
        %dma_start3A_932 = arith.constant 0 : i32
        %dma_start3A_933 = tpu.memref_slice %arg10[%dma_start3A_931, %dma_start3A_932] : memref<10008x128xf32, #tpu.memory_space<vmem_shared>> -> memref<10008x128xf32, #tpu.memory_space<vmem_shared>>
        tpu.enqueue_indirect_dma source(%arg8 : memref<128x128xf32, #tpu.memory_space<vmem>>) target(%dma_start3A_933 : memref<10008x128xf32, #tpu.memory_space<vmem_shared>>) offsets(%dma_start3A_930 : memref<128xi32, #tpu.memory_space<vmem>>) semaphore(%run_scoped3A_927 : memref<!tpu.dma_semaphore, #tpu.memory_space<semaphore_mem>>) {add = true}
        %dma_wait3A_934 = arith.constant 0 : i32
        %dma_wait3A_935 = tpu.memref_slice %arg7[%run_scoped3A_642, %run_scoped3A_643, %dma_wait3A_934] : memref<2x16x128xi32, #tpu.memory_space<vmem>> -> memref<1x1x128xi32, #tpu.memory_space<vmem>>
        %dma_wait3A_936 = tpu.memref_squeeze %dma_wait3A_935 : memref<1x1x128xi32, #tpu.memory_space<vmem>> -> memref<128xi32, #tpu.memory_space<vmem>>
        %dma_wait3A_937 = arith.constant 0 : i32
        %dma_wait3A_938 = arith.constant 0 : i32
        %dma_wait3A_939 = tpu.memref_slice %arg10[%dma_wait3A_937, %dma_wait3A_938] : memref<10008x128xf32, #tpu.memory_space<vmem_shared>> -> memref<10008x128xf32, #tpu.memory_space<vmem_shared>>
        tpu.wait_indirect_dma semaphore(%run_scoped3A_927 : memref<!tpu.dma_semaphore, #tpu.memory_space<semaphore_mem>>) src(%arg8 : memref<128x128xf32, #tpu.memory_space<vmem>>) dst(%dma_wait3A_939 : memref<10008x128xf32, #tpu.memory_space<vmem_shared>>)
        tpu.yield
      }) : () -> ()
      %dma_start3A_644 = arith.constant 1 : i32
      %dma_start3A_645 = arith.constant 6 : i32
      %dma_start3A_646 = arith.constant 0 : i32
      %dma_start3A_647 = tpu.memref_slice %arg6[%dma_start3A_644, %dma_start3A_645, %dma_start3A_646] : memref<2x16x128xi32, #tpu.memory_space<vmem>> -> memref<1x1x128xi32, #tpu.memory_space<vmem>>
      %dma_start3A_648 = tpu.memref_squeeze %dma_start3A_647 : memref<1x1x128xi32, #tpu.memory_space<vmem>> -> memref<128xi32, #tpu.memory_space<vmem>>
      %dma_start3A_649 = arith.constant 0 : i32
      %dma_start3A_650 = arith.constant 0 : i32
      %dma_start3A_651 = tpu.memref_slice %arg2[%arg0, %dma_start3A_649, %dma_start3A_650] : memref<2x10000x128xf32, #tpu.memory_space<hbm>> -> memref<1x10000x128xf32, #tpu.memory_space<hbm>>
      %dma_start3A_652 = tpu.memref_squeeze %dma_start3A_651 : memref<1x10000x128xf32, #tpu.memory_space<hbm>> -> memref<10000x128xf32, #tpu.memory_space<hbm>>
      %dma_start3A_653 = arith.constant 0 : i32
      %dma_start3A_654 = arith.constant 0 : i32
      %dma_start3A_655 = tpu.memref_slice %dma_start3A_652[%dma_start3A_653, %dma_start3A_654] : memref<10000x128xf32, #tpu.memory_space<hbm>> -> memref<10000x128xf32, #tpu.memory_space<hbm>>
      tpu.enqueue_indirect_dma source(%dma_start3A_655 : memref<10000x128xf32, #tpu.memory_space<hbm>>) target(%arg8 : memref<128x128xf32, #tpu.memory_space<vmem>>) offsets(%dma_start3A_648 : memref<128xi32, #tpu.memory_space<vmem>>) semaphore(%arg13 : memref<!tpu.dma_semaphore, #tpu.memory_space<semaphore_mem>>)
      %dma_wait3A_656 = arith.constant 1 : i32
      %dma_wait3A_657 = arith.constant 5 : i32
      %dma_wait3A_658 = arith.constant 0 : i32
      %dma_wait3A_659 = tpu.memref_slice %arg6[%dma_wait3A_656, %dma_wait3A_657, %dma_wait3A_658] : memref<2x16x128xi32, #tpu.memory_space<vmem>> -> memref<1x1x128xi32, #tpu.memory_space<vmem>>
      %dma_wait3A_660 = tpu.memref_squeeze %dma_wait3A_659 : memref<1x1x128xi32, #tpu.memory_space<vmem>> -> memref<128xi32, #tpu.memory_space<vmem>>
      %dma_wait3A_661 = arith.constant 0 : i32
      %dma_wait3A_662 = arith.constant 0 : i32
      %dma_wait3A_663 = tpu.memref_slice %arg2[%arg0, %dma_wait3A_661, %dma_wait3A_662] : memref<2x10000x128xf32, #tpu.memory_space<hbm>> -> memref<1x10000x128xf32, #tpu.memory_space<hbm>>
      %dma_wait3A_664 = tpu.memref_squeeze %dma_wait3A_663 : memref<1x10000x128xf32, #tpu.memory_space<hbm>> -> memref<10000x128xf32, #tpu.memory_space<hbm>>
      %dma_wait3A_665 = arith.constant 0 : i32
      %dma_wait3A_666 = arith.constant 0 : i32
      %dma_wait3A_667 = tpu.memref_slice %dma_wait3A_664[%dma_wait3A_665, %dma_wait3A_666] : memref<10000x128xf32, #tpu.memory_space<hbm>> -> memref<10000x128xf32, #tpu.memory_space<hbm>>
      tpu.wait_indirect_dma semaphore(%arg14 : memref<!tpu.dma_semaphore, #tpu.memory_space<semaphore_mem>>) src(%dma_wait3A_667 : memref<10000x128xf32, #tpu.memory_space<hbm>>) dst(%arg9 : memref<128x128xf32, #tpu.memory_space<vmem>>)
      %run_scoped3A_668 = arith.constant 1 : i32
      %run_scoped3A_669 = arith.constant 5 : i32
      "tpu.region"() ({
        %run_scoped3A_927 = tpu.sem_alloc : memref<!tpu.dma_semaphore, #tpu.memory_space<semaphore_mem>>
        %dma_start3A_928 = arith.constant 0 : i32
        %dma_start3A_929 = tpu.memref_slice %arg7[%run_scoped3A_668, %run_scoped3A_669, %dma_start3A_928] : memref<2x16x128xi32, #tpu.memory_space<vmem>> -> memref<1x1x128xi32, #tpu.memory_space<vmem>>
        %dma_start3A_930 = tpu.memref_squeeze %dma_start3A_929 : memref<1x1x128xi32, #tpu.memory_space<vmem>> -> memref<128xi32, #tpu.memory_space<vmem>>
        %dma_start3A_931 = arith.constant 0 : i32
        %dma_start3A_932 = arith.constant 0 : i32
        %dma_start3A_933 = tpu.memref_slice %arg10[%dma_start3A_931, %dma_start3A_932] : memref<10008x128xf32, #tpu.memory_space<vmem_shared>> -> memref<10008x128xf32, #tpu.memory_space<vmem_shared>>
        tpu.enqueue_indirect_dma source(%arg9 : memref<128x128xf32, #tpu.memory_space<vmem>>) target(%dma_start3A_933 : memref<10008x128xf32, #tpu.memory_space<vmem_shared>>) offsets(%dma_start3A_930 : memref<128xi32, #tpu.memory_space<vmem>>) semaphore(%run_scoped3A_927 : memref<!tpu.dma_semaphore, #tpu.memory_space<semaphore_mem>>) {add = true}
        %dma_wait3A_934 = arith.constant 0 : i32
        %dma_wait3A_935 = tpu.memref_slice %arg7[%run_scoped3A_668, %run_scoped3A_669, %dma_wait3A_934] : memref<2x16x128xi32, #tpu.memory_space<vmem>> -> memref<1x1x128xi32, #tpu.memory_space<vmem>>
        %dma_wait3A_936 = tpu.memref_squeeze %dma_wait3A_935 : memref<1x1x128xi32, #tpu.memory_space<vmem>> -> memref<128xi32, #tpu.memory_space<vmem>>
        %dma_wait3A_937 = arith.constant 0 : i32
        %dma_wait3A_938 = arith.constant 0 : i32
        %dma_wait3A_939 = tpu.memref_slice %arg10[%dma_wait3A_937, %dma_wait3A_938] : memref<10008x128xf32, #tpu.memory_space<vmem_shared>> -> memref<10008x128xf32, #tpu.memory_space<vmem_shared>>
        tpu.wait_indirect_dma semaphore(%run_scoped3A_927 : memref<!tpu.dma_semaphore, #tpu.memory_space<semaphore_mem>>) src(%arg9 : memref<128x128xf32, #tpu.memory_space<vmem>>) dst(%dma_wait3A_939 : memref<10008x128xf32, #tpu.memory_space<vmem_shared>>)
        tpu.yield
      }) : () -> ()
      %dma_start3A_670 = arith.constant 1 : i32
      %dma_start3A_671 = arith.constant 7 : i32
      %dma_start3A_672 = arith.constant 0 : i32
      %dma_start3A_673 = tpu.memref_slice %arg6[%dma_start3A_670, %dma_start3A_671, %dma_start3A_672] : memref<2x16x128xi32, #tpu.memory_space<vmem>> -> memref<1x1x128xi32, #tpu.memory_space<vmem>>
      %dma_start3A_674 = tpu.memref_squeeze %dma_start3A_673 : memref<1x1x128xi32, #tpu.memory_space<vmem>> -> memref<128xi32, #tpu.memory_space<vmem>>
      %dma_start3A_675 = arith.constant 0 : i32
      %dma_start3A_676 = arith.constant 0 : i32
      %dma_start3A_677 = tpu.memref_slice %arg2[%arg0, %dma_start3A_675, %dma_start3A_676] : memref<2x10000x128xf32, #tpu.memory_space<hbm>> -> memref<1x10000x128xf32, #tpu.memory_space<hbm>>
      %dma_start3A_678 = tpu.memref_squeeze %dma_start3A_677 : memref<1x10000x128xf32, #tpu.memory_space<hbm>> -> memref<10000x128xf32, #tpu.memory_space<hbm>>
      %dma_start3A_679 = arith.constant 0 : i32
      %dma_start3A_680 = arith.constant 0 : i32
      %dma_start3A_681 = tpu.memref_slice %dma_start3A_678[%dma_start3A_679, %dma_start3A_680] : memref<10000x128xf32, #tpu.memory_space<hbm>> -> memref<10000x128xf32, #tpu.memory_space<hbm>>
      tpu.enqueue_indirect_dma source(%dma_start3A_681 : memref<10000x128xf32, #tpu.memory_space<hbm>>) target(%arg9 : memref<128x128xf32, #tpu.memory_space<vmem>>) offsets(%dma_start3A_674 : memref<128xi32, #tpu.memory_space<vmem>>) semaphore(%arg14 : memref<!tpu.dma_semaphore, #tpu.memory_space<semaphore_mem>>)
      %dma_wait3A_682 = arith.constant 1 : i32
      %dma_wait3A_683 = arith.constant 6 : i32
      %dma_wait3A_684 = arith.constant 0 : i32
      %dma_wait3A_685 = tpu.memref_slice %arg6[%dma_wait3A_682, %dma_wait3A_683, %dma_wait3A_684] : memref<2x16x128xi32, #tpu.memory_space<vmem>> -> memref<1x1x128xi32, #tpu.memory_space<vmem>>
      %dma_wait3A_686 = tpu.memref_squeeze %dma_wait3A_685 : memref<1x1x128xi32, #tpu.memory_space<vmem>> -> memref<128xi32, #tpu.memory_space<vmem>>
      %dma_wait3A_687 = arith.constant 0 : i32
      %dma_wait3A_688 = arith.constant 0 : i32
      %dma_wait3A_689 = tpu.memref_slice %arg2[%arg0, %dma_wait3A_687, %dma_wait3A_688] : memref<2x10000x128xf32, #tpu.memory_space<hbm>> -> memref<1x10000x128xf32, #tpu.memory_space<hbm>>
      %dma_wait3A_690 = tpu.memref_squeeze %dma_wait3A_689 : memref<1x10000x128xf32, #tpu.memory_space<hbm>> -> memref<10000x128xf32, #tpu.memory_space<hbm>>
      %dma_wait3A_691 = arith.constant 0 : i32
      %dma_wait3A_692 = arith.constant 0 : i32
      %dma_wait3A_693 = tpu.memref_slice %dma_wait3A_690[%dma_wait3A_691, %dma_wait3A_692] : memref<10000x128xf32, #tpu.memory_space<hbm>> -> memref<10000x128xf32, #tpu.memory_space<hbm>>
      tpu.wait_indirect_dma semaphore(%arg13 : memref<!tpu.dma_semaphore, #tpu.memory_space<semaphore_mem>>) src(%dma_wait3A_693 : memref<10000x128xf32, #tpu.memory_space<hbm>>) dst(%arg8 : memref<128x128xf32, #tpu.memory_space<vmem>>)
      %run_scoped3A_694 = arith.constant 1 : i32
      %run_scoped3A_695 = arith.constant 6 : i32
      "tpu.region"() ({
        %run_scoped3A_927 = tpu.sem_alloc : memref<!tpu.dma_semaphore, #tpu.memory_space<semaphore_mem>>
        %dma_start3A_928 = arith.constant 0 : i32
        %dma_start3A_929 = tpu.memref_slice %arg7[%run_scoped3A_694, %run_scoped3A_695, %dma_start3A_928] : memref<2x16x128xi32, #tpu.memory_space<vmem>> -> memref<1x1x128xi32, #tpu.memory_space<vmem>>
        %dma_start3A_930 = tpu.memref_squeeze %dma_start3A_929 : memref<1x1x128xi32, #tpu.memory_space<vmem>> -> memref<128xi32, #tpu.memory_space<vmem>>
        %dma_start3A_931 = arith.constant 0 : i32
        %dma_start3A_932 = arith.constant 0 : i32
        %dma_start3A_933 = tpu.memref_slice %arg10[%dma_start3A_931, %dma_start3A_932] : memref<10008x128xf32, #tpu.memory_space<vmem_shared>> -> memref<10008x128xf32, #tpu.memory_space<vmem_shared>>
        tpu.enqueue_indirect_dma source(%arg8 : memref<128x128xf32, #tpu.memory_space<vmem>>) target(%dma_start3A_933 : memref<10008x128xf32, #tpu.memory_space<vmem_shared>>) offsets(%dma_start3A_930 : memref<128xi32, #tpu.memory_space<vmem>>) semaphore(%run_scoped3A_927 : memref<!tpu.dma_semaphore, #tpu.memory_space<semaphore_mem>>) {add = true}
        %dma_wait3A_934 = arith.constant 0 : i32
        %dma_wait3A_935 = tpu.memref_slice %arg7[%run_scoped3A_694, %run_scoped3A_695, %dma_wait3A_934] : memref<2x16x128xi32, #tpu.memory_space<vmem>> -> memref<1x1x128xi32, #tpu.memory_space<vmem>>
        %dma_wait3A_936 = tpu.memref_squeeze %dma_wait3A_935 : memref<1x1x128xi32, #tpu.memory_space<vmem>> -> memref<128xi32, #tpu.memory_space<vmem>>
        %dma_wait3A_937 = arith.constant 0 : i32
        %dma_wait3A_938 = arith.constant 0 : i32
        %dma_wait3A_939 = tpu.memref_slice %arg10[%dma_wait3A_937, %dma_wait3A_938] : memref<10008x128xf32, #tpu.memory_space<vmem_shared>> -> memref<10008x128xf32, #tpu.memory_space<vmem_shared>>
        tpu.wait_indirect_dma semaphore(%run_scoped3A_927 : memref<!tpu.dma_semaphore, #tpu.memory_space<semaphore_mem>>) src(%arg8 : memref<128x128xf32, #tpu.memory_space<vmem>>) dst(%dma_wait3A_939 : memref<10008x128xf32, #tpu.memory_space<vmem_shared>>)
        tpu.yield
      }) : () -> ()
      %dma_start3A_696 = arith.constant 1 : i32
      %dma_start3A_697 = arith.constant 8 : i32
      %dma_start3A_698 = arith.constant 0 : i32
      %dma_start3A_699 = tpu.memref_slice %arg6[%dma_start3A_696, %dma_start3A_697, %dma_start3A_698] : memref<2x16x128xi32, #tpu.memory_space<vmem>> -> memref<1x1x128xi32, #tpu.memory_space<vmem>>
      %dma_start3A_700 = tpu.memref_squeeze %dma_start3A_699 : memref<1x1x128xi32, #tpu.memory_space<vmem>> -> memref<128xi32, #tpu.memory_space<vmem>>
      %dma_start3A_701 = arith.constant 0 : i32
      %dma_start3A_702 = arith.constant 0 : i32
      %dma_start3A_703 = tpu.memref_slice %arg2[%arg0, %dma_start3A_701, %dma_start3A_702] : memref<2x10000x128xf32, #tpu.memory_space<hbm>> -> memref<1x10000x128xf32, #tpu.memory_space<hbm>>
      %dma_start3A_704 = tpu.memref_squeeze %dma_start3A_703 : memref<1x10000x128xf32, #tpu.memory_space<hbm>> -> memref<10000x128xf32, #tpu.memory_space<hbm>>
      %dma_start3A_705 = arith.constant 0 : i32
      %dma_start3A_706 = arith.constant 0 : i32
      %dma_start3A_707 = tpu.memref_slice %dma_start3A_704[%dma_start3A_705, %dma_start3A_706] : memref<10000x128xf32, #tpu.memory_space<hbm>> -> memref<10000x128xf32, #tpu.memory_space<hbm>>
      tpu.enqueue_indirect_dma source(%dma_start3A_707 : memref<10000x128xf32, #tpu.memory_space<hbm>>) target(%arg8 : memref<128x128xf32, #tpu.memory_space<vmem>>) offsets(%dma_start3A_700 : memref<128xi32, #tpu.memory_space<vmem>>) semaphore(%arg13 : memref<!tpu.dma_semaphore, #tpu.memory_space<semaphore_mem>>)
      %dma_wait3A_708 = arith.constant 1 : i32
      %dma_wait3A_709 = arith.constant 7 : i32
      %dma_wait3A_710 = arith.constant 0 : i32
      %dma_wait3A_711 = tpu.memref_slice %arg6[%dma_wait3A_708, %dma_wait3A_709, %dma_wait3A_710] : memref<2x16x128xi32, #tpu.memory_space<vmem>> -> memref<1x1x128xi32, #tpu.memory_space<vmem>>
      %dma_wait3A_712 = tpu.memref_squeeze %dma_wait3A_711 : memref<1x1x128xi32, #tpu.memory_space<vmem>> -> memref<128xi32, #tpu.memory_space<vmem>>
      %dma_wait3A_713 = arith.constant 0 : i32
      %dma_wait3A_714 = arith.constant 0 : i32
      %dma_wait3A_715 = tpu.memref_slice %arg2[%arg0, %dma_wait3A_713, %dma_wait3A_714] : memref<2x10000x128xf32, #tpu.memory_space<hbm>> -> memref<1x10000x128xf32, #tpu.memory_space<hbm>>
      %dma_wait3A_716 = tpu.memref_squeeze %dma_wait3A_715 : memref<1x10000x128xf32, #tpu.memory_space<hbm>> -> memref<10000x128xf32, #tpu.memory_space<hbm>>
      %dma_wait3A_717 = arith.constant 0 : i32
      %dma_wait3A_718 = arith.constant 0 : i32
      %dma_wait3A_719 = tpu.memref_slice %dma_wait3A_716[%dma_wait3A_717, %dma_wait3A_718] : memref<10000x128xf32, #tpu.memory_space<hbm>> -> memref<10000x128xf32, #tpu.memory_space<hbm>>
      tpu.wait_indirect_dma semaphore(%arg14 : memref<!tpu.dma_semaphore, #tpu.memory_space<semaphore_mem>>) src(%dma_wait3A_719 : memref<10000x128xf32, #tpu.memory_space<hbm>>) dst(%arg9 : memref<128x128xf32, #tpu.memory_space<vmem>>)
      %run_scoped3A_720 = arith.constant 1 : i32
      %run_scoped3A_721 = arith.constant 7 : i32
      "tpu.region"() ({
        %run_scoped3A_927 = tpu.sem_alloc : memref<!tpu.dma_semaphore, #tpu.memory_space<semaphore_mem>>
        %dma_start3A_928 = arith.constant 0 : i32
        %dma_start3A_929 = tpu.memref_slice %arg7[%run_scoped3A_720, %run_scoped3A_721, %dma_start3A_928] : memref<2x16x128xi32, #tpu.memory_space<vmem>> -> memref<1x1x128xi32, #tpu.memory_space<vmem>>
        %dma_start3A_930 = tpu.memref_squeeze %dma_start3A_929 : memref<1x1x128xi32, #tpu.memory_space<vmem>> -> memref<128xi32, #tpu.memory_space<vmem>>
        %dma_start3A_931 = arith.constant 0 : i32
        %dma_start3A_932 = arith.constant 0 : i32
        %dma_start3A_933 = tpu.memref_slice %arg10[%dma_start3A_931, %dma_start3A_932] : memref<10008x128xf32, #tpu.memory_space<vmem_shared>> -> memref<10008x128xf32, #tpu.memory_space<vmem_shared>>
        tpu.enqueue_indirect_dma source(%arg9 : memref<128x128xf32, #tpu.memory_space<vmem>>) target(%dma_start3A_933 : memref<10008x128xf32, #tpu.memory_space<vmem_shared>>) offsets(%dma_start3A_930 : memref<128xi32, #tpu.memory_space<vmem>>) semaphore(%run_scoped3A_927 : memref<!tpu.dma_semaphore, #tpu.memory_space<semaphore_mem>>) {add = true}
        %dma_wait3A_934 = arith.constant 0 : i32
        %dma_wait3A_935 = tpu.memref_slice %arg7[%run_scoped3A_720, %run_scoped3A_721, %dma_wait3A_934] : memref<2x16x128xi32, #tpu.memory_space<vmem>> -> memref<1x1x128xi32, #tpu.memory_space<vmem>>
        %dma_wait3A_936 = tpu.memref_squeeze %dma_wait3A_935 : memref<1x1x128xi32, #tpu.memory_space<vmem>> -> memref<128xi32, #tpu.memory_space<vmem>>
        %dma_wait3A_937 = arith.constant 0 : i32
        %dma_wait3A_938 = arith.constant 0 : i32
        %dma_wait3A_939 = tpu.memref_slice %arg10[%dma_wait3A_937, %dma_wait3A_938] : memref<10008x128xf32, #tpu.memory_space<vmem_shared>> -> memref<10008x128xf32, #tpu.memory_space<vmem_shared>>
        tpu.wait_indirect_dma semaphore(%run_scoped3A_927 : memref<!tpu.dma_semaphore, #tpu.memory_space<semaphore_mem>>) src(%arg9 : memref<128x128xf32, #tpu.memory_space<vmem>>) dst(%dma_wait3A_939 : memref<10008x128xf32, #tpu.memory_space<vmem_shared>>)
        tpu.yield
      }) : () -> ()
      %dma_start3A_722 = arith.constant 1 : i32
      %dma_start3A_723 = arith.constant 9 : i32
      %dma_start3A_724 = arith.constant 0 : i32
      %dma_start3A_725 = tpu.memref_slice %arg6[%dma_start3A_722, %dma_start3A_723, %dma_start3A_724] : memref<2x16x128xi32, #tpu.memory_space<vmem>> -> memref<1x1x128xi32, #tpu.memory_space<vmem>>
      %dma_start3A_726 = tpu.memref_squeeze %dma_start3A_725 : memref<1x1x128xi32, #tpu.memory_space<vmem>> -> memref<128xi32, #tpu.memory_space<vmem>>
      %dma_start3A_727 = arith.constant 0 : i32
      %dma_start3A_728 = arith.constant 0 : i32
      %dma_start3A_729 = tpu.memref_slice %arg2[%arg0, %dma_start3A_727, %dma_start3A_728] : memref<2x10000x128xf32, #tpu.memory_space<hbm>> -> memref<1x10000x128xf32, #tpu.memory_space<hbm>>
      %dma_start3A_730 = tpu.memref_squeeze %dma_start3A_729 : memref<1x10000x128xf32, #tpu.memory_space<hbm>> -> memref<10000x128xf32, #tpu.memory_space<hbm>>
      %dma_start3A_731 = arith.constant 0 : i32
      %dma_start3A_732 = arith.constant 0 : i32
      %dma_start3A_733 = tpu.memref_slice %dma_start3A_730[%dma_start3A_731, %dma_start3A_732] : memref<10000x128xf32, #tpu.memory_space<hbm>> -> memref<10000x128xf32, #tpu.memory_space<hbm>>
      tpu.enqueue_indirect_dma source(%dma_start3A_733 : memref<10000x128xf32, #tpu.memory_space<hbm>>) target(%arg9 : memref<128x128xf32, #tpu.memory_space<vmem>>) offsets(%dma_start3A_726 : memref<128xi32, #tpu.memory_space<vmem>>) semaphore(%arg14 : memref<!tpu.dma_semaphore, #tpu.memory_space<semaphore_mem>>)
      %dma_wait3A_734 = arith.constant 1 : i32
      %dma_wait3A_735 = arith.constant 8 : i32
      %dma_wait3A_736 = arith.constant 0 : i32
      %dma_wait3A_737 = tpu.memref_slice %arg6[%dma_wait3A_734, %dma_wait3A_735, %dma_wait3A_736] : memref<2x16x128xi32, #tpu.memory_space<vmem>> -> memref<1x1x128xi32, #tpu.memory_space<vmem>>
      %dma_wait3A_738 = tpu.memref_squeeze %dma_wait3A_737 : memref<1x1x128xi32, #tpu.memory_space<vmem>> -> memref<128xi32, #tpu.memory_space<vmem>>
      %dma_wait3A_739 = arith.constant 0 : i32
      %dma_wait3A_740 = arith.constant 0 : i32
      %dma_wait3A_741 = tpu.memref_slice %arg2[%arg0, %dma_wait3A_739, %dma_wait3A_740] : memref<2x10000x128xf32, #tpu.memory_space<hbm>> -> memref<1x10000x128xf32, #tpu.memory_space<hbm>>
      %dma_wait3A_742 = tpu.memref_squeeze %dma_wait3A_741 : memref<1x10000x128xf32, #tpu.memory_space<hbm>> -> memref<10000x128xf32, #tpu.memory_space<hbm>>
      %dma_wait3A_743 = arith.constant 0 : i32
      %dma_wait3A_744 = arith.constant 0 : i32
      %dma_wait3A_745 = tpu.memref_slice %dma_wait3A_742[%dma_wait3A_743, %dma_wait3A_744] : memref<10000x128xf32, #tpu.memory_space<hbm>> -> memref<10000x128xf32, #tpu.memory_space<hbm>>
      tpu.wait_indirect_dma semaphore(%arg13 : memref<!tpu.dma_semaphore, #tpu.memory_space<semaphore_mem>>) src(%dma_wait3A_745 : memref<10000x128xf32, #tpu.memory_space<hbm>>) dst(%arg8 : memref<128x128xf32, #tpu.memory_space<vmem>>)
      %run_scoped3A_746 = arith.constant 1 : i32
      %run_scoped3A_747 = arith.constant 8 : i32
      "tpu.region"() ({
        %run_scoped3A_927 = tpu.sem_alloc : memref<!tpu.dma_semaphore, #tpu.memory_space<semaphore_mem>>
        %dma_start3A_928 = arith.constant 0 : i32
        %dma_start3A_929 = tpu.memref_slice %arg7[%run_scoped3A_746, %run_scoped3A_747, %dma_start3A_928] : memref<2x16x128xi32, #tpu.memory_space<vmem>> -> memref<1x1x128xi32, #tpu.memory_space<vmem>>
        %dma_start3A_930 = tpu.memref_squeeze %dma_start3A_929 : memref<1x1x128xi32, #tpu.memory_space<vmem>> -> memref<128xi32, #tpu.memory_space<vmem>>
        %dma_start3A_931 = arith.constant 0 : i32
        %dma_start3A_932 = arith.constant 0 : i32
        %dma_start3A_933 = tpu.memref_slice %arg10[%dma_start3A_931, %dma_start3A_932] : memref<10008x128xf32, #tpu.memory_space<vmem_shared>> -> memref<10008x128xf32, #tpu.memory_space<vmem_shared>>
        tpu.enqueue_indirect_dma source(%arg8 : memref<128x128xf32, #tpu.memory_space<vmem>>) target(%dma_start3A_933 : memref<10008x128xf32, #tpu.memory_space<vmem_shared>>) offsets(%dma_start3A_930 : memref<128xi32, #tpu.memory_space<vmem>>) semaphore(%run_scoped3A_927 : memref<!tpu.dma_semaphore, #tpu.memory_space<semaphore_mem>>) {add = true}
        %dma_wait3A_934 = arith.constant 0 : i32
        %dma_wait3A_935 = tpu.memref_slice %arg7[%run_scoped3A_746, %run_scoped3A_747, %dma_wait3A_934] : memref<2x16x128xi32, #tpu.memory_space<vmem>> -> memref<1x1x128xi32, #tpu.memory_space<vmem>>
        %dma_wait3A_936 = tpu.memref_squeeze %dma_wait3A_935 : memref<1x1x128xi32, #tpu.memory_space<vmem>> -> memref<128xi32, #tpu.memory_space<vmem>>
        %dma_wait3A_937 = arith.constant 0 : i32
        %dma_wait3A_938 = arith.constant 0 : i32
        %dma_wait3A_939 = tpu.memref_slice %arg10[%dma_wait3A_937, %dma_wait3A_938] : memref<10008x128xf32, #tpu.memory_space<vmem_shared>> -> memref<10008x128xf32, #tpu.memory_space<vmem_shared>>
        tpu.wait_indirect_dma semaphore(%run_scoped3A_927 : memref<!tpu.dma_semaphore, #tpu.memory_space<semaphore_mem>>) src(%arg8 : memref<128x128xf32, #tpu.memory_space<vmem>>) dst(%dma_wait3A_939 : memref<10008x128xf32, #tpu.memory_space<vmem_shared>>)
        tpu.yield
      }) : () -> ()
      %dma_start3A_748 = arith.constant 1 : i32
      %dma_start3A_749 = arith.constant 10 : i32
      %dma_start3A_750 = arith.constant 0 : i32
      %dma_start3A_751 = tpu.memref_slice %arg6[%dma_start3A_748, %dma_start3A_749, %dma_start3A_750] : memref<2x16x128xi32, #tpu.memory_space<vmem>> -> memref<1x1x128xi32, #tpu.memory_space<vmem>>
      %dma_start3A_752 = tpu.memref_squeeze %dma_start3A_751 : memref<1x1x128xi32, #tpu.memory_space<vmem>> -> memref<128xi32, #tpu.memory_space<vmem>>
      %dma_start3A_753 = arith.constant 0 : i32
      %dma_start3A_754 = arith.constant 0 : i32
      %dma_start3A_755 = tpu.memref_slice %arg2[%arg0, %dma_start3A_753, %dma_start3A_754] : memref<2x10000x128xf32, #tpu.memory_space<hbm>> -> memref<1x10000x128xf32, #tpu.memory_space<hbm>>
      %dma_start3A_756 = tpu.memref_squeeze %dma_start3A_755 : memref<1x10000x128xf32, #tpu.memory_space<hbm>> -> memref<10000x128xf32, #tpu.memory_space<hbm>>
      %dma_start3A_757 = arith.constant 0 : i32
      %dma_start3A_758 = arith.constant 0 : i32
      %dma_start3A_759 = tpu.memref_slice %dma_start3A_756[%dma_start3A_757, %dma_start3A_758] : memref<10000x128xf32, #tpu.memory_space<hbm>> -> memref<10000x128xf32, #tpu.memory_space<hbm>>
      tpu.enqueue_indirect_dma source(%dma_start3A_759 : memref<10000x128xf32, #tpu.memory_space<hbm>>) target(%arg8 : memref<128x128xf32, #tpu.memory_space<vmem>>) offsets(%dma_start3A_752 : memref<128xi32, #tpu.memory_space<vmem>>) semaphore(%arg13 : memref<!tpu.dma_semaphore, #tpu.memory_space<semaphore_mem>>)
      %dma_wait3A_760 = arith.constant 1 : i32
      %dma_wait3A_761 = arith.constant 9 : i32
      %dma_wait3A_762 = arith.constant 0 : i32
      %dma_wait3A_763 = tpu.memref_slice %arg6[%dma_wait3A_760, %dma_wait3A_761, %dma_wait3A_762] : memref<2x16x128xi32, #tpu.memory_space<vmem>> -> memref<1x1x128xi32, #tpu.memory_space<vmem>>
      %dma_wait3A_764 = tpu.memref_squeeze %dma_wait3A_763 : memref<1x1x128xi32, #tpu.memory_space<vmem>> -> memref<128xi32, #tpu.memory_space<vmem>>
      %dma_wait3A_765 = arith.constant 0 : i32
      %dma_wait3A_766 = arith.constant 0 : i32
      %dma_wait3A_767 = tpu.memref_slice %arg2[%arg0, %dma_wait3A_765, %dma_wait3A_766] : memref<2x10000x128xf32, #tpu.memory_space<hbm>> -> memref<1x10000x128xf32, #tpu.memory_space<hbm>>
      %dma_wait3A_768 = tpu.memref_squeeze %dma_wait3A_767 : memref<1x10000x128xf32, #tpu.memory_space<hbm>> -> memref<10000x128xf32, #tpu.memory_space<hbm>>
      %dma_wait3A_769 = arith.constant 0 : i32
      %dma_wait3A_770 = arith.constant 0 : i32
      %dma_wait3A_771 = tpu.memref_slice %dma_wait3A_768[%dma_wait3A_769, %dma_wait3A_770] : memref<10000x128xf32, #tpu.memory_space<hbm>> -> memref<10000x128xf32, #tpu.memory_space<hbm>>
      tpu.wait_indirect_dma semaphore(%arg14 : memref<!tpu.dma_semaphore, #tpu.memory_space<semaphore_mem>>) src(%dma_wait3A_771 : memref<10000x128xf32, #tpu.memory_space<hbm>>) dst(%arg9 : memref<128x128xf32, #tpu.memory_space<vmem>>)
      %run_scoped3A_772 = arith.constant 1 : i32
      %run_scoped3A_773 = arith.constant 9 : i32
      "tpu.region"() ({
        %run_scoped3A_927 = tpu.sem_alloc : memref<!tpu.dma_semaphore, #tpu.memory_space<semaphore_mem>>
        %dma_start3A_928 = arith.constant 0 : i32
        %dma_start3A_929 = tpu.memref_slice %arg7[%run_scoped3A_772, %run_scoped3A_773, %dma_start3A_928] : memref<2x16x128xi32, #tpu.memory_space<vmem>> -> memref<1x1x128xi32, #tpu.memory_space<vmem>>
        %dma_start3A_930 = tpu.memref_squeeze %dma_start3A_929 : memref<1x1x128xi32, #tpu.memory_space<vmem>> -> memref<128xi32, #tpu.memory_space<vmem>>
        %dma_start3A_931 = arith.constant 0 : i32
        %dma_start3A_932 = arith.constant 0 : i32
        %dma_start3A_933 = tpu.memref_slice %arg10[%dma_start3A_931, %dma_start3A_932] : memref<10008x128xf32, #tpu.memory_space<vmem_shared>> -> memref<10008x128xf32, #tpu.memory_space<vmem_shared>>
        tpu.enqueue_indirect_dma source(%arg9 : memref<128x128xf32, #tpu.memory_space<vmem>>) target(%dma_start3A_933 : memref<10008x128xf32, #tpu.memory_space<vmem_shared>>) offsets(%dma_start3A_930 : memref<128xi32, #tpu.memory_space<vmem>>) semaphore(%run_scoped3A_927 : memref<!tpu.dma_semaphore, #tpu.memory_space<semaphore_mem>>) {add = true}
        %dma_wait3A_934 = arith.constant 0 : i32
        %dma_wait3A_935 = tpu.memref_slice %arg7[%run_scoped3A_772, %run_scoped3A_773, %dma_wait3A_934] : memref<2x16x128xi32, #tpu.memory_space<vmem>> -> memref<1x1x128xi32, #tpu.memory_space<vmem>>
        %dma_wait3A_936 = tpu.memref_squeeze %dma_wait3A_935 : memref<1x1x128xi32, #tpu.memory_space<vmem>> -> memref<128xi32, #tpu.memory_space<vmem>>
        %dma_wait3A_937 = arith.constant 0 : i32
        %dma_wait3A_938 = arith.constant 0 : i32
        %dma_wait3A_939 = tpu.memref_slice %arg10[%dma_wait3A_937, %dma_wait3A_938] : memref<10008x128xf32, #tpu.memory_space<vmem_shared>> -> memref<10008x128xf32, #tpu.memory_space<vmem_shared>>
        tpu.wait_indirect_dma semaphore(%run_scoped3A_927 : memref<!tpu.dma_semaphore, #tpu.memory_space<semaphore_mem>>) src(%arg9 : memref<128x128xf32, #tpu.memory_space<vmem>>) dst(%dma_wait3A_939 : memref<10008x128xf32, #tpu.memory_space<vmem_shared>>)
        tpu.yield
      }) : () -> ()
      %dma_start3A_774 = arith.constant 1 : i32
      %dma_start3A_775 = arith.constant 11 : i32
      %dma_start3A_776 = arith.constant 0 : i32
      %dma_start3A_777 = tpu.memref_slice %arg6[%dma_start3A_774, %dma_start3A_775, %dma_start3A_776] : memref<2x16x128xi32, #tpu.memory_space<vmem>> -> memref<1x1x128xi32, #tpu.memory_space<vmem>>
      %dma_start3A_778 = tpu.memref_squeeze %dma_start3A_777 : memref<1x1x128xi32, #tpu.memory_space<vmem>> -> memref<128xi32, #tpu.memory_space<vmem>>
      %dma_start3A_779 = arith.constant 0 : i32
      %dma_start3A_780 = arith.constant 0 : i32
      %dma_start3A_781 = tpu.memref_slice %arg2[%arg0, %dma_start3A_779, %dma_start3A_780] : memref<2x10000x128xf32, #tpu.memory_space<hbm>> -> memref<1x10000x128xf32, #tpu.memory_space<hbm>>
      %dma_start3A_782 = tpu.memref_squeeze %dma_start3A_781 : memref<1x10000x128xf32, #tpu.memory_space<hbm>> -> memref<10000x128xf32, #tpu.memory_space<hbm>>
      %dma_start3A_783 = arith.constant 0 : i32
      %dma_start3A_784 = arith.constant 0 : i32
      %dma_start3A_785 = tpu.memref_slice %dma_start3A_782[%dma_start3A_783, %dma_start3A_784] : memref<10000x128xf32, #tpu.memory_space<hbm>> -> memref<10000x128xf32, #tpu.memory_space<hbm>>
      tpu.enqueue_indirect_dma source(%dma_start3A_785 : memref<10000x128xf32, #tpu.memory_space<hbm>>) target(%arg9 : memref<128x128xf32, #tpu.memory_space<vmem>>) offsets(%dma_start3A_778 : memref<128xi32, #tpu.memory_space<vmem>>) semaphore(%arg14 : memref<!tpu.dma_semaphore, #tpu.memory_space<semaphore_mem>>)
      %dma_wait3A_786 = arith.constant 1 : i32
      %dma_wait3A_787 = arith.constant 10 : i32
      %dma_wait3A_788 = arith.constant 0 : i32
      %dma_wait3A_789 = tpu.memref_slice %arg6[%dma_wait3A_786, %dma_wait3A_787, %dma_wait3A_788] : memref<2x16x128xi32, #tpu.memory_space<vmem>> -> memref<1x1x128xi32, #tpu.memory_space<vmem>>
      %dma_wait3A_790 = tpu.memref_squeeze %dma_wait3A_789 : memref<1x1x128xi32, #tpu.memory_space<vmem>> -> memref<128xi32, #tpu.memory_space<vmem>>
      %dma_wait3A_791 = arith.constant 0 : i32
      %dma_wait3A_792 = arith.constant 0 : i32
      %dma_wait3A_793 = tpu.memref_slice %arg2[%arg0, %dma_wait3A_791, %dma_wait3A_792] : memref<2x10000x128xf32, #tpu.memory_space<hbm>> -> memref<1x10000x128xf32, #tpu.memory_space<hbm>>
      %dma_wait3A_794 = tpu.memref_squeeze %dma_wait3A_793 : memref<1x10000x128xf32, #tpu.memory_space<hbm>> -> memref<10000x128xf32, #tpu.memory_space<hbm>>
      %dma_wait3A_795 = arith.constant 0 : i32
      %dma_wait3A_796 = arith.constant 0 : i32
      %dma_wait3A_797 = tpu.memref_slice %dma_wait3A_794[%dma_wait3A_795, %dma_wait3A_796] : memref<10000x128xf32, #tpu.memory_space<hbm>> -> memref<10000x128xf32, #tpu.memory_space<hbm>>
      tpu.wait_indirect_dma semaphore(%arg13 : memref<!tpu.dma_semaphore, #tpu.memory_space<semaphore_mem>>) src(%dma_wait3A_797 : memref<10000x128xf32, #tpu.memory_space<hbm>>) dst(%arg8 : memref<128x128xf32, #tpu.memory_space<vmem>>)
      %run_scoped3A_798 = arith.constant 1 : i32
      %run_scoped3A_799 = arith.constant 10 : i32
      "tpu.region"() ({
        %run_scoped3A_927 = tpu.sem_alloc : memref<!tpu.dma_semaphore, #tpu.memory_space<semaphore_mem>>
        %dma_start3A_928 = arith.constant 0 : i32
        %dma_start3A_929 = tpu.memref_slice %arg7[%run_scoped3A_798, %run_scoped3A_799, %dma_start3A_928] : memref<2x16x128xi32, #tpu.memory_space<vmem>> -> memref<1x1x128xi32, #tpu.memory_space<vmem>>
        %dma_start3A_930 = tpu.memref_squeeze %dma_start3A_929 : memref<1x1x128xi32, #tpu.memory_space<vmem>> -> memref<128xi32, #tpu.memory_space<vmem>>
        %dma_start3A_931 = arith.constant 0 : i32
        %dma_start3A_932 = arith.constant 0 : i32
        %dma_start3A_933 = tpu.memref_slice %arg10[%dma_start3A_931, %dma_start3A_932] : memref<10008x128xf32, #tpu.memory_space<vmem_shared>> -> memref<10008x128xf32, #tpu.memory_space<vmem_shared>>
        tpu.enqueue_indirect_dma source(%arg8 : memref<128x128xf32, #tpu.memory_space<vmem>>) target(%dma_start3A_933 : memref<10008x128xf32, #tpu.memory_space<vmem_shared>>) offsets(%dma_start3A_930 : memref<128xi32, #tpu.memory_space<vmem>>) semaphore(%run_scoped3A_927 : memref<!tpu.dma_semaphore, #tpu.memory_space<semaphore_mem>>) {add = true}
        %dma_wait3A_934 = arith.constant 0 : i32
        %dma_wait3A_935 = tpu.memref_slice %arg7[%run_scoped3A_798, %run_scoped3A_799, %dma_wait3A_934] : memref<2x16x128xi32, #tpu.memory_space<vmem>> -> memref<1x1x128xi32, #tpu.memory_space<vmem>>
        %dma_wait3A_936 = tpu.memref_squeeze %dma_wait3A_935 : memref<1x1x128xi32, #tpu.memory_space<vmem>> -> memref<128xi32, #tpu.memory_space<vmem>>
        %dma_wait3A_937 = arith.constant 0 : i32
        %dma_wait3A_938 = arith.constant 0 : i32
        %dma_wait3A_939 = tpu.memref_slice %arg10[%dma_wait3A_937, %dma_wait3A_938] : memref<10008x128xf32, #tpu.memory_space<vmem_shared>> -> memref<10008x128xf32, #tpu.memory_space<vmem_shared>>
        tpu.wait_indirect_dma semaphore(%run_scoped3A_927 : memref<!tpu.dma_semaphore, #tpu.memory_space<semaphore_mem>>) src(%arg8 : memref<128x128xf32, #tpu.memory_space<vmem>>) dst(%dma_wait3A_939 : memref<10008x128xf32, #tpu.memory_space<vmem_shared>>)
        tpu.yield
      }) : () -> ()
      %dma_start3A_800 = arith.constant 1 : i32
      %dma_start3A_801 = arith.constant 12 : i32
      %dma_start3A_802 = arith.constant 0 : i32
      %dma_start3A_803 = tpu.memref_slice %arg6[%dma_start3A_800, %dma_start3A_801, %dma_start3A_802] : memref<2x16x128xi32, #tpu.memory_space<vmem>> -> memref<1x1x128xi32, #tpu.memory_space<vmem>>
      %dma_start3A_804 = tpu.memref_squeeze %dma_start3A_803 : memref<1x1x128xi32, #tpu.memory_space<vmem>> -> memref<128xi32, #tpu.memory_space<vmem>>
      %dma_start3A_805 = arith.constant 0 : i32
      %dma_start3A_806 = arith.constant 0 : i32
      %dma_start3A_807 = tpu.memref_slice %arg2[%arg0, %dma_start3A_805, %dma_start3A_806] : memref<2x10000x128xf32, #tpu.memory_space<hbm>> -> memref<1x10000x128xf32, #tpu.memory_space<hbm>>
      %dma_start3A_808 = tpu.memref_squeeze %dma_start3A_807 : memref<1x10000x128xf32, #tpu.memory_space<hbm>> -> memref<10000x128xf32, #tpu.memory_space<hbm>>
      %dma_start3A_809 = arith.constant 0 : i32
      %dma_start3A_810 = arith.constant 0 : i32
      %dma_start3A_811 = tpu.memref_slice %dma_start3A_808[%dma_start3A_809, %dma_start3A_810] : memref<10000x128xf32, #tpu.memory_space<hbm>> -> memref<10000x128xf32, #tpu.memory_space<hbm>>
      tpu.enqueue_indirect_dma source(%dma_start3A_811 : memref<10000x128xf32, #tpu.memory_space<hbm>>) target(%arg8 : memref<128x128xf32, #tpu.memory_space<vmem>>) offsets(%dma_start3A_804 : memref<128xi32, #tpu.memory_space<vmem>>) semaphore(%arg13 : memref<!tpu.dma_semaphore, #tpu.memory_space<semaphore_mem>>)
      %dma_wait3A_812 = arith.constant 1 : i32
      %dma_wait3A_813 = arith.constant 11 : i32
      %dma_wait3A_814 = arith.constant 0 : i32
      %dma_wait3A_815 = tpu.memref_slice %arg6[%dma_wait3A_812, %dma_wait3A_813, %dma_wait3A_814] : memref<2x16x128xi32, #tpu.memory_space<vmem>> -> memref<1x1x128xi32, #tpu.memory_space<vmem>>
      %dma_wait3A_816 = tpu.memref_squeeze %dma_wait3A_815 : memref<1x1x128xi32, #tpu.memory_space<vmem>> -> memref<128xi32, #tpu.memory_space<vmem>>
      %dma_wait3A_817 = arith.constant 0 : i32
      %dma_wait3A_818 = arith.constant 0 : i32
      %dma_wait3A_819 = tpu.memref_slice %arg2[%arg0, %dma_wait3A_817, %dma_wait3A_818] : memref<2x10000x128xf32, #tpu.memory_space<hbm>> -> memref<1x10000x128xf32, #tpu.memory_space<hbm>>
      %dma_wait3A_820 = tpu.memref_squeeze %dma_wait3A_819 : memref<1x10000x128xf32, #tpu.memory_space<hbm>> -> memref<10000x128xf32, #tpu.memory_space<hbm>>
      %dma_wait3A_821 = arith.constant 0 : i32
      %dma_wait3A_822 = arith.constant 0 : i32
      %dma_wait3A_823 = tpu.memref_slice %dma_wait3A_820[%dma_wait3A_821, %dma_wait3A_822] : memref<10000x128xf32, #tpu.memory_space<hbm>> -> memref<10000x128xf32, #tpu.memory_space<hbm>>
      tpu.wait_indirect_dma semaphore(%arg14 : memref<!tpu.dma_semaphore, #tpu.memory_space<semaphore_mem>>) src(%dma_wait3A_823 : memref<10000x128xf32, #tpu.memory_space<hbm>>) dst(%arg9 : memref<128x128xf32, #tpu.memory_space<vmem>>)
      %run_scoped3A_824 = arith.constant 1 : i32
      %run_scoped3A_825 = arith.constant 11 : i32
      "tpu.region"() ({
        %run_scoped3A_927 = tpu.sem_alloc : memref<!tpu.dma_semaphore, #tpu.memory_space<semaphore_mem>>
        %dma_start3A_928 = arith.constant 0 : i32
        %dma_start3A_929 = tpu.memref_slice %arg7[%run_scoped3A_824, %run_scoped3A_825, %dma_start3A_928] : memref<2x16x128xi32, #tpu.memory_space<vmem>> -> memref<1x1x128xi32, #tpu.memory_space<vmem>>
        %dma_start3A_930 = tpu.memref_squeeze %dma_start3A_929 : memref<1x1x128xi32, #tpu.memory_space<vmem>> -> memref<128xi32, #tpu.memory_space<vmem>>
        %dma_start3A_931 = arith.constant 0 : i32
        %dma_start3A_932 = arith.constant 0 : i32
        %dma_start3A_933 = tpu.memref_slice %arg10[%dma_start3A_931, %dma_start3A_932] : memref<10008x128xf32, #tpu.memory_space<vmem_shared>> -> memref<10008x128xf32, #tpu.memory_space<vmem_shared>>
        tpu.enqueue_indirect_dma source(%arg9 : memref<128x128xf32, #tpu.memory_space<vmem>>) target(%dma_start3A_933 : memref<10008x128xf32, #tpu.memory_space<vmem_shared>>) offsets(%dma_start3A_930 : memref<128xi32, #tpu.memory_space<vmem>>) semaphore(%run_scoped3A_927 : memref<!tpu.dma_semaphore, #tpu.memory_space<semaphore_mem>>) {add = true}
        %dma_wait3A_934 = arith.constant 0 : i32
        %dma_wait3A_935 = tpu.memref_slice %arg7[%run_scoped3A_824, %run_scoped3A_825, %dma_wait3A_934] : memref<2x16x128xi32, #tpu.memory_space<vmem>> -> memref<1x1x128xi32, #tpu.memory_space<vmem>>
        %dma_wait3A_936 = tpu.memref_squeeze %dma_wait3A_935 : memref<1x1x128xi32, #tpu.memory_space<vmem>> -> memref<128xi32, #tpu.memory_space<vmem>>
        %dma_wait3A_937 = arith.constant 0 : i32
        %dma_wait3A_938 = arith.constant 0 : i32
        %dma_wait3A_939 = tpu.memref_slice %arg10[%dma_wait3A_937, %dma_wait3A_938] : memref<10008x128xf32, #tpu.memory_space<vmem_shared>> -> memref<10008x128xf32, #tpu.memory_space<vmem_shared>>
        tpu.wait_indirect_dma semaphore(%run_scoped3A_927 : memref<!tpu.dma_semaphore, #tpu.memory_space<semaphore_mem>>) src(%arg9 : memref<128x128xf32, #tpu.memory_space<vmem>>) dst(%dma_wait3A_939 : memref<10008x128xf32, #tpu.memory_space<vmem_shared>>)
        tpu.yield
      }) : () -> ()
      %dma_start3A_826 = arith.constant 1 : i32
      %dma_start3A_827 = arith.constant 13 : i32
      %dma_start3A_828 = arith.constant 0 : i32
      %dma_start3A_829 = tpu.memref_slice %arg6[%dma_start3A_826, %dma_start3A_827, %dma_start3A_828] : memref<2x16x128xi32, #tpu.memory_space<vmem>> -> memref<1x1x128xi32, #tpu.memory_space<vmem>>
      %dma_start3A_830 = tpu.memref_squeeze %dma_start3A_829 : memref<1x1x128xi32, #tpu.memory_space<vmem>> -> memref<128xi32, #tpu.memory_space<vmem>>
      %dma_start3A_831 = arith.constant 0 : i32
      %dma_start3A_832 = arith.constant 0 : i32
      %dma_start3A_833 = tpu.memref_slice %arg2[%arg0, %dma_start3A_831, %dma_start3A_832] : memref<2x10000x128xf32, #tpu.memory_space<hbm>> -> memref<1x10000x128xf32, #tpu.memory_space<hbm>>
      %dma_start3A_834 = tpu.memref_squeeze %dma_start3A_833 : memref<1x10000x128xf32, #tpu.memory_space<hbm>> -> memref<10000x128xf32, #tpu.memory_space<hbm>>
      %dma_start3A_835 = arith.constant 0 : i32
      %dma_start3A_836 = arith.constant 0 : i32
      %dma_start3A_837 = tpu.memref_slice %dma_start3A_834[%dma_start3A_835, %dma_start3A_836] : memref<10000x128xf32, #tpu.memory_space<hbm>> -> memref<10000x128xf32, #tpu.memory_space<hbm>>
      tpu.enqueue_indirect_dma source(%dma_start3A_837 : memref<10000x128xf32, #tpu.memory_space<hbm>>) target(%arg9 : memref<128x128xf32, #tpu.memory_space<vmem>>) offsets(%dma_start3A_830 : memref<128xi32, #tpu.memory_space<vmem>>) semaphore(%arg14 : memref<!tpu.dma_semaphore, #tpu.memory_space<semaphore_mem>>)
      %dma_wait3A_838 = arith.constant 1 : i32
      %dma_wait3A_839 = arith.constant 12 : i32
      %dma_wait3A_840 = arith.constant 0 : i32
      %dma_wait3A_841 = tpu.memref_slice %arg6[%dma_wait3A_838, %dma_wait3A_839, %dma_wait3A_840] : memref<2x16x128xi32, #tpu.memory_space<vmem>> -> memref<1x1x128xi32, #tpu.memory_space<vmem>>
      %dma_wait3A_842 = tpu.memref_squeeze %dma_wait3A_841 : memref<1x1x128xi32, #tpu.memory_space<vmem>> -> memref<128xi32, #tpu.memory_space<vmem>>
      %dma_wait3A_843 = arith.constant 0 : i32
      %dma_wait3A_844 = arith.constant 0 : i32
      %dma_wait3A_845 = tpu.memref_slice %arg2[%arg0, %dma_wait3A_843, %dma_wait3A_844] : memref<2x10000x128xf32, #tpu.memory_space<hbm>> -> memref<1x10000x128xf32, #tpu.memory_space<hbm>>
      %dma_wait3A_846 = tpu.memref_squeeze %dma_wait3A_845 : memref<1x10000x128xf32, #tpu.memory_space<hbm>> -> memref<10000x128xf32, #tpu.memory_space<hbm>>
      %dma_wait3A_847 = arith.constant 0 : i32
      %dma_wait3A_848 = arith.constant 0 : i32
      %dma_wait3A_849 = tpu.memref_slice %dma_wait3A_846[%dma_wait3A_847, %dma_wait3A_848] : memref<10000x128xf32, #tpu.memory_space<hbm>> -> memref<10000x128xf32, #tpu.memory_space<hbm>>
      tpu.wait_indirect_dma semaphore(%arg13 : memref<!tpu.dma_semaphore, #tpu.memory_space<semaphore_mem>>) src(%dma_wait3A_849 : memref<10000x128xf32, #tpu.memory_space<hbm>>) dst(%arg8 : memref<128x128xf32, #tpu.memory_space<vmem>>)
      %run_scoped3A_850 = arith.constant 1 : i32
      %run_scoped3A_851 = arith.constant 12 : i32
      "tpu.region"() ({
        %run_scoped3A_927 = tpu.sem_alloc : memref<!tpu.dma_semaphore, #tpu.memory_space<semaphore_mem>>
        %dma_start3A_928 = arith.constant 0 : i32
        %dma_start3A_929 = tpu.memref_slice %arg7[%run_scoped3A_850, %run_scoped3A_851, %dma_start3A_928] : memref<2x16x128xi32, #tpu.memory_space<vmem>> -> memref<1x1x128xi32, #tpu.memory_space<vmem>>
        %dma_start3A_930 = tpu.memref_squeeze %dma_start3A_929 : memref<1x1x128xi32, #tpu.memory_space<vmem>> -> memref<128xi32, #tpu.memory_space<vmem>>
        %dma_start3A_931 = arith.constant 0 : i32
        %dma_start3A_932 = arith.constant 0 : i32
        %dma_start3A_933 = tpu.memref_slice %arg10[%dma_start3A_931, %dma_start3A_932] : memref<10008x128xf32, #tpu.memory_space<vmem_shared>> -> memref<10008x128xf32, #tpu.memory_space<vmem_shared>>
        tpu.enqueue_indirect_dma source(%arg8 : memref<128x128xf32, #tpu.memory_space<vmem>>) target(%dma_start3A_933 : memref<10008x128xf32, #tpu.memory_space<vmem_shared>>) offsets(%dma_start3A_930 : memref<128xi32, #tpu.memory_space<vmem>>) semaphore(%run_scoped3A_927 : memref<!tpu.dma_semaphore, #tpu.memory_space<semaphore_mem>>) {add = true}
        %dma_wait3A_934 = arith.constant 0 : i32
        %dma_wait3A_935 = tpu.memref_slice %arg7[%run_scoped3A_850, %run_scoped3A_851, %dma_wait3A_934] : memref<2x16x128xi32, #tpu.memory_space<vmem>> -> memref<1x1x128xi32, #tpu.memory_space<vmem>>
        %dma_wait3A_936 = tpu.memref_squeeze %dma_wait3A_935 : memref<1x1x128xi32, #tpu.memory_space<vmem>> -> memref<128xi32, #tpu.memory_space<vmem>>
        %dma_wait3A_937 = arith.constant 0 : i32
        %dma_wait3A_938 = arith.constant 0 : i32
        %dma_wait3A_939 = tpu.memref_slice %arg10[%dma_wait3A_937, %dma_wait3A_938] : memref<10008x128xf32, #tpu.memory_space<vmem_shared>> -> memref<10008x128xf32, #tpu.memory_space<vmem_shared>>
        tpu.wait_indirect_dma semaphore(%run_scoped3A_927 : memref<!tpu.dma_semaphore, #tpu.memory_space<semaphore_mem>>) src(%arg8 : memref<128x128xf32, #tpu.memory_space<vmem>>) dst(%dma_wait3A_939 : memref<10008x128xf32, #tpu.memory_space<vmem_shared>>)
        tpu.yield
      }) : () -> ()
      %dma_start3A_852 = arith.constant 1 : i32
      %dma_start3A_853 = arith.constant 14 : i32
      %dma_start3A_854 = arith.constant 0 : i32
      %dma_start3A_855 = tpu.memref_slice %arg6[%dma_start3A_852, %dma_start3A_853, %dma_start3A_854] : memref<2x16x128xi32, #tpu.memory_space<vmem>> -> memref<1x1x128xi32, #tpu.memory_space<vmem>>
      %dma_start3A_856 = tpu.memref_squeeze %dma_start3A_855 : memref<1x1x128xi32, #tpu.memory_space<vmem>> -> memref<128xi32, #tpu.memory_space<vmem>>
      %dma_start3A_857 = arith.constant 0 : i32
      %dma_start3A_858 = arith.constant 0 : i32
      %dma_start3A_859 = tpu.memref_slice %arg2[%arg0, %dma_start3A_857, %dma_start3A_858] : memref<2x10000x128xf32, #tpu.memory_space<hbm>> -> memref<1x10000x128xf32, #tpu.memory_space<hbm>>
      %dma_start3A_860 = tpu.memref_squeeze %dma_start3A_859 : memref<1x10000x128xf32, #tpu.memory_space<hbm>> -> memref<10000x128xf32, #tpu.memory_space<hbm>>
      %dma_start3A_861 = arith.constant 0 : i32
      %dma_start3A_862 = arith.constant 0 : i32
      %dma_start3A_863 = tpu.memref_slice %dma_start3A_860[%dma_start3A_861, %dma_start3A_862] : memref<10000x128xf32, #tpu.memory_space<hbm>> -> memref<10000x128xf32, #tpu.memory_space<hbm>>
      tpu.enqueue_indirect_dma source(%dma_start3A_863 : memref<10000x128xf32, #tpu.memory_space<hbm>>) target(%arg8 : memref<128x128xf32, #tpu.memory_space<vmem>>) offsets(%dma_start3A_856 : memref<128xi32, #tpu.memory_space<vmem>>) semaphore(%arg13 : memref<!tpu.dma_semaphore, #tpu.memory_space<semaphore_mem>>)
      %dma_wait3A_864 = arith.constant 1 : i32
      %dma_wait3A_865 = arith.constant 13 : i32
      %dma_wait3A_866 = arith.constant 0 : i32
      %dma_wait3A_867 = tpu.memref_slice %arg6[%dma_wait3A_864, %dma_wait3A_865, %dma_wait3A_866] : memref<2x16x128xi32, #tpu.memory_space<vmem>> -> memref<1x1x128xi32, #tpu.memory_space<vmem>>
      %dma_wait3A_868 = tpu.memref_squeeze %dma_wait3A_867 : memref<1x1x128xi32, #tpu.memory_space<vmem>> -> memref<128xi32, #tpu.memory_space<vmem>>
      %dma_wait3A_869 = arith.constant 0 : i32
      %dma_wait3A_870 = arith.constant 0 : i32
      %dma_wait3A_871 = tpu.memref_slice %arg2[%arg0, %dma_wait3A_869, %dma_wait3A_870] : memref<2x10000x128xf32, #tpu.memory_space<hbm>> -> memref<1x10000x128xf32, #tpu.memory_space<hbm>>
      %dma_wait3A_872 = tpu.memref_squeeze %dma_wait3A_871 : memref<1x10000x128xf32, #tpu.memory_space<hbm>> -> memref<10000x128xf32, #tpu.memory_space<hbm>>
      %dma_wait3A_873 = arith.constant 0 : i32
      %dma_wait3A_874 = arith.constant 0 : i32
      %dma_wait3A_875 = tpu.memref_slice %dma_wait3A_872[%dma_wait3A_873, %dma_wait3A_874] : memref<10000x128xf32, #tpu.memory_space<hbm>> -> memref<10000x128xf32, #tpu.memory_space<hbm>>
      tpu.wait_indirect_dma semaphore(%arg14 : memref<!tpu.dma_semaphore, #tpu.memory_space<semaphore_mem>>) src(%dma_wait3A_875 : memref<10000x128xf32, #tpu.memory_space<hbm>>) dst(%arg9 : memref<128x128xf32, #tpu.memory_space<vmem>>)
      %run_scoped3A_876 = arith.constant 1 : i32
      %run_scoped3A_877 = arith.constant 13 : i32
      "tpu.region"() ({
        %run_scoped3A_927 = tpu.sem_alloc : memref<!tpu.dma_semaphore, #tpu.memory_space<semaphore_mem>>
        %dma_start3A_928 = arith.constant 0 : i32
        %dma_start3A_929 = tpu.memref_slice %arg7[%run_scoped3A_876, %run_scoped3A_877, %dma_start3A_928] : memref<2x16x128xi32, #tpu.memory_space<vmem>> -> memref<1x1x128xi32, #tpu.memory_space<vmem>>
        %dma_start3A_930 = tpu.memref_squeeze %dma_start3A_929 : memref<1x1x128xi32, #tpu.memory_space<vmem>> -> memref<128xi32, #tpu.memory_space<vmem>>
        %dma_start3A_931 = arith.constant 0 : i32
        %dma_start3A_932 = arith.constant 0 : i32
        %dma_start3A_933 = tpu.memref_slice %arg10[%dma_start3A_931, %dma_start3A_932] : memref<10008x128xf32, #tpu.memory_space<vmem_shared>> -> memref<10008x128xf32, #tpu.memory_space<vmem_shared>>
        tpu.enqueue_indirect_dma source(%arg9 : memref<128x128xf32, #tpu.memory_space<vmem>>) target(%dma_start3A_933 : memref<10008x128xf32, #tpu.memory_space<vmem_shared>>) offsets(%dma_start3A_930 : memref<128xi32, #tpu.memory_space<vmem>>) semaphore(%run_scoped3A_927 : memref<!tpu.dma_semaphore, #tpu.memory_space<semaphore_mem>>) {add = true}
        %dma_wait3A_934 = arith.constant 0 : i32
        %dma_wait3A_935 = tpu.memref_slice %arg7[%run_scoped3A_876, %run_scoped3A_877, %dma_wait3A_934] : memref<2x16x128xi32, #tpu.memory_space<vmem>> -> memref<1x1x128xi32, #tpu.memory_space<vmem>>
        %dma_wait3A_936 = tpu.memref_squeeze %dma_wait3A_935 : memref<1x1x128xi32, #tpu.memory_space<vmem>> -> memref<128xi32, #tpu.memory_space<vmem>>
        %dma_wait3A_937 = arith.constant 0 : i32
        %dma_wait3A_938 = arith.constant 0 : i32
        %dma_wait3A_939 = tpu.memref_slice %arg10[%dma_wait3A_937, %dma_wait3A_938] : memref<10008x128xf32, #tpu.memory_space<vmem_shared>> -> memref<10008x128xf32, #tpu.memory_space<vmem_shared>>
        tpu.wait_indirect_dma semaphore(%run_scoped3A_927 : memref<!tpu.dma_semaphore, #tpu.memory_space<semaphore_mem>>) src(%arg9 : memref<128x128xf32, #tpu.memory_space<vmem>>) dst(%dma_wait3A_939 : memref<10008x128xf32, #tpu.memory_space<vmem_shared>>)
        tpu.yield
      }) : () -> ()
      %dma_start3A_878 = arith.constant 1 : i32
      %dma_start3A_879 = arith.constant 15 : i32
      %dma_start3A_880 = arith.constant 0 : i32
      %dma_start3A_881 = tpu.memref_slice %arg6[%dma_start3A_878, %dma_start3A_879, %dma_start3A_880] : memref<2x16x128xi32, #tpu.memory_space<vmem>> -> memref<1x1x128xi32, #tpu.memory_space<vmem>>
      %dma_start3A_882 = tpu.memref_squeeze %dma_start3A_881 : memref<1x1x128xi32, #tpu.memory_space<vmem>> -> memref<128xi32, #tpu.memory_space<vmem>>
      %dma_start3A_883 = arith.constant 0 : i32
      %dma_start3A_884 = arith.constant 0 : i32
      %dma_start3A_885 = tpu.memref_slice %arg2[%arg0, %dma_start3A_883, %dma_start3A_884] : memref<2x10000x128xf32, #tpu.memory_space<hbm>> -> memref<1x10000x128xf32, #tpu.memory_space<hbm>>
      %dma_start3A_886 = tpu.memref_squeeze %dma_start3A_885 : memref<1x10000x128xf32, #tpu.memory_space<hbm>> -> memref<10000x128xf32, #tpu.memory_space<hbm>>
      %dma_start3A_887 = arith.constant 0 : i32
      %dma_start3A_888 = arith.constant 0 : i32
      %dma_start3A_889 = tpu.memref_slice %dma_start3A_886[%dma_start3A_887, %dma_start3A_888] : memref<10000x128xf32, #tpu.memory_space<hbm>> -> memref<10000x128xf32, #tpu.memory_space<hbm>>
      tpu.enqueue_indirect_dma source(%dma_start3A_889 : memref<10000x128xf32, #tpu.memory_space<hbm>>) target(%arg9 : memref<128x128xf32, #tpu.memory_space<vmem>>) offsets(%dma_start3A_882 : memref<128xi32, #tpu.memory_space<vmem>>) semaphore(%arg14 : memref<!tpu.dma_semaphore, #tpu.memory_space<semaphore_mem>>)
      %dma_wait3A_890 = arith.constant 1 : i32
      %dma_wait3A_891 = arith.constant 14 : i32
      %dma_wait3A_892 = arith.constant 0 : i32
      %dma_wait3A_893 = tpu.memref_slice %arg6[%dma_wait3A_890, %dma_wait3A_891, %dma_wait3A_892] : memref<2x16x128xi32, #tpu.memory_space<vmem>> -> memref<1x1x128xi32, #tpu.memory_space<vmem>>
      %dma_wait3A_894 = tpu.memref_squeeze %dma_wait3A_893 : memref<1x1x128xi32, #tpu.memory_space<vmem>> -> memref<128xi32, #tpu.memory_space<vmem>>
      %dma_wait3A_895 = arith.constant 0 : i32
      %dma_wait3A_896 = arith.constant 0 : i32
      %dma_wait3A_897 = tpu.memref_slice %arg2[%arg0, %dma_wait3A_895, %dma_wait3A_896] : memref<2x10000x128xf32, #tpu.memory_space<hbm>> -> memref<1x10000x128xf32, #tpu.memory_space<hbm>>
      %dma_wait3A_898 = tpu.memref_squeeze %dma_wait3A_897 : memref<1x10000x128xf32, #tpu.memory_space<hbm>> -> memref<10000x128xf32, #tpu.memory_space<hbm>>
      %dma_wait3A_899 = arith.constant 0 : i32
      %dma_wait3A_900 = arith.constant 0 : i32
      %dma_wait3A_901 = tpu.memref_slice %dma_wait3A_898[%dma_wait3A_899, %dma_wait3A_900] : memref<10000x128xf32, #tpu.memory_space<hbm>> -> memref<10000x128xf32, #tpu.memory_space<hbm>>
      tpu.wait_indirect_dma semaphore(%arg13 : memref<!tpu.dma_semaphore, #tpu.memory_space<semaphore_mem>>) src(%dma_wait3A_901 : memref<10000x128xf32, #tpu.memory_space<hbm>>) dst(%arg8 : memref<128x128xf32, #tpu.memory_space<vmem>>)
      %run_scoped3A_902 = arith.constant 1 : i32
      %run_scoped3A_903 = arith.constant 14 : i32
      "tpu.region"() ({
        %run_scoped3A_927 = tpu.sem_alloc : memref<!tpu.dma_semaphore, #tpu.memory_space<semaphore_mem>>
        %dma_start3A_928 = arith.constant 0 : i32
        %dma_start3A_929 = tpu.memref_slice %arg7[%run_scoped3A_902, %run_scoped3A_903, %dma_start3A_928] : memref<2x16x128xi32, #tpu.memory_space<vmem>> -> memref<1x1x128xi32, #tpu.memory_space<vmem>>
        %dma_start3A_930 = tpu.memref_squeeze %dma_start3A_929 : memref<1x1x128xi32, #tpu.memory_space<vmem>> -> memref<128xi32, #tpu.memory_space<vmem>>
        %dma_start3A_931 = arith.constant 0 : i32
        %dma_start3A_932 = arith.constant 0 : i32
        %dma_start3A_933 = tpu.memref_slice %arg10[%dma_start3A_931, %dma_start3A_932] : memref<10008x128xf32, #tpu.memory_space<vmem_shared>> -> memref<10008x128xf32, #tpu.memory_space<vmem_shared>>
        tpu.enqueue_indirect_dma source(%arg8 : memref<128x128xf32, #tpu.memory_space<vmem>>) target(%dma_start3A_933 : memref<10008x128xf32, #tpu.memory_space<vmem_shared>>) offsets(%dma_start3A_930 : memref<128xi32, #tpu.memory_space<vmem>>) semaphore(%run_scoped3A_927 : memref<!tpu.dma_semaphore, #tpu.memory_space<semaphore_mem>>) {add = true}
        %dma_wait3A_934 = arith.constant 0 : i32
        %dma_wait3A_935 = tpu.memref_slice %arg7[%run_scoped3A_902, %run_scoped3A_903, %dma_wait3A_934] : memref<2x16x128xi32, #tpu.memory_space<vmem>> -> memref<1x1x128xi32, #tpu.memory_space<vmem>>
        %dma_wait3A_936 = tpu.memref_squeeze %dma_wait3A_935 : memref<1x1x128xi32, #tpu.memory_space<vmem>> -> memref<128xi32, #tpu.memory_space<vmem>>
        %dma_wait3A_937 = arith.constant 0 : i32
        %dma_wait3A_938 = arith.constant 0 : i32
        %dma_wait3A_939 = tpu.memref_slice %arg10[%dma_wait3A_937, %dma_wait3A_938] : memref<10008x128xf32, #tpu.memory_space<vmem_shared>> -> memref<10008x128xf32, #tpu.memory_space<vmem_shared>>
        tpu.wait_indirect_dma semaphore(%run_scoped3A_927 : memref<!tpu.dma_semaphore, #tpu.memory_space<semaphore_mem>>) src(%arg8 : memref<128x128xf32, #tpu.memory_space<vmem>>) dst(%dma_wait3A_939 : memref<10008x128xf32, #tpu.memory_space<vmem_shared>>)
        tpu.yield
      }) : () -> ()
      %convert_element_type3A_904 = arith.extui %lt3A_73 : i1 to i32
      %cond3A_905 = arith.constant 0 : i32
      %cond3A_906 = arith.cmpi ne, %convert_element_type3A_904, %cond3A_905 : i32
      scf.if %cond3A_906 {
        %dma_wait3A_927 = arith.constant 0 : i32
        %dma_wait3A_928 = arith.constant 0 : i32
        %dma_wait3A_929 = arith.constant 0 : i32
        %dma_wait3A_930 = tpu.memref_slice %arg6[%dma_wait3A_927, %dma_wait3A_928, %dma_wait3A_929] : memref<2x16x128xi32, #tpu.memory_space<vmem>> -> memref<1x16x128xi32, #tpu.memory_space<vmem>>
        %dma_wait3A_931 = tpu.memref_squeeze %dma_wait3A_930 : memref<1x16x128xi32, #tpu.memory_space<vmem>> -> memref<16x128xi32, #tpu.memory_space<vmem>>
        %dma_wait3A_932 = arith.constant 0 : i32
        %dma_wait3A_933 = arith.constant 0 : i32
        %dma_wait3A_934 = tpu.memref_slice %arg3[%arg1, %dma_wait3A_932, %dma_wait3A_933] : memref<16x160x128xi32, #tpu.memory_space<hbm>> -> memref<1x16x128xi32, #tpu.memory_space<hbm>>
        %dma_wait3A_935 = tpu.memref_squeeze %dma_wait3A_934 : memref<1x16x128xi32, #tpu.memory_space<hbm>> -> memref<16x128xi32, #tpu.memory_space<hbm>>
        %dma_wait3A_936 = arith.constant 0 : i32
        %dma_wait3A_937 = arith.constant 0 : i32
        %dma_wait3A_938 = tpu.memref_slice %arg6[%dma_wait3A_927, %dma_wait3A_936, %dma_wait3A_937] : memref<2x16x128xi32, #tpu.memory_space<vmem>> -> memref<1x16x128xi32, #tpu.memory_space<vmem>>
        %dma_wait3A_939 = tpu.memref_squeeze %dma_wait3A_938 : memref<1x16x128xi32, #tpu.memory_space<vmem>> -> memref<16x128xi32, #tpu.memory_space<vmem>>
        %dma_wait3A_940 = arith.constant 0 : i32
        %dma_wait3A_941 = arith.constant 0 : i32
        %dma_wait3A_942 = tpu.memref_slice %arg3[%arg1, %dma_wait3A_940, %dma_wait3A_941] : memref<16x160x128xi32, #tpu.memory_space<hbm>> -> memref<1x16x128xi32, #tpu.memory_space<hbm>>
        %dma_wait3A_943 = tpu.memref_squeeze %dma_wait3A_942 : memref<1x16x128xi32, #tpu.memory_space<hbm>> -> memref<16x128xi32, #tpu.memory_space<hbm>>
        tpu.wait_dma2 semaphore(%arg11 : memref<!tpu.dma_semaphore, #tpu.memory_space<semaphore_mem>>) src(%dma_wait3A_943 : memref<16x128xi32, #tpu.memory_space<hbm>>) dst(%dma_wait3A_939 : memref<16x128xi32, #tpu.memory_space<vmem>>)
        %dma_wait3A_944 = arith.constant 0 : i32
        %dma_wait3A_945 = arith.constant 0 : i32
        %dma_wait3A_946 = arith.constant 0 : i32
        %dma_wait3A_947 = tpu.memref_slice %arg7[%dma_wait3A_944, %dma_wait3A_945, %dma_wait3A_946] : memref<2x16x128xi32, #tpu.memory_space<vmem>> -> memref<1x16x128xi32, #tpu.memory_space<vmem>>
        %dma_wait3A_948 = tpu.memref_squeeze %dma_wait3A_947 : memref<1x16x128xi32, #tpu.memory_space<vmem>> -> memref<16x128xi32, #tpu.memory_space<vmem>>
        %dma_wait3A_949 = arith.constant 0 : i32
        %dma_wait3A_950 = arith.constant 0 : i32
        %dma_wait3A_951 = tpu.memref_slice %arg4[%arg1, %dma_wait3A_949, %dma_wait3A_950] : memref<16x160x128xi32, #tpu.memory_space<hbm>> -> memref<1x16x128xi32, #tpu.memory_space<hbm>>
        %dma_wait3A_952 = tpu.memref_squeeze %dma_wait3A_951 : memref<1x16x128xi32, #tpu.memory_space<hbm>> -> memref<16x128xi32, #tpu.memory_space<hbm>>
        %dma_wait3A_953 = arith.constant 0 : i32
        %dma_wait3A_954 = arith.constant 0 : i32
        %dma_wait3A_955 = tpu.memref_slice %arg7[%dma_wait3A_944, %dma_wait3A_953, %dma_wait3A_954] : memref<2x16x128xi32, #tpu.memory_space<vmem>> -> memref<1x16x128xi32, #tpu.memory_space<vmem>>
        %dma_wait3A_956 = tpu.memref_squeeze %dma_wait3A_955 : memref<1x16x128xi32, #tpu.memory_space<vmem>> -> memref<16x128xi32, #tpu.memory_space<vmem>>
        %dma_wait3A_957 = arith.constant 0 : i32
        %dma_wait3A_958 = arith.constant 0 : i32
        %dma_wait3A_959 = tpu.memref_slice %arg4[%arg1, %dma_wait3A_957, %dma_wait3A_958] : memref<16x160x128xi32, #tpu.memory_space<hbm>> -> memref<1x16x128xi32, #tpu.memory_space<hbm>>
        %dma_wait3A_960 = tpu.memref_squeeze %dma_wait3A_959 : memref<1x16x128xi32, #tpu.memory_space<hbm>> -> memref<16x128xi32, #tpu.memory_space<hbm>>
        tpu.wait_dma2 semaphore(%arg11 : memref<!tpu.dma_semaphore, #tpu.memory_space<semaphore_mem>>) src(%dma_wait3A_960 : memref<16x128xi32, #tpu.memory_space<hbm>>) dst(%dma_wait3A_956 : memref<16x128xi32, #tpu.memory_space<vmem>>)
        %dma_start3A_961 = arith.constant 0 : i32
        %dma_start3A_962 = arith.constant 0 : i32
        %dma_start3A_963 = arith.constant 0 : i32
        %dma_start3A_964 = tpu.memref_slice %arg6[%dma_start3A_961, %dma_start3A_962, %dma_start3A_963] : memref<2x16x128xi32, #tpu.memory_space<vmem>> -> memref<1x1x128xi32, #tpu.memory_space<vmem>>
        %dma_start3A_965 = tpu.memref_squeeze %dma_start3A_964 : memref<1x1x128xi32, #tpu.memory_space<vmem>> -> memref<128xi32, #tpu.memory_space<vmem>>
        %dma_start3A_966 = arith.constant 0 : i32
        %dma_start3A_967 = arith.constant 0 : i32
        %dma_start3A_968 = tpu.memref_slice %arg2[%arg0, %dma_start3A_966, %dma_start3A_967] : memref<2x10000x128xf32, #tpu.memory_space<hbm>> -> memref<1x10000x128xf32, #tpu.memory_space<hbm>>
        %dma_start3A_969 = tpu.memref_squeeze %dma_start3A_968 : memref<1x10000x128xf32, #tpu.memory_space<hbm>> -> memref<10000x128xf32, #tpu.memory_space<hbm>>
        %dma_start3A_970 = arith.constant 0 : i32
        %dma_start3A_971 = arith.constant 0 : i32
        %dma_start3A_972 = tpu.memref_slice %dma_start3A_969[%dma_start3A_970, %dma_start3A_971] : memref<10000x128xf32, #tpu.memory_space<hbm>> -> memref<10000x128xf32, #tpu.memory_space<hbm>>
        tpu.enqueue_indirect_dma source(%dma_start3A_972 : memref<10000x128xf32, #tpu.memory_space<hbm>>) target(%arg8 : memref<128x128xf32, #tpu.memory_space<vmem>>) offsets(%dma_start3A_965 : memref<128xi32, #tpu.memory_space<vmem>>) semaphore(%arg13 : memref<!tpu.dma_semaphore, #tpu.memory_space<semaphore_mem>>)
      } else {
      }
      %dma_wait3A_907 = arith.constant 1 : i32
      %dma_wait3A_908 = arith.constant 15 : i32
      %dma_wait3A_909 = arith.constant 0 : i32
      %dma_wait3A_910 = tpu.memref_slice %arg6[%dma_wait3A_907, %dma_wait3A_908, %dma_wait3A_909] : memref<2x16x128xi32, #tpu.memory_space<vmem>> -> memref<1x1x128xi32, #tpu.memory_space<vmem>>
      %dma_wait3A_911 = tpu.memref_squeeze %dma_wait3A_910 : memref<1x1x128xi32, #tpu.memory_space<vmem>> -> memref<128xi32, #tpu.memory_space<vmem>>
      %dma_wait3A_912 = arith.constant 0 : i32
      %dma_wait3A_913 = arith.constant 0 : i32
      %dma_wait3A_914 = tpu.memref_slice %arg2[%arg0, %dma_wait3A_912, %dma_wait3A_913] : memref<2x10000x128xf32, #tpu.memory_space<hbm>> -> memref<1x10000x128xf32, #tpu.memory_space<hbm>>
      %dma_wait3A_915 = tpu.memref_squeeze %dma_wait3A_914 : memref<1x10000x128xf32, #tpu.memory_space<hbm>> -> memref<10000x128xf32, #tpu.memory_space<hbm>>
      %dma_wait3A_916 = arith.constant 0 : i32
      %dma_wait3A_917 = arith.constant 0 : i32
      %dma_wait3A_918 = tpu.memref_slice %dma_wait3A_915[%dma_wait3A_916, %dma_wait3A_917] : memref<10000x128xf32, #tpu.memory_space<hbm>> -> memref<10000x128xf32, #tpu.memory_space<hbm>>
      tpu.wait_indirect_dma semaphore(%arg14 : memref<!tpu.dma_semaphore, #tpu.memory_space<semaphore_mem>>) src(%dma_wait3A_918 : memref<10000x128xf32, #tpu.memory_space<hbm>>) dst(%arg9 : memref<128x128xf32, #tpu.memory_space<vmem>>)
      %run_scoped3A_919 = arith.constant 1 : i32
      %run_scoped3A_920 = arith.constant 15 : i32
      "tpu.region"() ({
        %run_scoped3A_927 = tpu.sem_alloc : memref<!tpu.dma_semaphore, #tpu.memory_space<semaphore_mem>>
        %dma_start3A_928 = arith.constant 0 : i32
        %dma_start3A_929 = tpu.memref_slice %arg7[%run_scoped3A_919, %run_scoped3A_920, %dma_start3A_928] : memref<2x16x128xi32, #tpu.memory_space<vmem>> -> memref<1x1x128xi32, #tpu.memory_space<vmem>>
        %dma_start3A_930 = tpu.memref_squeeze %dma_start3A_929 : memref<1x1x128xi32, #tpu.memory_space<vmem>> -> memref<128xi32, #tpu.memory_space<vmem>>
        %dma_start3A_931 = arith.constant 0 : i32
        %dma_start3A_932 = arith.constant 0 : i32
        %dma_start3A_933 = tpu.memref_slice %arg10[%dma_start3A_931, %dma_start3A_932] : memref<10008x128xf32, #tpu.memory_space<vmem_shared>> -> memref<10008x128xf32, #tpu.memory_space<vmem_shared>>
        tpu.enqueue_indirect_dma source(%arg9 : memref<128x128xf32, #tpu.memory_space<vmem>>) target(%dma_start3A_933 : memref<10008x128xf32, #tpu.memory_space<vmem_shared>>) offsets(%dma_start3A_930 : memref<128xi32, #tpu.memory_space<vmem>>) semaphore(%run_scoped3A_927 : memref<!tpu.dma_semaphore, #tpu.memory_space<semaphore_mem>>) {add = true}
        %dma_wait3A_934 = arith.constant 0 : i32
        %dma_wait3A_935 = tpu.memref_slice %arg7[%run_scoped3A_919, %run_scoped3A_920, %dma_wait3A_934] : memref<2x16x128xi32, #tpu.memory_space<vmem>> -> memref<1x1x128xi32, #tpu.memory_space<vmem>>
        %dma_wait3A_936 = tpu.memref_squeeze %dma_wait3A_935 : memref<1x1x128xi32, #tpu.memory_space<vmem>> -> memref<128xi32, #tpu.memory_space<vmem>>
        %dma_wait3A_937 = arith.constant 0 : i32
        %dma_wait3A_938 = arith.constant 0 : i32
        %dma_wait3A_939 = tpu.memref_slice %arg10[%dma_wait3A_937, %dma_wait3A_938] : memref<10008x128xf32, #tpu.memory_space<vmem_shared>> -> memref<10008x128xf32, #tpu.memory_space<vmem_shared>>
        tpu.wait_indirect_dma semaphore(%run_scoped3A_927 : memref<!tpu.dma_semaphore, #tpu.memory_space<semaphore_mem>>) src(%arg9 : memref<128x128xf32, #tpu.memory_space<vmem>>) dst(%dma_wait3A_939 : memref<10008x128xf32, #tpu.memory_space<vmem_shared>>)
        tpu.yield
      }) : () -> ()
      %convert_element_type3A_921 = arith.extui %lt3A_73 : i1 to i32
      %cond3A_922 = arith.constant 0 : i32
      %cond3A_923 = arith.cmpi ne, %convert_element_type3A_921, %cond3A_922 : i32
      scf.if %cond3A_923 {
        %mul3A_927 = arith.constant 2 : i32
        %mul3A_928 = arith.muli %mul3A_927, %scan3A_72 : i32
        %add3A = arith.constant 3 : i32
        %add3A_929 = arith.addi %mul3A_928, %add3A : i32
        %mul3A_930 = arith.constant 16 : i32
        %mul3A_931 = arith.muli %add3A_929, %mul3A_930 : i32
        %dma_start3A_932 = arith.constant 1 : i32
        %dma_start3A_933 = arith.constant 0 : i32
        %dma_start3A_934 = arith.constant 0 : i32
        %dma_start3A_935 = tpu.memref_slice %arg6[%dma_start3A_932, %dma_start3A_933, %dma_start3A_934] : memref<2x16x128xi32, #tpu.memory_space<vmem>> -> memref<1x16x128xi32, #tpu.memory_space<vmem>>
        %dma_start3A_936 = tpu.memref_squeeze %dma_start3A_935 : memref<1x16x128xi32, #tpu.memory_space<vmem>> -> memref<16x128xi32, #tpu.memory_space<vmem>>
        %dma_start3A_937 = arith.constant 0 : i32
        %dma_start3A_938 = tpu.memref_slice %arg3[%arg1, %mul3A_931, %dma_start3A_937] : memref<16x160x128xi32, #tpu.memory_space<hbm>> -> memref<1x16x128xi32, #tpu.memory_space<hbm>>
        %dma_start3A_939 = tpu.memref_squeeze %dma_start3A_938 : memref<1x16x128xi32, #tpu.memory_space<hbm>> -> memref<16x128xi32, #tpu.memory_space<hbm>>
        %dma_start3A_940 = arith.constant 0 : i32
        %dma_start3A_941 = arith.constant 0 : i32
        %dma_start3A_942 = tpu.memref_slice %arg6[%dma_start3A_932, %dma_start3A_940, %dma_start3A_941] : memref<2x16x128xi32, #tpu.memory_space<vmem>> -> memref<1x16x128xi32, #tpu.memory_space<vmem>>
        %dma_start3A_943 = tpu.memref_squeeze %dma_start3A_942 : memref<1x16x128xi32, #tpu.memory_space<vmem>> -> memref<16x128xi32, #tpu.memory_space<vmem>>
        %dma_start3A_944 = arith.constant 0 : i32
        %dma_start3A_945 = tpu.memref_slice %arg3[%arg1, %mul3A_931, %dma_start3A_944] : memref<16x160x128xi32, #tpu.memory_space<hbm>> -> memref<1x16x128xi32, #tpu.memory_space<hbm>>
        %dma_start3A_946 = tpu.memref_squeeze %dma_start3A_945 : memref<1x16x128xi32, #tpu.memory_space<hbm>> -> memref<16x128xi32, #tpu.memory_space<hbm>>
        tpu.enqueue_dma source(%dma_start3A_946 : memref<16x128xi32, #tpu.memory_space<hbm>>) target(%dma_start3A_943 : memref<16x128xi32, #tpu.memory_space<vmem>>) target_semaphore(%arg12 : memref<!tpu.dma_semaphore, #tpu.memory_space<semaphore_mem>>)
        %dma_start3A_947 = arith.constant 1 : i32
        %dma_start3A_948 = arith.constant 0 : i32
        %dma_start3A_949 = arith.constant 0 : i32
        %dma_start3A_950 = tpu.memref_slice %arg7[%dma_start3A_947, %dma_start3A_948, %dma_start3A_949] : memref<2x16x128xi32, #tpu.memory_space<vmem>> -> memref<1x16x128xi32, #tpu.memory_space<vmem>>
        %dma_start3A_951 = tpu.memref_squeeze %dma_start3A_950 : memref<1x16x128xi32, #tpu.memory_space<vmem>> -> memref<16x128xi32, #tpu.memory_space<vmem>>
        %dma_start3A_952 = arith.constant 0 : i32
        %dma_start3A_953 = tpu.memref_slice %arg4[%arg1, %mul3A_931, %dma_start3A_952] : memref<16x160x128xi32, #tpu.memory_space<hbm>> -> memref<1x16x128xi32, #tpu.memory_space<hbm>>
        %dma_start3A_954 = tpu.memref_squeeze %dma_start3A_953 : memref<1x16x128xi32, #tpu.memory_space<hbm>> -> memref<16x128xi32, #tpu.memory_space<hbm>>
        %dma_start3A_955 = arith.constant 0 : i32
        %dma_start3A_956 = arith.constant 0 : i32
        %dma_start3A_957 = tpu.memref_slice %arg7[%dma_start3A_947, %dma_start3A_955, %dma_start3A_956] : memref<2x16x128xi32, #tpu.memory_space<vmem>> -> memref<1x16x128xi32, #tpu.memory_space<vmem>>
        %dma_start3A_958 = tpu.memref_squeeze %dma_start3A_957 : memref<1x16x128xi32, #tpu.memory_space<vmem>> -> memref<16x128xi32, #tpu.memory_space<vmem>>
        %dma_start3A_959 = arith.constant 0 : i32
        %dma_start3A_960 = tpu.memref_slice %arg4[%arg1, %mul3A_931, %dma_start3A_959] : memref<16x160x128xi32, #tpu.memory_space<hbm>> -> memref<1x16x128xi32, #tpu.memory_space<hbm>>
        %dma_start3A_961 = tpu.memref_squeeze %dma_start3A_960 : memref<1x16x128xi32, #tpu.memory_space<hbm>> -> memref<16x128xi32, #tpu.memory_space<hbm>>
        tpu.enqueue_dma source(%dma_start3A_961 : memref<16x128xi32, #tpu.memory_space<hbm>>) target(%dma_start3A_958 : memref<16x128xi32, #tpu.memory_space<vmem>>) target_semaphore(%arg12 : memref<!tpu.dma_semaphore, #tpu.memory_space<semaphore_mem>>)
      } else {
      }
      %convert_element_type3A_924 = arith.extui %lt3A_73 : i1 to i32
      %cond3A_925 = arith.constant 0 : i32
      %cond3A_926 = arith.cmpi ne, %convert_element_type3A_924, %cond3A_925 : i32
      scf.if %cond3A_926 {
        %dma_start3A_927 = arith.constant 0 : i32
        %dma_start3A_928 = arith.constant 1 : i32
        %dma_start3A_929 = arith.constant 0 : i32
        %dma_start3A_930 = tpu.memref_slice %arg6[%dma_start3A_927, %dma_start3A_928, %dma_start3A_929] : memref<2x16x128xi32, #tpu.memory_space<vmem>> -> memref<1x1x128xi32, #tpu.memory_space<vmem>>
        %dma_start3A_931 = tpu.memref_squeeze %dma_start3A_930 : memref<1x1x128xi32, #tpu.memory_space<vmem>> -> memref<128xi32, #tpu.memory_space<vmem>>
        %dma_start3A_932 = arith.constant 0 : i32
        %dma_start3A_933 = arith.constant 0 : i32
        %dma_start3A_934 = tpu.memref_slice %arg2[%arg0, %dma_start3A_932, %dma_start3A_933] : memref<2x10000x128xf32, #tpu.memory_space<hbm>> -> memref<1x10000x128xf32, #tpu.memory_space<hbm>>
        %dma_start3A_935 = tpu.memref_squeeze %dma_start3A_934 : memref<1x10000x128xf32, #tpu.memory_space<hbm>> -> memref<10000x128xf32, #tpu.memory_space<hbm>>
        %dma_start3A_936 = arith.constant 0 : i32
        %dma_start3A_937 = arith.constant 0 : i32
        %dma_start3A_938 = tpu.memref_slice %dma_start3A_935[%dma_start3A_936, %dma_start3A_937] : memref<10000x128xf32, #tpu.memory_space<hbm>> -> memref<10000x128xf32, #tpu.memory_space<hbm>>
        tpu.enqueue_indirect_dma source(%dma_start3A_938 : memref<10000x128xf32, #tpu.memory_space<hbm>>) target(%arg9 : memref<128x128xf32, #tpu.memory_space<vmem>>) offsets(%dma_start3A_931 : memref<128xi32, #tpu.memory_space<vmem>>) semaphore(%arg14 : memref<!tpu.dma_semaphore, #tpu.memory_space<semaphore_mem>>)
      } else {
      }
    }
    %scan3A_65 = arith.constant 5 : i32
    %barrier3A_66 = arith.constant 0 : index
    tpu.barrier barrier_id(%barrier3A_66)
    "tpu.region"() ({
      %run_scoped3A_72 = tpu.sem_alloc : memref<!tpu.dma_semaphore, #tpu.memory_space<semaphore_mem>>
      %dma_start3A_73 = arith.constant 0 : i32
      %dma_start3A_74 = tpu.memref_slice %arg5[%arg0, %mul3A_0, %dma_start3A_73] : memref<2x10000x128xf32, #tpu.memory_space<hbm>> -> memref<1x624x128xf32, #tpu.memory_space<hbm>>
      %dma_start3A_75 = tpu.memref_squeeze %dma_start3A_74 : memref<1x624x128xf32, #tpu.memory_space<hbm>> -> memref<624x128xf32, #tpu.memory_space<hbm>>
      %dma_start3A_76 = arith.constant 0 : i32
      %dma_start3A_77 = tpu.memref_slice %arg10[%mul3A_0, %dma_start3A_76] : memref<10008x128xf32, #tpu.memory_space<vmem_shared>> -> memref<624x128xf32, #tpu.memory_space<vmem_shared>>
      tpu.enqueue_dma source(%dma_start3A_77 : memref<624x128xf32, #tpu.memory_space<vmem_shared>>) target(%dma_start3A_75 : memref<624x128xf32, #tpu.memory_space<hbm>>) target_semaphore(%run_scoped3A_72 : memref<!tpu.dma_semaphore, #tpu.memory_space<semaphore_mem>>)
      %dma_wait3A = arith.constant 0 : i32
      %dma_wait3A_78 = tpu.memref_slice %arg5[%arg0, %mul3A_0, %dma_wait3A] : memref<2x10000x128xf32, #tpu.memory_space<hbm>> -> memref<1x624x128xf32, #tpu.memory_space<hbm>>
      %dma_wait3A_79 = tpu.memref_squeeze %dma_wait3A_78 : memref<1x624x128xf32, #tpu.memory_space<hbm>> -> memref<624x128xf32, #tpu.memory_space<hbm>>
      %dma_wait3A_80 = arith.constant 0 : i32
      %dma_wait3A_81 = tpu.memref_slice %arg10[%mul3A_0, %dma_wait3A_80] : memref<10008x128xf32, #tpu.memory_space<vmem_shared>> -> memref<624x128xf32, #tpu.memory_space<vmem_shared>>
      tpu.wait_dma2 semaphore(%run_scoped3A_72 : memref<!tpu.dma_semaphore, #tpu.memory_space<semaphore_mem>>) src(%dma_wait3A_81 : memref<624x128xf32, #tpu.memory_space<vmem_shared>>) dst(%dma_wait3A_79 : memref<624x128xf32, #tpu.memory_space<hbm>>)
      tpu.yield
    }) : () -> ()
    %eq3A_67 = arith.constant 0 : i32
    %eq3A_68 = arith.cmpi eq, %arg1, %eq3A_67 : i32
    %convert_element_type3A_69 = arith.extui %eq3A_68 : i1 to i32
    %cond3A_70 = arith.constant 0 : i32
    %cond3A_71 = arith.cmpi ne, %convert_element_type3A_69, %cond3A_70 : i32
    scf.if %cond3A_71 {
      "tpu.region"() ({
        %run_scoped3A_72 = tpu.sem_alloc : memref<!tpu.dma_semaphore, #tpu.memory_space<semaphore_mem>>
        %dma_start3A_73 = arith.constant 9984 : i32
        %dma_start3A_74 = arith.constant 0 : i32
        %dma_start3A_75 = tpu.memref_slice %arg5[%arg0, %dma_start3A_73, %dma_start3A_74] : memref<2x10000x128xf32, #tpu.memory_space<hbm>> -> memref<1x16x128xf32, #tpu.memory_space<hbm>>
        %dma_start3A_76 = tpu.memref_squeeze %dma_start3A_75 : memref<1x16x128xf32, #tpu.memory_space<hbm>> -> memref<16x128xf32, #tpu.memory_space<hbm>>
        %dma_start3A_77 = arith.constant 9984 : i32
        %dma_start3A_78 = arith.constant 0 : i32
        %dma_start3A_79 = tpu.memref_slice %arg10[%dma_start3A_77, %dma_start3A_78] : memref<10008x128xf32, #tpu.memory_space<vmem_shared>> -> memref<16x128xf32, #tpu.memory_space<vmem_shared>>
        tpu.enqueue_dma source(%dma_start3A_79 : memref<16x128xf32, #tpu.memory_space<vmem_shared>>) target(%dma_start3A_76 : memref<16x128xf32, #tpu.memory_space<hbm>>) target_semaphore(%run_scoped3A_72 : memref<!tpu.dma_semaphore, #tpu.memory_space<semaphore_mem>>)
        %dma_wait3A = arith.constant 9984 : i32
        %dma_wait3A_80 = arith.constant 0 : i32
        %dma_wait3A_81 = tpu.memref_slice %arg5[%arg0, %dma_wait3A, %dma_wait3A_80] : memref<2x10000x128xf32, #tpu.memory_space<hbm>> -> memref<1x16x128xf32, #tpu.memory_space<hbm>>
        %dma_wait3A_82 = tpu.memref_squeeze %dma_wait3A_81 : memref<1x16x128xf32, #tpu.memory_space<hbm>> -> memref<16x128xf32, #tpu.memory_space<hbm>>
        %dma_wait3A_83 = arith.constant 9984 : i32
        %dma_wait3A_84 = arith.constant 0 : i32
        %dma_wait3A_85 = tpu.memref_slice %arg10[%dma_wait3A_83, %dma_wait3A_84] : memref<10008x128xf32, #tpu.memory_space<vmem_shared>> -> memref<16x128xf32, #tpu.memory_space<vmem_shared>>
        tpu.wait_dma2 semaphore(%run_scoped3A_72 : memref<!tpu.dma_semaphore, #tpu.memory_space<semaphore_mem>>) src(%dma_wait3A_85 : memref<16x128xf32, #tpu.memory_space<vmem_shared>>) dst(%dma_wait3A_82 : memref<16x128xf32, #tpu.memory_space<hbm>>)
        tpu.yield
      }) : () -> ()
    } else {
    }
    return
  }
}

module attributes {stable_mosaic.version = 14 : i64} {
  func.func @_pre_body(%arg0: i32, %arg1: memref<2000x128xf32, #tpu.memory_space<vmem>>, %arg2: memref<1x128xf32, #tpu.memory_space<vmem>>, %arg3: memref<1x128xf32, #tpu.memory_space<vmem>>, %arg4: memref<256x128xf32, #tpu.memory_space<vmem>>, %arg5: memref<1x256xf32, #tpu.memory_space<vmem>>, %arg6: memref<256x256xf32, #tpu.memory_space<vmem>>, %arg7: memref<2x2000x128xf32, #tpu.memory_space<vmem>>) attributes {dimension_semantics = [#tpu.dimension_semantics<arbitrary>], iteration_bounds = array<i64: 5>, scalar_prefetch = 0 : i64, scratch_operands = 0 : i64, tpu.core_type = #tpu.core_type<tc>, window_params = [{transform_indices = @transform_0, window_bounds = array<i64: 2000, 128>}, {pipeline_mode = #tpu.pipeline_mode<synchronous>, transform_indices = @transform_1, window_bounds = array<i64: 1, 128>}, {pipeline_mode = #tpu.pipeline_mode<synchronous>, transform_indices = @transform_2, window_bounds = array<i64: 1, 128>}, {pipeline_mode = #tpu.pipeline_mode<synchronous>, transform_indices = @transform_3, window_bounds = array<i64: 256, 128>}, {pipeline_mode = #tpu.pipeline_mode<synchronous>, transform_indices = @transform_4, window_bounds = array<i64: 1, 256>}, {pipeline_mode = #tpu.pipeline_mode<synchronous>, transform_indices = @transform_5, window_bounds = array<i64: 256, 256>}, {transform_indices = @transform_6, window_bounds = array<i64: 2, 2000, 128>}]} {
    %get3A = arith.constant 0 : index
    %get3A_0 = arith.constant 0 : index
    %get3A_1 = vector.load %arg1[%get3A, %get3A_0] : memref<2000x128xf32, #tpu.memory_space<vmem>>, vector<2000x128xf32>
    %get3A_2 = arith.constant 0 : index
    %get3A_3 = arith.constant 0 : index
    %get3A_4 = vector.load %arg2[%get3A_2, %get3A_3] : memref<1x128xf32, #tpu.memory_space<vmem>>, vector<1x128xf32>
    %mul3A = arith.constant 0.999994993 : f32
    %mul3A_5 = vector.broadcast %mul3A : f32 to vector<1x128xf32>
    %mul3A_6 = arith.mulf %get3A_4, %mul3A_5 : vector<1x128xf32>
    %mul3A_7 = vector.broadcast %mul3A_6 : vector<1x128xf32> to vector<2000x128xf32>
    %mul3A_8 = arith.mulf %get3A_1, %mul3A_7 : vector<2000x128xf32>
    %get3A_9 = arith.constant 0 : index
    %get3A_10 = arith.constant 0 : index
    %get3A_11 = vector.load %arg3[%get3A_9, %get3A_10] : memref<1x128xf32, #tpu.memory_space<vmem>>, vector<1x128xf32>
    %add3A = vector.broadcast %get3A_11 : vector<1x128xf32> to vector<2000x128xf32>
    %add3A_12 = arith.addf %mul3A_8, %add3A : vector<2000x128xf32>
    %get3A_13 = arith.constant 0 : index
    %get3A_14 = arith.constant 0 : index
    %get3A_15 = vector.load %arg4[%get3A_13, %get3A_14] : memref<256x128xf32, #tpu.memory_space<vmem>>, vector<256x128xf32>
    %dot_general3A = arith.constant dense<0.000000e+00> : vector<2000x256xf32>
    %dot_general3A_16 = tpu.matmul %add3A_12, %get3A_15, %dot_general3A {dimension_numbers = #tpu.dot_dimension_numbers<[1], [1], [0], [0], [0, 0, 1, 0], [], []>, transpose_lhs_hint = false} : vector<2000x128xf32>, vector<256x128xf32>, vector<2000x256xf32> -> vector<2000x256xf32>
    %get3A_17 = arith.constant 0 : index
    %get3A_18 = arith.constant 0 : index
    %get3A_19 = vector.load %arg5[%get3A_17, %get3A_18] : memref<1x256xf32, #tpu.memory_space<vmem>>, vector<1x256xf32>
    %add3A_20 = vector.broadcast %get3A_19 : vector<1x256xf32> to vector<2000x256xf32>
    %add3A_21 = arith.addf %dot_general3A_16, %add3A_20 : vector<2000x256xf32>
    %max3A = arith.constant 0.000000e+00 : f32
    %max3A_22 = vector.broadcast %max3A : f32 to vector<2000x256xf32>
    %max3A_23 = arith.maximumf %add3A_21, %max3A_22 : vector<2000x256xf32>
    %get3A_24 = arith.constant 0 : index
    %get3A_25 = arith.constant 0 : index
    %get3A_26 = vector.load %arg6[%get3A_24, %get3A_25] : memref<256x256xf32, #tpu.memory_space<vmem>>, vector<256x256xf32>
    %slice3A = vector.extract_strided_slice %get3A_26 {offsets = [0, 0], sizes = [128, 256], strides = [1, 1]} : vector<256x256xf32> to vector<128x256xf32>
    %dot_general3A_27 = arith.constant dense<0.000000e+00> : vector<2000x128xf32>
    %dot_general3A_28 = tpu.matmul %max3A_23, %slice3A, %dot_general3A_27 {dimension_numbers = #tpu.dot_dimension_numbers<[1], [1], [0], [0], [0, 0, 1, 0], [], []>, transpose_lhs_hint = false} : vector<2000x256xf32>, vector<128x256xf32>, vector<2000x128xf32> -> vector<2000x128xf32>
    %swap3A = arith.constant 0 : index
    %swap3A_29 = arith.constant 0 : index
    %swap3A_30 = arith.constant 0 : index
    %swap3A_31 = vector.load %arg7[%swap3A, %swap3A_29, %swap3A_30] : memref<2x2000x128xf32, #tpu.memory_space<vmem>>, vector<1x2000x128xf32>
    %swap3A_32 = vector.shape_cast %swap3A_31 : vector<1x2000x128xf32> to vector<2000x128xf32>
    %swap3A_33 = vector.shape_cast %dot_general3A_28 : vector<2000x128xf32> to vector<1x2000x128xf32>
    tpu.vector_store %arg7[%swap3A, %swap3A_29, %swap3A_30], %swap3A_33 {strides = array<i32>} : memref<2x2000x128xf32, #tpu.memory_space<vmem>>, vector<1x2000x128xf32>,
    %slice3A_34 = vector.extract_strided_slice %get3A_26 {offsets = [128, 0], sizes = [128, 256], strides = [1, 1]} : vector<256x256xf32> to vector<128x256xf32>
    %dot_general3A_35 = arith.constant dense<0.000000e+00> : vector<2000x128xf32>
    %dot_general3A_36 = tpu.matmul %max3A_23, %slice3A_34, %dot_general3A_35 {dimension_numbers = #tpu.dot_dimension_numbers<[1], [1], [0], [0], [0, 0, 1, 0], [], []>, transpose_lhs_hint = false} : vector<2000x256xf32>, vector<128x256xf32>, vector<2000x128xf32> -> vector<2000x128xf32>
    %swap3A_37 = arith.constant 1 : index
    %swap3A_38 = arith.constant 0 : index
    %swap3A_39 = arith.constant 0 : index
    %swap3A_40 = vector.load %arg7[%swap3A_37, %swap3A_38, %swap3A_39] : memref<2x2000x128xf32, #tpu.memory_space<vmem>>, vector<1x2000x128xf32>
    %swap3A_41 = vector.shape_cast %swap3A_40 : vector<1x2000x128xf32> to vector<2000x128xf32>
    %swap3A_42 = vector.shape_cast %dot_general3A_36 : vector<2000x128xf32> to vector<1x2000x128xf32>
    tpu.vector_store %arg7[%swap3A_37, %swap3A_38, %swap3A_39], %swap3A_42 {strides = array<i32>} : memref<2x2000x128xf32, #tpu.memory_space<vmem>>, vector<1x2000x128xf32>,
    return
  }
  func.func @transform_0(%arg0: i32) -> (i32, i32) {
    %c0_i32 = arith.constant 0 : i32
    %c0_i32_0 = arith.constant 0 : i32
    return %arg0, %c0_i32 : i32, i32
  }
  func.func @transform_1(%arg0: i32) -> (i32, i32) {
    %c0_i32 = arith.constant 0 : i32
    %c0_i32_0 = arith.constant 0 : i32
    %c0_i32_1 = arith.constant 0 : i32
    return %c0_i32, %c0_i32_0 : i32, i32
  }
  func.func @transform_2(%arg0: i32) -> (i32, i32) {
    %c0_i32 = arith.constant 0 : i32
    %c0_i32_0 = arith.constant 0 : i32
    %c0_i32_1 = arith.constant 0 : i32
    return %c0_i32, %c0_i32_0 : i32, i32
  }
  func.func @transform_3(%arg0: i32) -> (i32, i32) {
    %c0_i32 = arith.constant 0 : i32
    %c0_i32_0 = arith.constant 0 : i32
    %c0_i32_1 = arith.constant 0 : i32
    return %c0_i32, %c0_i32_0 : i32, i32
  }
  func.func @transform_4(%arg0: i32) -> (i32, i32) {
    %c0_i32 = arith.constant 0 : i32
    %c0_i32_0 = arith.constant 0 : i32
    %c0_i32_1 = arith.constant 0 : i32
    return %c0_i32, %c0_i32_0 : i32, i32
  }
  func.func @transform_5(%arg0: i32) -> (i32, i32) {
    %c0_i32 = arith.constant 0 : i32
    %c0_i32_0 = arith.constant 0 : i32
    %c0_i32_1 = arith.constant 0 : i32
    return %c0_i32, %c0_i32_0 : i32, i32
  }
  func.func @transform_6(%arg0: i32) -> (i32, i32, i32) {
    %c0_i32 = arith.constant 0 : i32
    %c0_i32_0 = arith.constant 0 : i32
    %c0_i32_1 = arith.constant 0 : i32
    return %c0_i32, %arg0, %c0_i32_0 : i32, i32, i32
  }
}

module attributes {stable_mosaic.version = 14 : i64} {
  func.func @_mid_body(%arg0: i32, %arg1: memref<2x2000x128xf32, #tpu.memory_space<vmem>>, %arg2: memref<1x256xf32, #tpu.memory_space<vmem>>, %arg3: memref<256x256xf32, #tpu.memory_space<vmem>>, %arg4: memref<2x2000x128xf32, #tpu.memory_space<vmem>>) attributes {dimension_semantics = [#tpu.dimension_semantics<arbitrary>], iteration_bounds = array<i64: 5>, scalar_prefetch = 0 : i64, scratch_operands = 0 : i64, tpu.core_type = #tpu.core_type<tc>, window_params = [{transform_indices = @transform_0, window_bounds = array<i64: 2, 2000, 128>}, {pipeline_mode = #tpu.pipeline_mode<synchronous>, transform_indices = @transform_1, window_bounds = array<i64: 1, 256>}, {pipeline_mode = #tpu.pipeline_mode<synchronous>, transform_indices = @transform_2, window_bounds = array<i64: 256, 256>}, {transform_indices = @transform_3, window_bounds = array<i64: 2, 2000, 128>}]} {
    %get3A = arith.constant 0 : index
    %get3A_0 = arith.constant 0 : index
    %get3A_1 = vector.load %arg2[%get3A, %get3A_0] : memref<1x256xf32, #tpu.memory_space<vmem>>, vector<1x256xf32>
    %get3A_2 = arith.constant 0 : index
    %get3A_3 = arith.constant 0 : index
    %get3A_4 = arith.constant 0 : index
    %get3A_5 = vector.load %arg1[%get3A_2, %get3A_3, %get3A_4] : memref<2x2000x128xf32, #tpu.memory_space<vmem>>, vector<1x2000x128xf32>
    %get3A_6 = vector.shape_cast %get3A_5 : vector<1x2000x128xf32> to vector<2000x128xf32>
    %slice3A = vector.extract_strided_slice %get3A_1 {offsets = [0, 0], sizes = [1, 128], strides = [1, 1]} : vector<1x256xf32> to vector<1x128xf32>
    %add3A = vector.broadcast %slice3A : vector<1x128xf32> to vector<2000x128xf32>
    %add3A_7 = arith.addf %get3A_6, %add3A : vector<2000x128xf32>
    %max3A = arith.constant 0.000000e+00 : f32
    %max3A_8 = vector.broadcast %max3A : f32 to vector<2000x128xf32>
    %max3A_9 = arith.maximumf %add3A_7, %max3A_8 : vector<2000x128xf32>
    %get3A_10 = arith.constant 1 : index
    %get3A_11 = arith.constant 0 : index
    %get3A_12 = arith.constant 0 : index
    %get3A_13 = vector.load %arg1[%get3A_10, %get3A_11, %get3A_12] : memref<2x2000x128xf32, #tpu.memory_space<vmem>>, vector<1x2000x128xf32>
    %get3A_14 = vector.shape_cast %get3A_13 : vector<1x2000x128xf32> to vector<2000x128xf32>
    %slice3A_15 = vector.extract_strided_slice %get3A_1 {offsets = [0, 128], sizes = [1, 128], strides = [1, 1]} : vector<1x256xf32> to vector<1x128xf32>
    %add3A_16 = vector.broadcast %slice3A_15 : vector<1x128xf32> to vector<2000x128xf32>
    %add3A_17 = arith.addf %get3A_14, %add3A_16 : vector<2000x128xf32>
    %max3A_18 = arith.constant 0.000000e+00 : f32
    %max3A_19 = vector.broadcast %max3A_18 : f32 to vector<2000x128xf32>
    %max3A_20 = arith.maximumf %add3A_17, %max3A_19 : vector<2000x128xf32>
    %get3A_21 = arith.constant 0 : index
    %get3A_22 = arith.constant 0 : index
    %get3A_23 = vector.load %arg3[%get3A_21, %get3A_22] : memref<256x256xf32, #tpu.memory_space<vmem>>, vector<256x256xf32>
    %slice3A_24 = vector.extract_strided_slice %get3A_23 {offsets = [0, 0], sizes = [128, 128], strides = [1, 1]} : vector<256x256xf32> to vector<128x128xf32>
    %dot_general3A = arith.constant dense<0.000000e+00> : vector<2000x128xf32>
    %dot_general3A_25 = tpu.matmul %max3A_9, %slice3A_24, %dot_general3A {dimension_numbers = #tpu.dot_dimension_numbers<[1], [1], [0], [0], [0, 0, 1, 0], [], []>, transpose_lhs_hint = false} : vector<2000x128xf32>, vector<128x128xf32>, vector<2000x128xf32> -> vector<2000x128xf32>
    %slice3A_26 = vector.extract_strided_slice %get3A_23 {offsets = [0, 128], sizes = [128, 128], strides = [1, 1]} : vector<256x256xf32> to vector<128x128xf32>
    %dot_general3A_27 = arith.constant dense<0.000000e+00> : vector<2000x128xf32>
    %dot_general3A_28 = tpu.matmul %max3A_20, %slice3A_26, %dot_general3A_27 {dimension_numbers = #tpu.dot_dimension_numbers<[1], [1], [0], [0], [0, 0, 1, 0], [], []>, transpose_lhs_hint = false} : vector<2000x128xf32>, vector<128x128xf32>, vector<2000x128xf32> -> vector<2000x128xf32>
    %add3A_29 = arith.addf %dot_general3A_25, %dot_general3A_28 : vector<2000x128xf32>
    %swap3A = arith.constant 0 : index
    %swap3A_30 = arith.constant 0 : index
    %swap3A_31 = arith.constant 0 : index
    %swap3A_32 = vector.load %arg4[%swap3A, %swap3A_30, %swap3A_31] : memref<2x2000x128xf32, #tpu.memory_space<vmem>>, vector<1x2000x128xf32>
    %swap3A_33 = vector.shape_cast %swap3A_32 : vector<1x2000x128xf32> to vector<2000x128xf32>
    %swap3A_34 = vector.shape_cast %add3A_29 : vector<2000x128xf32> to vector<1x2000x128xf32>
    tpu.vector_store %arg4[%swap3A, %swap3A_30, %swap3A_31], %swap3A_34 {strides = array<i32>} : memref<2x2000x128xf32, #tpu.memory_space<vmem>>, vector<1x2000x128xf32>,
    %slice3A_35 = vector.extract_strided_slice %get3A_23 {offsets = [128, 0], sizes = [128, 128], strides = [1, 1]} : vector<256x256xf32> to vector<128x128xf32>
    %dot_general3A_36 = arith.constant dense<0.000000e+00> : vector<2000x128xf32>
    %dot_general3A_37 = tpu.matmul %max3A_9, %slice3A_35, %dot_general3A_36 {dimension_numbers = #tpu.dot_dimension_numbers<[1], [1], [0], [0], [0, 0, 1, 0], [], []>, transpose_lhs_hint = false} : vector<2000x128xf32>, vector<128x128xf32>, vector<2000x128xf32> -> vector<2000x128xf32>
    %slice3A_38 = vector.extract_strided_slice %get3A_23 {offsets = [128, 128], sizes = [128, 128], strides = [1, 1]} : vector<256x256xf32> to vector<128x128xf32>
    %dot_general3A_39 = arith.constant dense<0.000000e+00> : vector<2000x128xf32>
    %dot_general3A_40 = tpu.matmul %max3A_20, %slice3A_38, %dot_general3A_39 {dimension_numbers = #tpu.dot_dimension_numbers<[1], [1], [0], [0], [0, 0, 1, 0], [], []>, transpose_lhs_hint = false} : vector<2000x128xf32>, vector<128x128xf32>, vector<2000x128xf32> -> vector<2000x128xf32>
    %add3A_41 = arith.addf %dot_general3A_37, %dot_general3A_40 : vector<2000x128xf32>
    %swap3A_42 = arith.constant 1 : index
    %swap3A_43 = arith.constant 0 : index
    %swap3A_44 = arith.constant 0 : index
    %swap3A_45 = vector.load %arg4[%swap3A_42, %swap3A_43, %swap3A_44] : memref<2x2000x128xf32, #tpu.memory_space<vmem>>, vector<1x2000x128xf32>
    %swap3A_46 = vector.shape_cast %swap3A_45 : vector<1x2000x128xf32> to vector<2000x128xf32>
    %swap3A_47 = vector.shape_cast %add3A_41 : vector<2000x128xf32> to vector<1x2000x128xf32>
    tpu.vector_store %arg4[%swap3A_42, %swap3A_43, %swap3A_44], %swap3A_47 {strides = array<i32>} : memref<2x2000x128xf32, #tpu.memory_space<vmem>>, vector<1x2000x128xf32>,
    return
  }
  func.func @transform_0(%arg0: i32) -> (i32, i32, i32) {
    %c0_i32 = arith.constant 0 : i32
    %c0_i32_0 = arith.constant 0 : i32
    %c0_i32_1 = arith.constant 0 : i32
    return %c0_i32, %arg0, %c0_i32_0 : i32, i32, i32
  }
  func.func @transform_1(%arg0: i32) -> (i32, i32) {
    %c0_i32 = arith.constant 0 : i32
    %c0_i32_0 = arith.constant 0 : i32
    %c0_i32_1 = arith.constant 0 : i32
    return %c0_i32, %c0_i32_0 : i32, i32
  }
  func.func @transform_2(%arg0: i32) -> (i32, i32) {
    %c0_i32 = arith.constant 0 : i32
    %c0_i32_0 = arith.constant 0 : i32
    %c0_i32_1 = arith.constant 0 : i32
    return %c0_i32, %c0_i32_0 : i32, i32
  }
  func.func @transform_3(%arg0: i32) -> (i32, i32, i32) {
    %c0_i32 = arith.constant 0 : i32
    %c0_i32_0 = arith.constant 0 : i32
    %c0_i32_1 = arith.constant 0 : i32
    return %c0_i32, %arg0, %c0_i32_0 : i32, i32, i32
  }
}

module attributes {stable_mosaic.version = 14 : i64} {
  func.func @_post_body(%arg0: i32, %arg1: memref<2x2000x128xf32, #tpu.memory_space<vmem>>, %arg2: memref<1x256xf32, #tpu.memory_space<vmem>>, %arg3: memref<1x256xf32, #tpu.memory_space<vmem>>, %arg4: memref<1x1xf32, #tpu.memory_space<vmem>>, %arg5: memref<1x1xf32, #tpu.memory_space<vmem>>, %arg6: memref<1x256xf32, #tpu.memory_space<vmem>>) attributes {dimension_semantics = [#tpu.dimension_semantics<arbitrary>], iteration_bounds = array<i64: 5>, scalar_prefetch = 0 : i64, scratch_operands = 1 : i64, tpu.core_type = #tpu.core_type<tc>, window_params = [{transform_indices = @transform_0, window_bounds = array<i64: 2, 2000, 128>}, {pipeline_mode = #tpu.pipeline_mode<synchronous>, transform_indices = @transform_1, window_bounds = array<i64: 1, 256>}, {pipeline_mode = #tpu.pipeline_mode<synchronous>, transform_indices = @transform_2, window_bounds = array<i64: 1, 256>}, {pipeline_mode = #tpu.pipeline_mode<synchronous>, transform_indices = @transform_3, window_bounds = array<i64: 1, 1>}, {pipeline_mode = #tpu.pipeline_mode<synchronous>, transform_indices = @transform_4, window_bounds = array<i64: 1, 1>}]} {
    %get3A = arith.constant 0 : index
    %get3A_0 = arith.constant 0 : index
    %get3A_1 = vector.load %arg2[%get3A, %get3A_0] : memref<1x256xf32, #tpu.memory_space<vmem>>, vector<1x256xf32>
    %get3A_2 = arith.constant 0 : index
    %get3A_3 = arith.constant 0 : index
    %get3A_4 = arith.constant 0 : index
    %get3A_5 = vector.load %arg1[%get3A_2, %get3A_3, %get3A_4] : memref<2x2000x128xf32, #tpu.memory_space<vmem>>, vector<1x2000x128xf32>
    %get3A_6 = vector.shape_cast %get3A_5 : vector<1x2000x128xf32> to vector<2000x128xf32>
    %slice3A = vector.extract_strided_slice %get3A_1 {offsets = [0, 0], sizes = [1, 128], strides = [1, 1]} : vector<1x256xf32> to vector<1x128xf32>
    %add3A = vector.broadcast %slice3A : vector<1x128xf32> to vector<2000x128xf32>
    %add3A_7 = arith.addf %get3A_6, %add3A : vector<2000x128xf32>
    %max3A = arith.constant 0.000000e+00 : f32
    %max3A_8 = vector.broadcast %max3A : f32 to vector<2000x128xf32>
    %max3A_9 = arith.maximumf %add3A_7, %max3A_8 : vector<2000x128xf32>
    %get3A_10 = arith.constant 1 : index
    %get3A_11 = arith.constant 0 : index
    %get3A_12 = arith.constant 0 : index
    %get3A_13 = vector.load %arg1[%get3A_10, %get3A_11, %get3A_12] : memref<2x2000x128xf32, #tpu.memory_space<vmem>>, vector<1x2000x128xf32>
    %get3A_14 = vector.shape_cast %get3A_13 : vector<1x2000x128xf32> to vector<2000x128xf32>
    %slice3A_15 = vector.extract_strided_slice %get3A_1 {offsets = [0, 128], sizes = [1, 128], strides = [1, 1]} : vector<1x256xf32> to vector<1x128xf32>
    %add3A_16 = vector.broadcast %slice3A_15 : vector<1x128xf32> to vector<2000x128xf32>
    %add3A_17 = arith.addf %get3A_14, %add3A_16 : vector<2000x128xf32>
    %max3A_18 = arith.constant 0.000000e+00 : f32
    %max3A_19 = vector.broadcast %max3A_18 : f32 to vector<2000x128xf32>
    %max3A_20 = arith.maximumf %add3A_17, %max3A_19 : vector<2000x128xf32>
    %reduce_sum3A = arith.constant dense<0.000000e+00> : vector<128xf32>
    %reduce_sum3A_21 = vector.multi_reduction <add>, %max3A_9, %reduce_sum3A [0] : vector<2000x128xf32> to vector<128xf32>
    %broadcast_in_dim3A = vector.shape_cast %reduce_sum3A_21 : vector<128xf32> to vector<1x128xf32>
    %reduce_sum3A_22 = arith.constant dense<0.000000e+00> : vector<128xf32>
    %reduce_sum3A_23 = vector.multi_reduction <add>, %max3A_20, %reduce_sum3A_22 [0] : vector<2000x128xf32> to vector<128xf32>
    %broadcast_in_dim3A_24 = vector.shape_cast %reduce_sum3A_23 : vector<128xf32> to vector<1x128xf32>
    %concatenate3A = tpu.concatenate %broadcast_in_dim3A, %broadcast_in_dim3A_24 in 1 : vector<1x128xf32>, vector<1x128xf32> -> vector<1x256xf32>
    %eq3A = arith.constant 0 : i32
    %eq3A_25 = arith.cmpi eq, %arg0, %eq3A : i32
    %convert_element_type3A = arith.extui %eq3A_25 : i1 to i32
    %cond3A = arith.constant 0 : i32
    %cond3A_26 = arith.cmpi ne, %convert_element_type3A, %cond3A : i32
    scf.if %cond3A_26 {
      %swap3A = arith.constant 0 : index
      %swap3A_36 = arith.constant 0 : index
      %swap3A_37 = vector.load %arg6[%swap3A, %swap3A_36] : memref<1x256xf32, #tpu.memory_space<vmem>>, vector<1x256xf32>
      tpu.vector_store %arg6[%swap3A, %swap3A_36], %concatenate3A {strides = array<i32>} : memref<1x256xf32, #tpu.memory_space<vmem>>, vector<1x256xf32>,
    } else {
    }
    %gt3A = arith.constant 0 : i32
    %gt3A_27 = arith.cmpi sgt, %arg0, %gt3A : i32
    %convert_element_type3A_28 = arith.extui %gt3A_27 : i1 to i32
    %cond3A_29 = arith.constant 0 : i32
    %cond3A_30 = arith.cmpi ne, %convert_element_type3A_28, %cond3A_29 : i32
    scf.if %cond3A_30 {
      %get3A_36 = arith.constant 0 : index
      %get3A_37 = arith.constant 0 : index
      %get3A_38 = vector.load %arg6[%get3A_36, %get3A_37] : memref<1x256xf32, #tpu.memory_space<vmem>>, vector<1x256xf32>
      %add3A_39 = arith.addf %get3A_38, %concatenate3A : vector<1x256xf32>
      %swap3A = arith.constant 0 : index
      %swap3A_40 = arith.constant 0 : index
      %swap3A_41 = vector.load %arg6[%swap3A, %swap3A_40] : memref<1x256xf32, #tpu.memory_space<vmem>>, vector<1x256xf32>
      tpu.vector_store %arg6[%swap3A, %swap3A_40], %add3A_39 {strides = array<i32>} : memref<1x256xf32, #tpu.memory_space<vmem>>, vector<1x256xf32>,
    } else {
    }
    %eq3A_31 = arith.constant 4 : i32
    %eq3A_32 = arith.cmpi eq, %arg0, %eq3A_31 : i32
    %convert_element_type3A_33 = arith.extui %eq3A_32 : i1 to i32
    %cond3A_34 = arith.constant 0 : i32
    %cond3A_35 = arith.cmpi ne, %convert_element_type3A_33, %cond3A_34 : i32
    scf.if %cond3A_35 {
      %get3A_36 = arith.constant 0 : index
      %get3A_37 = arith.constant 0 : index
      %get3A_38 = vector.load %arg6[%get3A_36, %get3A_37] : memref<1x256xf32, #tpu.memory_space<vmem>>, vector<1x256xf32>
      %mul3A = arith.constant 9.99999974E-5 : f32
      %mul3A_39 = vector.broadcast %mul3A : f32 to vector<1x256xf32>
      %mul3A_40 = arith.mulf %get3A_38, %mul3A_39 : vector<1x256xf32>
      %get3A_41 = arith.constant 0 : index
      %get3A_42 = arith.constant 0 : index
      %get3A_43 = vector.load %arg3[%get3A_41, %get3A_42] : memref<1x256xf32, #tpu.memory_space<vmem>>, vector<1x256xf32>
      %mul3A_44 = arith.mulf %mul3A_40, %get3A_43 : vector<1x256xf32>
      %reduce_sum3A_45 = arith.constant dense<0.000000e+00> : vector<1xf32>
      %reduce_sum3A_46 = vector.multi_reduction <add>, %mul3A_44, %reduce_sum3A_45 [1] : vector<1x256xf32> to vector<1xf32>
      %broadcast_in_dim3A_47 = vector.shape_cast %reduce_sum3A_46 : vector<1xf32> to vector<1x1xf32>
      %get3A_48 = arith.constant 0 : index
      %get3A_49 = arith.constant 0 : index
      %get3A_50 = vector.load %arg4[%get3A_48, %get3A_49] : memref<1x1xf32, #tpu.memory_space<vmem>>, vector<1x1xf32>
      %add3A_51 = arith.addf %broadcast_in_dim3A_47, %get3A_50 : vector<1x1xf32>
      %swap3A = arith.constant 0 : index
      %swap3A_52 = arith.constant 0 : index
      %swap3A_53 = vector.load %arg5[%swap3A, %swap3A_52] : memref<1x1xf32, #tpu.memory_space<vmem>>, vector<1x1xf32>
      tpu.vector_store %arg5[%swap3A, %swap3A_52], %add3A_51 {strides = array<i32>} : memref<1x1xf32, #tpu.memory_space<vmem>>, vector<1x1xf32>,
    } else {
    }
    return
  }
  func.func @transform_0(%arg0: i32) -> (i32, i32, i32) {
    %c0_i32 = arith.constant 0 : i32
    %c0_i32_0 = arith.constant 0 : i32
    %c0_i32_1 = arith.constant 0 : i32
    return %c0_i32, %arg0, %c0_i32_0 : i32, i32, i32
  }
  func.func @transform_1(%arg0: i32) -> (i32, i32) {
    %c0_i32 = arith.constant 0 : i32
    %c0_i32_0 = arith.constant 0 : i32
    %c0_i32_1 = arith.constant 0 : i32
    return %c0_i32, %c0_i32_0 : i32, i32
  }
  func.func @transform_2(%arg0: i32) -> (i32, i32) {
    %c0_i32 = arith.constant 0 : i32
    %c0_i32_0 = arith.constant 0 : i32
    %c0_i32_1 = arith.constant 0 : i32
    return %c0_i32, %c0_i32_0 : i32, i32
  }
  func.func @transform_3(%arg0: i32) -> (i32, i32) {
    %c0_i32 = arith.constant 0 : i32
    %c0_i32_0 = arith.constant 0 : i32
    %c0_i32_1 = arith.constant 0 : i32
    return %c0_i32, %c0_i32_0 : i32, i32
  }
  func.func @transform_4(%arg0: i32) -> (i32, i32) {
    %c0_i32 = arith.constant 0 : i32
    %c0_i32_0 = arith.constant 0 : i32
    %c0_i32_1 = arith.constant 0 : i32
    return %c0_i32, %c0_i32_0 : i32, i32
  }
}

</mosaic_0001>

<sc_bundles>
// kernel: kernel.10.cloned.1.call-start
scs
__scs_entry_jumppad:
0x0: {  	(pc) =	sbr.rel $0x88, $3  }
0x1: {  	(tag) =	ssettag $0x0;
	lr =	simm.s32 $0x1  }
0x2: {  	[smem:$0x3F95] =	sst lr;
	_ =	strace $0xD0000000  }
0x3: {  	_ = 	snop  }
0x4: {  	_ = 	snop  }
0x5: {  	_ = 	snop  }
0x6: {  	_ = 	snop  }
0x7: {  	_ = 	snop  }
__scs_overlays_trampoline_lowered:
0x8: {  	[smem:$0x3FA4] =	sst s0  }
0x9: {  	[smem:$0x3FA5] =	sst s1  }
0xa: {  	[smem:$0x3FA6] =	sst s2  }
0xb: {  	[smem:$0x3FA7] =	sst s3  }
0xc: {  	[smem:$0x3FA8] =	sst s4  }
0xd: {  	[smem:$0x3FA9] =	sst s5  }
0xe: {  	[smem:$0x3FAA] =	sst s6  }
0xf: {  	[smem:$0x3FAB] =	sst s7  }
0x10: {  	[smem:$0x3FAC] =	sst s8  }
0x11: {  	[smem:$0x3FAD] =	sst s9;
	s0 =	simm.s32 @!p0 $0x0  }
0x12: {  	s1 =	sld [smem:$0x3F93];
	s0 =	simm.s32 @p0 $0x1  }
0x13: {  	[smem:$0x3FAE] =	sst s0;
	s0 =	simm.s32 @!p1 $0x0  }
0x14: {  	s2 =	sld [smem:$0x3F92];
	s0 =	simm.s32 @p1 $0x1  }
0x15: {  	[smem:$0x3FAF] =	sst s0;
	s0 =	simm.s32 @!p2 $0x0  }
0x16: {  	s3 =	sld [smem:$0x3FDB];
	s0 =	simm.s32 @p2 $0x1  }
0x17: {  	s4 =	simm.s32 $0x1BF5;
	[smem:$0x3FB1] =	sst s0  }
0x18: {  	s0 =	sld [smem:$0x3F94];
	_ =	swait.ge [sflag:s4], $0x0  }
0x19: {  	s7 =	sld [smem:$0x3F95]  }
0x1a: {  	s8 =	sadd.s32 $0xFFFFE003, lr  }
0x1b: {  	s9 =	sadd.s32 $0xFFFFFEF7, lr;
	s5 =	simm.s32 $0xFFFFFFFF;
	p2 =	slt.u32 s8, $0xFFFFF086  }
0x1c: {  	p1 =	slt.u32 s9, $0xF7A;
	s5 =	simm.s32 @!p2 $0x0  }
0x1d: {  	s5 =	simm.s32 @p1 $0x1;
	p0 =	seq.s32 s7, s2  }
0x1e: {  	s7 =	smul.u32 @!p0 $0xF7A, s2;
	p2 =	seq.s32 @!p0 s5, $0x0  }
0x1f: {  	s9 =	smul.u32 $0xF7A, s1;
	s8 =	simm.s32 @!p0 $0x1BF5;
	p2 =	por !p2, p0  }
0x20: {  	[sflag:s8] =	ssyncset.s32 @!p0 $0xFFFFF086;
	s6 =	sadd.s32 @!p0 s3, s7;
	s7 =	simm.s32 @!p0 $0x108  }
0x21: {  	s3 =	sadd.s32 s3, s9;
	s6 =	sadd.s32 @!p0 $0x88, s6;
	s7 =	simm.s32 @p2 $0x1082  }
0x22: {  	[simem:s7], [sflag:s8] =	dma.local @!p0 [hbm:s6], $0xF7A  }
0x23: {  	s9 =	sor.u32 $0xD0000000, s2;
	s6 =	simm.s32 $0x108;
	_ =	swait.ge @!p0 [sflag:s8], $0x0  }
0x24: {  	s3 =	sadd.s32 $0x88, s3;
	s6 =	simm.s32 @!p1 $0x1082;
	[sflag:s4] =	ssyncset.s32 $0xFFFFF086  }
0x25: {  	[simem:s6], [sflag:s4] =	dma.local [hbm:s3], $0xF7A  }
0x26: {  	[smem:$0x3F95] =	sst s1;
	(tag) =	ssettag s2;
	_ =	strace s9  }
0x27: {  	s1 =	sld [smem:$0x3FA5]  }
0x28: {  	s2 =	sld [smem:$0x3FA6]  }
0x29: {  	s4 =	sld [smem:$0x3FA8]  }
0x2a: {  	p0 =	seq.s32 s5, $0x0;
	s5 =	sld [smem:$0x3FA9]  }
0x2b: {  	s6 =	sld [smem:$0x3FAA]  }
0x2c: {  	s7 =	sld [smem:$0x3FAB]  }
0x2d: {  	s3 =	simm.s32 $0x108;
	s8 =	sld [smem:$0x3FAC]  }
0x2e: {  	s3 =	simm.s32 @!p0 $0x1082;
	s9 =	sld [smem:$0x3FAD]  }
0x2f: {  	lr =	sadd.s32 s0, s3;
	s0 =	sld [smem:$0x3FA4]  }
0x30: {  	s3 =	sld [smem:$0x3FA7]  }
0x31: {  	[smem:$0x3FB0] =	sst s10  }
0x32: {  	s10 =	sld [smem:$0x3FAE];
	_ =	sdelay $0x3  }
0x33: {  	p0 =	seq.s32 s10, $0x1;
	s10 =	sld [smem:$0x3FB0];
	_ =	sdelay $0x3  }
0x34: {  	[smem:$0x3FB0] =	sst s10  }
0x35: {  	s10 =	sld [smem:$0x3FAF];
	_ =	sdelay $0x3  }
0x36: {  	p1 =	seq.s32 s10, $0x1;
	s10 =	sld [smem:$0x3FB0];
	_ =	sdelay $0x3  }
0x37: {  	[smem:$0x3FB0] =	sst s10  }
0x38: {  	s10 =	sld [smem:$0x3FB1]  }
0x39: {  	_ = 	snop;
	(pc) =	sbr.ind lr, $3  }
0x3a: {  	_ = 	snop  }
0x3b: {  	_ = 	snop  }
0x3c: {  	p2 =	seq.s32 s10, $0x1;
	s10 =	sld [smem:$0x3FB0]  }
0x3d: {  	_ =	shalt  }
0x3e: {  	_ =	shalt  }
0x3f: {  	_ =	shalt  }
0x40: {  	_ =	shalt  }
0x41: {  	_ =	shalt  }
0x42: {  	_ =	shalt  }
0x43: {  	_ =	shalt  }
0x44: {  	_ =	shalt  }
0x45: {  	_ =	shalt  }
0x46: {  	_ =	shalt  }
0x47: {  	_ =	shalt  }
0x48: {  	_ =	shalt  }
0x49: {  	_ =	shalt  }
0x4a: {  	_ =	shalt  }
0x4b: {  	_ =	shalt  }
0x4c: {  	_ =	shalt  }
0x4d: {  	_ =	shalt  }
0x4e: {  	_ =	shalt  }
0x4f: {  	_ =	shalt  }
0x50: {  	_ =	shalt  }
0x51: {  	_ =	shalt  }
0x52: {  	_ =	shalt  }
0x53: {  	_ =	shalt  }
0x54: {  	_ =	shalt  }
0x55: {  	_ =	shalt  }
0x56: {  	_ =	shalt  }
0x57: {  	_ =	shalt  }
0x58: {  	_ =	shalt  }
0x59: {  	_ =	shalt  }
0x5a: {  	_ =	shalt  }
0x5b: {  	_ =	shalt  }
0x5c: {  	_ =	shalt  }
0x5d: {  	_ =	shalt  }
0x5e: {  	_ =	shalt  }
0x5f: {  	_ =	shalt  }
0x60: {  	_ =	shalt  }
0x61: {  	_ =	shalt  }
0x62: {  	_ =	shalt  }
0x63: {  	_ =	shalt  }
0x64: {  	_ =	shalt  }
0x65: {  	_ =	shalt  }
0x66: {  	_ =	shalt  }
0x67: {  	_ =	shalt  }
0x68: {  	_ =	shalt  }
0x69: {  	_ =	shalt  }
0x6a: {  	_ =	shalt  }
0x6b: {  	_ =	shalt  }
0x6c: {  	_ =	shalt  }
0x6d: {  	_ =	shalt  }
0x6e: {  	_ =	shalt  }
0x6f: {  	_ =	shalt  }
0x70: {  	_ =	shalt  }
0x71: {  	_ =	shalt  }
0x72: {  	_ =	shalt  }
0x73: {  	_ =	shalt  }
0x74: {  	_ =	shalt  }
0x75: {  	_ =	shalt  }
0x76: {  	_ =	shalt  }
0x77: {  	_ =	shalt  }
0x78: {  	_ =	shalt  }
0x79: {  	_ =	shalt  }
0x7a: {  	_ =	shalt  }
0x7b: {  	_ =	shalt  }
0x7c: {  	_ =	shalt  }
0x7d: {  	_ =	shalt  }
0x7e: {  	_ =	shalt  }
0x7f: {  	_ =	shalt  }
0x80: {  	_ =	shalt  }
0x81: {  	_ =	shalt  }
0x82: {  	_ =	shalt  }
0x83: {  	_ =	shalt  }
0x84: {  	_ =	shalt  }
0x85: {  	_ =	shalt  }
0x86: {  	_ =	shalt  }
0x87: {  	_ =	shalt  }
.Lfunc_end0:
.L_simem_size_0:
called_computation.1_lowered:
.L_overlay_start_0:
0x88: {  	s2 =	sld [smem:$0x3FD9]  }
0x89: {  	s3 =	sld [smem:$0x3FFE];
	_ =	sdelay $0x1  }
0x8a: {  	s1 =	srdreg.scid  }
0x8b: {  	s0 =	sand.u32 $0x1, s1  }
0x8c: {  	s16 =	sshll.u32 s0, $0xA;
	s2 =	sadd.s32 s3, s2  }
0x8d: {  	s2 =	sadd.s32 s2, s16  }
0x8e: {  	[smem:$0x3FBC] =	sst s2  }
0x8f: {  	_ = 	snop  }
0x90: {  	(tm) =	ssettm $0x1  }
0x91: {  	s17 =	sld [smem:$0x3FFB];
	_ =	sdelay $0x3  }
0x92: {  	_ =	strace s17  }
0x93: {  	s2 =	sld [smem:$0x3FFC];
	_ =	sdelay $0x3  }
0x94: {  	_ =	strace s2  }
0x95: {  	s2 =	sld [smem:$0x3FFD];
	_ =	sdelay $0x3  }
0x96: {  	_ =	strace s2  }
0x97: {  	_ =	strace $0x8FFFFFFF  }
0x98: {  	s18 =	sld [smem:$0x3FDB];
	_ =	sdelay $0x1  }
0x99: {  	s19 =	simm.s32 $_scs_section_size  }
0x9a: {  	s4 =	simm.s32 $_size__tile_overlayer_lowered;
	s5 =	simm.s32 $_tile_overlayer_lowered  }
0x9b: {  	s22 =	simm.s32 $0x1BFF;
	s21 =	sshll.u32 s5, $0x1;
	s2 =	sadd.s32 s19, s18  }
0x9c: {  	s6 =	simm.s32 $0x0;
	s20 =	sshll.u32 s4, $0x1;
	s4 =	sadd.s32 s21, s2  }
0x9d: {  	[timem:s6], [sflag:s22] =	dma.local [hbm:s4], s20  }
0x9e: {  	_ =	swait.ge [sflag:s22], s20  }
0x9f: {  	s3 =	ssub.s32 $0x0, s20;
	[sflag:s22] =	ssyncset.done $0x0  }
0xa0: {  	[sflag:s22] =	ssyncadd.s32 s3;
	_ =	sdelay $0x1  }
0xa1: {  	s23 =	simm.s32 $0x1B8B  }
0xa2: {  	_ =	swait.ge [sflag:s23], $0x1  }
0xa3: {  	[sflag:s23] =	ssyncset.done $0x0  }
0xa4: {  	s25 =	simm.s32 $0x1B8E;
	s24 =	sld [smem:$0x3FFE];
	[sflag:s23] =	ssyncadd.s32 $0xFFFFFFFF  }
0xa5: {  	s26 =	simm.s32 $execute0_lowered;
	[smem:$0x3FD2] =	sst s25  }
0xa6: {  	s4 =	sshll.u32 s26, $0x1;
	_ =	strace $0x80000049;
	[dreg:$0x1] =	wrdreg $0xFFFFFFFF  }
0xa7: {  	s28 =	simm.s32 $_size_execute0_lowered;
	s2 =	sadd.s32 s2, s4;
	[dreg:$0x0] =	wrdreg $0x0  }
0xa8: {  	s4 =	sshll.u32 s28, $0x1;
	[dreg:$0x2] =	wrdreg s2  }
0xa9: {  	[dreg:$0x3] =	wrdreg s4  }
0xaa: {  	[dreg:$0x4] =	wrdreg $0xC0  }
0xab: {  	_ =	task [dreg:s6], $0x5FFFF  }
0xac: {  	[dreg:$0x1] =	wrdreg $0xFFFFFFFF  }
0xad: {  	[dreg:$0x0] =	wrdreg $0x60  }
0xae: {  	[dreg:$0x2] =	wrdreg s24  }
0xaf: {  	[dreg:$0x3] =	wrdreg $0xA0000  }
0xb0: {  	[dreg:$0x4] =	wrdreg $0x9  }
0xb1: {  	_ =	task.clear_ibuf [dreg:s6], $0x5FFFF;
	_ =	strace $0x90000049  }
0xb2: {  	s29 =	simm.s32 $0x9;
	_ =	strace $0x8000004B  }
0xb3: {  	_ =	swait.ge [sflag:s29], $0x1  }
0xb4: {  	[sflag:s29] =	ssyncadd.s32 $0xFFFFFFFF  }
0xb5: {  	_ =	strace $0x9000004B  }
0xb6: {  	_ =	sfence  }
0xb7: {  	s30 =	sld [smem:$0x0];
	_ =	sdelay $0x2  }
0xb8: {  	s31 =	sshll.u32 s1, $0xD;
	s1 =	sshrl.u32 s1, $0x2  }
0xb9: {  	s3 =	sand.u32 $0x4000, s31;
	s1 =	sadd.s32 s1, s30  }
0xba: {  	s0 =	sor.u32 s3, s0;
	s1 =	sshll.u32 s1, $0x11  }
0xbb: {  	s0 =	sor.u32 s1, s0  }
0xbc: {  	s0 =	sadd.s32 $0x8F2B, s0  }
0xbd: {  	[sflag:s0] =	ssyncadd.remote.s32 $0x1  }
0xbe: {  	_ =	sfence.sel $0xFFFF  }
0xbf: {  	[dreg:$0x0] =	wrdreg $0xFFFFFFFF;
	(pc) =	sbr.abs _section_cstart, $3  }
0xc0: {  	[dreg:$0x1] =	wrdreg $0xFFFFFFFF  }
0xc1: {  	_ =	task.clear_ibuf [dreg:s6], $0x2FFFF;
	_ =	strace $0x9FFFFFFF  }
0xc2: {  	(tm) =	ssettm $0x7FFFFFFF  }
0xc3: {  	_ =	shalt  }
tec
execute0_lowered:
.L_overlay_start_1:
0x0: {  	(tag) =	ssettag $0x1  }
0x1: {  	s0 =	rddreg [dreg:$0x0]  }
0x2: {  	s1 =	rddreg [dreg:$0x1];
	s2 =	simm.s32 $0x0  }
0x3: {  	s3 =	srdreg.scid;
	s4 =	stileid.u32;
	s14 =	simm.s32 $0xD80  }
0x4: {  	s15 =	simm.s32 $0x1D00;
	s29 =	simm.s32 $0xE80;
	s30 =	simm.s32 $0x1E00  }
0x5: {  	s31 =	simm.s32 $0xF00;
	[smem:$0x7FF] =	sst s2;
	s3 =	sand.u32 $0x1, s3  }
0x6: {  	s5 =	smul.u32 $0x4E000, s4;
	s7 =	sadd.s32 $0x15C00, s0;
	s8 =	sadd.s32 $0x1C00, s0  }
0x7: {  	s9 =	smul.u32 $0x13800, s4;
	s10 =	sadd.s32 $0xBC00, s0;
	s0 =	sadd.s32 $0x63E00, s0  }
0x8: {  	s17 =	sshll.u32 s4, $0x6;
	s18 =	smul.u32 $0x5000, s4;
	s20 =	sadd.s32 $0x138000, s1  }
0x9: {  	s25 =	smul.u32 $0xA00, s4;
	p0 =	sne.s32 s4, $0x0;
	s4 =	simm.s32 $0x1F80  }
0xa: {  	s28 =	simm.s32 $0x4;
	_ =	strace $0x8000004A;
	s6 =	smul.u32 $0x138800, s3  }
0xb: {  	s3 =	ssub.s32 $0x2, s3;
	s13 =	sor.u32 $0x1C05, s17;
	[dreg:$0x6] =	wrdreg s20  }
0xc: {  	s20 =	simm.s32 $0x800;
	s11 =	sshrl.u32 s3, $0x1;
	s5 =	sshrl.u32 s5, $0x2  }
0xd: {  	s17 =	sadd.s32 s25, s8;
	s9 =	sadd.s32 s9, s6;
	s3 =	ssub.s32 s3, s11  }
0xe: {  	s5 =	sadd.s32 s5, s1;
	s6 =	sshrl.u32 s6, $0x3;
	s11 =	sshrl.u32 s18, $0x3  }
0xf: {  	s18 =	simm.s32 $0x5;
	[dreg:$0x3] =	wrdreg s5;
	s16 =	sshrl.u32 s9, $0x3  }
0x10: {  	s19 =	sadd.s32 $0x27000, s6;
	s22 =	sadd.s32 s8, s11;
	s23 =	sadd.s32 s10, s11  }
0x11: {  	s11 =	sor.u32 $0x100, s11;
	s26 =	smax.u32 s3, $0x1;
	s9 =	simm.s32 $0x2  }
0x12: {  	s3 =	simm.s32 $0xF80;
	s12 =	sadd.s32 s7, s16;
	[dreg:$0x8] =	wrdreg s22  }
0x13: {  	s21 =	sadd.s32 s7, s19;
	[dreg:$0x9] =	wrdreg s23;
	s24 =	sadd.s32 s8, s11  }
0x14: {  	s11 =	sadd.s32 s10, s11;
	s5 =	sadd.s32 s0, s16;
	[dreg:$0xe] =	wrdreg s26  }
0x15: {  	s0 =	sadd.s32 s0, s19;
	s16 =	sadd.s32 s25, s10;
	[dreg:$0x4] =	wrdreg s12  }
0x16: {  	s8 =	smov.u32 s13;
	s22 =	simm.s32 $0x80;
	[dreg:$0x7] =	wrdreg s21  }
0x17: {  	s23 =	simm.s32 $0x2000;
	s25 =	simm.s32 $0x3;
	[dreg:$0xa] =	wrdreg s24  }
.Ltmp0:
0x18: {  	s13 =	simm.s32 $0x1C80;
	[dreg:$0xb] =	wrdreg s11;
	(pc) =	sbr.rel .LBB2_1-.Ltmp0, $4  }
0x19: {  	s26 =	simm.s32 $0x1D80;
	s19 =	simm.s32 $0x1F00;
	[dreg:$0xc] =	wrdreg s5  }
0x1a: {  	s12 =	sadd.s32 s7, s6;
	[dreg:$0xd] =	wrdreg s0;
	s21 =	simm.s32 $0x1800  }
0x1b: {  	s24 =	simm.s32 $0x6000;
	s5 =	simm.s32 $0xE00;
	s0 =	simm.s32 $0x1E80  }
0x1c: {  	s6 =	simm.s32 $0x1;
	s11 =	simm.s32 $0x0;
	[dreg:$0x5] =	wrdreg s8  }
.LBB2_4:
0x1d: {  	_ =	swait.ge [sflag:s28], $0x4000  }
0x1e: {  	[sflag:s28] =	ssyncset.done $0x0  }
0x1f: {  	[sflag:s28] =	ssyncadd.s32 $0xFFFFC000  }
0x20: {  	[spmem:s1] =	stream.indirect.scatter.add.f32 [tilespmem:s24], [sflag:$0x5], $0x80, s4, s22, $0xb8;
	[tilespmem:$0x1D8C0] =	vst v63  }
0x21: {  	_ =	swait.ge [sflag:s18], $0x4000  }
0x22: {  	[sflag:s18] =	ssyncset.done $0x0  }
0x23: {  	[sflag:s18] =	ssyncadd.s32 $0xFFFFC000  }
0x24: {  	[bflag:$0x0] =	sbarrier.arrive $0xFFFF  }
0x25: {  	s8 =	rddreg [dreg:$0x5]  }
0x26: {  	s7 =	rddreg [dreg:$0xc]  }
0x27: {  	s10 =	rddreg [dreg:$0x10]  }
0x28: {  	[hbm:s7], [sflag:s8] =	dma.local [spmem:s10], $0x2700  }
0x29: {  	_ =	swait.ge [sflag:s18], $0x2700  }
0x2a: {  	[sflag:s18] =	ssyncset.done $0x0;
	s7 =	rddreg [dreg:$0xd]  }
0x2b: {  	s10 =	rddreg [dreg:$0x11];
	[sflag:s18] =	ssyncadd.s32 $0xFFFFD900  }
0x2c: {  	[hbm:s7], [sflag:s8] =	dma.local @!p0 [spmem:s10], $0x100  }
0x2d: {  	s7 =	simm.s32 @!p0 $0x5  }
0x2e: {  	_ =	swait.ge @!p0 [sflag:s7], $0x100  }
0x2f: {  	s11 =	rddreg [dreg:$0xf]  }
0x30: {  	s10 =	rddreg [dreg:$0xe];
	s11 =	sadd.s32 $0x1, s11  }
0x31: {  	p1 =	sne.s32 s11, s10  }
.Ltmp1:
0x32: {  	_ = 	snop;
	(pc) =	sbr.rel @!p1 .LBB2_5-.Ltmp1, $3  }
0x33: {  	_ =	sdelay $0x1  }
0x34: {  	[sflag:s7] =	ssyncset.done @!p0 $0x0  }
0x35: {  	[sflag:s7] =	ssyncadd.s32 @!p0 $0xFFFFFF00  }
.LBB2_1:
0x36: {  	[dreg:$0xf] =	wrdreg s11  }
0x37: {  	s7 =	rddreg [dreg:$0x3]  }
0x38: {  	s11 =	rddreg [dreg:$0x4];
	s10 =	sshrl.u32 s7, $0x3  }
0x39: {  	[dreg:$0x10] =	wrdreg s10  }
0x3a: {  	[spmem:s10], [sflag:s8] =	dma.local [hbm:s11], $0x2700  }
0x3b: {  	_ =	swait.ge [sflag:s18], $0x2700  }
0x3c: {  	s7 =	rddreg [dreg:$0x6]  }
0x3d: {  	[sflag:s18] =	ssyncset.done $0x0;
	s10 =	sshrl.u32 @!p0 s7, $0x3;
	s7 =	rddreg [dreg:$0x7]  }
0x3e: {  	[sflag:s18] =	ssyncadd.s32 $0xFFFFD900;
	[dreg:$0x11] =	wrdreg s10  }
0x3f: {  	[spmem:s10], [sflag:s8] =	dma.local @!p0 [hbm:s7], $0x100  }
0x40: {  	s7 =	simm.s32 @!p0 $0x5  }
0x41: {  	_ =	swait.ge @!p0 [sflag:s7], $0x100  }
0x42: {  	[sflag:s7] =	ssyncset.done @!p0 $0x0  }
0x43: {  	[sflag:s7] =	ssyncadd.s32 @!p0 $0xFFFFFF00  }
0x44: {  	[bflag:$0x0] =	sbarrier.arrive $0xFFFF  }
0x45: {  	s8 =	rddreg [dreg:$0x8]  }
0x46: {  	[tilespmem:s2], [sflag:$0x5] =	stream.linear.gather [hbm4b:s8+s2], $0x800, $0x38;
	[tilespmem:$0x1D8C0] =	vst v63  }
0x47: {  	_ =	swait.ge [sflag:s18], $0x800  }
0x48: {  	[sflag:s18] =	ssyncset.done $0x0  }
0x49: {  	s11 =	simm.s32 $0x1000;
	s10 =	rddreg [dreg:$0x9];
	[sflag:s18] =	ssyncadd.s32 $0xFFFFF800  }
0x4a: {  	[tilespmem:s11], [sflag:$0x5] =	stream.linear.gather [hbm4b:s10+s2], $0x800, $0x38;
	[tilespmem:$0x1D8C0] =	vst v63  }
0x4b: {  	_ =	swait.ge [sflag:s18], $0x800  }
0x4c: {  	[sflag:s18] =	ssyncset.done $0x0  }
0x4d: {  	s10 =	rddreg [dreg:$0xa];
	[sflag:s18] =	ssyncadd.s32 $0xFFFFF800  }
0x4e: {  	[tilespmem:s20], [sflag:$0x2] =	stream.linear.gather [hbm4b:s10+s2], $0x800, $0x38;
	[tilespmem:$0x1D8C0] =	vst v63  }
0x4f: {  	s11 =	rddreg [dreg:$0xb]  }
0x50: {  	[tilespmem:s21], [sflag:$0x2] =	stream.linear.gather [hbm4b:s11+s2], $0x800, $0x38;
	[tilespmem:$0x1D8C0] =	vst v63  }
0x51: {  	_ = 	snop  }
0x52: {  	[tilespmem:s23], [sflag:$0x3] =	stream.indirect.gather [hbm4b:s12+s22], $0x80, s2, s22, $0xb8;
	[tilespmem:$0x1D8C0] =	vst v63  }
0x53: {  	s7 =	simm.s32 $0xFFFFF800  }
0x54: {  	[tilespmem:s24], [sflag:$0x4] =	stream.indirect.gather [hbm4b:s12+s22], $0x80, s22, s22, $0xb8;
	[tilespmem:$0x1D8C0] =	vst v63  }
.LBB2_2:
0x55: {  	_ =	swait.ge [sflag:s25], $0x4000  }
0x56: {  	[sflag:s25] =	ssyncset.done $0x0  }
0x57: {  	s8 =	simm.s32 $0x1000;
	[sflag:s25] =	ssyncadd.s32 $0xFFFFC000  }
0x58: {  	[spmem:s1] =	stream.indirect.scatter.add.f32 [tilespmem:s23], [sflag:$0x5], $0x80, s8, s22, $0xb8;
	[tilespmem:$0x1D8C0] =	vst v63  }
0x59: {  	_ =	swait.ge [sflag:s18], $0x4000  }
0x5a: {  	[sflag:s18] =	ssyncset.done $0x0  }
0x5b: {  	s11 =	simm.s32 $0x100;
	[sflag:s18] =	ssyncadd.s32 $0xFFFFC000  }
0x5c: {  	[tilespmem:s23], [sflag:$0x3] =	stream.indirect.gather [hbm4b:s12+s22], $0x80, s11, s22, $0xb8;
	[tilespmem:$0x1D8C0] =	vst v63  }
0x5d: {  	_ =	swait.ge [sflag:s28], $0x4000  }
0x5e: {  	[sflag:s28] =	ssyncset.done $0x0  }
0x5f: {  	s10 =	simm.s32 $0x1080;
	[sflag:s28] =	ssyncadd.s32 $0xFFFFC000  }
0x60: {  	[spmem:s1] =	stream.indirect.scatter.add.f32 [tilespmem:s24], [sflag:$0x5], $0x80, s10, s22, $0xb8;
	[tilespmem:$0x1D8C0] =	vst v63  }
0x61: {  	_ =	swait.ge [sflag:s18], $0x4000  }
0x62: {  	[sflag:s18] =	ssyncset.done $0x0  }
0x63: {  	s11 =	simm.s32 $0x180;
	[sflag:s18] =	ssyncadd.s32 $0xFFFFC000  }
0x64: {  	[tilespmem:s24], [sflag:$0x4] =	stream.indirect.gather [hbm4b:s12+s22], $0x80, s11, s22, $0xb8;
	[tilespmem:$0x1D8C0] =	vst v63  }
0x65: {  	_ =	swait.ge [sflag:s25], $0x4000  }
0x66: {  	[sflag:s25] =	ssyncset.done $0x0  }
0x67: {  	s10 =	simm.s32 $0x1100;
	[sflag:s25] =	ssyncadd.s32 $0xFFFFC000  }
0x68: {  	[spmem:s1] =	stream.indirect.scatter.add.f32 [tilespmem:s23], [sflag:$0x5], $0x80, s10, s22, $0xb8;
	[tilespmem:$0x1D8C0] =	vst v63  }
0x69: {  	_ =	swait.ge [sflag:s18], $0x4000  }
0x6a: {  	[sflag:s18] =	ssyncset.done $0x0  }
0x6b: {  	s11 =	simm.s32 $0x200;
	[sflag:s18] =	ssyncadd.s32 $0xFFFFC000  }
0x6c: {  	[tilespmem:s23], [sflag:$0x3] =	stream.indirect.gather [hbm4b:s12+s22], $0x80, s11, s22, $0xb8;
	[tilespmem:$0x1D8C0] =	vst v63  }
0x6d: {  	_ =	swait.ge [sflag:s28], $0x4000  }
0x6e: {  	[sflag:s28] =	ssyncset.done $0x0  }
0x6f: {  	s10 =	simm.s32 $0x1180;
	[sflag:s28] =	ssyncadd.s32 $0xFFFFC000  }
0x70: {  	[spmem:s1] =	stream.indirect.scatter.add.f32 [tilespmem:s24], [sflag:$0x5], $0x80, s10, s22, $0xb8;
	[tilespmem:$0x1D8C0] =	vst v63  }
0x71: {  	_ =	swait.ge [sflag:s18], $0x4000  }
0x72: {  	[sflag:s18] =	ssyncset.done $0x0  }
0x73: {  	s11 =	simm.s32 $0x280;
	[sflag:s18] =	ssyncadd.s32 $0xFFFFC000  }
0x74: {  	[tilespmem:s24], [sflag:$0x4] =	stream.indirect.gather [hbm4b:s12+s22], $0x80, s11, s22, $0xb8;
	[tilespmem:$0x1D8C0] =	vst v63  }
0x75: {  	_ =	swait.ge [sflag:s25], $0x4000  }
0x76: {  	[sflag:s25] =	ssyncset.done $0x0  }
0x77: {  	s10 =	simm.s32 $0x1200;
	[sflag:s25] =	ssyncadd.s32 $0xFFFFC000  }
0x78: {  	[spmem:s1] =	stream.indirect.scatter.add.f32 [tilespmem:s23], [sflag:$0x5], $0x80, s10, s22, $0xb8;
	[tilespmem:$0x1D8C0] =	vst v63  }
0x79: {  	_ =	swait.ge [sflag:s18], $0x4000  }
0x7a: {  	[sflag:s18] =	ssyncset.done $0x0  }
0x7b: {  	s11 =	simm.s32 $0x300;
	[sflag:s18] =	ssyncadd.s32 $0xFFFFC000  }
0x7c: {  	[tilespmem:s23], [sflag:$0x3] =	stream.indirect.gather [hbm4b:s12+s22], $0x80, s11, s22, $0xb8;
	[tilespmem:$0x1D8C0] =	vst v63  }
0x7d: {  	_ =	swait.ge [sflag:s28], $0x4000  }
0x7e: {  	[sflag:s28] =	ssyncset.done $0x0  }
0x7f: {  	s10 =	simm.s32 $0x1280;
	[sflag:s28] =	ssyncadd.s32 $0xFFFFC000  }
0x80: {  	[spmem:s1] =	stream.indirect.scatter.add.f32 [tilespmem:s24], [sflag:$0x5], $0x80, s10, s22, $0xb8;
	[tilespmem:$0x1D8C0] =	vst v63  }
0x81: {  	_ =	swait.ge [sflag:s18], $0x4000  }
0x82: {  	[sflag:s18] =	ssyncset.done $0x0  }
0x83: {  	s11 =	simm.s32 $0x380;
	[sflag:s18] =	ssyncadd.s32 $0xFFFFC000  }
0x84: {  	[tilespmem:s24], [sflag:$0x4] =	stream.indirect.gather [hbm4b:s12+s22], $0x80, s11, s22, $0xb8;
	[tilespmem:$0x1D8C0] =	vst v63  }
0x85: {  	_ =	swait.ge [sflag:s25], $0x4000  }
0x86: {  	[sflag:s25] =	ssyncset.done $0x0  }
0x87: {  	s10 =	simm.s32 $0x1300;
	[sflag:s25] =	ssyncadd.s32 $0xFFFFC000  }
0x88: {  	[spmem:s1] =	stream.indirect.scatter.add.f32 [tilespmem:s23], [sflag:$0x5], $0x80, s10, s22, $0xb8;
	[tilespmem:$0x1D8C0] =	vst v63  }
0x89: {  	_ =	swait.ge [sflag:s18], $0x4000  }
0x8a: {  	[sflag:s18] =	ssyncset.done $0x0  }
0x8b: {  	s11 =	simm.s32 $0x400;
	[sflag:s18] =	ssyncadd.s32 $0xFFFFC000  }
0x8c: {  	[tilespmem:s23], [sflag:$0x3] =	stream.indirect.gather [hbm4b:s12+s22], $0x80, s11, s22, $0xb8;
	[tilespmem:$0x1D8C0] =	vst v63  }
0x8d: {  	_ =	swait.ge [sflag:s28], $0x4000  }
0x8e: {  	[sflag:s28] =	ssyncset.done $0x0  }
0x8f: {  	s10 =	simm.s32 $0x1380;
	[sflag:s28] =	ssyncadd.s32 $0xFFFFC000  }
0x90: {  	[spmem:s1] =	stream.indirect.scatter.add.f32 [tilespmem:s24], [sflag:$0x5], $0x80, s10, s22, $0xb8;
	[tilespmem:$0x1D8C0] =	vst v63  }
0x91: {  	_ =	swait.ge [sflag:s18], $0x4000  }
0x92: {  	[sflag:s18] =	ssyncset.done $0x0  }
0x93: {  	s11 =	simm.s32 $0x480;
	[sflag:s18] =	ssyncadd.s32 $0xFFFFC000  }
0x94: {  	[tilespmem:s24], [sflag:$0x4] =	stream.indirect.gather [hbm4b:s12+s22], $0x80, s11, s22, $0xb8;
	[tilespmem:$0x1D8C0] =	vst v63  }
0x95: {  	_ =	swait.ge [sflag:s25], $0x4000  }
0x96: {  	[sflag:s25] =	ssyncset.done $0x0  }
0x97: {  	s10 =	simm.s32 $0x1400;
	[sflag:s25] =	ssyncadd.s32 $0xFFFFC000  }
0x98: {  	[spmem:s1] =	stream.indirect.scatter.add.f32 [tilespmem:s23], [sflag:$0x5], $0x80, s10, s22, $0xb8;
	[tilespmem:$0x1D8C0] =	vst v63  }
0x99: {  	_ =	swait.ge [sflag:s18], $0x4000  }
0x9a: {  	[sflag:s18] =	ssyncset.done $0x0  }
0x9b: {  	s11 =	simm.s32 $0x500;
	[sflag:s18] =	ssyncadd.s32 $0xFFFFC000  }
0x9c: {  	[tilespmem:s23], [sflag:$0x3] =	stream.indirect.gather [hbm4b:s12+s22], $0x80, s11, s22, $0xb8;
	[tilespmem:$0x1D8C0] =	vst v63  }
0x9d: {  	_ =	swait.ge [sflag:s28], $0x4000  }
0x9e: {  	[sflag:s28] =	ssyncset.done $0x0  }
0x9f: {  	s10 =	simm.s32 $0x1480;
	[sflag:s28] =	ssyncadd.s32 $0xFFFFC000  }
0xa0: {  	[spmem:s1] =	stream.indirect.scatter.add.f32 [tilespmem:s24], [sflag:$0x5], $0x80, s10, s22, $0xb8;
	[tilespmem:$0x1D8C0] =	vst v63  }
0xa1: {  	_ =	swait.ge [sflag:s18], $0x4000  }
0xa2: {  	[sflag:s18] =	ssyncset.done $0x0  }
0xa3: {  	s11 =	simm.s32 $0x580;
	[sflag:s18] =	ssyncadd.s32 $0xFFFFC000  }
0xa4: {  	[tilespmem:s24], [sflag:$0x4] =	stream.indirect.gather [hbm4b:s12+s22], $0x80, s11, s22, $0xb8;
	[tilespmem:$0x1D8C0] =	vst v63  }
0xa5: {  	_ =	swait.ge [sflag:s25], $0x4000  }
0xa6: {  	[sflag:s25] =	ssyncset.done $0x0  }
0xa7: {  	s10 =	simm.s32 $0x1500;
	[sflag:s25] =	ssyncadd.s32 $0xFFFFC000  }
0xa8: {  	[spmem:s1] =	stream.indirect.scatter.add.f32 [tilespmem:s23], [sflag:$0x5], $0x80, s10, s22, $0xb8;
	[tilespmem:$0x1D8C0] =	vst v63  }
0xa9: {  	_ =	swait.ge [sflag:s18], $0x4000  }
0xaa: {  	[sflag:s18] =	ssyncset.done $0x0  }
0xab: {  	s11 =	simm.s32 $0x600;
	[sflag:s18] =	ssyncadd.s32 $0xFFFFC000  }
0xac: {  	[tilespmem:s23], [sflag:$0x3] =	stream.indirect.gather [hbm4b:s12+s22], $0x80, s11, s22, $0xb8;
	[tilespmem:$0x1D8C0] =	vst v63  }
0xad: {  	_ =	swait.ge [sflag:s28], $0x4000  }
0xae: {  	[sflag:s28] =	ssyncset.done $0x0  }
0xaf: {  	s10 =	simm.s32 $0x1580;
	[sflag:s28] =	ssyncadd.s32 $0xFFFFC000  }
0xb0: {  	[spmem:s1] =	stream.indirect.scatter.add.f32 [tilespmem:s24], [sflag:$0x5], $0x80, s10, s22, $0xb8;
	[tilespmem:$0x1D8C0] =	vst v63  }
0xb1: {  	_ =	swait.ge [sflag:s18], $0x4000  }
0xb2: {  	[sflag:s18] =	ssyncset.done $0x0  }
0xb3: {  	s11 =	simm.s32 $0x680;
	[sflag:s18] =	ssyncadd.s32 $0xFFFFC000  }
0xb4: {  	[tilespmem:s24], [sflag:$0x4] =	stream.indirect.gather [hbm4b:s12+s22], $0x80, s11, s22, $0xb8;
	[tilespmem:$0x1D8C0] =	vst v63  }
0xb5: {  	_ =	swait.ge [sflag:s25], $0x4000  }
0xb6: {  	[sflag:s25] =	ssyncset.done $0x0  }
0xb7: {  	s10 =	simm.s32 $0x1600;
	[sflag:s25] =	ssyncadd.s32 $0xFFFFC000  }
0xb8: {  	[spmem:s1] =	stream.indirect.scatter.add.f32 [tilespmem:s23], [sflag:$0x5], $0x80, s10, s22, $0xb8;
	[tilespmem:$0x1D8C0] =	vst v63  }
0xb9: {  	_ =	swait.ge [sflag:s18], $0x4000  }
0xba: {  	[sflag:s18] =	ssyncset.done $0x0  }
0xbb: {  	s11 =	simm.s32 $0x700;
	[sflag:s18] =	ssyncadd.s32 $0xFFFFC000  }
0xbc: {  	[tilespmem:s23], [sflag:$0x3] =	stream.indirect.gather [hbm4b:s12+s22], $0x80, s11, s22, $0xb8;
	[tilespmem:$0x1D8C0] =	vst v63  }
0xbd: {  	_ =	swait.ge [sflag:s28], $0x4000  }
0xbe: {  	[sflag:s28] =	ssyncset.done $0x0  }
0xbf: {  	s10 =	simm.s32 $0x1680;
	[sflag:s28] =	ssyncadd.s32 $0xFFFFC000  }
0xc0: {  	[spmem:s1] =	stream.indirect.scatter.add.f32 [tilespmem:s24], [sflag:$0x5], $0x80, s10, s22, $0xb8;
	[tilespmem:$0x1D8C0] =	vst v63  }
0xc1: {  	_ =	swait.ge [sflag:s18], $0x4000  }
0xc2: {  	[sflag:s18] =	ssyncset.done $0x0  }
0xc3: {  	s11 =	simm.s32 $0x780;
	[sflag:s18] =	ssyncadd.s32 $0xFFFFC000  }
0xc4: {  	[tilespmem:s24], [sflag:$0x4] =	stream.indirect.gather [hbm4b:s12+s22], $0x80, s11, s22, $0xb8;
	[tilespmem:$0x1D8C0] =	vst v63  }
0xc5: {  	_ =	swait.ge [sflag:s25], $0x4000  }
0xc6: {  	[sflag:s25] =	ssyncset.done $0x0  }
0xc7: {  	s10 =	simm.s32 $0x1700;
	[sflag:s25] =	ssyncadd.s32 $0xFFFFC000  }
0xc8: {  	[spmem:s1] =	stream.indirect.scatter.add.f32 [tilespmem:s23], [sflag:$0x5], $0x80, s10, s22, $0xb8;
	[tilespmem:$0x1D8C0] =	vst v63  }
0xc9: {  	_ =	swait.ge [sflag:s18], $0x4000  }
0xca: {  	[sflag:s18] =	ssyncset.done $0x0  }
0xcb: {  	[sflag:s18] =	ssyncadd.s32 $0xFFFFC000  }
0xcc: {  	_ =	swait.ge [sflag:s9], $0x800  }
0xcd: {  	[sflag:s9] =	ssyncset.done $0x0  }
0xce: {  	[sflag:s9] =	ssyncadd.s32 $0xFFFFF800  }
0xcf: {  	_ =	swait.ge [sflag:s9], $0x800  }
0xd0: {  	[sflag:s9] =	ssyncset.done $0x0  }
0xd1: {  	[sflag:s9] =	ssyncadd.s32 $0xFFFFF800  }
0xd2: {  	[tilespmem:s23], [sflag:$0x3] =	stream.indirect.gather [hbm4b:s12+s22], $0x80, s20, s22, $0xb8;
	[tilespmem:$0x1D8C0] =	vst v63  }
0xd3: {  	_ =	swait.ge [sflag:s28], $0x4000  }
0xd4: {  	[sflag:s28] =	ssyncset.done $0x0  }
0xd5: {  	s11 =	simm.s32 $0x1780;
	[sflag:s28] =	ssyncadd.s32 $0xFFFFC000  }
0xd6: {  	[spmem:s1] =	stream.indirect.scatter.add.f32 [tilespmem:s24], [sflag:$0x5], $0x80, s11, s22, $0xb8;
	[tilespmem:$0x1D8C0] =	vst v63  }
0xd7: {  	p1 =	seq.s32 s7, $0x0;
	_ =	swait.ge [sflag:s18], $0x4000  }
0xd8: {  	s8 =	sadd.s32 @!p1 s7, s17;
	[sflag:s18] =	ssyncset.done $0x0  }
0xd9: {  	s8 =	sadd.s32 @!p1 $0xA00, s8;
	s10 =	simm.s32 @!p1 $0x0;
	[sflag:s18] =	ssyncadd.s32 $0xFFFFC000  }
0xda: {  	[tilespmem:s10], [sflag:$0x1] =	stream.linear.gather @!p1 [hbm4b:s8+s10], $0x800, $0x38;
	[tilespmem:$0x1D8C0] =	vst v63  }
0xdb: {  	s8 =	sadd.s32 @!p1 s7, s16  }
0xdc: {  	s11 =	simm.s32 @!p1 $0x1000;
	s8 =	sadd.s32 @!p1 $0xA00, s8  }
0xdd: {  	[tilespmem:s11], [sflag:$0x1] =	stream.linear.gather @!p1 [hbm4b:s8+s10], $0x800, $0x38;
	[tilespmem:$0x1D8C0] =	vst v63  }
0xde: {  	s10 =	simm.s32 $0x880  }
0xdf: {  	[tilespmem:s24], [sflag:$0x4] =	stream.indirect.gather [hbm4b:s12+s22], $0x80, s10, s22, $0xb8;
	[tilespmem:$0x1D8C0] =	vst v63  }
0xe0: {  	_ =	swait.ge [sflag:s25], $0x4000  }
0xe1: {  	[sflag:s25] =	ssyncset.done $0x0  }
0xe2: {  	[sflag:s25] =	ssyncadd.s32 $0xFFFFC000  }
0xe3: {  	[spmem:s1] =	stream.indirect.scatter.add.f32 [tilespmem:s23], [sflag:$0x5], $0x80, s21, s22, $0xb8;
	[tilespmem:$0x1D8C0] =	vst v63  }
0xe4: {  	_ =	swait.ge [sflag:s18], $0x4000  }
0xe5: {  	[sflag:s18] =	ssyncset.done $0x0  }
0xe6: {  	s11 =	simm.s32 $0x900;
	[sflag:s18] =	ssyncadd.s32 $0xFFFFC000  }
0xe7: {  	[tilespmem:s23], [sflag:$0x3] =	stream.indirect.gather [hbm4b:s12+s22], $0x80, s11, s22, $0xb8;
	[tilespmem:$0x1D8C0] =	vst v63  }
0xe8: {  	_ =	swait.ge [sflag:s28], $0x4000  }
0xe9: {  	[sflag:s28] =	ssyncset.done $0x0  }
0xea: {  	s10 =	simm.s32 $0x1880;
	[sflag:s28] =	ssyncadd.s32 $0xFFFFC000  }
0xeb: {  	[spmem:s1] =	stream.indirect.scatter.add.f32 [tilespmem:s24], [sflag:$0x5], $0x80, s10, s22, $0xb8;
	[tilespmem:$0x1D8C0] =	vst v63  }
0xec: {  	_ =	swait.ge [sflag:s18], $0x4000  }
0xed: {  	[sflag:s18] =	ssyncset.done $0x0  }
0xee: {  	s11 =	simm.s32 $0x980;
	[sflag:s18] =	ssyncadd.s32 $0xFFFFC000  }
0xef: {  	[tilespmem:s24], [sflag:$0x4] =	stream.indirect.gather [hbm4b:s12+s22], $0x80, s11, s22, $0xb8;
	[tilespmem:$0x1D8C0] =	vst v63  }
0xf0: {  	_ =	swait.ge [sflag:s25], $0x4000  }
0xf1: {  	[sflag:s25] =	ssyncset.done $0x0  }
0xf2: {  	s10 =	simm.s32 $0x1900;
	[sflag:s25] =	ssyncadd.s32 $0xFFFFC000  }
0xf3: {  	[spmem:s1] =	stream.indirect.scatter.add.f32 [tilespmem:s23], [sflag:$0x5], $0x80, s10, s22, $0xb8;
	[tilespmem:$0x1D8C0] =	vst v63  }
0xf4: {  	_ =	swait.ge [sflag:s18], $0x4000  }
0xf5: {  	[sflag:s18] =	ssyncset.done $0x0  }
0xf6: {  	s11 =	simm.s32 $0xA00;
	[sflag:s18] =	ssyncadd.s32 $0xFFFFC000  }
0xf7: {  	[tilespmem:s23], [sflag:$0x3] =	stream.indirect.gather [hbm4b:s12+s22], $0x80, s11, s22, $0xb8;
	[tilespmem:$0x1D8C0] =	vst v63  }
0xf8: {  	_ =	swait.ge [sflag:s28], $0x4000  }
0xf9: {  	[sflag:s28] =	ssyncset.done $0x0  }
0xfa: {  	s10 =	simm.s32 $0x1980;
	[sflag:s28] =	ssyncadd.s32 $0xFFFFC000  }
0xfb: {  	[spmem:s1] =	stream.indirect.scatter.add.f32 [tilespmem:s24], [sflag:$0x5], $0x80, s10, s22, $0xb8;
	[tilespmem:$0x1D8C0] =	vst v63  }
0xfc: {  	_ =	swait.ge [sflag:s18], $0x4000  }
0xfd: {  	[sflag:s18] =	ssyncset.done $0x0  }
0xfe: {  	s11 =	simm.s32 $0xA80;
	[sflag:s18] =	ssyncadd.s32 $0xFFFFC000  }
0xff: {  	[tilespmem:s24], [sflag:$0x4] =	stream.indirect.gather [hbm4b:s12+s22], $0x80, s11, s22, $0xb8;
	[tilespmem:$0x1D8C0] =	vst v63  }
0x100: {  	_ =	swait.ge [sflag:s25], $0x4000  }
0x101: {  	[sflag:s25] =	ssyncset.done $0x0  }
0x102: {  	s10 =	simm.s32 $0x1A00;
	[sflag:s25] =	ssyncadd.s32 $0xFFFFC000  }
0x103: {  	[spmem:s1] =	stream.indirect.scatter.add.f32 [tilespmem:s23], [sflag:$0x5], $0x80, s10, s22, $0xb8;
	[tilespmem:$0x1D8C0] =	vst v63  }
0x104: {  	_ =	swait.ge [sflag:s18], $0x4000  }
0x105: {  	[sflag:s18] =	ssyncset.done $0x0  }
0x106: {  	s11 =	simm.s32 $0xB00;
	[sflag:s18] =	ssyncadd.s32 $0xFFFFC000  }
0x107: {  	[tilespmem:s23], [sflag:$0x3] =	stream.indirect.gather [hbm4b:s12+s22], $0x80, s11, s22, $0xb8;
	[tilespmem:$0x1D8C0] =	vst v63  }
0x108: {  	_ =	swait.ge [sflag:s28], $0x4000  }
0x109: {  	[sflag:s28] =	ssyncset.done $0x0  }
0x10a: {  	s10 =	simm.s32 $0x1A80;
	[sflag:s28] =	ssyncadd.s32 $0xFFFFC000  }
0x10b: {  	[spmem:s1] =	stream.indirect.scatter.add.f32 [tilespmem:s24], [sflag:$0x5], $0x80, s10, s22, $0xb8;
	[tilespmem:$0x1D8C0] =	vst v63  }
0x10c: {  	_ =	swait.ge [sflag:s18], $0x4000  }
0x10d: {  	[sflag:s18] =	ssyncset.done $0x0  }
0x10e: {  	s11 =	simm.s32 $0xB80;
	[sflag:s18] =	ssyncadd.s32 $0xFFFFC000  }
0x10f: {  	[tilespmem:s24], [sflag:$0x4] =	stream.indirect.gather [hbm4b:s12+s22], $0x80, s11, s22, $0xb8;
	[tilespmem:$0x1D8C0] =	vst v63  }
0x110: {  	_ =	swait.ge [sflag:s25], $0x4000  }
0x111: {  	[sflag:s25] =	ssyncset.done $0x0  }
0x112: {  	s10 =	simm.s32 $0x1B00;
	[sflag:s25] =	ssyncadd.s32 $0xFFFFC000  }
0x113: {  	[spmem:s1] =	stream.indirect.scatter.add.f32 [tilespmem:s23], [sflag:$0x5], $0x80, s10, s22, $0xb8;
	[tilespmem:$0x1D8C0] =	vst v63  }
0x114: {  	_ =	swait.ge [sflag:s18], $0x4000  }
0x115: {  	[sflag:s18] =	ssyncset.done $0x0  }
0x116: {  	s11 =	simm.s32 $0xC00;
	[sflag:s18] =	ssyncadd.s32 $0xFFFFC000  }
0x117: {  	[tilespmem:s23], [sflag:$0x3] =	stream.indirect.gather [hbm4b:s12+s22], $0x80, s11, s22, $0xb8;
	[tilespmem:$0x1D8C0] =	vst v63  }
0x118: {  	_ =	swait.ge [sflag:s28], $0x4000  }
0x119: {  	[sflag:s28] =	ssyncset.done $0x0  }
0x11a: {  	s10 =	simm.s32 $0x1B80;
	[sflag:s28] =	ssyncadd.s32 $0xFFFFC000  }
0x11b: {  	[spmem:s1] =	stream.indirect.scatter.add.f32 [tilespmem:s24], [sflag:$0x5], $0x80, s10, s22, $0xb8;
	[tilespmem:$0x1D8C0] =	vst v63  }
0x11c: {  	_ =	swait.ge [sflag:s18], $0x4000  }
0x11d: {  	[sflag:s18] =	ssyncset.done $0x0  }
0x11e: {  	s11 =	simm.s32 $0xC80;
	[sflag:s18] =	ssyncadd.s32 $0xFFFFC000  }
0x11f: {  	[tilespmem:s24], [sflag:$0x4] =	stream.indirect.gather [hbm4b:s12+s22], $0x80, s11, s22, $0xb8;
	[tilespmem:$0x1D8C0] =	vst v63  }
0x120: {  	_ =	swait.ge [sflag:s25], $0x4000  }
0x121: {  	[sflag:s25] =	ssyncset.done $0x0  }
0x122: {  	s10 =	simm.s32 $0x1C00;
	[sflag:s25] =	ssyncadd.s32 $0xFFFFC000  }
0x123: {  	[spmem:s1] =	stream.indirect.scatter.add.f32 [tilespmem:s23], [sflag:$0x5], $0x80, s10, s22, $0xb8;
	[tilespmem:$0x1D8C0] =	vst v63  }
0x124: {  	_ =	swait.ge [sflag:s18], $0x4000  }
0x125: {  	[sflag:s18] =	ssyncset.done $0x0  }
0x126: {  	s11 =	simm.s32 $0xD00;
	[sflag:s18] =	ssyncadd.s32 $0xFFFFC000  }
0x127: {  	[tilespmem:s23], [sflag:$0x3] =	stream.indirect.gather [hbm4b:s12+s22], $0x80, s11, s22, $0xb8;
	[tilespmem:$0x1D8C0] =	vst v63  }
0x128: {  	_ =	swait.ge [sflag:s28], $0x4000  }
0x129: {  	[sflag:s28] =	ssyncset.done $0x0  }
0x12a: {  	[sflag:s28] =	ssyncadd.s32 $0xFFFFC000  }
0x12b: {  	[spmem:s1] =	stream.indirect.scatter.add.f32 [tilespmem:s24], [sflag:$0x5], $0x80, s13, s22, $0xb8;
	[tilespmem:$0x1D8C0] =	vst v63  }
0x12c: {  	_ =	swait.ge [sflag:s18], $0x4000  }
0x12d: {  	[sflag:s18] =	ssyncset.done $0x0  }
0x12e: {  	[sflag:s18] =	ssyncadd.s32 $0xFFFFC000  }
0x12f: {  	[tilespmem:s24], [sflag:$0x4] =	stream.indirect.gather [hbm4b:s12+s22], $0x80, s14, s22, $0xb8;
	[tilespmem:$0x1D8C0] =	vst v63  }
0x130: {  	_ =	swait.ge [sflag:s25], $0x4000  }
0x131: {  	[sflag:s25] =	ssyncset.done $0x0  }
0x132: {  	[sflag:s25] =	ssyncadd.s32 $0xFFFFC000  }
0x133: {  	[spmem:s1] =	stream.indirect.scatter.add.f32 [tilespmem:s23], [sflag:$0x5], $0x80, s15, s22, $0xb8;
	[tilespmem:$0x1D8C0] =	vst v63  }
0x134: {  	_ =	swait.ge [sflag:s18], $0x4000  }
0x135: {  	[sflag:s18] =	ssyncset.done $0x0  }
0x136: {  	[sflag:s18] =	ssyncadd.s32 $0xFFFFC000  }
0x137: {  	[tilespmem:s23], [sflag:$0x3] =	stream.indirect.gather [hbm4b:s12+s22], $0x80, s5, s22, $0xb8;
	[tilespmem:$0x1D8C0] =	vst v63  }
0x138: {  	_ =	swait.ge [sflag:s28], $0x4000  }
0x139: {  	[sflag:s28] =	ssyncset.done $0x0  }
0x13a: {  	[sflag:s28] =	ssyncadd.s32 $0xFFFFC000  }
0x13b: {  	[spmem:s1] =	stream.indirect.scatter.add.f32 [tilespmem:s24], [sflag:$0x5], $0x80, s26, s22, $0xb8;
	[tilespmem:$0x1D8C0] =	vst v63  }
0x13c: {  	_ =	swait.ge [sflag:s18], $0x4000  }
0x13d: {  	[sflag:s18] =	ssyncset.done $0x0  }
0x13e: {  	[sflag:s18] =	ssyncadd.s32 $0xFFFFC000  }
0x13f: {  	[tilespmem:s24], [sflag:$0x4] =	stream.indirect.gather [hbm4b:s12+s22], $0x80, s29, s22, $0xb8;
	[tilespmem:$0x1D8C0] =	vst v63  }
0x140: {  	_ =	swait.ge [sflag:s25], $0x4000  }
0x141: {  	[sflag:s25] =	ssyncset.done $0x0  }
0x142: {  	[sflag:s25] =	ssyncadd.s32 $0xFFFFC000  }
0x143: {  	[spmem:s1] =	stream.indirect.scatter.add.f32 [tilespmem:s23], [sflag:$0x5], $0x80, s30, s22, $0xb8;
	[tilespmem:$0x1D8C0] =	vst v63  }
0x144: {  	_ =	swait.ge [sflag:s18], $0x4000  }
0x145: {  	[sflag:s18] =	ssyncset.done $0x0  }
0x146: {  	[sflag:s18] =	ssyncadd.s32 $0xFFFFC000  }
0x147: {  	[tilespmem:s23], [sflag:$0x3] =	stream.indirect.gather [hbm4b:s12+s22], $0x80, s31, s22, $0xb8;
	[tilespmem:$0x1D8C0] =	vst v63  }
0x148: {  	_ =	swait.ge [sflag:s28], $0x4000  }
0x149: {  	[sflag:s28] =	ssyncset.done $0x0  }
0x14a: {  	[sflag:s28] =	ssyncadd.s32 $0xFFFFC000  }
0x14b: {  	[spmem:s1] =	stream.indirect.scatter.add.f32 [tilespmem:s24], [sflag:$0x5], $0x80, s0, s22, $0xb8;
	[tilespmem:$0x1D8C0] =	vst v63  }
0x14c: {  	_ =	swait.ge [sflag:s18], $0x4000  }
0x14d: {  	[sflag:s18] =	ssyncset.done $0x0  }
0x14e: {  	[sflag:s18] =	ssyncadd.s32 $0xFFFFC000  }
0x14f: {  	[tilespmem:s24], [sflag:$0x4] =	stream.indirect.gather [hbm4b:s12+s22], $0x80, s3, s22, $0xb8;
	[tilespmem:$0x1D8C0] =	vst v63  }
0x150: {  	_ =	swait.ge [sflag:s25], $0x4000  }
0x151: {  	[sflag:s25] =	ssyncset.done $0x0  }
.Ltmp2:
0x152: {  	[sflag:s25] =	ssyncadd.s32 $0xFFFFC000;
	(pc) =	sbr.rel @p1 .LBB2_4-.Ltmp2, $4  }
0x153: {  	[spmem:s1] =	stream.indirect.scatter.add.f32 [tilespmem:s23], [sflag:$0x5], $0x80, s19, s22, $0xb8;
	[tilespmem:$0x1D8C0] =	vst v63  }
0x154: {  	_ =	swait.ge [sflag:s18], $0x4000  }
0x155: {  	[sflag:s18] =	ssyncset.done $0x0  }
0x156: {  	[sflag:s18] =	ssyncadd.s32 $0xFFFFC000  }
0x157: {  	_ =	swait.ge [sflag:s6], $0x800  }
0x158: {  	[sflag:s6] =	ssyncset.done $0x0  }
0x159: {  	[sflag:s6] =	ssyncadd.s32 $0xFFFFF800  }
0x15a: {  	_ =	swait.ge [sflag:s6], $0x800  }
0x15b: {  	[sflag:s6] =	ssyncset.done $0x0  }
0x15c: {  	[sflag:s6] =	ssyncadd.s32 $0xFFFFF800  }
0x15d: {  	[tilespmem:s23], [sflag:$0x3] =	stream.indirect.gather [hbm4b:s12+s22], $0x80, s2, s22, $0xb8;
	[tilespmem:$0x1D8C0] =	vst v63  }
0x15e: {  	_ =	swait.ge [sflag:s28], $0x4000  }
0x15f: {  	[sflag:s28] =	ssyncset.done $0x0  }
0x160: {  	[sflag:s28] =	ssyncadd.s32 $0xFFFFC000  }
0x161: {  	[spmem:s1] =	stream.indirect.scatter.add.f32 [tilespmem:s24], [sflag:$0x5], $0x80, s4, s22, $0xb8;
	[tilespmem:$0x1D8C0] =	vst v63  }
0x162: {  	_ =	swait.ge [sflag:s18], $0x4000  }
0x163: {  	s8 =	sadd.s32 s7, s17;
	[sflag:s18] =	ssyncset.done $0x0  }
0x164: {  	s8 =	sadd.s32 $0xB00, s8;
	[sflag:s18] =	ssyncadd.s32 $0xFFFFC000  }
0x165: {  	[tilespmem:s20], [sflag:$0x2] =	stream.linear.gather [hbm4b:s8+s2], $0x800, $0x38;
	[tilespmem:$0x1D8C0] =	vst v63  }
.Ltmp3:
0x166: {  	s11 =	sadd.s32 s7, s16;
	(pc) =	sbr.rel .LBB2_2-.Ltmp3, $4  }
0x167: {  	s8 =	sadd.s32 $0xB00, s11  }
0x168: {  	[tilespmem:s21], [sflag:$0x2] =	stream.linear.gather [hbm4b:s8+s2], $0x800, $0x38;
	[tilespmem:$0x1D8C0] =	vst v63  }
0x169: {  	s7 =	sadd.s32 $0x200, s7  }
0x16a: {  	[tilespmem:s24], [sflag:$0x4] =	stream.indirect.gather [hbm4b:s12+s22], $0x80, s22, s22, $0xb8;
	[tilespmem:$0x1D8C0] =	vst v63  }
.LBB2_5:
0x16b: {  	_ =	sfence.sel $0x180000  }
0x16c: {  	[bflag:$0x0] =	sbarrier.arrive $0xFFFF  }
0x16d: {  	_ =	strace $0x9000004A  }
0x16e: {  	[bflag:$0x2] =	sbarrier.arrive $0xFFFF  }
0x16f: {  	s0 =	rddreg [dreg:$0x2]  }
0x170: {  	s0 =	sadd.s32 @!p0 $0x100000, s0  }
0x171: {  	[sflag:s0] =	ssyncadd.tile.s32 @!p0 $0x1;
	_ =	shalt  }
.Lfunc_end2:
_tile_overlayer_lowered:
.L_overlay_start_2:
0x172: {  	(tag) =	ssettag $0x2  }
0x173: {  	s0 =	rddreg [dreg:$0x0];
	s2 =	stileid.u32  }
0x174: {  	s1 =	rddreg [dreg:$0x1];
	p0 =	sne.s32 s2, $0x0  }
0x175: {  	s3 =	rddreg [dreg:$0x2];
	[bflag:$0x3] =	sbarrier.arrive $0xFFFF;
	s2 =	simm.s32 @!p0 $0x1C05  }
0x176: {  	[timem:s3], [sflag:s2] =	dma.local @!p0 [hbm:s0], s1  }
0x177: {  	s0 =	simm.s32 @!p0 $0x5  }
0x178: {  	_ =	swait.ge @!p0 [sflag:s0], s1  }
0x179: {  	s1 =	ssub.s32 @!p0 $0x0, s1;
	[sflag:s0] =	ssyncset.done @!p0 $0x0  }
0x17a: {  	[sflag:s0] =	ssyncadd.s32 @!p0 s1  }
0x17b: {  	[bflag:$0x3] =	sbarrier.arrive $0xFFFF  }
0x17c: {  	_ =	shalt  }

// kernel: kernel.7.cloned.1.call-start
scs
__scs_entry_jumppad:
0x0: {  	(pc) =	sbr.rel $0x88, $3  }
0x1: {  	(tag) =	ssettag $0x0;
	lr =	simm.s32 $0x1  }
0x2: {  	[smem:$0x3F95] =	sst lr;
	_ =	strace $0xD0000000  }
0x3: {  	_ = 	snop  }
0x4: {  	_ = 	snop  }
0x5: {  	_ = 	snop  }
0x6: {  	_ = 	snop  }
0x7: {  	_ = 	snop  }
__scs_overlays_trampoline_lowered:
0x8: {  	[smem:$0x3FA4] =	sst s0  }
0x9: {  	[smem:$0x3FA5] =	sst s1  }
0xa: {  	[smem:$0x3FA6] =	sst s2  }
0xb: {  	[smem:$0x3FA7] =	sst s3  }
0xc: {  	[smem:$0x3FA8] =	sst s4  }
0xd: {  	[smem:$0x3FA9] =	sst s5  }
0xe: {  	[smem:$0x3FAA] =	sst s6  }
0xf: {  	[smem:$0x3FAB] =	sst s7  }
0x10: {  	[smem:$0x3FAC] =	sst s8  }
0x11: {  	[smem:$0x3FAD] =	sst s9;
	s0 =	simm.s32 @!p0 $0x0  }
0x12: {  	s1 =	sld [smem:$0x3F93];
	s0 =	simm.s32 @p0 $0x1  }
0x13: {  	[smem:$0x3FAE] =	sst s0;
	s0 =	simm.s32 @!p1 $0x0  }
0x14: {  	s2 =	sld [smem:$0x3F92];
	s0 =	simm.s32 @p1 $0x1  }
0x15: {  	[smem:$0x3FAF] =	sst s0;
	s0 =	simm.s32 @!p2 $0x0  }
0x16: {  	s3 =	sld [smem:$0x3FDB];
	s0 =	simm.s32 @p2 $0x1  }
0x17: {  	s4 =	simm.s32 $0x1BF5;
	[smem:$0x3FB1] =	sst s0  }
0x18: {  	s0 =	sld [smem:$0x3F94];
	_ =	swait.ge [sflag:s4], $0x0  }
0x19: {  	s7 =	sld [smem:$0x3F95]  }
0x1a: {  	s8 =	sadd.s32 $0xFFFFE003, lr  }
0x1b: {  	s9 =	sadd.s32 $0xFFFFFEF7, lr;
	s5 =	simm.s32 $0xFFFFFFFF;
	p2 =	slt.u32 s8, $0xFFFFF086  }
0x1c: {  	p1 =	slt.u32 s9, $0xF7A;
	s5 =	simm.s32 @!p2 $0x0  }
0x1d: {  	s5 =	simm.s32 @p1 $0x1;
	p0 =	seq.s32 s7, s2  }
0x1e: {  	s7 =	smul.u32 @!p0 $0xF7A, s2;
	p2 =	seq.s32 @!p0 s5, $0x0  }
0x1f: {  	s9 =	smul.u32 $0xF7A, s1;
	s8 =	simm.s32 @!p0 $0x1BF5;
	p2 =	por !p2, p0  }
0x20: {  	[sflag:s8] =	ssyncset.s32 @!p0 $0xFFFFF086;
	s6 =	sadd.s32 @!p0 s3, s7;
	s7 =	simm.s32 @!p0 $0x108  }
0x21: {  	s3 =	sadd.s32 s3, s9;
	s6 =	sadd.s32 @!p0 $0x88, s6;
	s7 =	simm.s32 @p2 $0x1082  }
0x22: {  	[simem:s7], [sflag:s8] =	dma.local @!p0 [hbm:s6], $0xF7A  }
0x23: {  	s9 =	sor.u32 $0xD0000000, s2;
	s6 =	simm.s32 $0x108;
	_ =	swait.ge @!p0 [sflag:s8], $0x0  }
0x24: {  	s3 =	sadd.s32 $0x88, s3;
	s6 =	simm.s32 @!p1 $0x1082;
	[sflag:s4] =	ssyncset.s32 $0xFFFFF086  }
0x25: {  	[simem:s6], [sflag:s4] =	dma.local [hbm:s3], $0xF7A  }
0x26: {  	[smem:$0x3F95] =	sst s1;
	(tag) =	ssettag s2;
	_ =	strace s9  }
0x27: {  	s1 =	sld [smem:$0x3FA5]  }
0x28: {  	s2 =	sld [smem:$0x3FA6]  }
0x29: {  	s4 =	sld [smem:$0x3FA8]  }
0x2a: {  	p0 =	seq.s32 s5, $0x0;
	s5 =	sld [smem:$0x3FA9]  }
0x2b: {  	s6 =	sld [smem:$0x3FAA]  }
0x2c: {  	s7 =	sld [smem:$0x3FAB]  }
0x2d: {  	s3 =	simm.s32 $0x108;
	s8 =	sld [smem:$0x3FAC]  }
0x2e: {  	s3 =	simm.s32 @!p0 $0x1082;
	s9 =	sld [smem:$0x3FAD]  }
0x2f: {  	lr =	sadd.s32 s0, s3;
	s0 =	sld [smem:$0x3FA4]  }
0x30: {  	s3 =	sld [smem:$0x3FA7]  }
0x31: {  	[smem:$0x3FB0] =	sst s10  }
0x32: {  	s10 =	sld [smem:$0x3FAE];
	_ =	sdelay $0x3  }
0x33: {  	p0 =	seq.s32 s10, $0x1;
	s10 =	sld [smem:$0x3FB0];
	_ =	sdelay $0x3  }
0x34: {  	[smem:$0x3FB0] =	sst s10  }
0x35: {  	s10 =	sld [smem:$0x3FAF];
	_ =	sdelay $0x3  }
0x36: {  	p1 =	seq.s32 s10, $0x1;
	s10 =	sld [smem:$0x3FB0];
	_ =	sdelay $0x3  }
0x37: {  	[smem:$0x3FB0] =	sst s10  }
0x38: {  	s10 =	sld [smem:$0x3FB1]  }
0x39: {  	_ = 	snop;
	(pc) =	sbr.ind lr, $3  }
0x3a: {  	_ = 	snop  }
0x3b: {  	_ = 	snop  }
0x3c: {  	p2 =	seq.s32 s10, $0x1;
	s10 =	sld [smem:$0x3FB0]  }
0x3d: {  	_ =	shalt  }
0x3e: {  	_ =	shalt  }
0x3f: {  	_ =	shalt  }
0x40: {  	_ =	shalt  }
0x41: {  	_ =	shalt  }
0x42: {  	_ =	shalt  }
0x43: {  	_ =	shalt  }
0x44: {  	_ =	shalt  }
0x45: {  	_ =	shalt  }
0x46: {  	_ =	shalt  }
0x47: {  	_ =	shalt  }
0x48: {  	_ =	shalt  }
0x49: {  	_ =	shalt  }
0x4a: {  	_ =	shalt  }
0x4b: {  	_ =	shalt  }
0x4c: {  	_ =	shalt  }
0x4d: {  	_ =	shalt  }
0x4e: {  	_ =	shalt  }
0x4f: {  	_ =	shalt  }
0x50: {  	_ =	shalt  }
0x51: {  	_ =	shalt  }
0x52: {  	_ =	shalt  }
0x53: {  	_ =	shalt  }
0x54: {  	_ =	shalt  }
0x55: {  	_ =	shalt  }
0x56: {  	_ =	shalt  }
0x57: {  	_ =	shalt  }
0x58: {  	_ =	shalt  }
0x59: {  	_ =	shalt  }
0x5a: {  	_ =	shalt  }
0x5b: {  	_ =	shalt  }
0x5c: {  	_ =	shalt  }
0x5d: {  	_ =	shalt  }
0x5e: {  	_ =	shalt  }
0x5f: {  	_ =	shalt  }
0x60: {  	_ =	shalt  }
0x61: {  	_ =	shalt  }
0x62: {  	_ =	shalt  }
0x63: {  	_ =	shalt  }
0x64: {  	_ =	shalt  }
0x65: {  	_ =	shalt  }
0x66: {  	_ =	shalt  }
0x67: {  	_ =	shalt  }
0x68: {  	_ =	shalt  }
0x69: {  	_ =	shalt  }
0x6a: {  	_ =	shalt  }
0x6b: {  	_ =	shalt  }
0x6c: {  	_ =	shalt  }
0x6d: {  	_ =	shalt  }
0x6e: {  	_ =	shalt  }
0x6f: {  	_ =	shalt  }
0x70: {  	_ =	shalt  }
0x71: {  	_ =	shalt  }
0x72: {  	_ =	shalt  }
0x73: {  	_ =	shalt  }
0x74: {  	_ =	shalt  }
0x75: {  	_ =	shalt  }
0x76: {  	_ =	shalt  }
0x77: {  	_ =	shalt  }
0x78: {  	_ =	shalt  }
0x79: {  	_ =	shalt  }
0x7a: {  	_ =	shalt  }
0x7b: {  	_ =	shalt  }
0x7c: {  	_ =	shalt  }
0x7d: {  	_ =	shalt  }
0x7e: {  	_ =	shalt  }
0x7f: {  	_ =	shalt  }
0x80: {  	_ =	shalt  }
0x81: {  	_ =	shalt  }
0x82: {  	_ =	shalt  }
0x83: {  	_ =	shalt  }
0x84: {  	_ =	shalt  }
0x85: {  	_ =	shalt  }
0x86: {  	_ =	shalt  }
0x87: {  	_ =	shalt  }
.Lfunc_end0:
.L_simem_size_0:
called_computation_lowered:
.L_overlay_start_0:
0x88: {  	s2 =	sld [smem:$0x3FD9]  }
0x89: {  	s3 =	sld [smem:$0x3FFE];
	_ =	sdelay $0x1  }
0x8a: {  	s1 =	srdreg.scid  }
0x8b: {  	s0 =	sand.u32 $0x1, s1  }
0x8c: {  	s16 =	sshll.u32 s0, $0xA;
	s2 =	sadd.s32 s3, s2  }
0x8d: {  	s2 =	sadd.s32 s2, s16  }
0x8e: {  	[smem:$0x3FBC] =	sst s2  }
0x8f: {  	_ = 	snop  }
0x90: {  	(tm) =	ssettm $0x1  }
0x91: {  	s17 =	sld [smem:$0x3FFB];
	_ =	sdelay $0x3  }
0x92: {  	_ =	strace s17  }
0x93: {  	s2 =	sld [smem:$0x3FFC];
	_ =	sdelay $0x3  }
0x94: {  	_ =	strace s2  }
0x95: {  	s2 =	sld [smem:$0x3FFD];
	_ =	sdelay $0x3  }
0x96: {  	_ =	strace s2  }
0x97: {  	_ =	strace $0x8FFFFFFF  }
0x98: {  	s18 =	sld [smem:$0x3FDB];
	_ =	sdelay $0x1  }
0x99: {  	s19 =	simm.s32 $_scs_section_size  }
0x9a: {  	s4 =	simm.s32 $_size__tile_overlayer_lowered;
	s5 =	simm.s32 $_tile_overlayer_lowered  }
0x9b: {  	s22 =	simm.s32 $0x1BFF;
	s21 =	sshll.u32 s5, $0x1;
	s2 =	sadd.s32 s19, s18  }
0x9c: {  	s6 =	simm.s32 $0x0;
	s20 =	sshll.u32 s4, $0x1;
	s4 =	sadd.s32 s21, s2  }
0x9d: {  	[timem:s6], [sflag:s22] =	dma.local [hbm:s4], s20  }
0x9e: {  	_ =	swait.ge [sflag:s22], s20  }
0x9f: {  	s3 =	ssub.s32 $0x0, s20;
	[sflag:s22] =	ssyncset.done $0x0  }
0xa0: {  	[sflag:s22] =	ssyncadd.s32 s3;
	_ =	sdelay $0x1  }
0xa1: {  	s23 =	simm.s32 $0x1B8B  }
0xa2: {  	_ =	swait.ge [sflag:s23], $0x1  }
0xa3: {  	[sflag:s23] =	ssyncset.done $0x0  }
0xa4: {  	s25 =	simm.s32 $0x1B8E;
	s24 =	sld [smem:$0x3FFE];
	[sflag:s23] =	ssyncadd.s32 $0xFFFFFFFF  }
0xa5: {  	s26 =	simm.s32 $execute0_lowered;
	[smem:$0x3FD2] =	sst s25  }
0xa6: {  	s4 =	sshll.u32 s26, $0x1;
	_ =	strace $0x80000046;
	[dreg:$0x1] =	wrdreg $0xFFFFFFFF  }
0xa7: {  	s28 =	simm.s32 $_size_execute0_lowered;
	s2 =	sadd.s32 s2, s4;
	[dreg:$0x0] =	wrdreg $0x0  }
0xa8: {  	s4 =	sshll.u32 s28, $0x1;
	[dreg:$0x2] =	wrdreg s2  }
0xa9: {  	[dreg:$0x3] =	wrdreg s4  }
0xaa: {  	[dreg:$0x4] =	wrdreg $0xC0  }
0xab: {  	_ =	task [dreg:s6], $0x5FFFF  }
0xac: {  	[dreg:$0x1] =	wrdreg $0xFFFFFFFF  }
0xad: {  	[dreg:$0x0] =	wrdreg $0x60  }
0xae: {  	[dreg:$0x2] =	wrdreg s24  }
0xaf: {  	[dreg:$0x3] =	wrdreg $0xA0000  }
0xb0: {  	[dreg:$0x4] =	wrdreg $0x9  }
0xb1: {  	_ =	task.clear_ibuf [dreg:s6], $0x5FFFF;
	_ =	strace $0x90000046  }
0xb2: {  	s29 =	simm.s32 $0x9;
	_ =	strace $0x80000048  }
0xb3: {  	_ =	swait.ge [sflag:s29], $0x1  }
0xb4: {  	[sflag:s29] =	ssyncadd.s32 $0xFFFFFFFF  }
0xb5: {  	_ =	strace $0x90000048  }
0xb6: {  	_ =	sfence  }
0xb7: {  	s30 =	sld [smem:$0x0];
	_ =	sdelay $0x2  }
0xb8: {  	s31 =	sshll.u32 s1, $0xD;
	s1 =	sshrl.u32 s1, $0x2  }
0xb9: {  	s3 =	sand.u32 $0x4000, s31;
	s1 =	sadd.s32 s1, s30  }
0xba: {  	s0 =	sor.u32 s3, s0;
	s1 =	sshll.u32 s1, $0x11  }
0xbb: {  	s0 =	sor.u32 s1, s0  }
0xbc: {  	s0 =	sadd.s32 $0x8F2B, s0  }
0xbd: {  	[sflag:s0] =	ssyncadd.remote.s32 $0x1  }
0xbe: {  	_ =	sfence.sel $0xFFFF  }
0xbf: {  	[dreg:$0x0] =	wrdreg $0xFFFFFFFF;
	(pc) =	sbr.abs _section_cstart, $3  }
0xc0: {  	[dreg:$0x1] =	wrdreg $0xFFFFFFFF  }
0xc1: {  	_ =	task.clear_ibuf [dreg:s6], $0x2FFFF;
	_ =	strace $0x9FFFFFFF  }
0xc2: {  	(tm) =	ssettm $0x7FFFFFFF  }
0xc3: {  	_ =	shalt  }
tec
execute0_lowered:
.L_overlay_start_1:
0x0: {  	(tag) =	ssettag $0x1  }
0x1: {  	s0 =	rddreg [dreg:$0x0]  }
0x2: {  	s1 =	rddreg [dreg:$0x1];
	s2 =	simm.s32 $0x0  }
0x3: {  	s3 =	srdreg.scid;
	s4 =	stileid.u32;
	s14 =	simm.s32 $0xD80  }
0x4: {  	s15 =	simm.s32 $0x1D00;
	s29 =	simm.s32 $0xE80;
	s30 =	simm.s32 $0x1E00  }
0x5: {  	s31 =	simm.s32 $0xF00;
	[smem:$0x7FF] =	sst s2;
	s3 =	sand.u32 $0x1, s3  }
0x6: {  	s5 =	smul.u32 $0x4E000, s4;
	s7 =	sadd.s32 $0x15C00, s0;
	s8 =	sadd.s32 $0x1C00, s0  }
0x7: {  	s9 =	smul.u32 $0x13800, s4;
	s10 =	sadd.s32 $0xBC00, s0;
	s0 =	sadd.s32 $0x63E00, s0  }
0x8: {  	s17 =	sshll.u32 s4, $0x6;
	s18 =	smul.u32 $0x5000, s4;
	s20 =	sadd.s32 $0x138000, s1  }
0x9: {  	s25 =	smul.u32 $0xA00, s4;
	p0 =	sne.s32 s4, $0x0;
	s4 =	simm.s32 $0x1F80  }
0xa: {  	s28 =	simm.s32 $0x4;
	_ =	strace $0x80000047;
	s6 =	smul.u32 $0x138800, s3  }
0xb: {  	s3 =	ssub.s32 $0x2, s3;
	s13 =	sor.u32 $0x1C05, s17;
	[dreg:$0x6] =	wrdreg s20  }
0xc: {  	s20 =	simm.s32 $0x800;
	s11 =	sshrl.u32 s3, $0x1;
	s5 =	sshrl.u32 s5, $0x2  }
0xd: {  	s17 =	sadd.s32 s25, s8;
	s9 =	sadd.s32 s9, s6;
	s3 =	ssub.s32 s3, s11  }
0xe: {  	s5 =	sadd.s32 s5, s1;
	s6 =	sshrl.u32 s6, $0x3;
	s11 =	sshrl.u32 s18, $0x3  }
0xf: {  	s18 =	simm.s32 $0x5;
	[dreg:$0x3] =	wrdreg s5;
	s16 =	sshrl.u32 s9, $0x3  }
0x10: {  	s19 =	sadd.s32 $0x27000, s6;
	s22 =	sadd.s32 s8, s11;
	s23 =	sadd.s32 s10, s11  }
0x11: {  	s11 =	sor.u32 $0x100, s11;
	s26 =	smax.u32 s3, $0x1;
	s9 =	simm.s32 $0x2  }
0x12: {  	s3 =	simm.s32 $0xF80;
	s12 =	sadd.s32 s7, s16;
	[dreg:$0x8] =	wrdreg s22  }
0x13: {  	s21 =	sadd.s32 s7, s19;
	[dreg:$0x9] =	wrdreg s23;
	s24 =	sadd.s32 s8, s11  }
0x14: {  	s11 =	sadd.s32 s10, s11;
	s5 =	sadd.s32 s0, s16;
	[dreg:$0xe] =	wrdreg s26  }
0x15: {  	s0 =	sadd.s32 s0, s19;
	s16 =	sadd.s32 s25, s10;
	[dreg:$0x4] =	wrdreg s12  }
0x16: {  	s8 =	smov.u32 s13;
	s22 =	simm.s32 $0x80;
	[dreg:$0x7] =	wrdreg s21  }
0x17: {  	s23 =	simm.s32 $0x2000;
	s25 =	simm.s32 $0x3;
	[dreg:$0xa] =	wrdreg s24  }
.Ltmp0:
0x18: {  	s13 =	simm.s32 $0x1C80;
	[dreg:$0xb] =	wrdreg s11;
	(pc) =	sbr.rel .LBB2_1-.Ltmp0, $4  }
0x19: {  	s26 =	simm.s32 $0x1D80;
	s19 =	simm.s32 $0x1F00;
	[dreg:$0xc] =	wrdreg s5  }
0x1a: {  	s12 =	sadd.s32 s7, s6;
	[dreg:$0xd] =	wrdreg s0;
	s21 =	simm.s32 $0x1800  }
0x1b: {  	s24 =	simm.s32 $0x6000;
	s5 =	simm.s32 $0xE00;
	s0 =	simm.s32 $0x1E80  }
0x1c: {  	s6 =	simm.s32 $0x1;
	s11 =	simm.s32 $0x0;
	[dreg:$0x5] =	wrdreg s8  }
.LBB2_4:
0x1d: {  	_ =	swait.ge [sflag:s28], $0x4000  }
0x1e: {  	[sflag:s28] =	ssyncset.done $0x0  }
0x1f: {  	[sflag:s28] =	ssyncadd.s32 $0xFFFFC000  }
0x20: {  	[spmem:s1] =	stream.indirect.scatter.add.f32 [tilespmem:s24], [sflag:$0x5], $0x80, s4, s22, $0xb8;
	[tilespmem:$0x1D8C0] =	vst v63  }
0x21: {  	_ =	swait.ge [sflag:s18], $0x4000  }
0x22: {  	[sflag:s18] =	ssyncset.done $0x0  }
0x23: {  	[sflag:s18] =	ssyncadd.s32 $0xFFFFC000  }
0x24: {  	[bflag:$0x0] =	sbarrier.arrive $0xFFFF  }
0x25: {  	s8 =	rddreg [dreg:$0x5]  }
0x26: {  	s7 =	rddreg [dreg:$0xc]  }
0x27: {  	s10 =	rddreg [dreg:$0x10]  }
0x28: {  	[hbm:s7], [sflag:s8] =	dma.local [spmem:s10], $0x2700  }
0x29: {  	_ =	swait.ge [sflag:s18], $0x2700  }
0x2a: {  	[sflag:s18] =	ssyncset.done $0x0;
	s7 =	rddreg [dreg:$0xd]  }
0x2b: {  	s10 =	rddreg [dreg:$0x11];
	[sflag:s18] =	ssyncadd.s32 $0xFFFFD900  }
0x2c: {  	[hbm:s7], [sflag:s8] =	dma.local @!p0 [spmem:s10], $0x100  }
0x2d: {  	s7 =	simm.s32 @!p0 $0x5  }
0x2e: {  	_ =	swait.ge @!p0 [sflag:s7], $0x100  }
0x2f: {  	s11 =	rddreg [dreg:$0xf]  }
0x30: {  	s10 =	rddreg [dreg:$0xe];
	s11 =	sadd.s32 $0x1, s11  }
0x31: {  	p1 =	sne.s32 s11, s10  }
.Ltmp1:
0x32: {  	_ = 	snop;
	(pc) =	sbr.rel @!p1 .LBB2_5-.Ltmp1, $3  }
0x33: {  	_ =	sdelay $0x1  }
0x34: {  	[sflag:s7] =	ssyncset.done @!p0 $0x0  }
0x35: {  	[sflag:s7] =	ssyncadd.s32 @!p0 $0xFFFFFF00  }
.LBB2_1:
0x36: {  	[dreg:$0xf] =	wrdreg s11  }
0x37: {  	s7 =	rddreg [dreg:$0x3]  }
0x38: {  	s11 =	rddreg [dreg:$0x4];
	s10 =	sshrl.u32 s7, $0x3  }
0x39: {  	[dreg:$0x10] =	wrdreg s10  }
0x3a: {  	[spmem:s10], [sflag:s8] =	dma.local [hbm:s11], $0x2700  }
0x3b: {  	_ =	swait.ge [sflag:s18], $0x2700  }
0x3c: {  	s7 =	rddreg [dreg:$0x6]  }
0x3d: {  	[sflag:s18] =	ssyncset.done $0x0;
	s10 =	sshrl.u32 @!p0 s7, $0x3;
	s7 =	rddreg [dreg:$0x7]  }
0x3e: {  	[sflag:s18] =	ssyncadd.s32 $0xFFFFD900;
	[dreg:$0x11] =	wrdreg s10  }
0x3f: {  	[spmem:s10], [sflag:s8] =	dma.local @!p0 [hbm:s7], $0x100  }
0x40: {  	s7 =	simm.s32 @!p0 $0x5  }
0x41: {  	_ =	swait.ge @!p0 [sflag:s7], $0x100  }
0x42: {  	[sflag:s7] =	ssyncset.done @!p0 $0x0  }
0x43: {  	[sflag:s7] =	ssyncadd.s32 @!p0 $0xFFFFFF00  }
0x44: {  	[bflag:$0x0] =	sbarrier.arrive $0xFFFF  }
0x45: {  	s8 =	rddreg [dreg:$0x8]  }
0x46: {  	[tilespmem:s2], [sflag:$0x5] =	stream.linear.gather [hbm4b:s8+s2], $0x800, $0x38;
	[tilespmem:$0x1D8C0] =	vst v63  }
0x47: {  	_ =	swait.ge [sflag:s18], $0x800  }
0x48: {  	[sflag:s18] =	ssyncset.done $0x0  }
0x49: {  	s11 =	simm.s32 $0x1000;
	s10 =	rddreg [dreg:$0x9];
	[sflag:s18] =	ssyncadd.s32 $0xFFFFF800  }
0x4a: {  	[tilespmem:s11], [sflag:$0x5] =	stream.linear.gather [hbm4b:s10+s2], $0x800, $0x38;
	[tilespmem:$0x1D8C0] =	vst v63  }
0x4b: {  	_ =	swait.ge [sflag:s18], $0x800  }
0x4c: {  	[sflag:s18] =	ssyncset.done $0x0  }
0x4d: {  	s10 =	rddreg [dreg:$0xa];
	[sflag:s18] =	ssyncadd.s32 $0xFFFFF800  }
0x4e: {  	[tilespmem:s20], [sflag:$0x2] =	stream.linear.gather [hbm4b:s10+s2], $0x800, $0x38;
	[tilespmem:$0x1D8C0] =	vst v63  }
0x4f: {  	s11 =	rddreg [dreg:$0xb]  }
0x50: {  	[tilespmem:s21], [sflag:$0x2] =	stream.linear.gather [hbm4b:s11+s2], $0x800, $0x38;
	[tilespmem:$0x1D8C0] =	vst v63  }
0x51: {  	_ = 	snop  }
0x52: {  	[tilespmem:s23], [sflag:$0x3] =	stream.indirect.gather [hbm4b:s12+s22], $0x80, s2, s22, $0xb8;
	[tilespmem:$0x1D8C0] =	vst v63  }
0x53: {  	s7 =	simm.s32 $0xFFFFF800  }
0x54: {  	[tilespmem:s24], [sflag:$0x4] =	stream.indirect.gather [hbm4b:s12+s22], $0x80, s22, s22, $0xb8;
	[tilespmem:$0x1D8C0] =	vst v63  }
.LBB2_2:
0x55: {  	_ =	swait.ge [sflag:s25], $0x4000  }
0x56: {  	[sflag:s25] =	ssyncset.done $0x0  }
0x57: {  	s8 =	simm.s32 $0x1000;
	[sflag:s25] =	ssyncadd.s32 $0xFFFFC000  }
0x58: {  	[spmem:s1] =	stream.indirect.scatter.add.f32 [tilespmem:s23], [sflag:$0x5], $0x80, s8, s22, $0xb8;
	[tilespmem:$0x1D8C0] =	vst v63  }
0x59: {  	_ =	swait.ge [sflag:s18], $0x4000  }
0x5a: {  	[sflag:s18] =	ssyncset.done $0x0  }
0x5b: {  	s11 =	simm.s32 $0x100;
	[sflag:s18] =	ssyncadd.s32 $0xFFFFC000  }
0x5c: {  	[tilespmem:s23], [sflag:$0x3] =	stream.indirect.gather [hbm4b:s12+s22], $0x80, s11, s22, $0xb8;
	[tilespmem:$0x1D8C0] =	vst v63  }
0x5d: {  	_ =	swait.ge [sflag:s28], $0x4000  }
0x5e: {  	[sflag:s28] =	ssyncset.done $0x0  }
0x5f: {  	s10 =	simm.s32 $0x1080;
	[sflag:s28] =	ssyncadd.s32 $0xFFFFC000  }
0x60: {  	[spmem:s1] =	stream.indirect.scatter.add.f32 [tilespmem:s24], [sflag:$0x5], $0x80, s10, s22, $0xb8;
	[tilespmem:$0x1D8C0] =	vst v63  }
0x61: {  	_ =	swait.ge [sflag:s18], $0x4000  }
0x62: {  	[sflag:s18] =	ssyncset.done $0x0  }
0x63: {  	s11 =	simm.s32 $0x180;
	[sflag:s18] =	ssyncadd.s32 $0xFFFFC000  }
0x64: {  	[tilespmem:s24], [sflag:$0x4] =	stream.indirect.gather [hbm4b:s12+s22], $0x80, s11, s22, $0xb8;
	[tilespmem:$0x1D8C0] =	vst v63  }
0x65: {  	_ =	swait.ge [sflag:s25], $0x4000  }
0x66: {  	[sflag:s25] =	ssyncset.done $0x0  }
0x67: {  	s10 =	simm.s32 $0x1100;
	[sflag:s25] =	ssyncadd.s32 $0xFFFFC000  }
0x68: {  	[spmem:s1] =	stream.indirect.scatter.add.f32 [tilespmem:s23], [sflag:$0x5], $0x80, s10, s22, $0xb8;
	[tilespmem:$0x1D8C0] =	vst v63  }
0x69: {  	_ =	swait.ge [sflag:s18], $0x4000  }
0x6a: {  	[sflag:s18] =	ssyncset.done $0x0  }
0x6b: {  	s11 =	simm.s32 $0x200;
	[sflag:s18] =	ssyncadd.s32 $0xFFFFC000  }
0x6c: {  	[tilespmem:s23], [sflag:$0x3] =	stream.indirect.gather [hbm4b:s12+s22], $0x80, s11, s22, $0xb8;
	[tilespmem:$0x1D8C0] =	vst v63  }
0x6d: {  	_ =	swait.ge [sflag:s28], $0x4000  }
0x6e: {  	[sflag:s28] =	ssyncset.done $0x0  }
0x6f: {  	s10 =	simm.s32 $0x1180;
	[sflag:s28] =	ssyncadd.s32 $0xFFFFC000  }
0x70: {  	[spmem:s1] =	stream.indirect.scatter.add.f32 [tilespmem:s24], [sflag:$0x5], $0x80, s10, s22, $0xb8;
	[tilespmem:$0x1D8C0] =	vst v63  }
0x71: {  	_ =	swait.ge [sflag:s18], $0x4000  }
0x72: {  	[sflag:s18] =	ssyncset.done $0x0  }
0x73: {  	s11 =	simm.s32 $0x280;
	[sflag:s18] =	ssyncadd.s32 $0xFFFFC000  }
0x74: {  	[tilespmem:s24], [sflag:$0x4] =	stream.indirect.gather [hbm4b:s12+s22], $0x80, s11, s22, $0xb8;
	[tilespmem:$0x1D8C0] =	vst v63  }
0x75: {  	_ =	swait.ge [sflag:s25], $0x4000  }
0x76: {  	[sflag:s25] =	ssyncset.done $0x0  }
0x77: {  	s10 =	simm.s32 $0x1200;
	[sflag:s25] =	ssyncadd.s32 $0xFFFFC000  }
0x78: {  	[spmem:s1] =	stream.indirect.scatter.add.f32 [tilespmem:s23], [sflag:$0x5], $0x80, s10, s22, $0xb8;
	[tilespmem:$0x1D8C0] =	vst v63  }
0x79: {  	_ =	swait.ge [sflag:s18], $0x4000  }
0x7a: {  	[sflag:s18] =	ssyncset.done $0x0  }
0x7b: {  	s11 =	simm.s32 $0x300;
	[sflag:s18] =	ssyncadd.s32 $0xFFFFC000  }
0x7c: {  	[tilespmem:s23], [sflag:$0x3] =	stream.indirect.gather [hbm4b:s12+s22], $0x80, s11, s22, $0xb8;
	[tilespmem:$0x1D8C0] =	vst v63  }
0x7d: {  	_ =	swait.ge [sflag:s28], $0x4000  }
0x7e: {  	[sflag:s28] =	ssyncset.done $0x0  }
0x7f: {  	s10 =	simm.s32 $0x1280;
	[sflag:s28] =	ssyncadd.s32 $0xFFFFC000  }
0x80: {  	[spmem:s1] =	stream.indirect.scatter.add.f32 [tilespmem:s24], [sflag:$0x5], $0x80, s10, s22, $0xb8;
	[tilespmem:$0x1D8C0] =	vst v63  }
0x81: {  	_ =	swait.ge [sflag:s18], $0x4000  }
0x82: {  	[sflag:s18] =	ssyncset.done $0x0  }
0x83: {  	s11 =	simm.s32 $0x380;
	[sflag:s18] =	ssyncadd.s32 $0xFFFFC000  }
0x84: {  	[tilespmem:s24], [sflag:$0x4] =	stream.indirect.gather [hbm4b:s12+s22], $0x80, s11, s22, $0xb8;
	[tilespmem:$0x1D8C0] =	vst v63  }
0x85: {  	_ =	swait.ge [sflag:s25], $0x4000  }
0x86: {  	[sflag:s25] =	ssyncset.done $0x0  }
0x87: {  	s10 =	simm.s32 $0x1300;
	[sflag:s25] =	ssyncadd.s32 $0xFFFFC000  }
0x88: {  	[spmem:s1] =	stream.indirect.scatter.add.f32 [tilespmem:s23], [sflag:$0x5], $0x80, s10, s22, $0xb8;
	[tilespmem:$0x1D8C0] =	vst v63  }
0x89: {  	_ =	swait.ge [sflag:s18], $0x4000  }
0x8a: {  	[sflag:s18] =	ssyncset.done $0x0  }
0x8b: {  	s11 =	simm.s32 $0x400;
	[sflag:s18] =	ssyncadd.s32 $0xFFFFC000  }
0x8c: {  	[tilespmem:s23], [sflag:$0x3] =	stream.indirect.gather [hbm4b:s12+s22], $0x80, s11, s22, $0xb8;
	[tilespmem:$0x1D8C0] =	vst v63  }
0x8d: {  	_ =	swait.ge [sflag:s28], $0x4000  }
0x8e: {  	[sflag:s28] =	ssyncset.done $0x0  }
0x8f: {  	s10 =	simm.s32 $0x1380;
	[sflag:s28] =	ssyncadd.s32 $0xFFFFC000  }
0x90: {  	[spmem:s1] =	stream.indirect.scatter.add.f32 [tilespmem:s24], [sflag:$0x5], $0x80, s10, s22, $0xb8;
	[tilespmem:$0x1D8C0] =	vst v63  }
0x91: {  	_ =	swait.ge [sflag:s18], $0x4000  }
0x92: {  	[sflag:s18] =	ssyncset.done $0x0  }
0x93: {  	s11 =	simm.s32 $0x480;
	[sflag:s18] =	ssyncadd.s32 $0xFFFFC000  }
0x94: {  	[tilespmem:s24], [sflag:$0x4] =	stream.indirect.gather [hbm4b:s12+s22], $0x80, s11, s22, $0xb8;
	[tilespmem:$0x1D8C0] =	vst v63  }
0x95: {  	_ =	swait.ge [sflag:s25], $0x4000  }
0x96: {  	[sflag:s25] =	ssyncset.done $0x0  }
0x97: {  	s10 =	simm.s32 $0x1400;
	[sflag:s25] =	ssyncadd.s32 $0xFFFFC000  }
0x98: {  	[spmem:s1] =	stream.indirect.scatter.add.f32 [tilespmem:s23], [sflag:$0x5], $0x80, s10, s22, $0xb8;
	[tilespmem:$0x1D8C0] =	vst v63  }
0x99: {  	_ =	swait.ge [sflag:s18], $0x4000  }
0x9a: {  	[sflag:s18] =	ssyncset.done $0x0  }
0x9b: {  	s11 =	simm.s32 $0x500;
	[sflag:s18] =	ssyncadd.s32 $0xFFFFC000  }
0x9c: {  	[tilespmem:s23], [sflag:$0x3] =	stream.indirect.gather [hbm4b:s12+s22], $0x80, s11, s22, $0xb8;
	[tilespmem:$0x1D8C0] =	vst v63  }
0x9d: {  	_ =	swait.ge [sflag:s28], $0x4000  }
0x9e: {  	[sflag:s28] =	ssyncset.done $0x0  }
0x9f: {  	s10 =	simm.s32 $0x1480;
	[sflag:s28] =	ssyncadd.s32 $0xFFFFC000  }
0xa0: {  	[spmem:s1] =	stream.indirect.scatter.add.f32 [tilespmem:s24], [sflag:$0x5], $0x80, s10, s22, $0xb8;
	[tilespmem:$0x1D8C0] =	vst v63  }
0xa1: {  	_ =	swait.ge [sflag:s18], $0x4000  }
0xa2: {  	[sflag:s18] =	ssyncset.done $0x0  }
0xa3: {  	s11 =	simm.s32 $0x580;
	[sflag:s18] =	ssyncadd.s32 $0xFFFFC000  }
0xa4: {  	[tilespmem:s24], [sflag:$0x4] =	stream.indirect.gather [hbm4b:s12+s22], $0x80, s11, s22, $0xb8;
	[tilespmem:$0x1D8C0] =	vst v63  }
0xa5: {  	_ =	swait.ge [sflag:s25], $0x4000  }
0xa6: {  	[sflag:s25] =	ssyncset.done $0x0  }
0xa7: {  	s10 =	simm.s32 $0x1500;
	[sflag:s25] =	ssyncadd.s32 $0xFFFFC000  }
0xa8: {  	[spmem:s1] =	stream.indirect.scatter.add.f32 [tilespmem:s23], [sflag:$0x5], $0x80, s10, s22, $0xb8;
	[tilespmem:$0x1D8C0] =	vst v63  }
0xa9: {  	_ =	swait.ge [sflag:s18], $0x4000  }
0xaa: {  	[sflag:s18] =	ssyncset.done $0x0  }
0xab: {  	s11 =	simm.s32 $0x600;
	[sflag:s18] =	ssyncadd.s32 $0xFFFFC000  }
0xac: {  	[tilespmem:s23], [sflag:$0x3] =	stream.indirect.gather [hbm4b:s12+s22], $0x80, s11, s22, $0xb8;
	[tilespmem:$0x1D8C0] =	vst v63  }
0xad: {  	_ =	swait.ge [sflag:s28], $0x4000  }
0xae: {  	[sflag:s28] =	ssyncset.done $0x0  }
0xaf: {  	s10 =	simm.s32 $0x1580;
	[sflag:s28] =	ssyncadd.s32 $0xFFFFC000  }
0xb0: {  	[spmem:s1] =	stream.indirect.scatter.add.f32 [tilespmem:s24], [sflag:$0x5], $0x80, s10, s22, $0xb8;
	[tilespmem:$0x1D8C0] =	vst v63  }
0xb1: {  	_ =	swait.ge [sflag:s18], $0x4000  }
0xb2: {  	[sflag:s18] =	ssyncset.done $0x0  }
0xb3: {  	s11 =	simm.s32 $0x680;
	[sflag:s18] =	ssyncadd.s32 $0xFFFFC000  }
0xb4: {  	[tilespmem:s24], [sflag:$0x4] =	stream.indirect.gather [hbm4b:s12+s22], $0x80, s11, s22, $0xb8;
	[tilespmem:$0x1D8C0] =	vst v63  }
0xb5: {  	_ =	swait.ge [sflag:s25], $0x4000  }
0xb6: {  	[sflag:s25] =	ssyncset.done $0x0  }
0xb7: {  	s10 =	simm.s32 $0x1600;
	[sflag:s25] =	ssyncadd.s32 $0xFFFFC000  }
0xb8: {  	[spmem:s1] =	stream.indirect.scatter.add.f32 [tilespmem:s23], [sflag:$0x5], $0x80, s10, s22, $0xb8;
	[tilespmem:$0x1D8C0] =	vst v63  }
0xb9: {  	_ =	swait.ge [sflag:s18], $0x4000  }
0xba: {  	[sflag:s18] =	ssyncset.done $0x0  }
0xbb: {  	s11 =	simm.s32 $0x700;
	[sflag:s18] =	ssyncadd.s32 $0xFFFFC000  }
0xbc: {  	[tilespmem:s23], [sflag:$0x3] =	stream.indirect.gather [hbm4b:s12+s22], $0x80, s11, s22, $0xb8;
	[tilespmem:$0x1D8C0] =	vst v63  }
0xbd: {  	_ =	swait.ge [sflag:s28], $0x4000  }
0xbe: {  	[sflag:s28] =	ssyncset.done $0x0  }
0xbf: {  	s10 =	simm.s32 $0x1680;
	[sflag:s28] =	ssyncadd.s32 $0xFFFFC000  }
0xc0: {  	[spmem:s1] =	stream.indirect.scatter.add.f32 [tilespmem:s24], [sflag:$0x5], $0x80, s10, s22, $0xb8;
	[tilespmem:$0x1D8C0] =	vst v63  }
0xc1: {  	_ =	swait.ge [sflag:s18], $0x4000  }
0xc2: {  	[sflag:s18] =	ssyncset.done $0x0  }
0xc3: {  	s11 =	simm.s32 $0x780;
	[sflag:s18] =	ssyncadd.s32 $0xFFFFC000  }
0xc4: {  	[tilespmem:s24], [sflag:$0x4] =	stream.indirect.gather [hbm4b:s12+s22], $0x80, s11, s22, $0xb8;
	[tilespmem:$0x1D8C0] =	vst v63  }
0xc5: {  	_ =	swait.ge [sflag:s25], $0x4000  }
0xc6: {  	[sflag:s25] =	ssyncset.done $0x0  }
0xc7: {  	s10 =	simm.s32 $0x1700;
	[sflag:s25] =	ssyncadd.s32 $0xFFFFC000  }
0xc8: {  	[spmem:s1] =	stream.indirect.scatter.add.f32 [tilespmem:s23], [sflag:$0x5], $0x80, s10, s22, $0xb8;
	[tilespmem:$0x1D8C0] =	vst v63  }
0xc9: {  	_ =	swait.ge [sflag:s18], $0x4000  }
0xca: {  	[sflag:s18] =	ssyncset.done $0x0  }
0xcb: {  	[sflag:s18] =	ssyncadd.s32 $0xFFFFC000  }
0xcc: {  	_ =	swait.ge [sflag:s9], $0x800  }
0xcd: {  	[sflag:s9] =	ssyncset.done $0x0  }
0xce: {  	[sflag:s9] =	ssyncadd.s32 $0xFFFFF800  }
0xcf: {  	_ =	swait.ge [sflag:s9], $0x800  }
0xd0: {  	[sflag:s9] =	ssyncset.done $0x0  }
0xd1: {  	[sflag:s9] =	ssyncadd.s32 $0xFFFFF800  }
0xd2: {  	[tilespmem:s23], [sflag:$0x3] =	stream.indirect.gather [hbm4b:s12+s22], $0x80, s20, s22, $0xb8;
	[tilespmem:$0x1D8C0] =	vst v63  }
0xd3: {  	_ =	swait.ge [sflag:s28], $0x4000  }
0xd4: {  	[sflag:s28] =	ssyncset.done $0x0  }
0xd5: {  	s11 =	simm.s32 $0x1780;
	[sflag:s28] =	ssyncadd.s32 $0xFFFFC000  }
0xd6: {  	[spmem:s1] =	stream.indirect.scatter.add.f32 [tilespmem:s24], [sflag:$0x5], $0x80, s11, s22, $0xb8;
	[tilespmem:$0x1D8C0] =	vst v63  }
0xd7: {  	p1 =	seq.s32 s7, $0x0;
	_ =	swait.ge [sflag:s18], $0x4000  }
0xd8: {  	s8 =	sadd.s32 @!p1 s7, s17;
	[sflag:s18] =	ssyncset.done $0x0  }
0xd9: {  	s8 =	sadd.s32 @!p1 $0xA00, s8;
	s10 =	simm.s32 @!p1 $0x0;
	[sflag:s18] =	ssyncadd.s32 $0xFFFFC000  }
0xda: {  	[tilespmem:s10], [sflag:$0x1] =	stream.linear.gather @!p1 [hbm4b:s8+s10], $0x800, $0x38;
	[tilespmem:$0x1D8C0] =	vst v63  }
0xdb: {  	s8 =	sadd.s32 @!p1 s7, s16  }
0xdc: {  	s11 =	simm.s32 @!p1 $0x1000;
	s8 =	sadd.s32 @!p1 $0xA00, s8  }
0xdd: {  	[tilespmem:s11], [sflag:$0x1] =	stream.linear.gather @!p1 [hbm4b:s8+s10], $0x800, $0x38;
	[tilespmem:$0x1D8C0] =	vst v63  }
0xde: {  	s10 =	simm.s32 $0x880  }
0xdf: {  	[tilespmem:s24], [sflag:$0x4] =	stream.indirect.gather [hbm4b:s12+s22], $0x80, s10, s22, $0xb8;
	[tilespmem:$0x1D8C0] =	vst v63  }
0xe0: {  	_ =	swait.ge [sflag:s25], $0x4000  }
0xe1: {  	[sflag:s25] =	ssyncset.done $0x0  }
0xe2: {  	[sflag:s25] =	ssyncadd.s32 $0xFFFFC000  }
0xe3: {  	[spmem:s1] =	stream.indirect.scatter.add.f32 [tilespmem:s23], [sflag:$0x5], $0x80, s21, s22, $0xb8;
	[tilespmem:$0x1D8C0] =	vst v63  }
0xe4: {  	_ =	swait.ge [sflag:s18], $0x4000  }
0xe5: {  	[sflag:s18] =	ssyncset.done $0x0  }
0xe6: {  	s11 =	simm.s32 $0x900;
	[sflag:s18] =	ssyncadd.s32 $0xFFFFC000  }
0xe7: {  	[tilespmem:s23], [sflag:$0x3] =	stream.indirect.gather [hbm4b:s12+s22], $0x80, s11, s22, $0xb8;
	[tilespmem:$0x1D8C0] =	vst v63  }
0xe8: {  	_ =	swait.ge [sflag:s28], $0x4000  }
0xe9: {  	[sflag:s28] =	ssyncset.done $0x0  }
0xea: {  	s10 =	simm.s32 $0x1880;
	[sflag:s28] =	ssyncadd.s32 $0xFFFFC000  }
0xeb: {  	[spmem:s1] =	stream.indirect.scatter.add.f32 [tilespmem:s24], [sflag:$0x5], $0x80, s10, s22, $0xb8;
	[tilespmem:$0x1D8C0] =	vst v63  }
0xec: {  	_ =	swait.ge [sflag:s18], $0x4000  }
0xed: {  	[sflag:s18] =	ssyncset.done $0x0  }
0xee: {  	s11 =	simm.s32 $0x980;
	[sflag:s18] =	ssyncadd.s32 $0xFFFFC000  }
0xef: {  	[tilespmem:s24], [sflag:$0x4] =	stream.indirect.gather [hbm4b:s12+s22], $0x80, s11, s22, $0xb8;
	[tilespmem:$0x1D8C0] =	vst v63  }
0xf0: {  	_ =	swait.ge [sflag:s25], $0x4000  }
0xf1: {  	[sflag:s25] =	ssyncset.done $0x0  }
0xf2: {  	s10 =	simm.s32 $0x1900;
	[sflag:s25] =	ssyncadd.s32 $0xFFFFC000  }
0xf3: {  	[spmem:s1] =	stream.indirect.scatter.add.f32 [tilespmem:s23], [sflag:$0x5], $0x80, s10, s22, $0xb8;
	[tilespmem:$0x1D8C0] =	vst v63  }
0xf4: {  	_ =	swait.ge [sflag:s18], $0x4000  }
0xf5: {  	[sflag:s18] =	ssyncset.done $0x0  }
0xf6: {  	s11 =	simm.s32 $0xA00;
	[sflag:s18] =	ssyncadd.s32 $0xFFFFC000  }
0xf7: {  	[tilespmem:s23], [sflag:$0x3] =	stream.indirect.gather [hbm4b:s12+s22], $0x80, s11, s22, $0xb8;
	[tilespmem:$0x1D8C0] =	vst v63  }
0xf8: {  	_ =	swait.ge [sflag:s28], $0x4000  }
0xf9: {  	[sflag:s28] =	ssyncset.done $0x0  }
0xfa: {  	s10 =	simm.s32 $0x1980;
	[sflag:s28] =	ssyncadd.s32 $0xFFFFC000  }
0xfb: {  	[spmem:s1] =	stream.indirect.scatter.add.f32 [tilespmem:s24], [sflag:$0x5], $0x80, s10, s22, $0xb8;
	[tilespmem:$0x1D8C0] =	vst v63  }
0xfc: {  	_ =	swait.ge [sflag:s18], $0x4000  }
0xfd: {  	[sflag:s18] =	ssyncset.done $0x0  }
0xfe: {  	s11 =	simm.s32 $0xA80;
	[sflag:s18] =	ssyncadd.s32 $0xFFFFC000  }
0xff: {  	[tilespmem:s24], [sflag:$0x4] =	stream.indirect.gather [hbm4b:s12+s22], $0x80, s11, s22, $0xb8;
	[tilespmem:$0x1D8C0] =	vst v63  }
0x100: {  	_ =	swait.ge [sflag:s25], $0x4000  }
0x101: {  	[sflag:s25] =	ssyncset.done $0x0  }
0x102: {  	s10 =	simm.s32 $0x1A00;
	[sflag:s25] =	ssyncadd.s32 $0xFFFFC000  }
0x103: {  	[spmem:s1] =	stream.indirect.scatter.add.f32 [tilespmem:s23], [sflag:$0x5], $0x80, s10, s22, $0xb8;
	[tilespmem:$0x1D8C0] =	vst v63  }
0x104: {  	_ =	swait.ge [sflag:s18], $0x4000  }
0x105: {  	[sflag:s18] =	ssyncset.done $0x0  }
0x106: {  	s11 =	simm.s32 $0xB00;
	[sflag:s18] =	ssyncadd.s32 $0xFFFFC000  }
0x107: {  	[tilespmem:s23], [sflag:$0x3] =	stream.indirect.gather [hbm4b:s12+s22], $0x80, s11, s22, $0xb8;
	[tilespmem:$0x1D8C0] =	vst v63  }
0x108: {  	_ =	swait.ge [sflag:s28], $0x4000  }
0x109: {  	[sflag:s28] =	ssyncset.done $0x0  }
0x10a: {  	s10 =	simm.s32 $0x1A80;
	[sflag:s28] =	ssyncadd.s32 $0xFFFFC000  }
0x10b: {  	[spmem:s1] =	stream.indirect.scatter.add.f32 [tilespmem:s24], [sflag:$0x5], $0x80, s10, s22, $0xb8;
	[tilespmem:$0x1D8C0] =	vst v63  }
0x10c: {  	_ =	swait.ge [sflag:s18], $0x4000  }
0x10d: {  	[sflag:s18] =	ssyncset.done $0x0  }
0x10e: {  	s11 =	simm.s32 $0xB80;
	[sflag:s18] =	ssyncadd.s32 $0xFFFFC000  }
0x10f: {  	[tilespmem:s24], [sflag:$0x4] =	stream.indirect.gather [hbm4b:s12+s22], $0x80, s11, s22, $0xb8;
	[tilespmem:$0x1D8C0] =	vst v63  }
0x110: {  	_ =	swait.ge [sflag:s25], $0x4000  }
0x111: {  	[sflag:s25] =	ssyncset.done $0x0  }
0x112: {  	s10 =	simm.s32 $0x1B00;
	[sflag:s25] =	ssyncadd.s32 $0xFFFFC000  }
0x113: {  	[spmem:s1] =	stream.indirect.scatter.add.f32 [tilespmem:s23], [sflag:$0x5], $0x80, s10, s22, $0xb8;
	[tilespmem:$0x1D8C0] =	vst v63  }
0x114: {  	_ =	swait.ge [sflag:s18], $0x4000  }
0x115: {  	[sflag:s18] =	ssyncset.done $0x0  }
0x116: {  	s11 =	simm.s32 $0xC00;
	[sflag:s18] =	ssyncadd.s32 $0xFFFFC000  }
0x117: {  	[tilespmem:s23], [sflag:$0x3] =	stream.indirect.gather [hbm4b:s12+s22], $0x80, s11, s22, $0xb8;
	[tilespmem:$0x1D8C0] =	vst v63  }
0x118: {  	_ =	swait.ge [sflag:s28], $0x4000  }
0x119: {  	[sflag:s28] =	ssyncset.done $0x0  }
0x11a: {  	s10 =	simm.s32 $0x1B80;
	[sflag:s28] =	ssyncadd.s32 $0xFFFFC000  }
0x11b: {  	[spmem:s1] =	stream.indirect.scatter.add.f32 [tilespmem:s24], [sflag:$0x5], $0x80, s10, s22, $0xb8;
	[tilespmem:$0x1D8C0] =	vst v63  }
0x11c: {  	_ =	swait.ge [sflag:s18], $0x4000  }
0x11d: {  	[sflag:s18] =	ssyncset.done $0x0  }
0x11e: {  	s11 =	simm.s32 $0xC80;
	[sflag:s18] =	ssyncadd.s32 $0xFFFFC000  }
0x11f: {  	[tilespmem:s24], [sflag:$0x4] =	stream.indirect.gather [hbm4b:s12+s22], $0x80, s11, s22, $0xb8;
	[tilespmem:$0x1D8C0] =	vst v63  }
0x120: {  	_ =	swait.ge [sflag:s25], $0x4000  }
0x121: {  	[sflag:s25] =	ssyncset.done $0x0  }
0x122: {  	s10 =	simm.s32 $0x1C00;
	[sflag:s25] =	ssyncadd.s32 $0xFFFFC000  }
0x123: {  	[spmem:s1] =	stream.indirect.scatter.add.f32 [tilespmem:s23], [sflag:$0x5], $0x80, s10, s22, $0xb8;
	[tilespmem:$0x1D8C0] =	vst v63  }
0x124: {  	_ =	swait.ge [sflag:s18], $0x4000  }
0x125: {  	[sflag:s18] =	ssyncset.done $0x0  }
0x126: {  	s11 =	simm.s32 $0xD00;
	[sflag:s18] =	ssyncadd.s32 $0xFFFFC000  }
0x127: {  	[tilespmem:s23], [sflag:$0x3] =	stream.indirect.gather [hbm4b:s12+s22], $0x80, s11, s22, $0xb8;
	[tilespmem:$0x1D8C0] =	vst v63  }
0x128: {  	_ =	swait.ge [sflag:s28], $0x4000  }
0x129: {  	[sflag:s28] =	ssyncset.done $0x0  }
0x12a: {  	[sflag:s28] =	ssyncadd.s32 $0xFFFFC000  }
0x12b: {  	[spmem:s1] =	stream.indirect.scatter.add.f32 [tilespmem:s24], [sflag:$0x5], $0x80, s13, s22, $0xb8;
	[tilespmem:$0x1D8C0] =	vst v63  }
0x12c: {  	_ =	swait.ge [sflag:s18], $0x4000  }
0x12d: {  	[sflag:s18] =	ssyncset.done $0x0  }
0x12e: {  	[sflag:s18] =	ssyncadd.s32 $0xFFFFC000  }
0x12f: {  	[tilespmem:s24], [sflag:$0x4] =	stream.indirect.gather [hbm4b:s12+s22], $0x80, s14, s22, $0xb8;
	[tilespmem:$0x1D8C0] =	vst v63  }
0x130: {  	_ =	swait.ge [sflag:s25], $0x4000  }
0x131: {  	[sflag:s25] =	ssyncset.done $0x0  }
0x132: {  	[sflag:s25] =	ssyncadd.s32 $0xFFFFC000  }
0x133: {  	[spmem:s1] =	stream.indirect.scatter.add.f32 [tilespmem:s23], [sflag:$0x5], $0x80, s15, s22, $0xb8;
	[tilespmem:$0x1D8C0] =	vst v63  }
0x134: {  	_ =	swait.ge [sflag:s18], $0x4000  }
0x135: {  	[sflag:s18] =	ssyncset.done $0x0  }
0x136: {  	[sflag:s18] =	ssyncadd.s32 $0xFFFFC000  }
0x137: {  	[tilespmem:s23], [sflag:$0x3] =	stream.indirect.gather [hbm4b:s12+s22], $0x80, s5, s22, $0xb8;
	[tilespmem:$0x1D8C0] =	vst v63  }
0x138: {  	_ =	swait.ge [sflag:s28], $0x4000  }
0x139: {  	[sflag:s28] =	ssyncset.done $0x0  }
0x13a: {  	[sflag:s28] =	ssyncadd.s32 $0xFFFFC000  }
0x13b: {  	[spmem:s1] =	stream.indirect.scatter.add.f32 [tilespmem:s24], [sflag:$0x5], $0x80, s26, s22, $0xb8;
	[tilespmem:$0x1D8C0] =	vst v63  }
0x13c: {  	_ =	swait.ge [sflag:s18], $0x4000  }
0x13d: {  	[sflag:s18] =	ssyncset.done $0x0  }
0x13e: {  	[sflag:s18] =	ssyncadd.s32 $0xFFFFC000  }
0x13f: {  	[tilespmem:s24], [sflag:$0x4] =	stream.indirect.gather [hbm4b:s12+s22], $0x80, s29, s22, $0xb8;
	[tilespmem:$0x1D8C0] =	vst v63  }
0x140: {  	_ =	swait.ge [sflag:s25], $0x4000  }
0x141: {  	[sflag:s25] =	ssyncset.done $0x0  }
0x142: {  	[sflag:s25] =	ssyncadd.s32 $0xFFFFC000  }
0x143: {  	[spmem:s1] =	stream.indirect.scatter.add.f32 [tilespmem:s23], [sflag:$0x5], $0x80, s30, s22, $0xb8;
	[tilespmem:$0x1D8C0] =	vst v63  }
0x144: {  	_ =	swait.ge [sflag:s18], $0x4000  }
0x145: {  	[sflag:s18] =	ssyncset.done $0x0  }
0x146: {  	[sflag:s18] =	ssyncadd.s32 $0xFFFFC000  }
0x147: {  	[tilespmem:s23], [sflag:$0x3] =	stream.indirect.gather [hbm4b:s12+s22], $0x80, s31, s22, $0xb8;
	[tilespmem:$0x1D8C0] =	vst v63  }
0x148: {  	_ =	swait.ge [sflag:s28], $0x4000  }
0x149: {  	[sflag:s28] =	ssyncset.done $0x0  }
0x14a: {  	[sflag:s28] =	ssyncadd.s32 $0xFFFFC000  }
0x14b: {  	[spmem:s1] =	stream.indirect.scatter.add.f32 [tilespmem:s24], [sflag:$0x5], $0x80, s0, s22, $0xb8;
	[tilespmem:$0x1D8C0] =	vst v63  }
0x14c: {  	_ =	swait.ge [sflag:s18], $0x4000  }
0x14d: {  	[sflag:s18] =	ssyncset.done $0x0  }
0x14e: {  	[sflag:s18] =	ssyncadd.s32 $0xFFFFC000  }
0x14f: {  	[tilespmem:s24], [sflag:$0x4] =	stream.indirect.gather [hbm4b:s12+s22], $0x80, s3, s22, $0xb8;
	[tilespmem:$0x1D8C0] =	vst v63  }
0x150: {  	_ =	swait.ge [sflag:s25], $0x4000  }
0x151: {  	[sflag:s25] =	ssyncset.done $0x0  }
.Ltmp2:
0x152: {  	[sflag:s25] =	ssyncadd.s32 $0xFFFFC000;
	(pc) =	sbr.rel @p1 .LBB2_4-.Ltmp2, $4  }
0x153: {  	[spmem:s1] =	stream.indirect.scatter.add.f32 [tilespmem:s23], [sflag:$0x5], $0x80, s19, s22, $0xb8;
	[tilespmem:$0x1D8C0] =	vst v63  }
0x154: {  	_ =	swait.ge [sflag:s18], $0x4000  }
0x155: {  	[sflag:s18] =	ssyncset.done $0x0  }
0x156: {  	[sflag:s18] =	ssyncadd.s32 $0xFFFFC000  }
0x157: {  	_ =	swait.ge [sflag:s6], $0x800  }
0x158: {  	[sflag:s6] =	ssyncset.done $0x0  }
0x159: {  	[sflag:s6] =	ssyncadd.s32 $0xFFFFF800  }
0x15a: {  	_ =	swait.ge [sflag:s6], $0x800  }
0x15b: {  	[sflag:s6] =	ssyncset.done $0x0  }
0x15c: {  	[sflag:s6] =	ssyncadd.s32 $0xFFFFF800  }
0x15d: {  	[tilespmem:s23], [sflag:$0x3] =	stream.indirect.gather [hbm4b:s12+s22], $0x80, s2, s22, $0xb8;
	[tilespmem:$0x1D8C0] =	vst v63  }
0x15e: {  	_ =	swait.ge [sflag:s28], $0x4000  }
0x15f: {  	[sflag:s28] =	ssyncset.done $0x0  }
0x160: {  	[sflag:s28] =	ssyncadd.s32 $0xFFFFC000  }
0x161: {  	[spmem:s1] =	stream.indirect.scatter.add.f32 [tilespmem:s24], [sflag:$0x5], $0x80, s4, s22, $0xb8;
	[tilespmem:$0x1D8C0] =	vst v63  }
0x162: {  	_ =	swait.ge [sflag:s18], $0x4000  }
0x163: {  	s8 =	sadd.s32 s7, s17;
	[sflag:s18] =	ssyncset.done $0x0  }
0x164: {  	s8 =	sadd.s32 $0xB00, s8;
	[sflag:s18] =	ssyncadd.s32 $0xFFFFC000  }
0x165: {  	[tilespmem:s20], [sflag:$0x2] =	stream.linear.gather [hbm4b:s8+s2], $0x800, $0x38;
	[tilespmem:$0x1D8C0] =	vst v63  }
.Ltmp3:
0x166: {  	s11 =	sadd.s32 s7, s16;
	(pc) =	sbr.rel .LBB2_2-.Ltmp3, $4  }
0x167: {  	s8 =	sadd.s32 $0xB00, s11  }
0x168: {  	[tilespmem:s21], [sflag:$0x2] =	stream.linear.gather [hbm4b:s8+s2], $0x800, $0x38;
	[tilespmem:$0x1D8C0] =	vst v63  }
0x169: {  	s7 =	sadd.s32 $0x200, s7  }
0x16a: {  	[tilespmem:s24], [sflag:$0x4] =	stream.indirect.gather [hbm4b:s12+s22], $0x80, s22, s22, $0xb8;
	[tilespmem:$0x1D8C0] =	vst v63  }
.LBB2_5:
0x16b: {  	_ =	sfence.sel $0x180000  }
0x16c: {  	[bflag:$0x0] =	sbarrier.arrive $0xFFFF  }
0x16d: {  	_ =	strace $0x90000047  }
0x16e: {  	[bflag:$0x2] =	sbarrier.arrive $0xFFFF  }
0x16f: {  	s0 =	rddreg [dreg:$0x2]  }
0x170: {  	s0 =	sadd.s32 @!p0 $0x100000, s0  }
0x171: {  	[sflag:s0] =	ssyncadd.tile.s32 @!p0 $0x1;
	_ =	shalt  }
.Lfunc_end2:
_tile_overlayer_lowered:
.L_overlay_start_2:
0x172: {  	(tag) =	ssettag $0x2  }
0x173: {  	s0 =	rddreg [dreg:$0x0];
	s2 =	stileid.u32  }
0x174: {  	s1 =	rddreg [dreg:$0x1];
	p0 =	sne.s32 s2, $0x0  }
0x175: {  	s3 =	rddreg [dreg:$0x2];
	[bflag:$0x3] =	sbarrier.arrive $0xFFFF;
	s2 =	simm.s32 @!p0 $0x1C05  }
0x176: {  	[timem:s3], [sflag:s2] =	dma.local @!p0 [hbm:s0], s1  }
0x177: {  	s0 =	simm.s32 @!p0 $0x5  }
0x178: {  	_ =	swait.ge @!p0 [sflag:s0], s1  }
0x179: {  	s1 =	ssub.s32 @!p0 $0x0, s1;
	[sflag:s0] =	ssyncset.done @!p0 $0x0  }
0x17a: {  	[sflag:s0] =	ssyncadd.s32 @!p0 s1  }
0x17b: {  	[bflag:$0x3] =	sbarrier.arrive $0xFFFF  }
0x17c: {  	_ =	shalt  }

</sc_bundles>
